<compile_context>
chip_gen: v7x
topology: tpu7x:2x2x1
jax: 0.10.2.dev20260603
libtpu: 0.0.44.dev20260713+nightly
codegen_flags: <defaults>
</compile_context>

<pallas_src>
import math

import jax
import jax.numpy as jnp
from jax.experimental import pallas as pl
from jax.experimental.pallas import tpu as pltpu

PRE_NMS_TOP_N = 4000
POST_NMS_TOP_N = 1000
NMS_THRESH = 0.7
IMG_W, IMG_H = 1216.0, 800.0
BBOX_XFORM_CLIP = math.log(1000.0 / 16.0)

PAD = 4096
BLK = 256
NEG = -1e10


def _sigmoid_body(x_ref, o_ref):
    o_ref[...] = jax.nn.sigmoid(x_ref[...])


def _decode_clip(dx, dy, dw, dh, ax1, ay1, ax2, ay2):
    widths = ax2 - ax1 + 1.0
    heights = ay2 - ay1 + 1.0
    ctr_x = ax1 + 0.5 * widths
    ctr_y = ay1 + 0.5 * heights
    dw = jnp.minimum(dw, BBOX_XFORM_CLIP)
    dh = jnp.minimum(dh, BBOX_XFORM_CLIP)
    pred_ctr_x = dx * widths + ctr_x
    pred_ctr_y = dy * heights + ctr_y
    pred_w = jnp.exp(dw) * widths
    pred_h = jnp.exp(dh) * heights
    x1 = jnp.clip(pred_ctr_x - 0.5 * pred_w, 0.0, IMG_W - 1.0)
    y1 = jnp.clip(pred_ctr_y - 0.5 * pred_h, 0.0, IMG_H - 1.0)
    x2 = jnp.clip(pred_ctr_x + 0.5 * pred_w - 1.0, 0.0, IMG_W - 1.0)
    y2 = jnp.clip(pred_ctr_y + 0.5 * pred_h - 1.0, 0.0, IMG_H - 1.0)
    ws = x2 - x1 + 1.0
    hs = y2 - y1 + 1.0
    valid = (ws >= 0.0) & (hs >= 0.0)
    area = ws * hs
    return x1, y1, x2, y2, valid, area


def _nms_body(ra_ref, rat_ref, sc_ref, out_ref, krow_ref, kcol_ref):
    x1r, y1r, x2r, y2r, validr, arear = _decode_clip(
        ra_ref[0, 0:1, :], ra_ref[0, 1:2, :], ra_ref[0, 2:3, :], ra_ref[0, 3:4, :],
        ra_ref[0, 4:5, :], ra_ref[0, 5:6, :], ra_ref[0, 6:7, :], ra_ref[0, 7:8, :])
    x1c, y1c, x2c, y2c, validc, areac = _decode_clip(
        rat_ref[0, :, 0:1], rat_ref[0, :, 1:2], rat_ref[0, :, 2:3], rat_ref[0, :, 3:4],
        rat_ref[0, :, 4:5], rat_ref[0, :, 5:6], rat_ref[0, :, 6:7], rat_ref[0, :, 7:8])

    out_ref[0, 0:1, :] = x1r
    out_ref[0, 1:2, :] = y1r
    out_ref[0, 2:3, :] = x2r
    out_ref[0, 3:4, :] = y2r

    krow_ref[...] = jnp.zeros((1, PAD), jnp.int32)
    kcol_ref[...] = jnp.zeros((PAD, 1), jnp.int32)

    ii = jax.lax.broadcasted_iota(jnp.int32, (BLK, BLK), 0)
    jj = jax.lax.broadcasted_iota(jnp.int32, (BLK, BLK), 1)
    low = ii < jj
    upp = ii > jj

    n_blocks = PAD // BLK
    for b in range(n_blocks):
        lo = b * BLK
        hi = lo + BLK
        bx1 = x1c[lo:hi, :]
        by1 = y1c[lo:hi, :]
        bx2 = x2c[lo:hi, :]
        by2 = y2c[lo:hi, :]
        barea = areac[lo:hi, :]
        iw = jnp.clip(jnp.minimum(bx2, x2r[:, 0:hi]) - jnp.maximum(bx1, x1r[:, 0:hi]) + 1.0, 0.0, None)
        ih = jnp.clip(jnp.minimum(by2, y2r[:, 0:hi]) - jnp.maximum(by1, y1r[:, 0:hi]) + 1.0, 0.0, None)
        inter = iw * ih
        supA = (inter / (barea + arear[:, 0:hi] - inter)) > NMS_THRESH
        keep_row = krow_ref[0:1, 0:hi] != 0
        dead_col = jnp.any(supA & keep_row, axis=1, keepdims=True)
        if b > 0:
            lx1 = x1r[:, lo:hi]
            ly1 = y1r[:, lo:hi]
            lx2 = x2r[:, lo:hi]
            ly2 = y2r[:, lo:hi]
            larea = arear[:, lo:hi]
            iwB = jnp.clip(jnp.minimum(x2c[0:lo, :], lx2) - jnp.maximum(x1c[0:lo, :], lx1) + 1.0, 0.0, None)
            ihB = jnp.clip(jnp.minimum(y2c[0:lo, :], ly2) - jnp.maximum(y1c[0:lo, :], ly1) + 1.0, 0.0, None)
            interB = iwB * ihB
            supB = (interB / (areac[0:lo, :] + larea - interB)) > NMS_THRESH
            keep_col = kcol_ref[0:lo, 0:1] != 0
            dead_row = jnp.any(supB & keep_col, axis=0, keepdims=True)
        else:
            dead_row = jnp.zeros((1, BLK), jnp.bool_)
        alive0_col = validc[lo:hi, :] & jnp.logical_not(dead_col)
        alive0_row = validr[:, lo:hi] & jnp.logical_not(dead_row)
        s_lo = supA[:, lo:hi] & low
        s_up = supA[:, lo:hi] & upp

        def fp_body(carry):
            a_col_i, _, it = carry
            a_col = a_col_i != 0
            a_row = alive0_row & jnp.logical_not(
                jnp.any(s_lo & a_col, axis=0, keepdims=True))
            a_col2 = alive0_col & jnp.logical_not(
                jnp.any(s_up & a_row, axis=1, keepdims=True))
            changed = jnp.any(a_col2 != a_col).astype(jnp.int32)
            return a_col2.astype(jnp.int32), changed, it + 1

        def fp_cond(carry):
            _, changed, it = carry
            return (changed != 0) & (it < BLK)

        a_col_i, _, _ = jax.lax.while_loop(
            fp_cond, fp_body,
            (alive0_col.astype(jnp.int32), jnp.int32(1), jnp.int32(0)))
        a_col = a_col_i != 0
        a_row = alive0_row & jnp.logical_not(
            jnp.any(s_lo & a_col, axis=0, keepdims=True))
        krow_ref[0:1, lo:hi] = a_row.astype(jnp.int32)
        kcol_ref[lo:hi, 0:1] = a_col.astype(jnp.int32)

    out_ref[0, 4:5, :] = jnp.where(krow_ref[...] != 0, sc_ref[0, :, :], NEG)
    zero = jnp.zeros((1, PAD), jnp.float32)
    out_ref[0, 5:6, :] = zero
    out_ref[0, 6:7, :] = zero
    out_ref[0, 7:8, :] = zero


def _nms_call(ra, rat, sc):
    N = ra.shape[0]
    return pl.pallas_call(
        _nms_body,
        grid=(N,),
        in_specs=[
            pl.BlockSpec((1, 8, PAD), lambda i: (i, 0, 0)),
            pl.BlockSpec((1, PAD, 8), lambda i: (i, 0, 0)),
            pl.BlockSpec((1, 1, PAD), lambda i: (i, 0, 0)),
        ],
        out_specs=pl.BlockSpec((1, 8, PAD), lambda i: (i, 0, 0)),
        out_shape=jax.ShapeDtypeStruct((N, 8, PAD), jnp.float32),
        scratch_shapes=[
            pltpu.VMEM((1, PAD), jnp.int32),
            pltpu.VMEM((PAD, 1), jnp.int32),
        ],
    )(ra, rat, sc)


def kernel(objectness, box_regression, anchors):
    N, A, H, W = objectness.shape
    num_anchors = A * H * W
    obj = jnp.transpose(objectness, (0, 2, 3, 1)).reshape(N, -1)
    obj = pl.pallas_call(
        _sigmoid_body,
        out_shape=jax.ShapeDtypeStruct(obj.shape, obj.dtype),
    )(obj)
    pre = min(PRE_NMS_TOP_N, num_anchors)
    scores, topk_idx = obj[:, :pre], jnp.broadcast_to(jnp.arange(pre, dtype=jnp.int32)[None, :], (N, pre))
    br = box_regression.reshape(N, A, 4, H, W)
    br = jnp.transpose(br, (0, 3, 4, 1, 2)).reshape(N, -1, 4)
    br = jnp.take_along_axis(br, topk_idx[:, :, None], axis=1)
    anc = jnp.take_along_axis(anchors, topk_idx[:, :, None], axis=1)

    rat = jnp.concatenate([br, anc], axis=2)
    rat = jnp.pad(rat, ((0, 0), (0, PAD - pre), (0, 0)))
    ra = jnp.transpose(rat, (0, 2, 1))
    sc = jnp.pad(scores, ((0, 0), (0, PAD - pre)), constant_values=NEG)
    sc = sc[:, None, :]

    out = _nms_call(ra, rat, sc)
    boxes = jnp.transpose(out[:, :4, :], (0, 2, 1))
    masked = out[:, 4, :]

    vals, idxs = masked[:, :POST_NMS_TOP_N], jnp.broadcast_to(jnp.arange(POST_NMS_TOP_N, dtype=jnp.int32)[None, :], (masked.shape[0], POST_NMS_TOP_N))
    boxes_out = jnp.take_along_axis(boxes, idxs[:, :, None], axis=1)
    return jnp.concatenate([boxes_out, vals[..., None]], axis=-1)

# --- scband reference (transcript-rebuilt; emitter-appended) ---
"""Pipeline reference for scband-rpnpost-processor-71330816851991 (READ-ONLY COPY).

The authoritative reference and input builder live on the scoring server;
editing this copy changes nothing except your own understanding.
"""

import jax, jax.numpy as jnp
import numpy as np
import math

PRE_NMS_TOP_N = 4000
POST_NMS_TOP_N = 1000
NMS_THRESH = 0.7
MIN_SIZE = 0.0
IMG_W, IMG_H = 1216.0, 800.0
BBOX_XFORM_CLIP = math.log(1000.0 / 16.0)


def setup_inputs(seed: int = 0):
    key = jax.random.key(seed)
    k1, k2, k3, k4, k5 = jax.random.split(key, 5)
    N, A, H, W = 2, 3, 100, 152
    objectness = jax.random.normal(k1, (N, A, H, W), jnp.float32)
    box_regression = jax.random.normal(k2, (N, A * 4, H, W), jnp.float32) * 0.5
    num = A * H * W
    cx = jax.random.uniform(k3, (N, num)) * IMG_W
    cy = jax.random.uniform(k4, (N, num)) * IMG_H
    wh = jax.random.uniform(k5, (N, num, 2)) * 200.0 + 16.0
    anchors = jnp.stack([cx - wh[..., 0] / 2, cy - wh[..., 1] / 2,
                         cx + wh[..., 0] / 2, cy + wh[..., 1] / 2], axis=-1).astype(jnp.float32)
    return {"objectness": objectness, "box_regression": box_regression, "anchors": anchors}


def _decode(rel, anc):
    # BoxCoder(weights=(1,1,1,1)).decode, maskrcnn-benchmark semantics (TO_REMOVE=1)
    TO_REMOVE = 1.0
    widths = anc[:, 2] - anc[:, 0] + TO_REMOVE
    heights = anc[:, 3] - anc[:, 1] + TO_REMOVE
    ctr_x = anc[:, 0] + 0.5 * widths
    ctr_y = anc[:, 1] + 0.5 * heights
    dx, dy, dw, dh = rel[:, 0], rel[:, 1], rel[:, 2], rel[:, 3]
    dw = jnp.minimum(dw, BBOX_XFORM_CLIP)
    dh = jnp.minimum(dh, BBOX_XFORM_CLIP)
    pred_ctr_x = dx * widths + ctr_x
    pred_ctr_y = dy * heights + ctr_y
    pred_w = jnp.exp(dw) * widths
    pred_h = jnp.exp(dh) * heights
    x1 = pred_ctr_x - 0.5 * pred_w
    y1 = pred_ctr_y - 0.5 * pred_h
    x2 = pred_ctr_x + 0.5 * pred_w - 1.0
    y2 = pred_ctr_y + 0.5 * pred_h - 1.0
    return jnp.stack([x1, y1, x2, y2], axis=1)


def _iou_matrix(boxes):
    area = (boxes[:, 2] - boxes[:, 0] + 1.0) * (boxes[:, 3] - boxes[:, 1] + 1.0)
    lt = jnp.maximum(boxes[:, None, :2], boxes[None, :, :2])
    rb = jnp.minimum(boxes[:, None, 2:], boxes[None, :, 2:])
    wh = jnp.clip(rb - lt + 1.0, 0.0, None)
    inter = wh[..., 0] * wh[..., 1]
    return inter / (area[:, None] + area[None, :] - inter)


def _nms_keep(boxes, valid):
    # greedy NMS on score-sorted boxes; returns bool keep mask (static shape)
    M = boxes.shape[0]
    iou = _iou_matrix(boxes)
    idx = jnp.arange(M)

    def body(i, keep):
        sup = (iou[i] > NMS_THRESH) & (idx > i) & keep[i]
        return keep & (~sup)

    return jax.lax.fori_loop(0, M, body, valid)


def reference(objectness, box_regression, anchors):
    N, A, H, W = objectness.shape
    num_anchors = A * H * W
    obj = jnp.transpose(objectness, (0, 2, 3, 1)).reshape(N, -1)
    obj = jax.nn.sigmoid(obj)
    pre = min(PRE_NMS_TOP_N, num_anchors)
    scores, topk_idx = jax.lax.top_k(obj, pre)
    br = box_regression.reshape(N, A, 4, H, W)
    br = jnp.transpose(br, (0, 3, 4, 1, 2)).reshape(N, -1, 4)
    br = jnp.take_along_axis(br, topk_idx[:, :, None], axis=1)
    anc = jnp.take_along_axis(anchors, topk_idx[:, :, None], axis=1)
    proposals = _decode(br.reshape(-1, 4), anc.reshape(-1, 4)).reshape(N, pre, 4)
    # clip_to_image(remove_empty=False)
    x1 = jnp.clip(proposals[..., 0], 0.0, IMG_W - 1.0)
    y1 = jnp.clip(proposals[..., 1], 0.0, IMG_H - 1.0)
    x2 = jnp.clip(proposals[..., 2], 0.0, IMG_W - 1.0)
    y2 = jnp.clip(proposals[..., 3], 0.0, IMG_H - 1.0)
    proposals = jnp.stack([x1, y1, x2, y2], axis=-1)
    # remove_small_boxes as a validity mask (static shapes)
    ws = x2 - x1 + 1.0
    hs = y2 - y1 + 1.0
    valid = (ws >= MIN_SIZE) & (hs >= MIN_SIZE)

    def per_image(boxes, sc, v):
        keep = _nms_keep(jax.lax.stop_gradient(boxes), v)
        masked = jnp.where(keep, sc, -1e10)
        vals, idxs = jax.lax.top_k(masked, POST_NMS_TOP_N)
        return boxes[idxs], vals

    boxes_out, scores_out = jax.vmap(per_image)(proposals, scores, valid)
    return jnp.concatenate([boxes_out, scores_out[..., None]], axis=-1)

if __name__ == "__main__":
    import jax
    _d = setup_inputs()
    print(jax.jit(kernel)(*tuple(_d.values())))

</pallas_src>

<mosaic_0001>
module attributes {stable_mosaic.version = 14 : i64} {
  func.func @_sigmoid_body(%arg0: memref<2x45600xf32, #tpu.memory_space<vmem>>, %arg1: memref<2x45600xf32, #tpu.memory_space<vmem>>) attributes {dimension_semantics = [], scalar_prefetch = 0 : i64, scratch_operands = 0 : i64, tpu.core_type = #tpu.core_type<tc>} {
    %get3A = arith.constant 0 : index
    %get3A_0 = arith.constant 0 : index
    %get3A_1 = vector.load %arg0[%get3A, %get3A_0] : memref<2x45600xf32, #tpu.memory_space<vmem>>, vector<2x45600xf32>
    %logistic3A = arith.negf %get3A_1 : vector<2x45600xf32>
    %logistic3A_2 = math.exp %logistic3A : vector<2x45600xf32>
    %logistic3A_3 = arith.constant 1.000000e+00 : f32
    %logistic3A_4 = vector.broadcast %logistic3A_3 : f32 to vector<2x45600xf32>
    %logistic3A_5 = arith.addf %logistic3A_4, %logistic3A_2 : vector<2x45600xf32>
    %logistic3A_6 = arith.divf %logistic3A_4, %logistic3A_5 : vector<2x45600xf32>
    %swap3A = arith.constant 0 : index
    %swap3A_7 = arith.constant 0 : index
    %swap3A_8 = vector.load %arg1[%swap3A, %swap3A_7] : memref<2x45600xf32, #tpu.memory_space<vmem>>, vector<2x45600xf32>
    tpu.vector_store %arg1[%swap3A, %swap3A_7], %logistic3A_6 {strides = array<i32>} : memref<2x45600xf32, #tpu.memory_space<vmem>>, vector<2x45600xf32>,
    return
  }
}

module attributes {stable_mosaic.version = 14 : i64} {
  func.func @_nms_body(%arg0: i32, %arg1: memref<1x8x4096xf32, #tpu.memory_space<vmem>>, %arg2: memref<1x4096x8xf32, #tpu.memory_space<vmem>>, %arg3: memref<1x1x4096xf32, #tpu.memory_space<vmem>>, %arg4: memref<1x8x4096xf32, #tpu.memory_space<vmem>>, %arg5: memref<1x4096xi32, #tpu.memory_space<vmem>>, %arg6: memref<4096x1xi32, #tpu.memory_space<vmem>>) attributes {dimension_semantics = [#tpu.dimension_semantics<arbitrary>], iteration_bounds = array<i64: 2>, scalar_prefetch = 0 : i64, scratch_operands = 2 : i64, tpu.core_type = #tpu.core_type<tc>, window_params = [{transform_indices = @transform_0, window_bounds = array<i64: 1, 8, 4096>}, {transform_indices = @transform_1, window_bounds = array<i64: 1, 4096, 8>}, {transform_indices = @transform_2, window_bounds = array<i64: 1, 1, 4096>}, {transform_indices = @transform_3, window_bounds = array<i64: 1, 8, 4096>}]} {
    %get3A = arith.constant 0 : index
    %get3A_0 = arith.constant 0 : index
    %get3A_1 = arith.constant 0 : index
    %get3A_2 = vector.load %arg1[%get3A, %get3A_0, %get3A_1] : memref<1x8x4096xf32, #tpu.memory_space<vmem>>, vector<1x1x4096xf32>
    %get3A_3 = vector.shape_cast %get3A_2 : vector<1x1x4096xf32> to vector<1x4096xf32>
    %get3A_4 = arith.constant 0 : index
    %get3A_5 = arith.constant 1 : index
    %get3A_6 = arith.constant 0 : index
    %get3A_7 = vector.load %arg1[%get3A_4, %get3A_5, %get3A_6] : memref<1x8x4096xf32, #tpu.memory_space<vmem>>, vector<1x1x4096xf32>
    %get3A_8 = vector.shape_cast %get3A_7 : vector<1x1x4096xf32> to vector<1x4096xf32>
    %get3A_9 = arith.constant 0 : index
    %get3A_10 = arith.constant 2 : index
    %get3A_11 = arith.constant 0 : index
    %get3A_12 = vector.load %arg1[%get3A_9, %get3A_10, %get3A_11] : memref<1x8x4096xf32, #tpu.memory_space<vmem>>, vector<1x1x4096xf32>
    %get3A_13 = vector.shape_cast %get3A_12 : vector<1x1x4096xf32> to vector<1x4096xf32>
    %get3A_14 = arith.constant 0 : index
    %get3A_15 = arith.constant 3 : index
    %get3A_16 = arith.constant 0 : index
    %get3A_17 = vector.load %arg1[%get3A_14, %get3A_15, %get3A_16] : memref<1x8x4096xf32, #tpu.memory_space<vmem>>, vector<1x1x4096xf32>
    %get3A_18 = vector.shape_cast %get3A_17 : vector<1x1x4096xf32> to vector<1x4096xf32>
    %get3A_19 = arith.constant 0 : index
    %get3A_20 = arith.constant 4 : index
    %get3A_21 = arith.constant 0 : index
    %get3A_22 = vector.load %arg1[%get3A_19, %get3A_20, %get3A_21] : memref<1x8x4096xf32, #tpu.memory_space<vmem>>, vector<1x1x4096xf32>
    %get3A_23 = vector.shape_cast %get3A_22 : vector<1x1x4096xf32> to vector<1x4096xf32>
    %get3A_24 = arith.constant 0 : index
    %get3A_25 = arith.constant 5 : index
    %get3A_26 = arith.constant 0 : index
    %get3A_27 = vector.load %arg1[%get3A_24, %get3A_25, %get3A_26] : memref<1x8x4096xf32, #tpu.memory_space<vmem>>, vector<1x1x4096xf32>
    %get3A_28 = vector.shape_cast %get3A_27 : vector<1x1x4096xf32> to vector<1x4096xf32>
    %get3A_29 = arith.constant 0 : index
    %get3A_30 = arith.constant 6 : index
    %get3A_31 = arith.constant 0 : index
    %get3A_32 = vector.load %arg1[%get3A_29, %get3A_30, %get3A_31] : memref<1x8x4096xf32, #tpu.memory_space<vmem>>, vector<1x1x4096xf32>
    %get3A_33 = vector.shape_cast %get3A_32 : vector<1x1x4096xf32> to vector<1x4096xf32>
    %get3A_34 = arith.constant 0 : index
    %get3A_35 = arith.constant 7 : index
    %get3A_36 = arith.constant 0 : index
    %get3A_37 = vector.load %arg1[%get3A_34, %get3A_35, %get3A_36] : memref<1x8x4096xf32, #tpu.memory_space<vmem>>, vector<1x1x4096xf32>
    %get3A_38 = vector.shape_cast %get3A_37 : vector<1x1x4096xf32> to vector<1x4096xf32>
    %sub3A = arith.subf %get3A_33, %get3A_23 : vector<1x4096xf32>
    %add3A = arith.constant 1.000000e+00 : f32
    %add3A_39 = vector.broadcast %add3A : f32 to vector<1x4096xf32>
    %add3A_40 = arith.addf %sub3A, %add3A_39 : vector<1x4096xf32>
    %sub3A_41 = arith.subf %get3A_38, %get3A_28 : vector<1x4096xf32>
    %add3A_42 = arith.constant 1.000000e+00 : f32
    %add3A_43 = vector.broadcast %add3A_42 : f32 to vector<1x4096xf32>
    %add3A_44 = arith.addf %sub3A_41, %add3A_43 : vector<1x4096xf32>
    %mul3A = arith.constant 5.000000e-01 : f32
    %mul3A_45 = vector.broadcast %mul3A : f32 to vector<1x4096xf32>
    %mul3A_46 = arith.mulf %mul3A_45, %add3A_40 : vector<1x4096xf32>
    %add3A_47 = arith.addf %get3A_23, %mul3A_46 : vector<1x4096xf32>
    %mul3A_48 = arith.constant 5.000000e-01 : f32
    %mul3A_49 = vector.broadcast %mul3A_48 : f32 to vector<1x4096xf32>
    %mul3A_50 = arith.mulf %mul3A_49, %add3A_44 : vector<1x4096xf32>
    %add3A_51 = arith.addf %get3A_28, %mul3A_50 : vector<1x4096xf32>
    %min3A = arith.constant 4.13516665 : f32
    %min3A_52 = vector.broadcast %min3A : f32 to vector<1x4096xf32>
    %min3A_53 = arith.minimumf %get3A_13, %min3A_52 : vector<1x4096xf32>
    %min3A_54 = arith.constant 4.13516665 : f32
    %min3A_55 = vector.broadcast %min3A_54 : f32 to vector<1x4096xf32>
    %min3A_56 = arith.minimumf %get3A_18, %min3A_55 : vector<1x4096xf32>
    %mul3A_57 = arith.mulf %get3A_3, %add3A_40 : vector<1x4096xf32>
    %add3A_58 = arith.addf %mul3A_57, %add3A_47 : vector<1x4096xf32>
    %mul3A_59 = arith.mulf %get3A_8, %add3A_44 : vector<1x4096xf32>
    %add3A_60 = arith.addf %mul3A_59, %add3A_51 : vector<1x4096xf32>
    %exp3A = math.exp %min3A_53 : vector<1x4096xf32>
    %mul3A_61 = arith.mulf %exp3A, %add3A_40 : vector<1x4096xf32>
    %exp3A_62 = math.exp %min3A_56 : vector<1x4096xf32>
    %mul3A_63 = arith.mulf %exp3A_62, %add3A_44 : vector<1x4096xf32>
    %mul3A_64 = arith.constant 5.000000e-01 : f32
    %mul3A_65 = vector.broadcast %mul3A_64 : f32 to vector<1x4096xf32>
    %mul3A_66 = arith.mulf %mul3A_65, %mul3A_61 : vector<1x4096xf32>
    %sub3A_67 = arith.subf %add3A_58, %mul3A_66 : vector<1x4096xf32>
    %jit3A = arith.constant 0.000000e+00 : f32
    %jit3A_68 = arith.constant 1.215000e+03 : f32
    %max3A = vector.broadcast %jit3A : f32 to vector<1x4096xf32>
    %max3A_69 = arith.maximumf %max3A, %sub3A_67 : vector<1x4096xf32>
    %min3A_70 = vector.broadcast %jit3A_68 : f32 to vector<1x4096xf32>
    %min3A_71 = arith.minimumf %min3A_70, %max3A_69 : vector<1x4096xf32>
    %mul3A_72 = arith.constant 5.000000e-01 : f32
    %mul3A_73 = vector.broadcast %mul3A_72 : f32 to vector<1x4096xf32>
    %mul3A_74 = arith.mulf %mul3A_73, %mul3A_63 : vector<1x4096xf32>
    %sub3A_75 = arith.subf %add3A_60, %mul3A_74 : vector<1x4096xf32>
    %jit3A_76 = arith.constant 0.000000e+00 : f32
    %jit3A_77 = arith.constant 7.990000e+02 : f32
    %max3A_78 = vector.broadcast %jit3A_76 : f32 to vector<1x4096xf32>
    %max3A_79 = arith.maximumf %max3A_78, %sub3A_75 : vector<1x4096xf32>
    %min3A_80 = vector.broadcast %jit3A_77 : f32 to vector<1x4096xf32>
    %min3A_81 = arith.minimumf %min3A_80, %max3A_79 : vector<1x4096xf32>
    %mul3A_82 = arith.constant 5.000000e-01 : f32
    %mul3A_83 = vector.broadcast %mul3A_82 : f32 to vector<1x4096xf32>
    %mul3A_84 = arith.mulf %mul3A_83, %mul3A_61 : vector<1x4096xf32>
    %add3A_85 = arith.addf %add3A_58, %mul3A_84 : vector<1x4096xf32>
    %sub3A_86 = arith.constant 1.000000e+00 : f32
    %sub3A_87 = vector.broadcast %sub3A_86 : f32 to vector<1x4096xf32>
    %sub3A_88 = arith.subf %add3A_85, %sub3A_87 : vector<1x4096xf32>
    %jit3A_89 = arith.constant 0.000000e+00 : f32
    %jit3A_90 = arith.constant 1.215000e+03 : f32
    %max3A_91 = vector.broadcast %jit3A_89 : f32 to vector<1x4096xf32>
    %max3A_92 = arith.maximumf %max3A_91, %sub3A_88 : vector<1x4096xf32>
    %min3A_93 = vector.broadcast %jit3A_90 : f32 to vector<1x4096xf32>
    %min3A_94 = arith.minimumf %min3A_93, %max3A_92 : vector<1x4096xf32>
    %mul3A_95 = arith.constant 5.000000e-01 : f32
    %mul3A_96 = vector.broadcast %mul3A_95 : f32 to vector<1x4096xf32>
    %mul3A_97 = arith.mulf %mul3A_96, %mul3A_63 : vector<1x4096xf32>
    %add3A_98 = arith.addf %add3A_60, %mul3A_97 : vector<1x4096xf32>
    %sub3A_99 = arith.constant 1.000000e+00 : f32
    %sub3A_100 = vector.broadcast %sub3A_99 : f32 to vector<1x4096xf32>
    %sub3A_101 = arith.subf %add3A_98, %sub3A_100 : vector<1x4096xf32>
    %jit3A_102 = arith.constant 0.000000e+00 : f32
    %jit3A_103 = arith.constant 7.990000e+02 : f32
    %max3A_104 = vector.broadcast %jit3A_102 : f32 to vector<1x4096xf32>
    %max3A_105 = arith.maximumf %max3A_104, %sub3A_101 : vector<1x4096xf32>
    %min3A_106 = vector.broadcast %jit3A_103 : f32 to vector<1x4096xf32>
    %min3A_107 = arith.minimumf %min3A_106, %max3A_105 : vector<1x4096xf32>
    %sub3A_108 = arith.subf %min3A_94, %min3A_71 : vector<1x4096xf32>
    %add3A_109 = arith.constant 1.000000e+00 : f32
    %add3A_110 = vector.broadcast %add3A_109 : f32 to vector<1x4096xf32>
    %add3A_111 = arith.addf %sub3A_108, %add3A_110 : vector<1x4096xf32>
    %sub3A_112 = arith.subf %min3A_107, %min3A_81 : vector<1x4096xf32>
    %add3A_113 = arith.constant 1.000000e+00 : f32
    %add3A_114 = vector.broadcast %add3A_113 : f32 to vector<1x4096xf32>
    %add3A_115 = arith.addf %sub3A_112, %add3A_114 : vector<1x4096xf32>
    %ge3A = arith.constant 0.000000e+00 : f32
    %ge3A_116 = vector.broadcast %ge3A : f32 to vector<1x4096xf32>
    %ge3A_117 = arith.cmpf oge, %add3A_111, %ge3A_116 : vector<1x4096xf32>
    %ge3A_118 = arith.constant 0.000000e+00 : f32
    %ge3A_119 = vector.broadcast %ge3A_118 : f32 to vector<1x4096xf32>
    %ge3A_120 = arith.cmpf oge, %add3A_115, %ge3A_119 : vector<1x4096xf32>
    %and3A = arith.andi %ge3A_117, %ge3A_120 : vector<1x4096xi1>
    %mul3A_121 = arith.mulf %add3A_111, %add3A_115 : vector<1x4096xf32>
    %get3A_122 = arith.constant 0 : index
    %get3A_123 = arith.constant 0 : index
    %get3A_124 = arith.constant 0 : index
    %get3A_125 = vector.load %arg2[%get3A_122, %get3A_123, %get3A_124] : memref<1x4096x8xf32, #tpu.memory_space<vmem>>, vector<1x4096x1xf32>
    %get3A_126 = vector.shape_cast %get3A_125 : vector<1x4096x1xf32> to vector<4096x1xf32>
    %get3A_127 = arith.constant 0 : index
    %get3A_128 = arith.constant 0 : index
    %get3A_129 = arith.constant 1 : index
    %get3A_130 = vector.load %arg2[%get3A_127, %get3A_128, %get3A_129] : memref<1x4096x8xf32, #tpu.memory_space<vmem>>, vector<1x4096x1xf32>
    %get3A_131 = vector.shape_cast %get3A_130 : vector<1x4096x1xf32> to vector<4096x1xf32>
    %get3A_132 = arith.constant 0 : index
    %get3A_133 = arith.constant 0 : index
    %get3A_134 = arith.constant 2 : index
    %get3A_135 = vector.load %arg2[%get3A_132, %get3A_133, %get3A_134] : memref<1x4096x8xf32, #tpu.memory_space<vmem>>, vector<1x4096x1xf32>
    %get3A_136 = vector.shape_cast %get3A_135 : vector<1x4096x1xf32> to vector<4096x1xf32>
    %get3A_137 = arith.constant 0 : index
    %get3A_138 = arith.constant 0 : index
    %get3A_139 = arith.constant 3 : index
    %get3A_140 = vector.load %arg2[%get3A_137, %get3A_138, %get3A_139] : memref<1x4096x8xf32, #tpu.memory_space<vmem>>, vector<1x4096x1xf32>
    %get3A_141 = vector.shape_cast %get3A_140 : vector<1x4096x1xf32> to vector<4096x1xf32>
    %get3A_142 = arith.constant 0 : index
    %get3A_143 = arith.constant 0 : index
    %get3A_144 = arith.constant 4 : index
    %get3A_145 = vector.load %arg2[%get3A_142, %get3A_143, %get3A_144] : memref<1x4096x8xf32, #tpu.memory_space<vmem>>, vector<1x4096x1xf32>
    %get3A_146 = vector.shape_cast %get3A_145 : vector<1x4096x1xf32> to vector<4096x1xf32>
    %get3A_147 = arith.constant 0 : index
    %get3A_148 = arith.constant 0 : index
    %get3A_149 = arith.constant 5 : index
    %get3A_150 = vector.load %arg2[%get3A_147, %get3A_148, %get3A_149] : memref<1x4096x8xf32, #tpu.memory_space<vmem>>, vector<1x4096x1xf32>
    %get3A_151 = vector.shape_cast %get3A_150 : vector<1x4096x1xf32> to vector<4096x1xf32>
    %get3A_152 = arith.constant 0 : index
    %get3A_153 = arith.constant 0 : index
    %get3A_154 = arith.constant 6 : index
    %get3A_155 = vector.load %arg2[%get3A_152, %get3A_153, %get3A_154] : memref<1x4096x8xf32, #tpu.memory_space<vmem>>, vector<1x4096x1xf32>
    %get3A_156 = vector.shape_cast %get3A_155 : vector<1x4096x1xf32> to vector<4096x1xf32>
    %get3A_157 = arith.constant 0 : index
    %get3A_158 = arith.constant 0 : index
    %get3A_159 = arith.constant 7 : index
    %get3A_160 = vector.load %arg2[%get3A_157, %get3A_158, %get3A_159] : memref<1x4096x8xf32, #tpu.memory_space<vmem>>, vector<1x4096x1xf32>
    %get3A_161 = vector.shape_cast %get3A_160 : vector<1x4096x1xf32> to vector<4096x1xf32>
    %sub3A_162 = arith.subf %get3A_156, %get3A_146 : vector<4096x1xf32>
    %add3A_163 = arith.constant 1.000000e+00 : f32
    %add3A_164 = vector.broadcast %add3A_163 : f32 to vector<4096x1xf32>
    %add3A_165 = arith.addf %sub3A_162, %add3A_164 : vector<4096x1xf32>
    %sub3A_166 = arith.subf %get3A_161, %get3A_151 : vector<4096x1xf32>
    %add3A_167 = arith.constant 1.000000e+00 : f32
    %add3A_168 = vector.broadcast %add3A_167 : f32 to vector<4096x1xf32>
    %add3A_169 = arith.addf %sub3A_166, %add3A_168 : vector<4096x1xf32>
    %mul3A_170 = arith.constant 5.000000e-01 : f32
    %mul3A_171 = vector.broadcast %mul3A_170 : f32 to vector<4096x1xf32>
    %mul3A_172 = arith.mulf %mul3A_171, %add3A_165 : vector<4096x1xf32>
    %add3A_173 = arith.addf %get3A_146, %mul3A_172 : vector<4096x1xf32>
    %mul3A_174 = arith.constant 5.000000e-01 : f32
    %mul3A_175 = vector.broadcast %mul3A_174 : f32 to vector<4096x1xf32>
    %mul3A_176 = arith.mulf %mul3A_175, %add3A_169 : vector<4096x1xf32>
    %add3A_177 = arith.addf %get3A_151, %mul3A_176 : vector<4096x1xf32>
    %min3A_178 = arith.constant 4.13516665 : f32
    %min3A_179 = vector.broadcast %min3A_178 : f32 to vector<4096x1xf32>
    %min3A_180 = arith.minimumf %get3A_136, %min3A_179 : vector<4096x1xf32>
    %min3A_181 = arith.constant 4.13516665 : f32
    %min3A_182 = vector.broadcast %min3A_181 : f32 to vector<4096x1xf32>
    %min3A_183 = arith.minimumf %get3A_141, %min3A_182 : vector<4096x1xf32>
    %mul3A_184 = arith.mulf %get3A_126, %add3A_165 : vector<4096x1xf32>
    %add3A_185 = arith.addf %mul3A_184, %add3A_173 : vector<4096x1xf32>
    %mul3A_186 = arith.mulf %get3A_131, %add3A_169 : vector<4096x1xf32>
    %add3A_187 = arith.addf %mul3A_186, %add3A_177 : vector<4096x1xf32>
    %exp3A_188 = math.exp %min3A_180 : vector<4096x1xf32>
    %mul3A_189 = arith.mulf %exp3A_188, %add3A_165 : vector<4096x1xf32>
    %exp3A_190 = math.exp %min3A_183 : vector<4096x1xf32>
    %mul3A_191 = arith.mulf %exp3A_190, %add3A_169 : vector<4096x1xf32>
    %mul3A_192 = arith.constant 5.000000e-01 : f32
    %mul3A_193 = vector.broadcast %mul3A_192 : f32 to vector<4096x1xf32>
    %mul3A_194 = arith.mulf %mul3A_193, %mul3A_189 : vector<4096x1xf32>
    %sub3A_195 = arith.subf %add3A_185, %mul3A_194 : vector<4096x1xf32>
    %jit3A_196 = arith.constant 0.000000e+00 : f32
    %jit3A_197 = arith.constant 1.215000e+03 : f32
    %max3A_198 = vector.broadcast %jit3A_196 : f32 to vector<4096x1xf32>
    %max3A_199 = arith.maximumf %max3A_198, %sub3A_195 : vector<4096x1xf32>
    %min3A_200 = vector.broadcast %jit3A_197 : f32 to vector<4096x1xf32>
    %min3A_201 = arith.minimumf %min3A_200, %max3A_199 : vector<4096x1xf32>
    %mul3A_202 = arith.constant 5.000000e-01 : f32
    %mul3A_203 = vector.broadcast %mul3A_202 : f32 to vector<4096x1xf32>
    %mul3A_204 = arith.mulf %mul3A_203, %mul3A_191 : vector<4096x1xf32>
    %sub3A_205 = arith.subf %add3A_187, %mul3A_204 : vector<4096x1xf32>
    %jit3A_206 = arith.constant 0.000000e+00 : f32
    %jit3A_207 = arith.constant 7.990000e+02 : f32
    %max3A_208 = vector.broadcast %jit3A_206 : f32 to vector<4096x1xf32>
    %max3A_209 = arith.maximumf %max3A_208, %sub3A_205 : vector<4096x1xf32>
    %min3A_210 = vector.broadcast %jit3A_207 : f32 to vector<4096x1xf32>
    %min3A_211 = arith.minimumf %min3A_210, %max3A_209 : vector<4096x1xf32>
    %mul3A_212 = arith.constant 5.000000e-01 : f32
    %mul3A_213 = vector.broadcast %mul3A_212 : f32 to vector<4096x1xf32>
    %mul3A_214 = arith.mulf %mul3A_213, %mul3A_189 : vector<4096x1xf32>
    %add3A_215 = arith.addf %add3A_185, %mul3A_214 : vector<4096x1xf32>
    %sub3A_216 = arith.constant 1.000000e+00 : f32
    %sub3A_217 = vector.broadcast %sub3A_216 : f32 to vector<4096x1xf32>
    %sub3A_218 = arith.subf %add3A_215, %sub3A_217 : vector<4096x1xf32>
    %jit3A_219 = arith.constant 0.000000e+00 : f32
    %jit3A_220 = arith.constant 1.215000e+03 : f32
    %max3A_221 = vector.broadcast %jit3A_219 : f32 to vector<4096x1xf32>
    %max3A_222 = arith.maximumf %max3A_221, %sub3A_218 : vector<4096x1xf32>
    %min3A_223 = vector.broadcast %jit3A_220 : f32 to vector<4096x1xf32>
    %min3A_224 = arith.minimumf %min3A_223, %max3A_222 : vector<4096x1xf32>
    %mul3A_225 = arith.constant 5.000000e-01 : f32
    %mul3A_226 = vector.broadcast %mul3A_225 : f32 to vector<4096x1xf32>
    %mul3A_227 = arith.mulf %mul3A_226, %mul3A_191 : vector<4096x1xf32>
    %add3A_228 = arith.addf %add3A_187, %mul3A_227 : vector<4096x1xf32>
    %sub3A_229 = arith.constant 1.000000e+00 : f32
    %sub3A_230 = vector.broadcast %sub3A_229 : f32 to vector<4096x1xf32>
    %sub3A_231 = arith.subf %add3A_228, %sub3A_230 : vector<4096x1xf32>
    %jit3A_232 = arith.constant 0.000000e+00 : f32
    %jit3A_233 = arith.constant 7.990000e+02 : f32
    %max3A_234 = vector.broadcast %jit3A_232 : f32 to vector<4096x1xf32>
    %max3A_235 = arith.maximumf %max3A_234, %sub3A_231 : vector<4096x1xf32>
    %min3A_236 = vector.broadcast %jit3A_233 : f32 to vector<4096x1xf32>
    %min3A_237 = arith.minimumf %min3A_236, %max3A_235 : vector<4096x1xf32>
    %sub3A_238 = arith.subf %min3A_224, %min3A_201 : vector<4096x1xf32>
    %add3A_239 = arith.constant 1.000000e+00 : f32
    %add3A_240 = vector.broadcast %add3A_239 : f32 to vector<4096x1xf32>
    %add3A_241 = arith.addf %sub3A_238, %add3A_240 : vector<4096x1xf32>
    %sub3A_242 = arith.subf %min3A_237, %min3A_211 : vector<4096x1xf32>
    %add3A_243 = arith.constant 1.000000e+00 : f32
    %add3A_244 = vector.broadcast %add3A_243 : f32 to vector<4096x1xf32>
    %add3A_245 = arith.addf %sub3A_242, %add3A_244 : vector<4096x1xf32>
    %ge3A_246 = arith.constant 0.000000e+00 : f32
    %ge3A_247 = vector.broadcast %ge3A_246 : f32 to vector<4096x1xf32>
    %ge3A_248 = arith.cmpf oge, %add3A_241, %ge3A_247 : vector<4096x1xf32>
    %ge3A_249 = arith.constant 0.000000e+00 : f32
    %ge3A_250 = vector.broadcast %ge3A_249 : f32 to vector<4096x1xf32>
    %ge3A_251 = arith.cmpf oge, %add3A_245, %ge3A_250 : vector<4096x1xf32>
    %and3A_252 = arith.andi %ge3A_248, %ge3A_251 : vector<4096x1xi1>
    %mul3A_253 = arith.mulf %add3A_241, %add3A_245 : vector<4096x1xf32>
    %swap3A = arith.constant 0 : index
    %swap3A_254 = arith.constant 0 : index
    %swap3A_255 = arith.constant 0 : index
    %swap3A_256 = vector.load %arg4[%swap3A, %swap3A_254, %swap3A_255] : memref<1x8x4096xf32, #tpu.memory_space<vmem>>, vector<1x1x4096xf32>
    %swap3A_257 = vector.shape_cast %swap3A_256 : vector<1x1x4096xf32> to vector<1x4096xf32>
    %swap3A_258 = vector.shape_cast %min3A_71 : vector<1x4096xf32> to vector<1x1x4096xf32>
    tpu.vector_store %arg4[%swap3A, %swap3A_254, %swap3A_255], %swap3A_258 {strides = array<i32>} : memref<1x8x4096xf32, #tpu.memory_space<vmem>>, vector<1x1x4096xf32>,
    %swap3A_259 = arith.constant 0 : index
    %swap3A_260 = arith.constant 1 : index
    %swap3A_261 = arith.constant 0 : index
    %swap3A_262 = vector.load %arg4[%swap3A_259, %swap3A_260, %swap3A_261] : memref<1x8x4096xf32, #tpu.memory_space<vmem>>, vector<1x1x4096xf32>
    %swap3A_263 = vector.shape_cast %swap3A_262 : vector<1x1x4096xf32> to vector<1x4096xf32>
    %swap3A_264 = vector.shape_cast %min3A_81 : vector<1x4096xf32> to vector<1x1x4096xf32>
    tpu.vector_store %arg4[%swap3A_259, %swap3A_260, %swap3A_261], %swap3A_264 {strides = array<i32>} : memref<1x8x4096xf32, #tpu.memory_space<vmem>>, vector<1x1x4096xf32>,
    %swap3A_265 = arith.constant 0 : index
    %swap3A_266 = arith.constant 2 : index
    %swap3A_267 = arith.constant 0 : index
    %swap3A_268 = vector.load %arg4[%swap3A_265, %swap3A_266, %swap3A_267] : memref<1x8x4096xf32, #tpu.memory_space<vmem>>, vector<1x1x4096xf32>
    %swap3A_269 = vector.shape_cast %swap3A_268 : vector<1x1x4096xf32> to vector<1x4096xf32>
    %swap3A_270 = vector.shape_cast %min3A_94 : vector<1x4096xf32> to vector<1x1x4096xf32>
    tpu.vector_store %arg4[%swap3A_265, %swap3A_266, %swap3A_267], %swap3A_270 {strides = array<i32>} : memref<1x8x4096xf32, #tpu.memory_space<vmem>>, vector<1x1x4096xf32>,
    %swap3A_271 = arith.constant 0 : index
    %swap3A_272 = arith.constant 3 : index
    %swap3A_273 = arith.constant 0 : index
    %swap3A_274 = vector.load %arg4[%swap3A_271, %swap3A_272, %swap3A_273] : memref<1x8x4096xf32, #tpu.memory_space<vmem>>, vector<1x1x4096xf32>
    %swap3A_275 = vector.shape_cast %swap3A_274 : vector<1x1x4096xf32> to vector<1x4096xf32>
    %swap3A_276 = vector.shape_cast %min3A_107 : vector<1x4096xf32> to vector<1x1x4096xf32>
    tpu.vector_store %arg4[%swap3A_271, %swap3A_272, %swap3A_273], %swap3A_276 {strides = array<i32>} : memref<1x8x4096xf32, #tpu.memory_space<vmem>>, vector<1x1x4096xf32>,
    %broadcast_in_dim3A = arith.constant 0 : i32
    %broadcast_in_dim3A_277 = vector.broadcast %broadcast_in_dim3A : i32 to vector<1x4096xi32>
    %swap3A_278 = arith.constant 0 : index
    %swap3A_279 = arith.constant 0 : index
    %swap3A_280 = vector.load %arg5[%swap3A_278, %swap3A_279] : memref<1x4096xi32, #tpu.memory_space<vmem>>, vector<1x4096xi32>
    tpu.vector_store %arg5[%swap3A_278, %swap3A_279], %broadcast_in_dim3A_277 {strides = array<i32>} : memref<1x4096xi32, #tpu.memory_space<vmem>>, vector<1x4096xi32>,
    %broadcast_in_dim3A_281 = arith.constant 0 : i32
    %broadcast_in_dim3A_282 = vector.broadcast %broadcast_in_dim3A_281 : i32 to vector<4096x1xi32>
    %swap3A_283 = arith.constant 0 : index
    %swap3A_284 = arith.constant 0 : index
    %swap3A_285 = vector.load %arg6[%swap3A_283, %swap3A_284] : memref<4096x1xi32, #tpu.memory_space<vmem>>, vector<4096x1xi32>
    tpu.vector_store %arg6[%swap3A_283, %swap3A_284], %broadcast_in_dim3A_282 {strides = array<i32>} : memref<4096x1xi32, #tpu.memory_space<vmem>>, vector<4096x1xi32>,
    %iota3A = tpu.iota {dimensions = array<i32: 0>} : vector<256x256xi32>
    %iota3A_286 = tpu.iota {dimensions = array<i32: 1>} : vector<256x256xi32>
    %lt3A = arith.cmpi slt, %iota3A, %iota3A_286 : vector<256x256xi32>
    %gt3A = arith.cmpi sgt, %iota3A, %iota3A_286 : vector<256x256xi32>
    %slice3A = vector.extract_strided_slice %min3A_201 {offsets = [0, 0], sizes = [256, 1], strides = [1, 1]} : vector<4096x1xf32> to vector<256x1xf32>
    %slice3A_287 = vector.extract_strided_slice %min3A_211 {offsets = [0, 0], sizes = [256, 1], strides = [1, 1]} : vector<4096x1xf32> to vector<256x1xf32>
    %slice3A_288 = vector.extract_strided_slice %min3A_224 {offsets = [0, 0], sizes = [256, 1], strides = [1, 1]} : vector<4096x1xf32> to vector<256x1xf32>
    %slice3A_289 = vector.extract_strided_slice %min3A_237 {offsets = [0, 0], sizes = [256, 1], strides = [1, 1]} : vector<4096x1xf32> to vector<256x1xf32>
    %slice3A_290 = vector.extract_strided_slice %mul3A_253 {offsets = [0, 0], sizes = [256, 1], strides = [1, 1]} : vector<4096x1xf32> to vector<256x1xf32>
    %slice3A_291 = vector.extract_strided_slice %min3A_94 {offsets = [0, 0], sizes = [1, 256], strides = [1, 1]} : vector<1x4096xf32> to vector<1x256xf32>
    %min3A_292 = vector.broadcast %slice3A_288 : vector<256x1xf32> to vector<256x256xf32>
    %min3A_293 = vector.broadcast %slice3A_291 : vector<1x256xf32> to vector<256x256xf32>
    %min3A_294 = arith.minimumf %min3A_292, %min3A_293 : vector<256x256xf32>
    %slice3A_295 = vector.extract_strided_slice %min3A_71 {offsets = [0, 0], sizes = [1, 256], strides = [1, 1]} : vector<1x4096xf32> to vector<1x256xf32>
    %max3A_296 = vector.broadcast %slice3A : vector<256x1xf32> to vector<256x256xf32>
    %max3A_297 = vector.broadcast %slice3A_295 : vector<1x256xf32> to vector<256x256xf32>
    %max3A_298 = arith.maximumf %max3A_296, %max3A_297 : vector<256x256xf32>
    %sub3A_299 = arith.subf %min3A_294, %max3A_298 : vector<256x256xf32>
    %add3A_300 = arith.constant 1.000000e+00 : f32
    %add3A_301 = vector.broadcast %add3A_300 : f32 to vector<256x256xf32>
    %add3A_302 = arith.addf %sub3A_299, %add3A_301 : vector<256x256xf32>
    %jit3A_303 = arith.constant 0.000000e+00 : f32
    %max3A_304 = vector.broadcast %jit3A_303 : f32 to vector<256x256xf32>
    %max3A_305 = arith.maximumf %max3A_304, %add3A_302 : vector<256x256xf32>
    %slice3A_306 = vector.extract_strided_slice %min3A_107 {offsets = [0, 0], sizes = [1, 256], strides = [1, 1]} : vector<1x4096xf32> to vector<1x256xf32>
    %min3A_307 = vector.broadcast %slice3A_289 : vector<256x1xf32> to vector<256x256xf32>
    %min3A_308 = vector.broadcast %slice3A_306 : vector<1x256xf32> to vector<256x256xf32>
    %min3A_309 = arith.minimumf %min3A_307, %min3A_308 : vector<256x256xf32>
    %slice3A_310 = vector.extract_strided_slice %min3A_81 {offsets = [0, 0], sizes = [1, 256], strides = [1, 1]} : vector<1x4096xf32> to vector<1x256xf32>
    %max3A_311 = vector.broadcast %slice3A_287 : vector<256x1xf32> to vector<256x256xf32>
    %max3A_312 = vector.broadcast %slice3A_310 : vector<1x256xf32> to vector<256x256xf32>
    %max3A_313 = arith.maximumf %max3A_311, %max3A_312 : vector<256x256xf32>
    %sub3A_314 = arith.subf %min3A_309, %max3A_313 : vector<256x256xf32>
    %add3A_315 = arith.constant 1.000000e+00 : f32
    %add3A_316 = vector.broadcast %add3A_315 : f32 to vector<256x256xf32>
    %add3A_317 = arith.addf %sub3A_314, %add3A_316 : vector<256x256xf32>
    %jit3A_318 = arith.constant 0.000000e+00 : f32
    %max3A_319 = vector.broadcast %jit3A_318 : f32 to vector<256x256xf32>
    %max3A_320 = arith.maximumf %max3A_319, %add3A_317 : vector<256x256xf32>
    %mul3A_321 = arith.mulf %max3A_305, %max3A_320 : vector<256x256xf32>
    %slice3A_322 = vector.extract_strided_slice %mul3A_121 {offsets = [0, 0], sizes = [1, 256], strides = [1, 1]} : vector<1x4096xf32> to vector<1x256xf32>
    %add3A_323 = vector.broadcast %slice3A_290 : vector<256x1xf32> to vector<256x256xf32>
    %add3A_324 = vector.broadcast %slice3A_322 : vector<1x256xf32> to vector<256x256xf32>
    %add3A_325 = arith.addf %add3A_323, %add3A_324 : vector<256x256xf32>
    %sub3A_326 = arith.subf %add3A_325, %mul3A_321 : vector<256x256xf32>
    %div3A = arith.divf %mul3A_321, %sub3A_326 : vector<256x256xf32>
    %gt3A_327 = arith.constant 0.699999988 : f32
    %gt3A_328 = vector.broadcast %gt3A_327 : f32 to vector<256x256xf32>
    %gt3A_329 = arith.cmpf ogt, %div3A, %gt3A_328 : vector<256x256xf32>
    %get3A_330 = arith.constant 0 : index
    %get3A_331 = arith.constant 0 : index
    %get3A_332 = vector.load %arg5[%get3A_330, %get3A_331] : memref<1x4096xi32, #tpu.memory_space<vmem>>, vector<1x256xi32>
    %ne3A = arith.constant 0 : i32
    %ne3A_333 = vector.broadcast %ne3A : i32 to vector<1x256xi32>
    %ne3A_334 = arith.cmpi ne, %get3A_332, %ne3A_333 : vector<1x256xi32>
    %and3A_335 = vector.broadcast %ne3A_334 : vector<1x256xi1> to vector<256x256xi1>
    %and3A_336 = arith.andi %gt3A_329, %and3A_335 : vector<256x256xi1>
    %reduce_or3A = arith.constant 1.000000e+00 : f32
    %reduce_or3A_337 = arith.constant 0.000000e+00 : f32
    %reduce_or3A_338 = vector.broadcast %reduce_or3A : f32 to vector<256x256xf32>
    %reduce_or3A_339 = vector.broadcast %reduce_or3A_337 : f32 to vector<256x256xf32>
    %reduce_or3A_340 = arith.select %and3A_336, %reduce_or3A_338, %reduce_or3A_339 : vector<256x256xi1>, vector<256x256xf32>
    %reduce_or3A_341 = arith.constant dense<0xFF800000> : vector<256xf32>
    %reduce_or3A_342 = vector.multi_reduction <maximumf>, %reduce_or3A_340, %reduce_or3A_341 [1] : vector<256x256xf32> to vector<256xf32>
    %reduce_or3A_343 = arith.constant 0.000000e+00 : f32
    %reduce_or3A_344 = vector.broadcast %reduce_or3A_343 : f32 to vector<256xf32>
    %reduce_or3A_345 = arith.cmpf ogt, %reduce_or3A_342, %reduce_or3A_344 : vector<256xf32>
    %broadcast_in_dim3A_346 = vector.shape_cast %reduce_or3A_345 : vector<256xi1> to vector<256x1xi1>
    %broadcast_in_dim3A_347 = arith.constant false
    %broadcast_in_dim3A_348 = vector.broadcast %broadcast_in_dim3A_347 : i1 to vector<1x256xi1>
    %slice3A_349 = vector.extract_strided_slice %and3A_252 {offsets = [0, 0], sizes = [256, 1], strides = [1, 1]} : vector<4096x1xi1> to vector<256x1xi1>
    %not3A = arith.constant dense<true> : vector<256x1xi1>
    %not3A_350 = arith.xori %broadcast_in_dim3A_346, %not3A : vector<256x1xi1>
    %and3A_351 = arith.andi %slice3A_349, %not3A_350 : vector<256x1xi1>
    %slice3A_352 = vector.extract_strided_slice %and3A {offsets = [0, 0], sizes = [1, 256], strides = [1, 1]} : vector<1x4096xi1> to vector<1x256xi1>
    %not3A_353 = arith.constant dense<true> : vector<1x256xi1>
    %not3A_354 = arith.xori %broadcast_in_dim3A_348, %not3A_353 : vector<1x256xi1>
    %and3A_355 = arith.andi %slice3A_352, %not3A_354 : vector<1x256xi1>
    %and3A_356 = arith.andi %gt3A_329, %lt3A : vector<256x256xi1>
    %and3A_357 = arith.andi %gt3A_329, %gt3A : vector<256x256xi1>
    %convert_element_type3A = arith.extui %and3A_351 : vector<256x1xi1> to vector<256x1xi32>
    %while3A = arith.constant 1 : i32
    %while3A_358 = arith.constant 0 : i32
    %while3A_359:3 = scf.while (%while3A_2986 = %convert_element_type3A, %while3A_2987 = %while3A, %while3A_2988 = %while3A_358) : (vector<256x1xi32>, i32, i32) -> (vector<256x1xi32>, i32, i32) {
      %ne3A_2989 = arith.constant 0 : i32
      %ne3A_2990 = arith.cmpi ne, %while3A_2987, %ne3A_2989 : i32
      %lt3A_2991 = arith.constant 256 : i32
      %lt3A_2992 = arith.cmpi slt, %while3A_2988, %lt3A_2991 : i32
      %and3A_2993 = arith.andi %ne3A_2990, %lt3A_2992 : i1
      scf.condition(%and3A_2993) %while3A_2986, %while3A_2987, %while3A_2988 : vector<256x1xi32>, i32, i32
    } do {
    ^bb0(%while3A_2986: vector<256x1xi32>, %while3A_2987: i32, %while3A_2988: i32):
      %ne3A_2989 = arith.constant 0 : i32
      %ne3A_2990 = vector.broadcast %ne3A_2989 : i32 to vector<256x1xi32>
      %ne3A_2991 = arith.cmpi ne, %while3A_2986, %ne3A_2990 : vector<256x1xi32>
      %and3A_2992 = vector.broadcast %ne3A_2991 : vector<256x1xi1> to vector<256x256xi1>
      %and3A_2993 = arith.andi %and3A_356, %and3A_2992 : vector<256x256xi1>
      %reduce_or3A_2994 = arith.constant 1.000000e+00 : f32
      %reduce_or3A_2995 = arith.constant 0.000000e+00 : f32
      %reduce_or3A_2996 = vector.broadcast %reduce_or3A_2994 : f32 to vector<256x256xf32>
      %reduce_or3A_2997 = vector.broadcast %reduce_or3A_2995 : f32 to vector<256x256xf32>
      %reduce_or3A_2998 = arith.select %and3A_2993, %reduce_or3A_2996, %reduce_or3A_2997 : vector<256x256xi1>, vector<256x256xf32>
      %reduce_or3A_2999 = arith.constant dense<0xFF800000> : vector<256xf32>
      %reduce_or3A_3000 = vector.multi_reduction <maximumf>, %reduce_or3A_2998, %reduce_or3A_2999 [0] : vector<256x256xf32> to vector<256xf32>
      %reduce_or3A_3001 = arith.constant 0.000000e+00 : f32
      %reduce_or3A_3002 = vector.broadcast %reduce_or3A_3001 : f32 to vector<256xf32>
      %reduce_or3A_3003 = arith.cmpf ogt, %reduce_or3A_3000, %reduce_or3A_3002 : vector<256xf32>
      %broadcast_in_dim3A_3004 = vector.shape_cast %reduce_or3A_3003 : vector<256xi1> to vector<1x256xi1>
      %not3A_3005 = arith.constant dense<true> : vector<1x256xi1>
      %not3A_3006 = arith.xori %broadcast_in_dim3A_3004, %not3A_3005 : vector<1x256xi1>
      %and3A_3007 = arith.andi %and3A_355, %not3A_3006 : vector<1x256xi1>
      %and3A_3008 = vector.broadcast %and3A_3007 : vector<1x256xi1> to vector<256x256xi1>
      %and3A_3009 = arith.andi %and3A_357, %and3A_3008 : vector<256x256xi1>
      %reduce_or3A_3010 = arith.constant 1.000000e+00 : f32
      %reduce_or3A_3011 = arith.constant 0.000000e+00 : f32
      %reduce_or3A_3012 = vector.broadcast %reduce_or3A_3010 : f32 to vector<256x256xf32>
      %reduce_or3A_3013 = vector.broadcast %reduce_or3A_3011 : f32 to vector<256x256xf32>
      %reduce_or3A_3014 = arith.select %and3A_3009, %reduce_or3A_3012, %reduce_or3A_3013 : vector<256x256xi1>, vector<256x256xf32>
      %reduce_or3A_3015 = arith.constant dense<0xFF800000> : vector<256xf32>
      %reduce_or3A_3016 = vector.multi_reduction <maximumf>, %reduce_or3A_3014, %reduce_or3A_3015 [1] : vector<256x256xf32> to vector<256xf32>
      %reduce_or3A_3017 = arith.constant 0.000000e+00 : f32
      %reduce_or3A_3018 = vector.broadcast %reduce_or3A_3017 : f32 to vector<256xf32>
      %reduce_or3A_3019 = arith.cmpf ogt, %reduce_or3A_3016, %reduce_or3A_3018 : vector<256xf32>
      %broadcast_in_dim3A_3020 = vector.shape_cast %reduce_or3A_3019 : vector<256xi1> to vector<256x1xi1>
      %not3A_3021 = arith.constant dense<true> : vector<256x1xi1>
      %not3A_3022 = arith.xori %broadcast_in_dim3A_3020, %not3A_3021 : vector<256x1xi1>
      %and3A_3023 = arith.andi %and3A_351, %not3A_3022 : vector<256x1xi1>
      %ne3A_3024 = arith.xori %and3A_3023, %ne3A_2991 : vector<256x1xi1>
      %reduce_or3A_3025 = arith.constant 1.000000e+00 : f32
      %reduce_or3A_3026 = arith.constant 0.000000e+00 : f32
      %reduce_or3A_3027 = vector.broadcast %reduce_or3A_3025 : f32 to vector<256x1xf32>
      %reduce_or3A_3028 = vector.broadcast %reduce_or3A_3026 : f32 to vector<256x1xf32>
      %reduce_or3A_3029 = arith.select %ne3A_3024, %reduce_or3A_3027, %reduce_or3A_3028 : vector<256x1xi1>, vector<256x1xf32>
      %reduce_or3A_3030 = vector.shape_cast %reduce_or3A_3029 : vector<256x1xf32> to vector<1x256x1xf32>
      %reduce_or3A_3031 = arith.constant dense<0xFF800000> : vector<1xf32>
      %reduce_or3A_3032 = vector.multi_reduction <maximumf>, %reduce_or3A_3030, %reduce_or3A_3031 [1, 2] : vector<1x256x1xf32> to vector<1xf32>
      %reduce_or3A_3033 = vector.shape_cast %reduce_or3A_3032 : vector<1xf32> to vector<1x1x1xf32>
      %reduce_or3A_3034 = vector.extract %reduce_or3A_3033[0, 0, 0] : f32 from vector<1x1x1xf32>
      %reduce_or3A_3035 = arith.constant 0.000000e+00 : f32
      %reduce_or3A_3036 = arith.cmpf ogt, %reduce_or3A_3034, %reduce_or3A_3035 : f32
      %convert_element_type3A_3037 = arith.extui %reduce_or3A_3036 : i1 to i32
      %convert_element_type3A_3038 = arith.extui %and3A_3023 : vector<256x1xi1> to vector<256x1xi32>
      %add3A_3039 = arith.constant 1 : i32
      %add3A_3040 = arith.addi %while3A_2988, %add3A_3039 : i32
      scf.yield %convert_element_type3A_3038, %convert_element_type3A_3037, %add3A_3040 : vector<256x1xi32>, i32, i32
    }
    %ne3A_360 = arith.constant 0 : i32
    %ne3A_361 = vector.broadcast %ne3A_360 : i32 to vector<256x1xi32>
    %ne3A_362 = arith.cmpi ne, %while3A_359#0, %ne3A_361 : vector<256x1xi32>
    %and3A_363 = vector.broadcast %ne3A_362 : vector<256x1xi1> to vector<256x256xi1>
    %and3A_364 = arith.andi %and3A_356, %and3A_363 : vector<256x256xi1>
    %reduce_or3A_365 = arith.constant 1.000000e+00 : f32
    %reduce_or3A_366 = arith.constant 0.000000e+00 : f32
    %reduce_or3A_367 = vector.broadcast %reduce_or3A_365 : f32 to vector<256x256xf32>
    %reduce_or3A_368 = vector.broadcast %reduce_or3A_366 : f32 to vector<256x256xf32>
    %reduce_or3A_369 = arith.select %and3A_364, %reduce_or3A_367, %reduce_or3A_368 : vector<256x256xi1>, vector<256x256xf32>
    %reduce_or3A_370 = arith.constant dense<0xFF800000> : vector<256xf32>
    %reduce_or3A_371 = vector.multi_reduction <maximumf>, %reduce_or3A_369, %reduce_or3A_370 [0] : vector<256x256xf32> to vector<256xf32>
    %reduce_or3A_372 = arith.constant 0.000000e+00 : f32
    %reduce_or3A_373 = vector.broadcast %reduce_or3A_372 : f32 to vector<256xf32>
    %reduce_or3A_374 = arith.cmpf ogt, %reduce_or3A_371, %reduce_or3A_373 : vector<256xf32>
    %broadcast_in_dim3A_375 = vector.shape_cast %reduce_or3A_374 : vector<256xi1> to vector<1x256xi1>
    %not3A_376 = arith.constant dense<true> : vector<1x256xi1>
    %not3A_377 = arith.xori %broadcast_in_dim3A_375, %not3A_376 : vector<1x256xi1>
    %and3A_378 = arith.andi %and3A_355, %not3A_377 : vector<1x256xi1>
    %convert_element_type3A_379 = arith.extui %and3A_378 : vector<1x256xi1> to vector<1x256xi32>
    %swap3A_380 = arith.constant 0 : index
    %swap3A_381 = arith.constant 0 : index
    %swap3A_382 = vector.load %arg5[%swap3A_380, %swap3A_381] : memref<1x4096xi32, #tpu.memory_space<vmem>>, vector<1x256xi32>
    tpu.vector_store %arg5[%swap3A_380, %swap3A_381], %convert_element_type3A_379 {strides = array<i32>} : memref<1x4096xi32, #tpu.memory_space<vmem>>, vector<1x256xi32>,
    %convert_element_type3A_383 = arith.extui %ne3A_362 : vector<256x1xi1> to vector<256x1xi32>
    %swap3A_384 = arith.constant 0 : index
    %swap3A_385 = arith.constant 0 : index
    %swap3A_386 = vector.load %arg6[%swap3A_384, %swap3A_385] : memref<4096x1xi32, #tpu.memory_space<vmem>>, vector<256x1xi32>
    tpu.vector_store %arg6[%swap3A_384, %swap3A_385], %convert_element_type3A_383 {strides = array<i32>} : memref<4096x1xi32, #tpu.memory_space<vmem>>, vector<256x1xi32>,
    %slice3A_387 = vector.extract_strided_slice %min3A_201 {offsets = [256, 0], sizes = [256, 1], strides = [1, 1]} : vector<4096x1xf32> to vector<256x1xf32>
    %slice3A_388 = vector.extract_strided_slice %min3A_211 {offsets = [256, 0], sizes = [256, 1], strides = [1, 1]} : vector<4096x1xf32> to vector<256x1xf32>
    %slice3A_389 = vector.extract_strided_slice %min3A_224 {offsets = [256, 0], sizes = [256, 1], strides = [1, 1]} : vector<4096x1xf32> to vector<256x1xf32>
    %slice3A_390 = vector.extract_strided_slice %min3A_237 {offsets = [256, 0], sizes = [256, 1], strides = [1, 1]} : vector<4096x1xf32> to vector<256x1xf32>
    %slice3A_391 = vector.extract_strided_slice %mul3A_253 {offsets = [256, 0], sizes = [256, 1], strides = [1, 1]} : vector<4096x1xf32> to vector<256x1xf32>
    %slice3A_392 = vector.extract_strided_slice %min3A_94 {offsets = [0, 0], sizes = [1, 512], strides = [1, 1]} : vector<1x4096xf32> to vector<1x512xf32>
    %min3A_393 = vector.broadcast %slice3A_389 : vector<256x1xf32> to vector<256x512xf32>
    %min3A_394 = vector.broadcast %slice3A_392 : vector<1x512xf32> to vector<256x512xf32>
    %min3A_395 = arith.minimumf %min3A_393, %min3A_394 : vector<256x512xf32>
    %slice3A_396 = vector.extract_strided_slice %min3A_71 {offsets = [0, 0], sizes = [1, 512], strides = [1, 1]} : vector<1x4096xf32> to vector<1x512xf32>
    %max3A_397 = vector.broadcast %slice3A_387 : vector<256x1xf32> to vector<256x512xf32>
    %max3A_398 = vector.broadcast %slice3A_396 : vector<1x512xf32> to vector<256x512xf32>
    %max3A_399 = arith.maximumf %max3A_397, %max3A_398 : vector<256x512xf32>
    %sub3A_400 = arith.subf %min3A_395, %max3A_399 : vector<256x512xf32>
    %add3A_401 = arith.constant 1.000000e+00 : f32
    %add3A_402 = vector.broadcast %add3A_401 : f32 to vector<256x512xf32>
    %add3A_403 = arith.addf %sub3A_400, %add3A_402 : vector<256x512xf32>
    %jit3A_404 = arith.constant 0.000000e+00 : f32
    %max3A_405 = vector.broadcast %jit3A_404 : f32 to vector<256x512xf32>
    %max3A_406 = arith.maximumf %max3A_405, %add3A_403 : vector<256x512xf32>
    %slice3A_407 = vector.extract_strided_slice %min3A_107 {offsets = [0, 0], sizes = [1, 512], strides = [1, 1]} : vector<1x4096xf32> to vector<1x512xf32>
    %min3A_408 = vector.broadcast %slice3A_390 : vector<256x1xf32> to vector<256x512xf32>
    %min3A_409 = vector.broadcast %slice3A_407 : vector<1x512xf32> to vector<256x512xf32>
    %min3A_410 = arith.minimumf %min3A_408, %min3A_409 : vector<256x512xf32>
    %slice3A_411 = vector.extract_strided_slice %min3A_81 {offsets = [0, 0], sizes = [1, 512], strides = [1, 1]} : vector<1x4096xf32> to vector<1x512xf32>
    %max3A_412 = vector.broadcast %slice3A_388 : vector<256x1xf32> to vector<256x512xf32>
    %max3A_413 = vector.broadcast %slice3A_411 : vector<1x512xf32> to vector<256x512xf32>
    %max3A_414 = arith.maximumf %max3A_412, %max3A_413 : vector<256x512xf32>
    %sub3A_415 = arith.subf %min3A_410, %max3A_414 : vector<256x512xf32>
    %add3A_416 = arith.constant 1.000000e+00 : f32
    %add3A_417 = vector.broadcast %add3A_416 : f32 to vector<256x512xf32>
    %add3A_418 = arith.addf %sub3A_415, %add3A_417 : vector<256x512xf32>
    %jit3A_419 = arith.constant 0.000000e+00 : f32
    %max3A_420 = vector.broadcast %jit3A_419 : f32 to vector<256x512xf32>
    %max3A_421 = arith.maximumf %max3A_420, %add3A_418 : vector<256x512xf32>
    %mul3A_422 = arith.mulf %max3A_406, %max3A_421 : vector<256x512xf32>
    %slice3A_423 = vector.extract_strided_slice %mul3A_121 {offsets = [0, 0], sizes = [1, 512], strides = [1, 1]} : vector<1x4096xf32> to vector<1x512xf32>
    %add3A_424 = vector.broadcast %slice3A_391 : vector<256x1xf32> to vector<256x512xf32>
    %add3A_425 = vector.broadcast %slice3A_423 : vector<1x512xf32> to vector<256x512xf32>
    %add3A_426 = arith.addf %add3A_424, %add3A_425 : vector<256x512xf32>
    %sub3A_427 = arith.subf %add3A_426, %mul3A_422 : vector<256x512xf32>
    %div3A_428 = arith.divf %mul3A_422, %sub3A_427 : vector<256x512xf32>
    %gt3A_429 = arith.constant 0.699999988 : f32
    %gt3A_430 = vector.broadcast %gt3A_429 : f32 to vector<256x512xf32>
    %gt3A_431 = arith.cmpf ogt, %div3A_428, %gt3A_430 : vector<256x512xf32>
    %get3A_432 = arith.constant 0 : index
    %get3A_433 = arith.constant 0 : index
    %get3A_434 = vector.load %arg5[%get3A_432, %get3A_433] : memref<1x4096xi32, #tpu.memory_space<vmem>>, vector<1x512xi32>
    %ne3A_435 = arith.constant 0 : i32
    %ne3A_436 = vector.broadcast %ne3A_435 : i32 to vector<1x512xi32>
    %ne3A_437 = arith.cmpi ne, %get3A_434, %ne3A_436 : vector<1x512xi32>
    %and3A_438 = vector.broadcast %ne3A_437 : vector<1x512xi1> to vector<256x512xi1>
    %and3A_439 = arith.andi %gt3A_431, %and3A_438 : vector<256x512xi1>
    %reduce_or3A_440 = arith.constant 1.000000e+00 : f32
    %reduce_or3A_441 = arith.constant 0.000000e+00 : f32
    %reduce_or3A_442 = vector.broadcast %reduce_or3A_440 : f32 to vector<256x512xf32>
    %reduce_or3A_443 = vector.broadcast %reduce_or3A_441 : f32 to vector<256x512xf32>
    %reduce_or3A_444 = arith.select %and3A_439, %reduce_or3A_442, %reduce_or3A_443 : vector<256x512xi1>, vector<256x512xf32>
    %reduce_or3A_445 = arith.constant dense<0xFF800000> : vector<256xf32>
    %reduce_or3A_446 = vector.multi_reduction <maximumf>, %reduce_or3A_444, %reduce_or3A_445 [1] : vector<256x512xf32> to vector<256xf32>
    %reduce_or3A_447 = arith.constant 0.000000e+00 : f32
    %reduce_or3A_448 = vector.broadcast %reduce_or3A_447 : f32 to vector<256xf32>
    %reduce_or3A_449 = arith.cmpf ogt, %reduce_or3A_446, %reduce_or3A_448 : vector<256xf32>
    %broadcast_in_dim3A_450 = vector.shape_cast %reduce_or3A_449 : vector<256xi1> to vector<256x1xi1>
    %slice3A_451 = vector.extract_strided_slice %min3A_71 {offsets = [0, 256], sizes = [1, 256], strides = [1, 1]} : vector<1x4096xf32> to vector<1x256xf32>
    %slice3A_452 = vector.extract_strided_slice %min3A_81 {offsets = [0, 256], sizes = [1, 256], strides = [1, 1]} : vector<1x4096xf32> to vector<1x256xf32>
    %slice3A_453 = vector.extract_strided_slice %min3A_94 {offsets = [0, 256], sizes = [1, 256], strides = [1, 1]} : vector<1x4096xf32> to vector<1x256xf32>
    %slice3A_454 = vector.extract_strided_slice %min3A_107 {offsets = [0, 256], sizes = [1, 256], strides = [1, 1]} : vector<1x4096xf32> to vector<1x256xf32>
    %slice3A_455 = vector.extract_strided_slice %mul3A_121 {offsets = [0, 256], sizes = [1, 256], strides = [1, 1]} : vector<1x4096xf32> to vector<1x256xf32>
    %slice3A_456 = vector.extract_strided_slice %min3A_224 {offsets = [0, 0], sizes = [256, 1], strides = [1, 1]} : vector<4096x1xf32> to vector<256x1xf32>
    %min3A_457 = vector.broadcast %slice3A_456 : vector<256x1xf32> to vector<256x256xf32>
    %min3A_458 = vector.broadcast %slice3A_453 : vector<1x256xf32> to vector<256x256xf32>
    %min3A_459 = arith.minimumf %min3A_457, %min3A_458 : vector<256x256xf32>
    %slice3A_460 = vector.extract_strided_slice %min3A_201 {offsets = [0, 0], sizes = [256, 1], strides = [1, 1]} : vector<4096x1xf32> to vector<256x1xf32>
    %max3A_461 = vector.broadcast %slice3A_460 : vector<256x1xf32> to vector<256x256xf32>
    %max3A_462 = vector.broadcast %slice3A_451 : vector<1x256xf32> to vector<256x256xf32>
    %max3A_463 = arith.maximumf %max3A_461, %max3A_462 : vector<256x256xf32>
    %sub3A_464 = arith.subf %min3A_459, %max3A_463 : vector<256x256xf32>
    %add3A_465 = arith.constant 1.000000e+00 : f32
    %add3A_466 = vector.broadcast %add3A_465 : f32 to vector<256x256xf32>
    %add3A_467 = arith.addf %sub3A_464, %add3A_466 : vector<256x256xf32>
    %jit3A_468 = arith.constant 0.000000e+00 : f32
    %max3A_469 = vector.broadcast %jit3A_468 : f32 to vector<256x256xf32>
    %max3A_470 = arith.maximumf %max3A_469, %add3A_467 : vector<256x256xf32>
    %slice3A_471 = vector.extract_strided_slice %min3A_237 {offsets = [0, 0], sizes = [256, 1], strides = [1, 1]} : vector<4096x1xf32> to vector<256x1xf32>
    %min3A_472 = vector.broadcast %slice3A_471 : vector<256x1xf32> to vector<256x256xf32>
    %min3A_473 = vector.broadcast %slice3A_454 : vector<1x256xf32> to vector<256x256xf32>
    %min3A_474 = arith.minimumf %min3A_472, %min3A_473 : vector<256x256xf32>
    %slice3A_475 = vector.extract_strided_slice %min3A_211 {offsets = [0, 0], sizes = [256, 1], strides = [1, 1]} : vector<4096x1xf32> to vector<256x1xf32>
    %max3A_476 = vector.broadcast %slice3A_475 : vector<256x1xf32> to vector<256x256xf32>
    %max3A_477 = vector.broadcast %slice3A_452 : vector<1x256xf32> to vector<256x256xf32>
    %max3A_478 = arith.maximumf %max3A_476, %max3A_477 : vector<256x256xf32>
    %sub3A_479 = arith.subf %min3A_474, %max3A_478 : vector<256x256xf32>
    %add3A_480 = arith.constant 1.000000e+00 : f32
    %add3A_481 = vector.broadcast %add3A_480 : f32 to vector<256x256xf32>
    %add3A_482 = arith.addf %sub3A_479, %add3A_481 : vector<256x256xf32>
    %jit3A_483 = arith.constant 0.000000e+00 : f32
    %max3A_484 = vector.broadcast %jit3A_483 : f32 to vector<256x256xf32>
    %max3A_485 = arith.maximumf %max3A_484, %add3A_482 : vector<256x256xf32>
    %mul3A_486 = arith.mulf %max3A_470, %max3A_485 : vector<256x256xf32>
    %slice3A_487 = vector.extract_strided_slice %mul3A_253 {offsets = [0, 0], sizes = [256, 1], strides = [1, 1]} : vector<4096x1xf32> to vector<256x1xf32>
    %add3A_488 = vector.broadcast %slice3A_487 : vector<256x1xf32> to vector<256x256xf32>
    %add3A_489 = vector.broadcast %slice3A_455 : vector<1x256xf32> to vector<256x256xf32>
    %add3A_490 = arith.addf %add3A_488, %add3A_489 : vector<256x256xf32>
    %sub3A_491 = arith.subf %add3A_490, %mul3A_486 : vector<256x256xf32>
    %div3A_492 = arith.divf %mul3A_486, %sub3A_491 : vector<256x256xf32>
    %gt3A_493 = arith.constant 0.699999988 : f32
    %gt3A_494 = vector.broadcast %gt3A_493 : f32 to vector<256x256xf32>
    %gt3A_495 = arith.cmpf ogt, %div3A_492, %gt3A_494 : vector<256x256xf32>
    %get3A_496 = arith.constant 0 : index
    %get3A_497 = arith.constant 0 : index
    %get3A_498 = vector.load %arg6[%get3A_496, %get3A_497] : memref<4096x1xi32, #tpu.memory_space<vmem>>, vector<256x1xi32>
    %ne3A_499 = arith.constant 0 : i32
    %ne3A_500 = vector.broadcast %ne3A_499 : i32 to vector<256x1xi32>
    %ne3A_501 = arith.cmpi ne, %get3A_498, %ne3A_500 : vector<256x1xi32>
    %and3A_502 = vector.broadcast %ne3A_501 : vector<256x1xi1> to vector<256x256xi1>
    %and3A_503 = arith.andi %gt3A_495, %and3A_502 : vector<256x256xi1>
    %reduce_or3A_504 = arith.constant 1.000000e+00 : f32
    %reduce_or3A_505 = arith.constant 0.000000e+00 : f32
    %reduce_or3A_506 = vector.broadcast %reduce_or3A_504 : f32 to vector<256x256xf32>
    %reduce_or3A_507 = vector.broadcast %reduce_or3A_505 : f32 to vector<256x256xf32>
    %reduce_or3A_508 = arith.select %and3A_503, %reduce_or3A_506, %reduce_or3A_507 : vector<256x256xi1>, vector<256x256xf32>
    %reduce_or3A_509 = arith.constant dense<0xFF800000> : vector<256xf32>
    %reduce_or3A_510 = vector.multi_reduction <maximumf>, %reduce_or3A_508, %reduce_or3A_509 [0] : vector<256x256xf32> to vector<256xf32>
    %reduce_or3A_511 = arith.constant 0.000000e+00 : f32
    %reduce_or3A_512 = vector.broadcast %reduce_or3A_511 : f32 to vector<256xf32>
    %reduce_or3A_513 = arith.cmpf ogt, %reduce_or3A_510, %reduce_or3A_512 : vector<256xf32>
    %broadcast_in_dim3A_514 = vector.shape_cast %reduce_or3A_513 : vector<256xi1> to vector<1x256xi1>
    %slice3A_515 = vector.extract_strided_slice %and3A_252 {offsets = [256, 0], sizes = [256, 1], strides = [1, 1]} : vector<4096x1xi1> to vector<256x1xi1>
    %not3A_516 = arith.constant dense<true> : vector<256x1xi1>
    %not3A_517 = arith.xori %broadcast_in_dim3A_450, %not3A_516 : vector<256x1xi1>
    %and3A_518 = arith.andi %slice3A_515, %not3A_517 : vector<256x1xi1>
    %slice3A_519 = vector.extract_strided_slice %and3A {offsets = [0, 256], sizes = [1, 256], strides = [1, 1]} : vector<1x4096xi1> to vector<1x256xi1>
    %not3A_520 = arith.constant dense<true> : vector<1x256xi1>
    %not3A_521 = arith.xori %broadcast_in_dim3A_514, %not3A_520 : vector<1x256xi1>
    %and3A_522 = arith.andi %slice3A_519, %not3A_521 : vector<1x256xi1>
    %slice3A_523 = vector.extract_strided_slice %gt3A_431 {offsets = [0, 256], sizes = [256, 256], strides = [1, 1]} : vector<256x512xi1> to vector<256x256xi1>
    %and3A_524 = arith.andi %slice3A_523, %lt3A : vector<256x256xi1>
    %slice3A_525 = vector.extract_strided_slice %gt3A_431 {offsets = [0, 256], sizes = [256, 256], strides = [1, 1]} : vector<256x512xi1> to vector<256x256xi1>
    %and3A_526 = arith.andi %slice3A_525, %gt3A : vector<256x256xi1>
    %convert_element_type3A_527 = arith.extui %and3A_518 : vector<256x1xi1> to vector<256x1xi32>
    %while3A_528 = arith.constant 1 : i32
    %while3A_529 = arith.constant 0 : i32
    %while3A_530:3 = scf.while (%while3A_2986 = %convert_element_type3A_527, %while3A_2987 = %while3A_528, %while3A_2988 = %while3A_529) : (vector<256x1xi32>, i32, i32) -> (vector<256x1xi32>, i32, i32) {
      %ne3A_2989 = arith.constant 0 : i32
      %ne3A_2990 = arith.cmpi ne, %while3A_2987, %ne3A_2989 : i32
      %lt3A_2991 = arith.constant 256 : i32
      %lt3A_2992 = arith.cmpi slt, %while3A_2988, %lt3A_2991 : i32
      %and3A_2993 = arith.andi %ne3A_2990, %lt3A_2992 : i1
      scf.condition(%and3A_2993) %while3A_2986, %while3A_2987, %while3A_2988 : vector<256x1xi32>, i32, i32
    } do {
    ^bb0(%while3A_2986: vector<256x1xi32>, %while3A_2987: i32, %while3A_2988: i32):
      %ne3A_2989 = arith.constant 0 : i32
      %ne3A_2990 = vector.broadcast %ne3A_2989 : i32 to vector<256x1xi32>
      %ne3A_2991 = arith.cmpi ne, %while3A_2986, %ne3A_2990 : vector<256x1xi32>
      %and3A_2992 = vector.broadcast %ne3A_2991 : vector<256x1xi1> to vector<256x256xi1>
      %and3A_2993 = arith.andi %and3A_524, %and3A_2992 : vector<256x256xi1>
      %reduce_or3A_2994 = arith.constant 1.000000e+00 : f32
      %reduce_or3A_2995 = arith.constant 0.000000e+00 : f32
      %reduce_or3A_2996 = vector.broadcast %reduce_or3A_2994 : f32 to vector<256x256xf32>
      %reduce_or3A_2997 = vector.broadcast %reduce_or3A_2995 : f32 to vector<256x256xf32>
      %reduce_or3A_2998 = arith.select %and3A_2993, %reduce_or3A_2996, %reduce_or3A_2997 : vector<256x256xi1>, vector<256x256xf32>
      %reduce_or3A_2999 = arith.constant dense<0xFF800000> : vector<256xf32>
      %reduce_or3A_3000 = vector.multi_reduction <maximumf>, %reduce_or3A_2998, %reduce_or3A_2999 [0] : vector<256x256xf32> to vector<256xf32>
      %reduce_or3A_3001 = arith.constant 0.000000e+00 : f32
      %reduce_or3A_3002 = vector.broadcast %reduce_or3A_3001 : f32 to vector<256xf32>
      %reduce_or3A_3003 = arith.cmpf ogt, %reduce_or3A_3000, %reduce_or3A_3002 : vector<256xf32>
      %broadcast_in_dim3A_3004 = vector.shape_cast %reduce_or3A_3003 : vector<256xi1> to vector<1x256xi1>
      %not3A_3005 = arith.constant dense<true> : vector<1x256xi1>
      %not3A_3006 = arith.xori %broadcast_in_dim3A_3004, %not3A_3005 : vector<1x256xi1>
      %and3A_3007 = arith.andi %and3A_522, %not3A_3006 : vector<1x256xi1>
      %and3A_3008 = vector.broadcast %and3A_3007 : vector<1x256xi1> to vector<256x256xi1>
      %and3A_3009 = arith.andi %and3A_526, %and3A_3008 : vector<256x256xi1>
      %reduce_or3A_3010 = arith.constant 1.000000e+00 : f32
      %reduce_or3A_3011 = arith.constant 0.000000e+00 : f32
      %reduce_or3A_3012 = vector.broadcast %reduce_or3A_3010 : f32 to vector<256x256xf32>
      %reduce_or3A_3013 = vector.broadcast %reduce_or3A_3011 : f32 to vector<256x256xf32>
      %reduce_or3A_3014 = arith.select %and3A_3009, %reduce_or3A_3012, %reduce_or3A_3013 : vector<256x256xi1>, vector<256x256xf32>
      %reduce_or3A_3015 = arith.constant dense<0xFF800000> : vector<256xf32>
      %reduce_or3A_3016 = vector.multi_reduction <maximumf>, %reduce_or3A_3014, %reduce_or3A_3015 [1] : vector<256x256xf32> to vector<256xf32>
      %reduce_or3A_3017 = arith.constant 0.000000e+00 : f32
      %reduce_or3A_3018 = vector.broadcast %reduce_or3A_3017 : f32 to vector<256xf32>
      %reduce_or3A_3019 = arith.cmpf ogt, %reduce_or3A_3016, %reduce_or3A_3018 : vector<256xf32>
      %broadcast_in_dim3A_3020 = vector.shape_cast %reduce_or3A_3019 : vector<256xi1> to vector<256x1xi1>
      %not3A_3021 = arith.constant dense<true> : vector<256x1xi1>
      %not3A_3022 = arith.xori %broadcast_in_dim3A_3020, %not3A_3021 : vector<256x1xi1>
      %and3A_3023 = arith.andi %and3A_518, %not3A_3022 : vector<256x1xi1>
      %ne3A_3024 = arith.xori %and3A_3023, %ne3A_2991 : vector<256x1xi1>
      %reduce_or3A_3025 = arith.constant 1.000000e+00 : f32
      %reduce_or3A_3026 = arith.constant 0.000000e+00 : f32
      %reduce_or3A_3027 = vector.broadcast %reduce_or3A_3025 : f32 to vector<256x1xf32>
      %reduce_or3A_3028 = vector.broadcast %reduce_or3A_3026 : f32 to vector<256x1xf32>
      %reduce_or3A_3029 = arith.select %ne3A_3024, %reduce_or3A_3027, %reduce_or3A_3028 : vector<256x1xi1>, vector<256x1xf32>
      %reduce_or3A_3030 = vector.shape_cast %reduce_or3A_3029 : vector<256x1xf32> to vector<1x256x1xf32>
      %reduce_or3A_3031 = arith.constant dense<0xFF800000> : vector<1xf32>
      %reduce_or3A_3032 = vector.multi_reduction <maximumf>, %reduce_or3A_3030, %reduce_or3A_3031 [1, 2] : vector<1x256x1xf32> to vector<1xf32>
      %reduce_or3A_3033 = vector.shape_cast %reduce_or3A_3032 : vector<1xf32> to vector<1x1x1xf32>
      %reduce_or3A_3034 = vector.extract %reduce_or3A_3033[0, 0, 0] : f32 from vector<1x1x1xf32>
      %reduce_or3A_3035 = arith.constant 0.000000e+00 : f32
      %reduce_or3A_3036 = arith.cmpf ogt, %reduce_or3A_3034, %reduce_or3A_3035 : f32
      %convert_element_type3A_3037 = arith.extui %reduce_or3A_3036 : i1 to i32
      %convert_element_type3A_3038 = arith.extui %and3A_3023 : vector<256x1xi1> to vector<256x1xi32>
      %add3A_3039 = arith.constant 1 : i32
      %add3A_3040 = arith.addi %while3A_2988, %add3A_3039 : i32
      scf.yield %convert_element_type3A_3038, %convert_element_type3A_3037, %add3A_3040 : vector<256x1xi32>, i32, i32
    }
    %ne3A_531 = arith.constant 0 : i32
    %ne3A_532 = vector.broadcast %ne3A_531 : i32 to vector<256x1xi32>
    %ne3A_533 = arith.cmpi ne, %while3A_530#0, %ne3A_532 : vector<256x1xi32>
    %and3A_534 = vector.broadcast %ne3A_533 : vector<256x1xi1> to vector<256x256xi1>
    %and3A_535 = arith.andi %and3A_524, %and3A_534 : vector<256x256xi1>
    %reduce_or3A_536 = arith.constant 1.000000e+00 : f32
    %reduce_or3A_537 = arith.constant 0.000000e+00 : f32
    %reduce_or3A_538 = vector.broadcast %reduce_or3A_536 : f32 to vector<256x256xf32>
    %reduce_or3A_539 = vector.broadcast %reduce_or3A_537 : f32 to vector<256x256xf32>
    %reduce_or3A_540 = arith.select %and3A_535, %reduce_or3A_538, %reduce_or3A_539 : vector<256x256xi1>, vector<256x256xf32>
    %reduce_or3A_541 = arith.constant dense<0xFF800000> : vector<256xf32>
    %reduce_or3A_542 = vector.multi_reduction <maximumf>, %reduce_or3A_540, %reduce_or3A_541 [0] : vector<256x256xf32> to vector<256xf32>
    %reduce_or3A_543 = arith.constant 0.000000e+00 : f32
    %reduce_or3A_544 = vector.broadcast %reduce_or3A_543 : f32 to vector<256xf32>
    %reduce_or3A_545 = arith.cmpf ogt, %reduce_or3A_542, %reduce_or3A_544 : vector<256xf32>
    %broadcast_in_dim3A_546 = vector.shape_cast %reduce_or3A_545 : vector<256xi1> to vector<1x256xi1>
    %not3A_547 = arith.constant dense<true> : vector<1x256xi1>
    %not3A_548 = arith.xori %broadcast_in_dim3A_546, %not3A_547 : vector<1x256xi1>
    %and3A_549 = arith.andi %and3A_522, %not3A_548 : vector<1x256xi1>
    %convert_element_type3A_550 = arith.extui %and3A_549 : vector<1x256xi1> to vector<1x256xi32>
    %swap3A_551 = arith.constant 0 : index
    %swap3A_552 = arith.constant 256 : index
    %swap3A_553 = vector.load %arg5[%swap3A_551, %swap3A_552] : memref<1x4096xi32, #tpu.memory_space<vmem>>, vector<1x256xi32>
    tpu.vector_store %arg5[%swap3A_551, %swap3A_552], %convert_element_type3A_550 {strides = array<i32>} : memref<1x4096xi32, #tpu.memory_space<vmem>>, vector<1x256xi32>,
    %convert_element_type3A_554 = arith.extui %ne3A_533 : vector<256x1xi1> to vector<256x1xi32>
    %swap3A_555 = arith.constant 256 : index
    %swap3A_556 = arith.constant 0 : index
    %swap3A_557 = vector.load %arg6[%swap3A_555, %swap3A_556] : memref<4096x1xi32, #tpu.memory_space<vmem>>, vector<256x1xi32>
    tpu.vector_store %arg6[%swap3A_555, %swap3A_556], %convert_element_type3A_554 {strides = array<i32>} : memref<4096x1xi32, #tpu.memory_space<vmem>>, vector<256x1xi32>,
    %slice3A_558 = vector.extract_strided_slice %min3A_201 {offsets = [512, 0], sizes = [256, 1], strides = [1, 1]} : vector<4096x1xf32> to vector<256x1xf32>
    %slice3A_559 = vector.extract_strided_slice %min3A_211 {offsets = [512, 0], sizes = [256, 1], strides = [1, 1]} : vector<4096x1xf32> to vector<256x1xf32>
    %slice3A_560 = vector.extract_strided_slice %min3A_224 {offsets = [512, 0], sizes = [256, 1], strides = [1, 1]} : vector<4096x1xf32> to vector<256x1xf32>
    %slice3A_561 = vector.extract_strided_slice %min3A_237 {offsets = [512, 0], sizes = [256, 1], strides = [1, 1]} : vector<4096x1xf32> to vector<256x1xf32>
    %slice3A_562 = vector.extract_strided_slice %mul3A_253 {offsets = [512, 0], sizes = [256, 1], strides = [1, 1]} : vector<4096x1xf32> to vector<256x1xf32>
    %slice3A_563 = vector.extract_strided_slice %min3A_94 {offsets = [0, 0], sizes = [1, 768], strides = [1, 1]} : vector<1x4096xf32> to vector<1x768xf32>
    %min3A_564 = vector.broadcast %slice3A_560 : vector<256x1xf32> to vector<256x768xf32>
    %min3A_565 = vector.broadcast %slice3A_563 : vector<1x768xf32> to vector<256x768xf32>
    %min3A_566 = arith.minimumf %min3A_564, %min3A_565 : vector<256x768xf32>
    %slice3A_567 = vector.extract_strided_slice %min3A_71 {offsets = [0, 0], sizes = [1, 768], strides = [1, 1]} : vector<1x4096xf32> to vector<1x768xf32>
    %max3A_568 = vector.broadcast %slice3A_558 : vector<256x1xf32> to vector<256x768xf32>
    %max3A_569 = vector.broadcast %slice3A_567 : vector<1x768xf32> to vector<256x768xf32>
    %max3A_570 = arith.maximumf %max3A_568, %max3A_569 : vector<256x768xf32>
    %sub3A_571 = arith.subf %min3A_566, %max3A_570 : vector<256x768xf32>
    %add3A_572 = arith.constant 1.000000e+00 : f32
    %add3A_573 = vector.broadcast %add3A_572 : f32 to vector<256x768xf32>
    %add3A_574 = arith.addf %sub3A_571, %add3A_573 : vector<256x768xf32>
    %jit3A_575 = arith.constant 0.000000e+00 : f32
    %max3A_576 = vector.broadcast %jit3A_575 : f32 to vector<256x768xf32>
    %max3A_577 = arith.maximumf %max3A_576, %add3A_574 : vector<256x768xf32>
    %slice3A_578 = vector.extract_strided_slice %min3A_107 {offsets = [0, 0], sizes = [1, 768], strides = [1, 1]} : vector<1x4096xf32> to vector<1x768xf32>
    %min3A_579 = vector.broadcast %slice3A_561 : vector<256x1xf32> to vector<256x768xf32>
    %min3A_580 = vector.broadcast %slice3A_578 : vector<1x768xf32> to vector<256x768xf32>
    %min3A_581 = arith.minimumf %min3A_579, %min3A_580 : vector<256x768xf32>
    %slice3A_582 = vector.extract_strided_slice %min3A_81 {offsets = [0, 0], sizes = [1, 768], strides = [1, 1]} : vector<1x4096xf32> to vector<1x768xf32>
    %max3A_583 = vector.broadcast %slice3A_559 : vector<256x1xf32> to vector<256x768xf32>
    %max3A_584 = vector.broadcast %slice3A_582 : vector<1x768xf32> to vector<256x768xf32>
    %max3A_585 = arith.maximumf %max3A_583, %max3A_584 : vector<256x768xf32>
    %sub3A_586 = arith.subf %min3A_581, %max3A_585 : vector<256x768xf32>
    %add3A_587 = arith.constant 1.000000e+00 : f32
    %add3A_588 = vector.broadcast %add3A_587 : f32 to vector<256x768xf32>
    %add3A_589 = arith.addf %sub3A_586, %add3A_588 : vector<256x768xf32>
    %jit3A_590 = arith.constant 0.000000e+00 : f32
    %max3A_591 = vector.broadcast %jit3A_590 : f32 to vector<256x768xf32>
    %max3A_592 = arith.maximumf %max3A_591, %add3A_589 : vector<256x768xf32>
    %mul3A_593 = arith.mulf %max3A_577, %max3A_592 : vector<256x768xf32>
    %slice3A_594 = vector.extract_strided_slice %mul3A_121 {offsets = [0, 0], sizes = [1, 768], strides = [1, 1]} : vector<1x4096xf32> to vector<1x768xf32>
    %add3A_595 = vector.broadcast %slice3A_562 : vector<256x1xf32> to vector<256x768xf32>
    %add3A_596 = vector.broadcast %slice3A_594 : vector<1x768xf32> to vector<256x768xf32>
    %add3A_597 = arith.addf %add3A_595, %add3A_596 : vector<256x768xf32>
    %sub3A_598 = arith.subf %add3A_597, %mul3A_593 : vector<256x768xf32>
    %div3A_599 = arith.divf %mul3A_593, %sub3A_598 : vector<256x768xf32>
    %gt3A_600 = arith.constant 0.699999988 : f32
    %gt3A_601 = vector.broadcast %gt3A_600 : f32 to vector<256x768xf32>
    %gt3A_602 = arith.cmpf ogt, %div3A_599, %gt3A_601 : vector<256x768xf32>
    %get3A_603 = arith.constant 0 : index
    %get3A_604 = arith.constant 0 : index
    %get3A_605 = vector.load %arg5[%get3A_603, %get3A_604] : memref<1x4096xi32, #tpu.memory_space<vmem>>, vector<1x768xi32>
    %ne3A_606 = arith.constant 0 : i32
    %ne3A_607 = vector.broadcast %ne3A_606 : i32 to vector<1x768xi32>
    %ne3A_608 = arith.cmpi ne, %get3A_605, %ne3A_607 : vector<1x768xi32>
    %and3A_609 = vector.broadcast %ne3A_608 : vector<1x768xi1> to vector<256x768xi1>
    %and3A_610 = arith.andi %gt3A_602, %and3A_609 : vector<256x768xi1>
    %reduce_or3A_611 = arith.constant 1.000000e+00 : f32
    %reduce_or3A_612 = arith.constant 0.000000e+00 : f32
    %reduce_or3A_613 = vector.broadcast %reduce_or3A_611 : f32 to vector<256x768xf32>
    %reduce_or3A_614 = vector.broadcast %reduce_or3A_612 : f32 to vector<256x768xf32>
    %reduce_or3A_615 = arith.select %and3A_610, %reduce_or3A_613, %reduce_or3A_614 : vector<256x768xi1>, vector<256x768xf32>
    %reduce_or3A_616 = arith.constant dense<0xFF800000> : vector<256xf32>
    %reduce_or3A_617 = vector.multi_reduction <maximumf>, %reduce_or3A_615, %reduce_or3A_616 [1] : vector<256x768xf32> to vector<256xf32>
    %reduce_or3A_618 = arith.constant 0.000000e+00 : f32
    %reduce_or3A_619 = vector.broadcast %reduce_or3A_618 : f32 to vector<256xf32>
    %reduce_or3A_620 = arith.cmpf ogt, %reduce_or3A_617, %reduce_or3A_619 : vector<256xf32>
    %broadcast_in_dim3A_621 = vector.shape_cast %reduce_or3A_620 : vector<256xi1> to vector<256x1xi1>
    %slice3A_622 = vector.extract_strided_slice %min3A_71 {offsets = [0, 512], sizes = [1, 256], strides = [1, 1]} : vector<1x4096xf32> to vector<1x256xf32>
    %slice3A_623 = vector.extract_strided_slice %min3A_81 {offsets = [0, 512], sizes = [1, 256], strides = [1, 1]} : vector<1x4096xf32> to vector<1x256xf32>
    %slice3A_624 = vector.extract_strided_slice %min3A_94 {offsets = [0, 512], sizes = [1, 256], strides = [1, 1]} : vector<1x4096xf32> to vector<1x256xf32>
    %slice3A_625 = vector.extract_strided_slice %min3A_107 {offsets = [0, 512], sizes = [1, 256], strides = [1, 1]} : vector<1x4096xf32> to vector<1x256xf32>
    %slice3A_626 = vector.extract_strided_slice %mul3A_121 {offsets = [0, 512], sizes = [1, 256], strides = [1, 1]} : vector<1x4096xf32> to vector<1x256xf32>
    %slice3A_627 = vector.extract_strided_slice %min3A_224 {offsets = [0, 0], sizes = [512, 1], strides = [1, 1]} : vector<4096x1xf32> to vector<512x1xf32>
    %min3A_628 = vector.broadcast %slice3A_627 : vector<512x1xf32> to vector<512x256xf32>
    %min3A_629 = vector.broadcast %slice3A_624 : vector<1x256xf32> to vector<512x256xf32>
    %min3A_630 = arith.minimumf %min3A_628, %min3A_629 : vector<512x256xf32>
    %slice3A_631 = vector.extract_strided_slice %min3A_201 {offsets = [0, 0], sizes = [512, 1], strides = [1, 1]} : vector<4096x1xf32> to vector<512x1xf32>
    %max3A_632 = vector.broadcast %slice3A_631 : vector<512x1xf32> to vector<512x256xf32>
    %max3A_633 = vector.broadcast %slice3A_622 : vector<1x256xf32> to vector<512x256xf32>
    %max3A_634 = arith.maximumf %max3A_632, %max3A_633 : vector<512x256xf32>
    %sub3A_635 = arith.subf %min3A_630, %max3A_634 : vector<512x256xf32>
    %add3A_636 = arith.constant 1.000000e+00 : f32
    %add3A_637 = vector.broadcast %add3A_636 : f32 to vector<512x256xf32>
    %add3A_638 = arith.addf %sub3A_635, %add3A_637 : vector<512x256xf32>
    %jit3A_639 = arith.constant 0.000000e+00 : f32
    %max3A_640 = vector.broadcast %jit3A_639 : f32 to vector<512x256xf32>
    %max3A_641 = arith.maximumf %max3A_640, %add3A_638 : vector<512x256xf32>
    %slice3A_642 = vector.extract_strided_slice %min3A_237 {offsets = [0, 0], sizes = [512, 1], strides = [1, 1]} : vector<4096x1xf32> to vector<512x1xf32>
    %min3A_643 = vector.broadcast %slice3A_642 : vector<512x1xf32> to vector<512x256xf32>
    %min3A_644 = vector.broadcast %slice3A_625 : vector<1x256xf32> to vector<512x256xf32>
    %min3A_645 = arith.minimumf %min3A_643, %min3A_644 : vector<512x256xf32>
    %slice3A_646 = vector.extract_strided_slice %min3A_211 {offsets = [0, 0], sizes = [512, 1], strides = [1, 1]} : vector<4096x1xf32> to vector<512x1xf32>
    %max3A_647 = vector.broadcast %slice3A_646 : vector<512x1xf32> to vector<512x256xf32>
    %max3A_648 = vector.broadcast %slice3A_623 : vector<1x256xf32> to vector<512x256xf32>
    %max3A_649 = arith.maximumf %max3A_647, %max3A_648 : vector<512x256xf32>
    %sub3A_650 = arith.subf %min3A_645, %max3A_649 : vector<512x256xf32>
    %add3A_651 = arith.constant 1.000000e+00 : f32
    %add3A_652 = vector.broadcast %add3A_651 : f32 to vector<512x256xf32>
    %add3A_653 = arith.addf %sub3A_650, %add3A_652 : vector<512x256xf32>
    %jit3A_654 = arith.constant 0.000000e+00 : f32
    %max3A_655 = vector.broadcast %jit3A_654 : f32 to vector<512x256xf32>
    %max3A_656 = arith.maximumf %max3A_655, %add3A_653 : vector<512x256xf32>
    %mul3A_657 = arith.mulf %max3A_641, %max3A_656 : vector<512x256xf32>
    %slice3A_658 = vector.extract_strided_slice %mul3A_253 {offsets = [0, 0], sizes = [512, 1], strides = [1, 1]} : vector<4096x1xf32> to vector<512x1xf32>
    %add3A_659 = vector.broadcast %slice3A_658 : vector<512x1xf32> to vector<512x256xf32>
    %add3A_660 = vector.broadcast %slice3A_626 : vector<1x256xf32> to vector<512x256xf32>
    %add3A_661 = arith.addf %add3A_659, %add3A_660 : vector<512x256xf32>
    %sub3A_662 = arith.subf %add3A_661, %mul3A_657 : vector<512x256xf32>
    %div3A_663 = arith.divf %mul3A_657, %sub3A_662 : vector<512x256xf32>
    %gt3A_664 = arith.constant 0.699999988 : f32
    %gt3A_665 = vector.broadcast %gt3A_664 : f32 to vector<512x256xf32>
    %gt3A_666 = arith.cmpf ogt, %div3A_663, %gt3A_665 : vector<512x256xf32>
    %get3A_667 = arith.constant 0 : index
    %get3A_668 = arith.constant 0 : index
    %get3A_669 = vector.load %arg6[%get3A_667, %get3A_668] : memref<4096x1xi32, #tpu.memory_space<vmem>>, vector<512x1xi32>
    %ne3A_670 = arith.constant 0 : i32
    %ne3A_671 = vector.broadcast %ne3A_670 : i32 to vector<512x1xi32>
    %ne3A_672 = arith.cmpi ne, %get3A_669, %ne3A_671 : vector<512x1xi32>
    %and3A_673 = vector.broadcast %ne3A_672 : vector<512x1xi1> to vector<512x256xi1>
    %and3A_674 = arith.andi %gt3A_666, %and3A_673 : vector<512x256xi1>
    %reduce_or3A_675 = arith.constant 1.000000e+00 : f32
    %reduce_or3A_676 = arith.constant 0.000000e+00 : f32
    %reduce_or3A_677 = vector.broadcast %reduce_or3A_675 : f32 to vector<512x256xf32>
    %reduce_or3A_678 = vector.broadcast %reduce_or3A_676 : f32 to vector<512x256xf32>
    %reduce_or3A_679 = arith.select %and3A_674, %reduce_or3A_677, %reduce_or3A_678 : vector<512x256xi1>, vector<512x256xf32>
    %reduce_or3A_680 = arith.constant dense<0xFF800000> : vector<256xf32>
    %reduce_or3A_681 = vector.multi_reduction <maximumf>, %reduce_or3A_679, %reduce_or3A_680 [0] : vector<512x256xf32> to vector<256xf32>
    %reduce_or3A_682 = arith.constant 0.000000e+00 : f32
    %reduce_or3A_683 = vector.broadcast %reduce_or3A_682 : f32 to vector<256xf32>
    %reduce_or3A_684 = arith.cmpf ogt, %reduce_or3A_681, %reduce_or3A_683 : vector<256xf32>
    %broadcast_in_dim3A_685 = vector.shape_cast %reduce_or3A_684 : vector<256xi1> to vector<1x256xi1>
    %slice3A_686 = vector.extract_strided_slice %and3A_252 {offsets = [512, 0], sizes = [256, 1], strides = [1, 1]} : vector<4096x1xi1> to vector<256x1xi1>
    %not3A_687 = arith.constant dense<true> : vector<256x1xi1>
    %not3A_688 = arith.xori %broadcast_in_dim3A_621, %not3A_687 : vector<256x1xi1>
    %and3A_689 = arith.andi %slice3A_686, %not3A_688 : vector<256x1xi1>
    %slice3A_690 = vector.extract_strided_slice %and3A {offsets = [0, 512], sizes = [1, 256], strides = [1, 1]} : vector<1x4096xi1> to vector<1x256xi1>
    %not3A_691 = arith.constant dense<true> : vector<1x256xi1>
    %not3A_692 = arith.xori %broadcast_in_dim3A_685, %not3A_691 : vector<1x256xi1>
    %and3A_693 = arith.andi %slice3A_690, %not3A_692 : vector<1x256xi1>
    %slice3A_694 = vector.extract_strided_slice %gt3A_602 {offsets = [0, 512], sizes = [256, 256], strides = [1, 1]} : vector<256x768xi1> to vector<256x256xi1>
    %and3A_695 = arith.andi %slice3A_694, %lt3A : vector<256x256xi1>
    %slice3A_696 = vector.extract_strided_slice %gt3A_602 {offsets = [0, 512], sizes = [256, 256], strides = [1, 1]} : vector<256x768xi1> to vector<256x256xi1>
    %and3A_697 = arith.andi %slice3A_696, %gt3A : vector<256x256xi1>
    %convert_element_type3A_698 = arith.extui %and3A_689 : vector<256x1xi1> to vector<256x1xi32>
    %while3A_699 = arith.constant 1 : i32
    %while3A_700 = arith.constant 0 : i32
    %while3A_701:3 = scf.while (%while3A_2986 = %convert_element_type3A_698, %while3A_2987 = %while3A_699, %while3A_2988 = %while3A_700) : (vector<256x1xi32>, i32, i32) -> (vector<256x1xi32>, i32, i32) {
      %ne3A_2989 = arith.constant 0 : i32
      %ne3A_2990 = arith.cmpi ne, %while3A_2987, %ne3A_2989 : i32
      %lt3A_2991 = arith.constant 256 : i32
      %lt3A_2992 = arith.cmpi slt, %while3A_2988, %lt3A_2991 : i32
      %and3A_2993 = arith.andi %ne3A_2990, %lt3A_2992 : i1
      scf.condition(%and3A_2993) %while3A_2986, %while3A_2987, %while3A_2988 : vector<256x1xi32>, i32, i32
    } do {
    ^bb0(%while3A_2986: vector<256x1xi32>, %while3A_2987: i32, %while3A_2988: i32):
      %ne3A_2989 = arith.constant 0 : i32
      %ne3A_2990 = vector.broadcast %ne3A_2989 : i32 to vector<256x1xi32>
      %ne3A_2991 = arith.cmpi ne, %while3A_2986, %ne3A_2990 : vector<256x1xi32>
      %and3A_2992 = vector.broadcast %ne3A_2991 : vector<256x1xi1> to vector<256x256xi1>
      %and3A_2993 = arith.andi %and3A_695, %and3A_2992 : vector<256x256xi1>
      %reduce_or3A_2994 = arith.constant 1.000000e+00 : f32
      %reduce_or3A_2995 = arith.constant 0.000000e+00 : f32
      %reduce_or3A_2996 = vector.broadcast %reduce_or3A_2994 : f32 to vector<256x256xf32>
      %reduce_or3A_2997 = vector.broadcast %reduce_or3A_2995 : f32 to vector<256x256xf32>
      %reduce_or3A_2998 = arith.select %and3A_2993, %reduce_or3A_2996, %reduce_or3A_2997 : vector<256x256xi1>, vector<256x256xf32>
      %reduce_or3A_2999 = arith.constant dense<0xFF800000> : vector<256xf32>
      %reduce_or3A_3000 = vector.multi_reduction <maximumf>, %reduce_or3A_2998, %reduce_or3A_2999 [0] : vector<256x256xf32> to vector<256xf32>
      %reduce_or3A_3001 = arith.constant 0.000000e+00 : f32
      %reduce_or3A_3002 = vector.broadcast %reduce_or3A_3001 : f32 to vector<256xf32>
      %reduce_or3A_3003 = arith.cmpf ogt, %reduce_or3A_3000, %reduce_or3A_3002 : vector<256xf32>
      %broadcast_in_dim3A_3004 = vector.shape_cast %reduce_or3A_3003 : vector<256xi1> to vector<1x256xi1>
      %not3A_3005 = arith.constant dense<true> : vector<1x256xi1>
      %not3A_3006 = arith.xori %broadcast_in_dim3A_3004, %not3A_3005 : vector<1x256xi1>
      %and3A_3007 = arith.andi %and3A_693, %not3A_3006 : vector<1x256xi1>
      %and3A_3008 = vector.broadcast %and3A_3007 : vector<1x256xi1> to vector<256x256xi1>
      %and3A_3009 = arith.andi %and3A_697, %and3A_3008 : vector<256x256xi1>
      %reduce_or3A_3010 = arith.constant 1.000000e+00 : f32
      %reduce_or3A_3011 = arith.constant 0.000000e+00 : f32
      %reduce_or3A_3012 = vector.broadcast %reduce_or3A_3010 : f32 to vector<256x256xf32>
      %reduce_or3A_3013 = vector.broadcast %reduce_or3A_3011 : f32 to vector<256x256xf32>
      %reduce_or3A_3014 = arith.select %and3A_3009, %reduce_or3A_3012, %reduce_or3A_3013 : vector<256x256xi1>, vector<256x256xf32>
      %reduce_or3A_3015 = arith.constant dense<0xFF800000> : vector<256xf32>
      %reduce_or3A_3016 = vector.multi_reduction <maximumf>, %reduce_or3A_3014, %reduce_or3A_3015 [1] : vector<256x256xf32> to vector<256xf32>
      %reduce_or3A_3017 = arith.constant 0.000000e+00 : f32
      %reduce_or3A_3018 = vector.broadcast %reduce_or3A_3017 : f32 to vector<256xf32>
      %reduce_or3A_3019 = arith.cmpf ogt, %reduce_or3A_3016, %reduce_or3A_3018 : vector<256xf32>
      %broadcast_in_dim3A_3020 = vector.shape_cast %reduce_or3A_3019 : vector<256xi1> to vector<256x1xi1>
      %not3A_3021 = arith.constant dense<true> : vector<256x1xi1>
      %not3A_3022 = arith.xori %broadcast_in_dim3A_3020, %not3A_3021 : vector<256x1xi1>
      %and3A_3023 = arith.andi %and3A_689, %not3A_3022 : vector<256x1xi1>
      %ne3A_3024 = arith.xori %and3A_3023, %ne3A_2991 : vector<256x1xi1>
      %reduce_or3A_3025 = arith.constant 1.000000e+00 : f32
      %reduce_or3A_3026 = arith.constant 0.000000e+00 : f32
      %reduce_or3A_3027 = vector.broadcast %reduce_or3A_3025 : f32 to vector<256x1xf32>
      %reduce_or3A_3028 = vector.broadcast %reduce_or3A_3026 : f32 to vector<256x1xf32>
      %reduce_or3A_3029 = arith.select %ne3A_3024, %reduce_or3A_3027, %reduce_or3A_3028 : vector<256x1xi1>, vector<256x1xf32>
      %reduce_or3A_3030 = vector.shape_cast %reduce_or3A_3029 : vector<256x1xf32> to vector<1x256x1xf32>
      %reduce_or3A_3031 = arith.constant dense<0xFF800000> : vector<1xf32>
      %reduce_or3A_3032 = vector.multi_reduction <maximumf>, %reduce_or3A_3030, %reduce_or3A_3031 [1, 2] : vector<1x256x1xf32> to vector<1xf32>
      %reduce_or3A_3033 = vector.shape_cast %reduce_or3A_3032 : vector<1xf32> to vector<1x1x1xf32>
      %reduce_or3A_3034 = vector.extract %reduce_or3A_3033[0, 0, 0] : f32 from vector<1x1x1xf32>
      %reduce_or3A_3035 = arith.constant 0.000000e+00 : f32
      %reduce_or3A_3036 = arith.cmpf ogt, %reduce_or3A_3034, %reduce_or3A_3035 : f32
      %convert_element_type3A_3037 = arith.extui %reduce_or3A_3036 : i1 to i32
      %convert_element_type3A_3038 = arith.extui %and3A_3023 : vector<256x1xi1> to vector<256x1xi32>
      %add3A_3039 = arith.constant 1 : i32
      %add3A_3040 = arith.addi %while3A_2988, %add3A_3039 : i32
      scf.yield %convert_element_type3A_3038, %convert_element_type3A_3037, %add3A_3040 : vector<256x1xi32>, i32, i32
    }
    %ne3A_702 = arith.constant 0 : i32
    %ne3A_703 = vector.broadcast %ne3A_702 : i32 to vector<256x1xi32>
    %ne3A_704 = arith.cmpi ne, %while3A_701#0, %ne3A_703 : vector<256x1xi32>
    %and3A_705 = vector.broadcast %ne3A_704 : vector<256x1xi1> to vector<256x256xi1>
    %and3A_706 = arith.andi %and3A_695, %and3A_705 : vector<256x256xi1>
    %reduce_or3A_707 = arith.constant 1.000000e+00 : f32
    %reduce_or3A_708 = arith.constant 0.000000e+00 : f32
    %reduce_or3A_709 = vector.broadcast %reduce_or3A_707 : f32 to vector<256x256xf32>
    %reduce_or3A_710 = vector.broadcast %reduce_or3A_708 : f32 to vector<256x256xf32>
    %reduce_or3A_711 = arith.select %and3A_706, %reduce_or3A_709, %reduce_or3A_710 : vector<256x256xi1>, vector<256x256xf32>
    %reduce_or3A_712 = arith.constant dense<0xFF800000> : vector<256xf32>
    %reduce_or3A_713 = vector.multi_reduction <maximumf>, %reduce_or3A_711, %reduce_or3A_712 [0] : vector<256x256xf32> to vector<256xf32>
    %reduce_or3A_714 = arith.constant 0.000000e+00 : f32
    %reduce_or3A_715 = vector.broadcast %reduce_or3A_714 : f32 to vector<256xf32>
    %reduce_or3A_716 = arith.cmpf ogt, %reduce_or3A_713, %reduce_or3A_715 : vector<256xf32>
    %broadcast_in_dim3A_717 = vector.shape_cast %reduce_or3A_716 : vector<256xi1> to vector<1x256xi1>
    %not3A_718 = arith.constant dense<true> : vector<1x256xi1>
    %not3A_719 = arith.xori %broadcast_in_dim3A_717, %not3A_718 : vector<1x256xi1>
    %and3A_720 = arith.andi %and3A_693, %not3A_719 : vector<1x256xi1>
    %convert_element_type3A_721 = arith.extui %and3A_720 : vector<1x256xi1> to vector<1x256xi32>
    %swap3A_722 = arith.constant 0 : index
    %swap3A_723 = arith.constant 512 : index
    %swap3A_724 = vector.load %arg5[%swap3A_722, %swap3A_723] : memref<1x4096xi32, #tpu.memory_space<vmem>>, vector<1x256xi32>
    tpu.vector_store %arg5[%swap3A_722, %swap3A_723], %convert_element_type3A_721 {strides = array<i32>} : memref<1x4096xi32, #tpu.memory_space<vmem>>, vector<1x256xi32>,
    %convert_element_type3A_725 = arith.extui %ne3A_704 : vector<256x1xi1> to vector<256x1xi32>
    %swap3A_726 = arith.constant 512 : index
    %swap3A_727 = arith.constant 0 : index
    %swap3A_728 = vector.load %arg6[%swap3A_726, %swap3A_727] : memref<4096x1xi32, #tpu.memory_space<vmem>>, vector<256x1xi32>
    tpu.vector_store %arg6[%swap3A_726, %swap3A_727], %convert_element_type3A_725 {strides = array<i32>} : memref<4096x1xi32, #tpu.memory_space<vmem>>, vector<256x1xi32>,
    %slice3A_729 = vector.extract_strided_slice %min3A_201 {offsets = [768, 0], sizes = [256, 1], strides = [1, 1]} : vector<4096x1xf32> to vector<256x1xf32>
    %slice3A_730 = vector.extract_strided_slice %min3A_211 {offsets = [768, 0], sizes = [256, 1], strides = [1, 1]} : vector<4096x1xf32> to vector<256x1xf32>
    %slice3A_731 = vector.extract_strided_slice %min3A_224 {offsets = [768, 0], sizes = [256, 1], strides = [1, 1]} : vector<4096x1xf32> to vector<256x1xf32>
    %slice3A_732 = vector.extract_strided_slice %min3A_237 {offsets = [768, 0], sizes = [256, 1], strides = [1, 1]} : vector<4096x1xf32> to vector<256x1xf32>
    %slice3A_733 = vector.extract_strided_slice %mul3A_253 {offsets = [768, 0], sizes = [256, 1], strides = [1, 1]} : vector<4096x1xf32> to vector<256x1xf32>
    %slice3A_734 = vector.extract_strided_slice %min3A_94 {offsets = [0, 0], sizes = [1, 1024], strides = [1, 1]} : vector<1x4096xf32> to vector<1x1024xf32>
    %min3A_735 = vector.broadcast %slice3A_731 : vector<256x1xf32> to vector<256x1024xf32>
    %min3A_736 = vector.broadcast %slice3A_734 : vector<1x1024xf32> to vector<256x1024xf32>
    %min3A_737 = arith.minimumf %min3A_735, %min3A_736 : vector<256x1024xf32>
    %slice3A_738 = vector.extract_strided_slice %min3A_71 {offsets = [0, 0], sizes = [1, 1024], strides = [1, 1]} : vector<1x4096xf32> to vector<1x1024xf32>
    %max3A_739 = vector.broadcast %slice3A_729 : vector<256x1xf32> to vector<256x1024xf32>
    %max3A_740 = vector.broadcast %slice3A_738 : vector<1x1024xf32> to vector<256x1024xf32>
    %max3A_741 = arith.maximumf %max3A_739, %max3A_740 : vector<256x1024xf32>
    %sub3A_742 = arith.subf %min3A_737, %max3A_741 : vector<256x1024xf32>
    %add3A_743 = arith.constant 1.000000e+00 : f32
    %add3A_744 = vector.broadcast %add3A_743 : f32 to vector<256x1024xf32>
    %add3A_745 = arith.addf %sub3A_742, %add3A_744 : vector<256x1024xf32>
    %jit3A_746 = arith.constant 0.000000e+00 : f32
    %max3A_747 = vector.broadcast %jit3A_746 : f32 to vector<256x1024xf32>
    %max3A_748 = arith.maximumf %max3A_747, %add3A_745 : vector<256x1024xf32>
    %slice3A_749 = vector.extract_strided_slice %min3A_107 {offsets = [0, 0], sizes = [1, 1024], strides = [1, 1]} : vector<1x4096xf32> to vector<1x1024xf32>
    %min3A_750 = vector.broadcast %slice3A_732 : vector<256x1xf32> to vector<256x1024xf32>
    %min3A_751 = vector.broadcast %slice3A_749 : vector<1x1024xf32> to vector<256x1024xf32>
    %min3A_752 = arith.minimumf %min3A_750, %min3A_751 : vector<256x1024xf32>
    %slice3A_753 = vector.extract_strided_slice %min3A_81 {offsets = [0, 0], sizes = [1, 1024], strides = [1, 1]} : vector<1x4096xf32> to vector<1x1024xf32>
    %max3A_754 = vector.broadcast %slice3A_730 : vector<256x1xf32> to vector<256x1024xf32>
    %max3A_755 = vector.broadcast %slice3A_753 : vector<1x1024xf32> to vector<256x1024xf32>
    %max3A_756 = arith.maximumf %max3A_754, %max3A_755 : vector<256x1024xf32>
    %sub3A_757 = arith.subf %min3A_752, %max3A_756 : vector<256x1024xf32>
    %add3A_758 = arith.constant 1.000000e+00 : f32
    %add3A_759 = vector.broadcast %add3A_758 : f32 to vector<256x1024xf32>
    %add3A_760 = arith.addf %sub3A_757, %add3A_759 : vector<256x1024xf32>
    %jit3A_761 = arith.constant 0.000000e+00 : f32
    %max3A_762 = vector.broadcast %jit3A_761 : f32 to vector<256x1024xf32>
    %max3A_763 = arith.maximumf %max3A_762, %add3A_760 : vector<256x1024xf32>
    %mul3A_764 = arith.mulf %max3A_748, %max3A_763 : vector<256x1024xf32>
    %slice3A_765 = vector.extract_strided_slice %mul3A_121 {offsets = [0, 0], sizes = [1, 1024], strides = [1, 1]} : vector<1x4096xf32> to vector<1x1024xf32>
    %add3A_766 = vector.broadcast %slice3A_733 : vector<256x1xf32> to vector<256x1024xf32>
    %add3A_767 = vector.broadcast %slice3A_765 : vector<1x1024xf32> to vector<256x1024xf32>
    %add3A_768 = arith.addf %add3A_766, %add3A_767 : vector<256x1024xf32>
    %sub3A_769 = arith.subf %add3A_768, %mul3A_764 : vector<256x1024xf32>
    %div3A_770 = arith.divf %mul3A_764, %sub3A_769 : vector<256x1024xf32>
    %gt3A_771 = arith.constant 0.699999988 : f32
    %gt3A_772 = vector.broadcast %gt3A_771 : f32 to vector<256x1024xf32>
    %gt3A_773 = arith.cmpf ogt, %div3A_770, %gt3A_772 : vector<256x1024xf32>
    %get3A_774 = arith.constant 0 : index
    %get3A_775 = arith.constant 0 : index
    %get3A_776 = vector.load %arg5[%get3A_774, %get3A_775] : memref<1x4096xi32, #tpu.memory_space<vmem>>, vector<1x1024xi32>
    %ne3A_777 = arith.constant 0 : i32
    %ne3A_778 = vector.broadcast %ne3A_777 : i32 to vector<1x1024xi32>
    %ne3A_779 = arith.cmpi ne, %get3A_776, %ne3A_778 : vector<1x1024xi32>
    %and3A_780 = vector.broadcast %ne3A_779 : vector<1x1024xi1> to vector<256x1024xi1>
    %and3A_781 = arith.andi %gt3A_773, %and3A_780 : vector<256x1024xi1>
    %reduce_or3A_782 = arith.constant 1.000000e+00 : f32
    %reduce_or3A_783 = arith.constant 0.000000e+00 : f32
    %reduce_or3A_784 = vector.broadcast %reduce_or3A_782 : f32 to vector<256x1024xf32>
    %reduce_or3A_785 = vector.broadcast %reduce_or3A_783 : f32 to vector<256x1024xf32>
    %reduce_or3A_786 = arith.select %and3A_781, %reduce_or3A_784, %reduce_or3A_785 : vector<256x1024xi1>, vector<256x1024xf32>
    %reduce_or3A_787 = arith.constant dense<0xFF800000> : vector<256xf32>
    %reduce_or3A_788 = vector.multi_reduction <maximumf>, %reduce_or3A_786, %reduce_or3A_787 [1] : vector<256x1024xf32> to vector<256xf32>
    %reduce_or3A_789 = arith.constant 0.000000e+00 : f32
    %reduce_or3A_790 = vector.broadcast %reduce_or3A_789 : f32 to vector<256xf32>
    %reduce_or3A_791 = arith.cmpf ogt, %reduce_or3A_788, %reduce_or3A_790 : vector<256xf32>
    %broadcast_in_dim3A_792 = vector.shape_cast %reduce_or3A_791 : vector<256xi1> to vector<256x1xi1>
    %slice3A_793 = vector.extract_strided_slice %min3A_71 {offsets = [0, 768], sizes = [1, 256], strides = [1, 1]} : vector<1x4096xf32> to vector<1x256xf32>
    %slice3A_794 = vector.extract_strided_slice %min3A_81 {offsets = [0, 768], sizes = [1, 256], strides = [1, 1]} : vector<1x4096xf32> to vector<1x256xf32>
    %slice3A_795 = vector.extract_strided_slice %min3A_94 {offsets = [0, 768], sizes = [1, 256], strides = [1, 1]} : vector<1x4096xf32> to vector<1x256xf32>
    %slice3A_796 = vector.extract_strided_slice %min3A_107 {offsets = [0, 768], sizes = [1, 256], strides = [1, 1]} : vector<1x4096xf32> to vector<1x256xf32>
    %slice3A_797 = vector.extract_strided_slice %mul3A_121 {offsets = [0, 768], sizes = [1, 256], strides = [1, 1]} : vector<1x4096xf32> to vector<1x256xf32>
    %slice3A_798 = vector.extract_strided_slice %min3A_224 {offsets = [0, 0], sizes = [768, 1], strides = [1, 1]} : vector<4096x1xf32> to vector<768x1xf32>
    %min3A_799 = vector.broadcast %slice3A_798 : vector<768x1xf32> to vector<768x256xf32>
    %min3A_800 = vector.broadcast %slice3A_795 : vector<1x256xf32> to vector<768x256xf32>
    %min3A_801 = arith.minimumf %min3A_799, %min3A_800 : vector<768x256xf32>
    %slice3A_802 = vector.extract_strided_slice %min3A_201 {offsets = [0, 0], sizes = [768, 1], strides = [1, 1]} : vector<4096x1xf32> to vector<768x1xf32>
    %max3A_803 = vector.broadcast %slice3A_802 : vector<768x1xf32> to vector<768x256xf32>
    %max3A_804 = vector.broadcast %slice3A_793 : vector<1x256xf32> to vector<768x256xf32>
    %max3A_805 = arith.maximumf %max3A_803, %max3A_804 : vector<768x256xf32>
    %sub3A_806 = arith.subf %min3A_801, %max3A_805 : vector<768x256xf32>
    %add3A_807 = arith.constant 1.000000e+00 : f32
    %add3A_808 = vector.broadcast %add3A_807 : f32 to vector<768x256xf32>
    %add3A_809 = arith.addf %sub3A_806, %add3A_808 : vector<768x256xf32>
    %jit3A_810 = arith.constant 0.000000e+00 : f32
    %max3A_811 = vector.broadcast %jit3A_810 : f32 to vector<768x256xf32>
    %max3A_812 = arith.maximumf %max3A_811, %add3A_809 : vector<768x256xf32>
    %slice3A_813 = vector.extract_strided_slice %min3A_237 {offsets = [0, 0], sizes = [768, 1], strides = [1, 1]} : vector<4096x1xf32> to vector<768x1xf32>
    %min3A_814 = vector.broadcast %slice3A_813 : vector<768x1xf32> to vector<768x256xf32>
    %min3A_815 = vector.broadcast %slice3A_796 : vector<1x256xf32> to vector<768x256xf32>
    %min3A_816 = arith.minimumf %min3A_814, %min3A_815 : vector<768x256xf32>
    %slice3A_817 = vector.extract_strided_slice %min3A_211 {offsets = [0, 0], sizes = [768, 1], strides = [1, 1]} : vector<4096x1xf32> to vector<768x1xf32>
    %max3A_818 = vector.broadcast %slice3A_817 : vector<768x1xf32> to vector<768x256xf32>
    %max3A_819 = vector.broadcast %slice3A_794 : vector<1x256xf32> to vector<768x256xf32>
    %max3A_820 = arith.maximumf %max3A_818, %max3A_819 : vector<768x256xf32>
    %sub3A_821 = arith.subf %min3A_816, %max3A_820 : vector<768x256xf32>
    %add3A_822 = arith.constant 1.000000e+00 : f32
    %add3A_823 = vector.broadcast %add3A_822 : f32 to vector<768x256xf32>
    %add3A_824 = arith.addf %sub3A_821, %add3A_823 : vector<768x256xf32>
    %jit3A_825 = arith.constant 0.000000e+00 : f32
    %max3A_826 = vector.broadcast %jit3A_825 : f32 to vector<768x256xf32>
    %max3A_827 = arith.maximumf %max3A_826, %add3A_824 : vector<768x256xf32>
    %mul3A_828 = arith.mulf %max3A_812, %max3A_827 : vector<768x256xf32>
    %slice3A_829 = vector.extract_strided_slice %mul3A_253 {offsets = [0, 0], sizes = [768, 1], strides = [1, 1]} : vector<4096x1xf32> to vector<768x1xf32>
    %add3A_830 = vector.broadcast %slice3A_829 : vector<768x1xf32> to vector<768x256xf32>
    %add3A_831 = vector.broadcast %slice3A_797 : vector<1x256xf32> to vector<768x256xf32>
    %add3A_832 = arith.addf %add3A_830, %add3A_831 : vector<768x256xf32>
    %sub3A_833 = arith.subf %add3A_832, %mul3A_828 : vector<768x256xf32>
    %div3A_834 = arith.divf %mul3A_828, %sub3A_833 : vector<768x256xf32>
    %gt3A_835 = arith.constant 0.699999988 : f32
    %gt3A_836 = vector.broadcast %gt3A_835 : f32 to vector<768x256xf32>
    %gt3A_837 = arith.cmpf ogt, %div3A_834, %gt3A_836 : vector<768x256xf32>
    %get3A_838 = arith.constant 0 : index
    %get3A_839 = arith.constant 0 : index
    %get3A_840 = vector.load %arg6[%get3A_838, %get3A_839] : memref<4096x1xi32, #tpu.memory_space<vmem>>, vector<768x1xi32>
    %ne3A_841 = arith.constant 0 : i32
    %ne3A_842 = vector.broadcast %ne3A_841 : i32 to vector<768x1xi32>
    %ne3A_843 = arith.cmpi ne, %get3A_840, %ne3A_842 : vector<768x1xi32>
    %and3A_844 = vector.broadcast %ne3A_843 : vector<768x1xi1> to vector<768x256xi1>
    %and3A_845 = arith.andi %gt3A_837, %and3A_844 : vector<768x256xi1>
    %reduce_or3A_846 = arith.constant 1.000000e+00 : f32
    %reduce_or3A_847 = arith.constant 0.000000e+00 : f32
    %reduce_or3A_848 = vector.broadcast %reduce_or3A_846 : f32 to vector<768x256xf32>
    %reduce_or3A_849 = vector.broadcast %reduce_or3A_847 : f32 to vector<768x256xf32>
    %reduce_or3A_850 = arith.select %and3A_845, %reduce_or3A_848, %reduce_or3A_849 : vector<768x256xi1>, vector<768x256xf32>
    %reduce_or3A_851 = arith.constant dense<0xFF800000> : vector<256xf32>
    %reduce_or3A_852 = vector.multi_reduction <maximumf>, %reduce_or3A_850, %reduce_or3A_851 [0] : vector<768x256xf32> to vector<256xf32>
    %reduce_or3A_853 = arith.constant 0.000000e+00 : f32
    %reduce_or3A_854 = vector.broadcast %reduce_or3A_853 : f32 to vector<256xf32>
    %reduce_or3A_855 = arith.cmpf ogt, %reduce_or3A_852, %reduce_or3A_854 : vector<256xf32>
    %broadcast_in_dim3A_856 = vector.shape_cast %reduce_or3A_855 : vector<256xi1> to vector<1x256xi1>
    %slice3A_857 = vector.extract_strided_slice %and3A_252 {offsets = [768, 0], sizes = [256, 1], strides = [1, 1]} : vector<4096x1xi1> to vector<256x1xi1>
    %not3A_858 = arith.constant dense<true> : vector<256x1xi1>
    %not3A_859 = arith.xori %broadcast_in_dim3A_792, %not3A_858 : vector<256x1xi1>
    %and3A_860 = arith.andi %slice3A_857, %not3A_859 : vector<256x1xi1>
    %slice3A_861 = vector.extract_strided_slice %and3A {offsets = [0, 768], sizes = [1, 256], strides = [1, 1]} : vector<1x4096xi1> to vector<1x256xi1>
    %not3A_862 = arith.constant dense<true> : vector<1x256xi1>
    %not3A_863 = arith.xori %broadcast_in_dim3A_856, %not3A_862 : vector<1x256xi1>
    %and3A_864 = arith.andi %slice3A_861, %not3A_863 : vector<1x256xi1>
    %slice3A_865 = vector.extract_strided_slice %gt3A_773 {offsets = [0, 768], sizes = [256, 256], strides = [1, 1]} : vector<256x1024xi1> to vector<256x256xi1>
    %and3A_866 = arith.andi %slice3A_865, %lt3A : vector<256x256xi1>
    %slice3A_867 = vector.extract_strided_slice %gt3A_773 {offsets = [0, 768], sizes = [256, 256], strides = [1, 1]} : vector<256x1024xi1> to vector<256x256xi1>
    %and3A_868 = arith.andi %slice3A_867, %gt3A : vector<256x256xi1>
    %convert_element_type3A_869 = arith.extui %and3A_860 : vector<256x1xi1> to vector<256x1xi32>
    %while3A_870 = arith.constant 1 : i32
    %while3A_871 = arith.constant 0 : i32
    %while3A_872:3 = scf.while (%while3A_2986 = %convert_element_type3A_869, %while3A_2987 = %while3A_870, %while3A_2988 = %while3A_871) : (vector<256x1xi32>, i32, i32) -> (vector<256x1xi32>, i32, i32) {
      %ne3A_2989 = arith.constant 0 : i32
      %ne3A_2990 = arith.cmpi ne, %while3A_2987, %ne3A_2989 : i32
      %lt3A_2991 = arith.constant 256 : i32
      %lt3A_2992 = arith.cmpi slt, %while3A_2988, %lt3A_2991 : i32
      %and3A_2993 = arith.andi %ne3A_2990, %lt3A_2992 : i1
      scf.condition(%and3A_2993) %while3A_2986, %while3A_2987, %while3A_2988 : vector<256x1xi32>, i32, i32
    } do {
    ^bb0(%while3A_2986: vector<256x1xi32>, %while3A_2987: i32, %while3A_2988: i32):
      %ne3A_2989 = arith.constant 0 : i32
      %ne3A_2990 = vector.broadcast %ne3A_2989 : i32 to vector<256x1xi32>
      %ne3A_2991 = arith.cmpi ne, %while3A_2986, %ne3A_2990 : vector<256x1xi32>
      %and3A_2992 = vector.broadcast %ne3A_2991 : vector<256x1xi1> to vector<256x256xi1>
      %and3A_2993 = arith.andi %and3A_866, %and3A_2992 : vector<256x256xi1>
      %reduce_or3A_2994 = arith.constant 1.000000e+00 : f32
      %reduce_or3A_2995 = arith.constant 0.000000e+00 : f32
      %reduce_or3A_2996 = vector.broadcast %reduce_or3A_2994 : f32 to vector<256x256xf32>
      %reduce_or3A_2997 = vector.broadcast %reduce_or3A_2995 : f32 to vector<256x256xf32>
      %reduce_or3A_2998 = arith.select %and3A_2993, %reduce_or3A_2996, %reduce_or3A_2997 : vector<256x256xi1>, vector<256x256xf32>
      %reduce_or3A_2999 = arith.constant dense<0xFF800000> : vector<256xf32>
      %reduce_or3A_3000 = vector.multi_reduction <maximumf>, %reduce_or3A_2998, %reduce_or3A_2999 [0] : vector<256x256xf32> to vector<256xf32>
      %reduce_or3A_3001 = arith.constant 0.000000e+00 : f32
      %reduce_or3A_3002 = vector.broadcast %reduce_or3A_3001 : f32 to vector<256xf32>
      %reduce_or3A_3003 = arith.cmpf ogt, %reduce_or3A_3000, %reduce_or3A_3002 : vector<256xf32>
      %broadcast_in_dim3A_3004 = vector.shape_cast %reduce_or3A_3003 : vector<256xi1> to vector<1x256xi1>
      %not3A_3005 = arith.constant dense<true> : vector<1x256xi1>
      %not3A_3006 = arith.xori %broadcast_in_dim3A_3004, %not3A_3005 : vector<1x256xi1>
      %and3A_3007 = arith.andi %and3A_864, %not3A_3006 : vector<1x256xi1>
      %and3A_3008 = vector.broadcast %and3A_3007 : vector<1x256xi1> to vector<256x256xi1>
      %and3A_3009 = arith.andi %and3A_868, %and3A_3008 : vector<256x256xi1>
      %reduce_or3A_3010 = arith.constant 1.000000e+00 : f32
      %reduce_or3A_3011 = arith.constant 0.000000e+00 : f32
      %reduce_or3A_3012 = vector.broadcast %reduce_or3A_3010 : f32 to vector<256x256xf32>
      %reduce_or3A_3013 = vector.broadcast %reduce_or3A_3011 : f32 to vector<256x256xf32>
      %reduce_or3A_3014 = arith.select %and3A_3009, %reduce_or3A_3012, %reduce_or3A_3013 : vector<256x256xi1>, vector<256x256xf32>
      %reduce_or3A_3015 = arith.constant dense<0xFF800000> : vector<256xf32>
      %reduce_or3A_3016 = vector.multi_reduction <maximumf>, %reduce_or3A_3014, %reduce_or3A_3015 [1] : vector<256x256xf32> to vector<256xf32>
      %reduce_or3A_3017 = arith.constant 0.000000e+00 : f32
      %reduce_or3A_3018 = vector.broadcast %reduce_or3A_3017 : f32 to vector<256xf32>
      %reduce_or3A_3019 = arith.cmpf ogt, %reduce_or3A_3016, %reduce_or3A_3018 : vector<256xf32>
      %broadcast_in_dim3A_3020 = vector.shape_cast %reduce_or3A_3019 : vector<256xi1> to vector<256x1xi1>
      %not3A_3021 = arith.constant dense<true> : vector<256x1xi1>
      %not3A_3022 = arith.xori %broadcast_in_dim3A_3020, %not3A_3021 : vector<256x1xi1>
      %and3A_3023 = arith.andi %and3A_860, %not3A_3022 : vector<256x1xi1>
      %ne3A_3024 = arith.xori %and3A_3023, %ne3A_2991 : vector<256x1xi1>
      %reduce_or3A_3025 = arith.constant 1.000000e+00 : f32
      %reduce_or3A_3026 = arith.constant 0.000000e+00 : f32
      %reduce_or3A_3027 = vector.broadcast %reduce_or3A_3025 : f32 to vector<256x1xf32>
      %reduce_or3A_3028 = vector.broadcast %reduce_or3A_3026 : f32 to vector<256x1xf32>
      %reduce_or3A_3029 = arith.select %ne3A_3024, %reduce_or3A_3027, %reduce_or3A_3028 : vector<256x1xi1>, vector<256x1xf32>
      %reduce_or3A_3030 = vector.shape_cast %reduce_or3A_3029 : vector<256x1xf32> to vector<1x256x1xf32>
      %reduce_or3A_3031 = arith.constant dense<0xFF800000> : vector<1xf32>
      %reduce_or3A_3032 = vector.multi_reduction <maximumf>, %reduce_or3A_3030, %reduce_or3A_3031 [1, 2] : vector<1x256x1xf32> to vector<1xf32>
      %reduce_or3A_3033 = vector.shape_cast %reduce_or3A_3032 : vector<1xf32> to vector<1x1x1xf32>
      %reduce_or3A_3034 = vector.extract %reduce_or3A_3033[0, 0, 0] : f32 from vector<1x1x1xf32>
      %reduce_or3A_3035 = arith.constant 0.000000e+00 : f32
      %reduce_or3A_3036 = arith.cmpf ogt, %reduce_or3A_3034, %reduce_or3A_3035 : f32
      %convert_element_type3A_3037 = arith.extui %reduce_or3A_3036 : i1 to i32
      %convert_element_type3A_3038 = arith.extui %and3A_3023 : vector<256x1xi1> to vector<256x1xi32>
      %add3A_3039 = arith.constant 1 : i32
      %add3A_3040 = arith.addi %while3A_2988, %add3A_3039 : i32
      scf.yield %convert_element_type3A_3038, %convert_element_type3A_3037, %add3A_3040 : vector<256x1xi32>, i32, i32
    }
    %ne3A_873 = arith.constant 0 : i32
    %ne3A_874 = vector.broadcast %ne3A_873 : i32 to vector<256x1xi32>
    %ne3A_875 = arith.cmpi ne, %while3A_872#0, %ne3A_874 : vector<256x1xi32>
    %and3A_876 = vector.broadcast %ne3A_875 : vector<256x1xi1> to vector<256x256xi1>
    %and3A_877 = arith.andi %and3A_866, %and3A_876 : vector<256x256xi1>
    %reduce_or3A_878 = arith.constant 1.000000e+00 : f32
    %reduce_or3A_879 = arith.constant 0.000000e+00 : f32
    %reduce_or3A_880 = vector.broadcast %reduce_or3A_878 : f32 to vector<256x256xf32>
    %reduce_or3A_881 = vector.broadcast %reduce_or3A_879 : f32 to vector<256x256xf32>
    %reduce_or3A_882 = arith.select %and3A_877, %reduce_or3A_880, %reduce_or3A_881 : vector<256x256xi1>, vector<256x256xf32>
    %reduce_or3A_883 = arith.constant dense<0xFF800000> : vector<256xf32>
    %reduce_or3A_884 = vector.multi_reduction <maximumf>, %reduce_or3A_882, %reduce_or3A_883 [0] : vector<256x256xf32> to vector<256xf32>
    %reduce_or3A_885 = arith.constant 0.000000e+00 : f32
    %reduce_or3A_886 = vector.broadcast %reduce_or3A_885 : f32 to vector<256xf32>
    %reduce_or3A_887 = arith.cmpf ogt, %reduce_or3A_884, %reduce_or3A_886 : vector<256xf32>
    %broadcast_in_dim3A_888 = vector.shape_cast %reduce_or3A_887 : vector<256xi1> to vector<1x256xi1>
    %not3A_889 = arith.constant dense<true> : vector<1x256xi1>
    %not3A_890 = arith.xori %broadcast_in_dim3A_888, %not3A_889 : vector<1x256xi1>
    %and3A_891 = arith.andi %and3A_864, %not3A_890 : vector<1x256xi1>
    %convert_element_type3A_892 = arith.extui %and3A_891 : vector<1x256xi1> to vector<1x256xi32>
    %swap3A_893 = arith.constant 0 : index
    %swap3A_894 = arith.constant 768 : index
    %swap3A_895 = vector.load %arg5[%swap3A_893, %swap3A_894] : memref<1x4096xi32, #tpu.memory_space<vmem>>, vector<1x256xi32>
    tpu.vector_store %arg5[%swap3A_893, %swap3A_894], %convert_element_type3A_892 {strides = array<i32>} : memref<1x4096xi32, #tpu.memory_space<vmem>>, vector<1x256xi32>,
    %convert_element_type3A_896 = arith.extui %ne3A_875 : vector<256x1xi1> to vector<256x1xi32>
    %swap3A_897 = arith.constant 768 : index
    %swap3A_898 = arith.constant 0 : index
    %swap3A_899 = vector.load %arg6[%swap3A_897, %swap3A_898] : memref<4096x1xi32, #tpu.memory_space<vmem>>, vector<256x1xi32>
    tpu.vector_store %arg6[%swap3A_897, %swap3A_898], %convert_element_type3A_896 {strides = array<i32>} : memref<4096x1xi32, #tpu.memory_space<vmem>>, vector<256x1xi32>,
    %slice3A_900 = vector.extract_strided_slice %min3A_201 {offsets = [1024, 0], sizes = [256, 1], strides = [1, 1]} : vector<4096x1xf32> to vector<256x1xf32>
    %slice3A_901 = vector.extract_strided_slice %min3A_211 {offsets = [1024, 0], sizes = [256, 1], strides = [1, 1]} : vector<4096x1xf32> to vector<256x1xf32>
    %slice3A_902 = vector.extract_strided_slice %min3A_224 {offsets = [1024, 0], sizes = [256, 1], strides = [1, 1]} : vector<4096x1xf32> to vector<256x1xf32>
    %slice3A_903 = vector.extract_strided_slice %min3A_237 {offsets = [1024, 0], sizes = [256, 1], strides = [1, 1]} : vector<4096x1xf32> to vector<256x1xf32>
    %slice3A_904 = vector.extract_strided_slice %mul3A_253 {offsets = [1024, 0], sizes = [256, 1], strides = [1, 1]} : vector<4096x1xf32> to vector<256x1xf32>
    %slice3A_905 = vector.extract_strided_slice %min3A_94 {offsets = [0, 0], sizes = [1, 1280], strides = [1, 1]} : vector<1x4096xf32> to vector<1x1280xf32>
    %min3A_906 = vector.broadcast %slice3A_902 : vector<256x1xf32> to vector<256x1280xf32>
    %min3A_907 = vector.broadcast %slice3A_905 : vector<1x1280xf32> to vector<256x1280xf32>
    %min3A_908 = arith.minimumf %min3A_906, %min3A_907 : vector<256x1280xf32>
    %slice3A_909 = vector.extract_strided_slice %min3A_71 {offsets = [0, 0], sizes = [1, 1280], strides = [1, 1]} : vector<1x4096xf32> to vector<1x1280xf32>
    %max3A_910 = vector.broadcast %slice3A_900 : vector<256x1xf32> to vector<256x1280xf32>
    %max3A_911 = vector.broadcast %slice3A_909 : vector<1x1280xf32> to vector<256x1280xf32>
    %max3A_912 = arith.maximumf %max3A_910, %max3A_911 : vector<256x1280xf32>
    %sub3A_913 = arith.subf %min3A_908, %max3A_912 : vector<256x1280xf32>
    %add3A_914 = arith.constant 1.000000e+00 : f32
    %add3A_915 = vector.broadcast %add3A_914 : f32 to vector<256x1280xf32>
    %add3A_916 = arith.addf %sub3A_913, %add3A_915 : vector<256x1280xf32>
    %jit3A_917 = arith.constant 0.000000e+00 : f32
    %max3A_918 = vector.broadcast %jit3A_917 : f32 to vector<256x1280xf32>
    %max3A_919 = arith.maximumf %max3A_918, %add3A_916 : vector<256x1280xf32>
    %slice3A_920 = vector.extract_strided_slice %min3A_107 {offsets = [0, 0], sizes = [1, 1280], strides = [1, 1]} : vector<1x4096xf32> to vector<1x1280xf32>
    %min3A_921 = vector.broadcast %slice3A_903 : vector<256x1xf32> to vector<256x1280xf32>
    %min3A_922 = vector.broadcast %slice3A_920 : vector<1x1280xf32> to vector<256x1280xf32>
    %min3A_923 = arith.minimumf %min3A_921, %min3A_922 : vector<256x1280xf32>
    %slice3A_924 = vector.extract_strided_slice %min3A_81 {offsets = [0, 0], sizes = [1, 1280], strides = [1, 1]} : vector<1x4096xf32> to vector<1x1280xf32>
    %max3A_925 = vector.broadcast %slice3A_901 : vector<256x1xf32> to vector<256x1280xf32>
    %max3A_926 = vector.broadcast %slice3A_924 : vector<1x1280xf32> to vector<256x1280xf32>
    %max3A_927 = arith.maximumf %max3A_925, %max3A_926 : vector<256x1280xf32>
    %sub3A_928 = arith.subf %min3A_923, %max3A_927 : vector<256x1280xf32>
    %add3A_929 = arith.constant 1.000000e+00 : f32
    %add3A_930 = vector.broadcast %add3A_929 : f32 to vector<256x1280xf32>
    %add3A_931 = arith.addf %sub3A_928, %add3A_930 : vector<256x1280xf32>
    %jit3A_932 = arith.constant 0.000000e+00 : f32
    %max3A_933 = vector.broadcast %jit3A_932 : f32 to vector<256x1280xf32>
    %max3A_934 = arith.maximumf %max3A_933, %add3A_931 : vector<256x1280xf32>
    %mul3A_935 = arith.mulf %max3A_919, %max3A_934 : vector<256x1280xf32>
    %slice3A_936 = vector.extract_strided_slice %mul3A_121 {offsets = [0, 0], sizes = [1, 1280], strides = [1, 1]} : vector<1x4096xf32> to vector<1x1280xf32>
    %add3A_937 = vector.broadcast %slice3A_904 : vector<256x1xf32> to vector<256x1280xf32>
    %add3A_938 = vector.broadcast %slice3A_936 : vector<1x1280xf32> to vector<256x1280xf32>
    %add3A_939 = arith.addf %add3A_937, %add3A_938 : vector<256x1280xf32>
    %sub3A_940 = arith.subf %add3A_939, %mul3A_935 : vector<256x1280xf32>
    %div3A_941 = arith.divf %mul3A_935, %sub3A_940 : vector<256x1280xf32>
    %gt3A_942 = arith.constant 0.699999988 : f32
    %gt3A_943 = vector.broadcast %gt3A_942 : f32 to vector<256x1280xf32>
    %gt3A_944 = arith.cmpf ogt, %div3A_941, %gt3A_943 : vector<256x1280xf32>
    %get3A_945 = arith.constant 0 : index
    %get3A_946 = arith.constant 0 : index
    %get3A_947 = vector.load %arg5[%get3A_945, %get3A_946] : memref<1x4096xi32, #tpu.memory_space<vmem>>, vector<1x1280xi32>
    %ne3A_948 = arith.constant 0 : i32
    %ne3A_949 = vector.broadcast %ne3A_948 : i32 to vector<1x1280xi32>
    %ne3A_950 = arith.cmpi ne, %get3A_947, %ne3A_949 : vector<1x1280xi32>
    %and3A_951 = vector.broadcast %ne3A_950 : vector<1x1280xi1> to vector<256x1280xi1>
    %and3A_952 = arith.andi %gt3A_944, %and3A_951 : vector<256x1280xi1>
    %reduce_or3A_953 = arith.constant 1.000000e+00 : f32
    %reduce_or3A_954 = arith.constant 0.000000e+00 : f32
    %reduce_or3A_955 = vector.broadcast %reduce_or3A_953 : f32 to vector<256x1280xf32>
    %reduce_or3A_956 = vector.broadcast %reduce_or3A_954 : f32 to vector<256x1280xf32>
    %reduce_or3A_957 = arith.select %and3A_952, %reduce_or3A_955, %reduce_or3A_956 : vector<256x1280xi1>, vector<256x1280xf32>
    %reduce_or3A_958 = arith.constant dense<0xFF800000> : vector<256xf32>
    %reduce_or3A_959 = vector.multi_reduction <maximumf>, %reduce_or3A_957, %reduce_or3A_958 [1] : vector<256x1280xf32> to vector<256xf32>
    %reduce_or3A_960 = arith.constant 0.000000e+00 : f32
    %reduce_or3A_961 = vector.broadcast %reduce_or3A_960 : f32 to vector<256xf32>
    %reduce_or3A_962 = arith.cmpf ogt, %reduce_or3A_959, %reduce_or3A_961 : vector<256xf32>
    %broadcast_in_dim3A_963 = vector.shape_cast %reduce_or3A_962 : vector<256xi1> to vector<256x1xi1>
    %slice3A_964 = vector.extract_strided_slice %min3A_71 {offsets = [0, 1024], sizes = [1, 256], strides = [1, 1]} : vector<1x4096xf32> to vector<1x256xf32>
    %slice3A_965 = vector.extract_strided_slice %min3A_81 {offsets = [0, 1024], sizes = [1, 256], strides = [1, 1]} : vector<1x4096xf32> to vector<1x256xf32>
    %slice3A_966 = vector.extract_strided_slice %min3A_94 {offsets = [0, 1024], sizes = [1, 256], strides = [1, 1]} : vector<1x4096xf32> to vector<1x256xf32>
    %slice3A_967 = vector.extract_strided_slice %min3A_107 {offsets = [0, 1024], sizes = [1, 256], strides = [1, 1]} : vector<1x4096xf32> to vector<1x256xf32>
    %slice3A_968 = vector.extract_strided_slice %mul3A_121 {offsets = [0, 1024], sizes = [1, 256], strides = [1, 1]} : vector<1x4096xf32> to vector<1x256xf32>
    %slice3A_969 = vector.extract_strided_slice %min3A_224 {offsets = [0, 0], sizes = [1024, 1], strides = [1, 1]} : vector<4096x1xf32> to vector<1024x1xf32>
    %min3A_970 = vector.broadcast %slice3A_969 : vector<1024x1xf32> to vector<1024x256xf32>
    %min3A_971 = vector.broadcast %slice3A_966 : vector<1x256xf32> to vector<1024x256xf32>
    %min3A_972 = arith.minimumf %min3A_970, %min3A_971 : vector<1024x256xf32>
    %slice3A_973 = vector.extract_strided_slice %min3A_201 {offsets = [0, 0], sizes = [1024, 1], strides = [1, 1]} : vector<4096x1xf32> to vector<1024x1xf32>
    %max3A_974 = vector.broadcast %slice3A_973 : vector<1024x1xf32> to vector<1024x256xf32>
    %max3A_975 = vector.broadcast %slice3A_964 : vector<1x256xf32> to vector<1024x256xf32>
    %max3A_976 = arith.maximumf %max3A_974, %max3A_975 : vector<1024x256xf32>
    %sub3A_977 = arith.subf %min3A_972, %max3A_976 : vector<1024x256xf32>
    %add3A_978 = arith.constant 1.000000e+00 : f32
    %add3A_979 = vector.broadcast %add3A_978 : f32 to vector<1024x256xf32>
    %add3A_980 = arith.addf %sub3A_977, %add3A_979 : vector<1024x256xf32>
    %jit3A_981 = arith.constant 0.000000e+00 : f32
    %max3A_982 = vector.broadcast %jit3A_981 : f32 to vector<1024x256xf32>
    %max3A_983 = arith.maximumf %max3A_982, %add3A_980 : vector<1024x256xf32>
    %slice3A_984 = vector.extract_strided_slice %min3A_237 {offsets = [0, 0], sizes = [1024, 1], strides = [1, 1]} : vector<4096x1xf32> to vector<1024x1xf32>
    %min3A_985 = vector.broadcast %slice3A_984 : vector<1024x1xf32> to vector<1024x256xf32>
    %min3A_986 = vector.broadcast %slice3A_967 : vector<1x256xf32> to vector<1024x256xf32>
    %min3A_987 = arith.minimumf %min3A_985, %min3A_986 : vector<1024x256xf32>
    %slice3A_988 = vector.extract_strided_slice %min3A_211 {offsets = [0, 0], sizes = [1024, 1], strides = [1, 1]} : vector<4096x1xf32> to vector<1024x1xf32>
    %max3A_989 = vector.broadcast %slice3A_988 : vector<1024x1xf32> to vector<1024x256xf32>
    %max3A_990 = vector.broadcast %slice3A_965 : vector<1x256xf32> to vector<1024x256xf32>
    %max3A_991 = arith.maximumf %max3A_989, %max3A_990 : vector<1024x256xf32>
    %sub3A_992 = arith.subf %min3A_987, %max3A_991 : vector<1024x256xf32>
    %add3A_993 = arith.constant 1.000000e+00 : f32
    %add3A_994 = vector.broadcast %add3A_993 : f32 to vector<1024x256xf32>
    %add3A_995 = arith.addf %sub3A_992, %add3A_994 : vector<1024x256xf32>
    %jit3A_996 = arith.constant 0.000000e+00 : f32
    %max3A_997 = vector.broadcast %jit3A_996 : f32 to vector<1024x256xf32>
    %max3A_998 = arith.maximumf %max3A_997, %add3A_995 : vector<1024x256xf32>
    %mul3A_999 = arith.mulf %max3A_983, %max3A_998 : vector<1024x256xf32>
    %slice3A_1000 = vector.extract_strided_slice %mul3A_253 {offsets = [0, 0], sizes = [1024, 1], strides = [1, 1]} : vector<4096x1xf32> to vector<1024x1xf32>
    %add3A_1001 = vector.broadcast %slice3A_1000 : vector<1024x1xf32> to vector<1024x256xf32>
    %add3A_1002 = vector.broadcast %slice3A_968 : vector<1x256xf32> to vector<1024x256xf32>
    %add3A_1003 = arith.addf %add3A_1001, %add3A_1002 : vector<1024x256xf32>
    %sub3A_1004 = arith.subf %add3A_1003, %mul3A_999 : vector<1024x256xf32>
    %div3A_1005 = arith.divf %mul3A_999, %sub3A_1004 : vector<1024x256xf32>
    %gt3A_1006 = arith.constant 0.699999988 : f32
    %gt3A_1007 = vector.broadcast %gt3A_1006 : f32 to vector<1024x256xf32>
    %gt3A_1008 = arith.cmpf ogt, %div3A_1005, %gt3A_1007 : vector<1024x256xf32>
    %get3A_1009 = arith.constant 0 : index
    %get3A_1010 = arith.constant 0 : index
    %get3A_1011 = vector.load %arg6[%get3A_1009, %get3A_1010] : memref<4096x1xi32, #tpu.memory_space<vmem>>, vector<1024x1xi32>
    %ne3A_1012 = arith.constant 0 : i32
    %ne3A_1013 = vector.broadcast %ne3A_1012 : i32 to vector<1024x1xi32>
    %ne3A_1014 = arith.cmpi ne, %get3A_1011, %ne3A_1013 : vector<1024x1xi32>
    %and3A_1015 = vector.broadcast %ne3A_1014 : vector<1024x1xi1> to vector<1024x256xi1>
    %and3A_1016 = arith.andi %gt3A_1008, %and3A_1015 : vector<1024x256xi1>
    %reduce_or3A_1017 = arith.constant 1.000000e+00 : f32
    %reduce_or3A_1018 = arith.constant 0.000000e+00 : f32
    %reduce_or3A_1019 = vector.broadcast %reduce_or3A_1017 : f32 to vector<1024x256xf32>
    %reduce_or3A_1020 = vector.broadcast %reduce_or3A_1018 : f32 to vector<1024x256xf32>
    %reduce_or3A_1021 = arith.select %and3A_1016, %reduce_or3A_1019, %reduce_or3A_1020 : vector<1024x256xi1>, vector<1024x256xf32>
    %reduce_or3A_1022 = arith.constant dense<0xFF800000> : vector<256xf32>
    %reduce_or3A_1023 = vector.multi_reduction <maximumf>, %reduce_or3A_1021, %reduce_or3A_1022 [0] : vector<1024x256xf32> to vector<256xf32>
    %reduce_or3A_1024 = arith.constant 0.000000e+00 : f32
    %reduce_or3A_1025 = vector.broadcast %reduce_or3A_1024 : f32 to vector<256xf32>
    %reduce_or3A_1026 = arith.cmpf ogt, %reduce_or3A_1023, %reduce_or3A_1025 : vector<256xf32>
    %broadcast_in_dim3A_1027 = vector.shape_cast %reduce_or3A_1026 : vector<256xi1> to vector<1x256xi1>
    %slice3A_1028 = vector.extract_strided_slice %and3A_252 {offsets = [1024, 0], sizes = [256, 1], strides = [1, 1]} : vector<4096x1xi1> to vector<256x1xi1>
    %not3A_1029 = arith.constant dense<true> : vector<256x1xi1>
    %not3A_1030 = arith.xori %broadcast_in_dim3A_963, %not3A_1029 : vector<256x1xi1>
    %and3A_1031 = arith.andi %slice3A_1028, %not3A_1030 : vector<256x1xi1>
    %slice3A_1032 = vector.extract_strided_slice %and3A {offsets = [0, 1024], sizes = [1, 256], strides = [1, 1]} : vector<1x4096xi1> to vector<1x256xi1>
    %not3A_1033 = arith.constant dense<true> : vector<1x256xi1>
    %not3A_1034 = arith.xori %broadcast_in_dim3A_1027, %not3A_1033 : vector<1x256xi1>
    %and3A_1035 = arith.andi %slice3A_1032, %not3A_1034 : vector<1x256xi1>
    %slice3A_1036 = vector.extract_strided_slice %gt3A_944 {offsets = [0, 1024], sizes = [256, 256], strides = [1, 1]} : vector<256x1280xi1> to vector<256x256xi1>
    %and3A_1037 = arith.andi %slice3A_1036, %lt3A : vector<256x256xi1>
    %slice3A_1038 = vector.extract_strided_slice %gt3A_944 {offsets = [0, 1024], sizes = [256, 256], strides = [1, 1]} : vector<256x1280xi1> to vector<256x256xi1>
    %and3A_1039 = arith.andi %slice3A_1038, %gt3A : vector<256x256xi1>
    %convert_element_type3A_1040 = arith.extui %and3A_1031 : vector<256x1xi1> to vector<256x1xi32>
    %while3A_1041 = arith.constant 1 : i32
    %while3A_1042 = arith.constant 0 : i32
    %while3A_1043:3 = scf.while (%while3A_2986 = %convert_element_type3A_1040, %while3A_2987 = %while3A_1041, %while3A_2988 = %while3A_1042) : (vector<256x1xi32>, i32, i32) -> (vector<256x1xi32>, i32, i32) {
      %ne3A_2989 = arith.constant 0 : i32
      %ne3A_2990 = arith.cmpi ne, %while3A_2987, %ne3A_2989 : i32
      %lt3A_2991 = arith.constant 256 : i32
      %lt3A_2992 = arith.cmpi slt, %while3A_2988, %lt3A_2991 : i32
      %and3A_2993 = arith.andi %ne3A_2990, %lt3A_2992 : i1
      scf.condition(%and3A_2993) %while3A_2986, %while3A_2987, %while3A_2988 : vector<256x1xi32>, i32, i32
    } do {
    ^bb0(%while3A_2986: vector<256x1xi32>, %while3A_2987: i32, %while3A_2988: i32):
      %ne3A_2989 = arith.constant 0 : i32
      %ne3A_2990 = vector.broadcast %ne3A_2989 : i32 to vector<256x1xi32>
      %ne3A_2991 = arith.cmpi ne, %while3A_2986, %ne3A_2990 : vector<256x1xi32>
      %and3A_2992 = vector.broadcast %ne3A_2991 : vector<256x1xi1> to vector<256x256xi1>
      %and3A_2993 = arith.andi %and3A_1037, %and3A_2992 : vector<256x256xi1>
      %reduce_or3A_2994 = arith.constant 1.000000e+00 : f32
      %reduce_or3A_2995 = arith.constant 0.000000e+00 : f32
      %reduce_or3A_2996 = vector.broadcast %reduce_or3A_2994 : f32 to vector<256x256xf32>
      %reduce_or3A_2997 = vector.broadcast %reduce_or3A_2995 : f32 to vector<256x256xf32>
      %reduce_or3A_2998 = arith.select %and3A_2993, %reduce_or3A_2996, %reduce_or3A_2997 : vector<256x256xi1>, vector<256x256xf32>
      %reduce_or3A_2999 = arith.constant dense<0xFF800000> : vector<256xf32>
      %reduce_or3A_3000 = vector.multi_reduction <maximumf>, %reduce_or3A_2998, %reduce_or3A_2999 [0] : vector<256x256xf32> to vector<256xf32>
      %reduce_or3A_3001 = arith.constant 0.000000e+00 : f32
      %reduce_or3A_3002 = vector.broadcast %reduce_or3A_3001 : f32 to vector<256xf32>
      %reduce_or3A_3003 = arith.cmpf ogt, %reduce_or3A_3000, %reduce_or3A_3002 : vector<256xf32>
      %broadcast_in_dim3A_3004 = vector.shape_cast %reduce_or3A_3003 : vector<256xi1> to vector<1x256xi1>
      %not3A_3005 = arith.constant dense<true> : vector<1x256xi1>
      %not3A_3006 = arith.xori %broadcast_in_dim3A_3004, %not3A_3005 : vector<1x256xi1>
      %and3A_3007 = arith.andi %and3A_1035, %not3A_3006 : vector<1x256xi1>
      %and3A_3008 = vector.broadcast %and3A_3007 : vector<1x256xi1> to vector<256x256xi1>
      %and3A_3009 = arith.andi %and3A_1039, %and3A_3008 : vector<256x256xi1>
      %reduce_or3A_3010 = arith.constant 1.000000e+00 : f32
      %reduce_or3A_3011 = arith.constant 0.000000e+00 : f32
      %reduce_or3A_3012 = vector.broadcast %reduce_or3A_3010 : f32 to vector<256x256xf32>
      %reduce_or3A_3013 = vector.broadcast %reduce_or3A_3011 : f32 to vector<256x256xf32>
      %reduce_or3A_3014 = arith.select %and3A_3009, %reduce_or3A_3012, %reduce_or3A_3013 : vector<256x256xi1>, vector<256x256xf32>
      %reduce_or3A_3015 = arith.constant dense<0xFF800000> : vector<256xf32>
      %reduce_or3A_3016 = vector.multi_reduction <maximumf>, %reduce_or3A_3014, %reduce_or3A_3015 [1] : vector<256x256xf32> to vector<256xf32>
      %reduce_or3A_3017 = arith.constant 0.000000e+00 : f32
      %reduce_or3A_3018 = vector.broadcast %reduce_or3A_3017 : f32 to vector<256xf32>
      %reduce_or3A_3019 = arith.cmpf ogt, %reduce_or3A_3016, %reduce_or3A_3018 : vector<256xf32>
      %broadcast_in_dim3A_3020 = vector.shape_cast %reduce_or3A_3019 : vector<256xi1> to vector<256x1xi1>
      %not3A_3021 = arith.constant dense<true> : vector<256x1xi1>
      %not3A_3022 = arith.xori %broadcast_in_dim3A_3020, %not3A_3021 : vector<256x1xi1>
      %and3A_3023 = arith.andi %and3A_1031, %not3A_3022 : vector<256x1xi1>
      %ne3A_3024 = arith.xori %and3A_3023, %ne3A_2991 : vector<256x1xi1>
      %reduce_or3A_3025 = arith.constant 1.000000e+00 : f32
      %reduce_or3A_3026 = arith.constant 0.000000e+00 : f32
      %reduce_or3A_3027 = vector.broadcast %reduce_or3A_3025 : f32 to vector<256x1xf32>
      %reduce_or3A_3028 = vector.broadcast %reduce_or3A_3026 : f32 to vector<256x1xf32>
      %reduce_or3A_3029 = arith.select %ne3A_3024, %reduce_or3A_3027, %reduce_or3A_3028 : vector<256x1xi1>, vector<256x1xf32>
      %reduce_or3A_3030 = vector.shape_cast %reduce_or3A_3029 : vector<256x1xf32> to vector<1x256x1xf32>
      %reduce_or3A_3031 = arith.constant dense<0xFF800000> : vector<1xf32>
      %reduce_or3A_3032 = vector.multi_reduction <maximumf>, %reduce_or3A_3030, %reduce_or3A_3031 [1, 2] : vector<1x256x1xf32> to vector<1xf32>
      %reduce_or3A_3033 = vector.shape_cast %reduce_or3A_3032 : vector<1xf32> to vector<1x1x1xf32>
      %reduce_or3A_3034 = vector.extract %reduce_or3A_3033[0, 0, 0] : f32 from vector<1x1x1xf32>
      %reduce_or3A_3035 = arith.constant 0.000000e+00 : f32
      %reduce_or3A_3036 = arith.cmpf ogt, %reduce_or3A_3034, %reduce_or3A_3035 : f32
      %convert_element_type3A_3037 = arith.extui %reduce_or3A_3036 : i1 to i32
      %convert_element_type3A_3038 = arith.extui %and3A_3023 : vector<256x1xi1> to vector<256x1xi32>
      %add3A_3039 = arith.constant 1 : i32
      %add3A_3040 = arith.addi %while3A_2988, %add3A_3039 : i32
      scf.yield %convert_element_type3A_3038, %convert_element_type3A_3037, %add3A_3040 : vector<256x1xi32>, i32, i32
    }
    %ne3A_1044 = arith.constant 0 : i32
    %ne3A_1045 = vector.broadcast %ne3A_1044 : i32 to vector<256x1xi32>
    %ne3A_1046 = arith.cmpi ne, %while3A_1043#0, %ne3A_1045 : vector<256x1xi32>
    %and3A_1047 = vector.broadcast %ne3A_1046 : vector<256x1xi1> to vector<256x256xi1>
    %and3A_1048 = arith.andi %and3A_1037, %and3A_1047 : vector<256x256xi1>
    %reduce_or3A_1049 = arith.constant 1.000000e+00 : f32
    %reduce_or3A_1050 = arith.constant 0.000000e+00 : f32
    %reduce_or3A_1051 = vector.broadcast %reduce_or3A_1049 : f32 to vector<256x256xf32>
    %reduce_or3A_1052 = vector.broadcast %reduce_or3A_1050 : f32 to vector<256x256xf32>
    %reduce_or3A_1053 = arith.select %and3A_1048, %reduce_or3A_1051, %reduce_or3A_1052 : vector<256x256xi1>, vector<256x256xf32>
    %reduce_or3A_1054 = arith.constant dense<0xFF800000> : vector<256xf32>
    %reduce_or3A_1055 = vector.multi_reduction <maximumf>, %reduce_or3A_1053, %reduce_or3A_1054 [0] : vector<256x256xf32> to vector<256xf32>
    %reduce_or3A_1056 = arith.constant 0.000000e+00 : f32
    %reduce_or3A_1057 = vector.broadcast %reduce_or3A_1056 : f32 to vector<256xf32>
    %reduce_or3A_1058 = arith.cmpf ogt, %reduce_or3A_1055, %reduce_or3A_1057 : vector<256xf32>
    %broadcast_in_dim3A_1059 = vector.shape_cast %reduce_or3A_1058 : vector<256xi1> to vector<1x256xi1>
    %not3A_1060 = arith.constant dense<true> : vector<1x256xi1>
    %not3A_1061 = arith.xori %broadcast_in_dim3A_1059, %not3A_1060 : vector<1x256xi1>
    %and3A_1062 = arith.andi %and3A_1035, %not3A_1061 : vector<1x256xi1>
    %convert_element_type3A_1063 = arith.extui %and3A_1062 : vector<1x256xi1> to vector<1x256xi32>
    %swap3A_1064 = arith.constant 0 : index
    %swap3A_1065 = arith.constant 1024 : index
    %swap3A_1066 = vector.load %arg5[%swap3A_1064, %swap3A_1065] : memref<1x4096xi32, #tpu.memory_space<vmem>>, vector<1x256xi32>
    tpu.vector_store %arg5[%swap3A_1064, %swap3A_1065], %convert_element_type3A_1063 {strides = array<i32>} : memref<1x4096xi32, #tpu.memory_space<vmem>>, vector<1x256xi32>,
    %convert_element_type3A_1067 = arith.extui %ne3A_1046 : vector<256x1xi1> to vector<256x1xi32>
    %swap3A_1068 = arith.constant 1024 : index
    %swap3A_1069 = arith.constant 0 : index
    %swap3A_1070 = vector.load %arg6[%swap3A_1068, %swap3A_1069] : memref<4096x1xi32, #tpu.memory_space<vmem>>, vector<256x1xi32>
    tpu.vector_store %arg6[%swap3A_1068, %swap3A_1069], %convert_element_type3A_1067 {strides = array<i32>} : memref<4096x1xi32, #tpu.memory_space<vmem>>, vector<256x1xi32>,
    %slice3A_1071 = vector.extract_strided_slice %min3A_201 {offsets = [1280, 0], sizes = [256, 1], strides = [1, 1]} : vector<4096x1xf32> to vector<256x1xf32>
    %slice3A_1072 = vector.extract_strided_slice %min3A_211 {offsets = [1280, 0], sizes = [256, 1], strides = [1, 1]} : vector<4096x1xf32> to vector<256x1xf32>
    %slice3A_1073 = vector.extract_strided_slice %min3A_224 {offsets = [1280, 0], sizes = [256, 1], strides = [1, 1]} : vector<4096x1xf32> to vector<256x1xf32>
    %slice3A_1074 = vector.extract_strided_slice %min3A_237 {offsets = [1280, 0], sizes = [256, 1], strides = [1, 1]} : vector<4096x1xf32> to vector<256x1xf32>
    %slice3A_1075 = vector.extract_strided_slice %mul3A_253 {offsets = [1280, 0], sizes = [256, 1], strides = [1, 1]} : vector<4096x1xf32> to vector<256x1xf32>
    %slice3A_1076 = vector.extract_strided_slice %min3A_94 {offsets = [0, 0], sizes = [1, 1536], strides = [1, 1]} : vector<1x4096xf32> to vector<1x1536xf32>
    %min3A_1077 = vector.broadcast %slice3A_1073 : vector<256x1xf32> to vector<256x1536xf32>
    %min3A_1078 = vector.broadcast %slice3A_1076 : vector<1x1536xf32> to vector<256x1536xf32>
    %min3A_1079 = arith.minimumf %min3A_1077, %min3A_1078 : vector<256x1536xf32>
    %slice3A_1080 = vector.extract_strided_slice %min3A_71 {offsets = [0, 0], sizes = [1, 1536], strides = [1, 1]} : vector<1x4096xf32> to vector<1x1536xf32>
    %max3A_1081 = vector.broadcast %slice3A_1071 : vector<256x1xf32> to vector<256x1536xf32>
    %max3A_1082 = vector.broadcast %slice3A_1080 : vector<1x1536xf32> to vector<256x1536xf32>
    %max3A_1083 = arith.maximumf %max3A_1081, %max3A_1082 : vector<256x1536xf32>
    %sub3A_1084 = arith.subf %min3A_1079, %max3A_1083 : vector<256x1536xf32>
    %add3A_1085 = arith.constant 1.000000e+00 : f32
    %add3A_1086 = vector.broadcast %add3A_1085 : f32 to vector<256x1536xf32>
    %add3A_1087 = arith.addf %sub3A_1084, %add3A_1086 : vector<256x1536xf32>
    %jit3A_1088 = arith.constant 0.000000e+00 : f32
    %max3A_1089 = vector.broadcast %jit3A_1088 : f32 to vector<256x1536xf32>
    %max3A_1090 = arith.maximumf %max3A_1089, %add3A_1087 : vector<256x1536xf32>
    %slice3A_1091 = vector.extract_strided_slice %min3A_107 {offsets = [0, 0], sizes = [1, 1536], strides = [1, 1]} : vector<1x4096xf32> to vector<1x1536xf32>
    %min3A_1092 = vector.broadcast %slice3A_1074 : vector<256x1xf32> to vector<256x1536xf32>
    %min3A_1093 = vector.broadcast %slice3A_1091 : vector<1x1536xf32> to vector<256x1536xf32>
    %min3A_1094 = arith.minimumf %min3A_1092, %min3A_1093 : vector<256x1536xf32>
    %slice3A_1095 = vector.extract_strided_slice %min3A_81 {offsets = [0, 0], sizes = [1, 1536], strides = [1, 1]} : vector<1x4096xf32> to vector<1x1536xf32>
    %max3A_1096 = vector.broadcast %slice3A_1072 : vector<256x1xf32> to vector<256x1536xf32>
    %max3A_1097 = vector.broadcast %slice3A_1095 : vector<1x1536xf32> to vector<256x1536xf32>
    %max3A_1098 = arith.maximumf %max3A_1096, %max3A_1097 : vector<256x1536xf32>
    %sub3A_1099 = arith.subf %min3A_1094, %max3A_1098 : vector<256x1536xf32>
    %add3A_1100 = arith.constant 1.000000e+00 : f32
    %add3A_1101 = vector.broadcast %add3A_1100 : f32 to vector<256x1536xf32>
    %add3A_1102 = arith.addf %sub3A_1099, %add3A_1101 : vector<256x1536xf32>
    %jit3A_1103 = arith.constant 0.000000e+00 : f32
    %max3A_1104 = vector.broadcast %jit3A_1103 : f32 to vector<256x1536xf32>
    %max3A_1105 = arith.maximumf %max3A_1104, %add3A_1102 : vector<256x1536xf32>
    %mul3A_1106 = arith.mulf %max3A_1090, %max3A_1105 : vector<256x1536xf32>
    %slice3A_1107 = vector.extract_strided_slice %mul3A_121 {offsets = [0, 0], sizes = [1, 1536], strides = [1, 1]} : vector<1x4096xf32> to vector<1x1536xf32>
    %add3A_1108 = vector.broadcast %slice3A_1075 : vector<256x1xf32> to vector<256x1536xf32>
    %add3A_1109 = vector.broadcast %slice3A_1107 : vector<1x1536xf32> to vector<256x1536xf32>
    %add3A_1110 = arith.addf %add3A_1108, %add3A_1109 : vector<256x1536xf32>
    %sub3A_1111 = arith.subf %add3A_1110, %mul3A_1106 : vector<256x1536xf32>
    %div3A_1112 = arith.divf %mul3A_1106, %sub3A_1111 : vector<256x1536xf32>
    %gt3A_1113 = arith.constant 0.699999988 : f32
    %gt3A_1114 = vector.broadcast %gt3A_1113 : f32 to vector<256x1536xf32>
    %gt3A_1115 = arith.cmpf ogt, %div3A_1112, %gt3A_1114 : vector<256x1536xf32>
    %get3A_1116 = arith.constant 0 : index
    %get3A_1117 = arith.constant 0 : index
    %get3A_1118 = vector.load %arg5[%get3A_1116, %get3A_1117] : memref<1x4096xi32, #tpu.memory_space<vmem>>, vector<1x1536xi32>
    %ne3A_1119 = arith.constant 0 : i32
    %ne3A_1120 = vector.broadcast %ne3A_1119 : i32 to vector<1x1536xi32>
    %ne3A_1121 = arith.cmpi ne, %get3A_1118, %ne3A_1120 : vector<1x1536xi32>
    %and3A_1122 = vector.broadcast %ne3A_1121 : vector<1x1536xi1> to vector<256x1536xi1>
    %and3A_1123 = arith.andi %gt3A_1115, %and3A_1122 : vector<256x1536xi1>
    %reduce_or3A_1124 = arith.constant 1.000000e+00 : f32
    %reduce_or3A_1125 = arith.constant 0.000000e+00 : f32
    %reduce_or3A_1126 = vector.broadcast %reduce_or3A_1124 : f32 to vector<256x1536xf32>
    %reduce_or3A_1127 = vector.broadcast %reduce_or3A_1125 : f32 to vector<256x1536xf32>
    %reduce_or3A_1128 = arith.select %and3A_1123, %reduce_or3A_1126, %reduce_or3A_1127 : vector<256x1536xi1>, vector<256x1536xf32>
    %reduce_or3A_1129 = arith.constant dense<0xFF800000> : vector<256xf32>
    %reduce_or3A_1130 = vector.multi_reduction <maximumf>, %reduce_or3A_1128, %reduce_or3A_1129 [1] : vector<256x1536xf32> to vector<256xf32>
    %reduce_or3A_1131 = arith.constant 0.000000e+00 : f32
    %reduce_or3A_1132 = vector.broadcast %reduce_or3A_1131 : f32 to vector<256xf32>
    %reduce_or3A_1133 = arith.cmpf ogt, %reduce_or3A_1130, %reduce_or3A_1132 : vector<256xf32>
    %broadcast_in_dim3A_1134 = vector.shape_cast %reduce_or3A_1133 : vector<256xi1> to vector<256x1xi1>
    %slice3A_1135 = vector.extract_strided_slice %min3A_71 {offsets = [0, 1280], sizes = [1, 256], strides = [1, 1]} : vector<1x4096xf32> to vector<1x256xf32>
    %slice3A_1136 = vector.extract_strided_slice %min3A_81 {offsets = [0, 1280], sizes = [1, 256], strides = [1, 1]} : vector<1x4096xf32> to vector<1x256xf32>
    %slice3A_1137 = vector.extract_strided_slice %min3A_94 {offsets = [0, 1280], sizes = [1, 256], strides = [1, 1]} : vector<1x4096xf32> to vector<1x256xf32>
    %slice3A_1138 = vector.extract_strided_slice %min3A_107 {offsets = [0, 1280], sizes = [1, 256], strides = [1, 1]} : vector<1x4096xf32> to vector<1x256xf32>
    %slice3A_1139 = vector.extract_strided_slice %mul3A_121 {offsets = [0, 1280], sizes = [1, 256], strides = [1, 1]} : vector<1x4096xf32> to vector<1x256xf32>
    %slice3A_1140 = vector.extract_strided_slice %min3A_224 {offsets = [0, 0], sizes = [1280, 1], strides = [1, 1]} : vector<4096x1xf32> to vector<1280x1xf32>
    %min3A_1141 = vector.broadcast %slice3A_1140 : vector<1280x1xf32> to vector<1280x256xf32>
    %min3A_1142 = vector.broadcast %slice3A_1137 : vector<1x256xf32> to vector<1280x256xf32>
    %min3A_1143 = arith.minimumf %min3A_1141, %min3A_1142 : vector<1280x256xf32>
    %slice3A_1144 = vector.extract_strided_slice %min3A_201 {offsets = [0, 0], sizes = [1280, 1], strides = [1, 1]} : vector<4096x1xf32> to vector<1280x1xf32>
    %max3A_1145 = vector.broadcast %slice3A_1144 : vector<1280x1xf32> to vector<1280x256xf32>
    %max3A_1146 = vector.broadcast %slice3A_1135 : vector<1x256xf32> to vector<1280x256xf32>
    %max3A_1147 = arith.maximumf %max3A_1145, %max3A_1146 : vector<1280x256xf32>
    %sub3A_1148 = arith.subf %min3A_1143, %max3A_1147 : vector<1280x256xf32>
    %add3A_1149 = arith.constant 1.000000e+00 : f32
    %add3A_1150 = vector.broadcast %add3A_1149 : f32 to vector<1280x256xf32>
    %add3A_1151 = arith.addf %sub3A_1148, %add3A_1150 : vector<1280x256xf32>
    %jit3A_1152 = arith.constant 0.000000e+00 : f32
    %max3A_1153 = vector.broadcast %jit3A_1152 : f32 to vector<1280x256xf32>
    %max3A_1154 = arith.maximumf %max3A_1153, %add3A_1151 : vector<1280x256xf32>
    %slice3A_1155 = vector.extract_strided_slice %min3A_237 {offsets = [0, 0], sizes = [1280, 1], strides = [1, 1]} : vector<4096x1xf32> to vector<1280x1xf32>
    %min3A_1156 = vector.broadcast %slice3A_1155 : vector<1280x1xf32> to vector<1280x256xf32>
    %min3A_1157 = vector.broadcast %slice3A_1138 : vector<1x256xf32> to vector<1280x256xf32>
    %min3A_1158 = arith.minimumf %min3A_1156, %min3A_1157 : vector<1280x256xf32>
    %slice3A_1159 = vector.extract_strided_slice %min3A_211 {offsets = [0, 0], sizes = [1280, 1], strides = [1, 1]} : vector<4096x1xf32> to vector<1280x1xf32>
    %max3A_1160 = vector.broadcast %slice3A_1159 : vector<1280x1xf32> to vector<1280x256xf32>
    %max3A_1161 = vector.broadcast %slice3A_1136 : vector<1x256xf32> to vector<1280x256xf32>
    %max3A_1162 = arith.maximumf %max3A_1160, %max3A_1161 : vector<1280x256xf32>
    %sub3A_1163 = arith.subf %min3A_1158, %max3A_1162 : vector<1280x256xf32>
    %add3A_1164 = arith.constant 1.000000e+00 : f32
    %add3A_1165 = vector.broadcast %add3A_1164 : f32 to vector<1280x256xf32>
    %add3A_1166 = arith.addf %sub3A_1163, %add3A_1165 : vector<1280x256xf32>
    %jit3A_1167 = arith.constant 0.000000e+00 : f32
    %max3A_1168 = vector.broadcast %jit3A_1167 : f32 to vector<1280x256xf32>
    %max3A_1169 = arith.maximumf %max3A_1168, %add3A_1166 : vector<1280x256xf32>
    %mul3A_1170 = arith.mulf %max3A_1154, %max3A_1169 : vector<1280x256xf32>
    %slice3A_1171 = vector.extract_strided_slice %mul3A_253 {offsets = [0, 0], sizes = [1280, 1], strides = [1, 1]} : vector<4096x1xf32> to vector<1280x1xf32>
    %add3A_1172 = vector.broadcast %slice3A_1171 : vector<1280x1xf32> to vector<1280x256xf32>
    %add3A_1173 = vector.broadcast %slice3A_1139 : vector<1x256xf32> to vector<1280x256xf32>
    %add3A_1174 = arith.addf %add3A_1172, %add3A_1173 : vector<1280x256xf32>
    %sub3A_1175 = arith.subf %add3A_1174, %mul3A_1170 : vector<1280x256xf32>
    %div3A_1176 = arith.divf %mul3A_1170, %sub3A_1175 : vector<1280x256xf32>
    %gt3A_1177 = arith.constant 0.699999988 : f32
    %gt3A_1178 = vector.broadcast %gt3A_1177 : f32 to vector<1280x256xf32>
    %gt3A_1179 = arith.cmpf ogt, %div3A_1176, %gt3A_1178 : vector<1280x256xf32>
    %get3A_1180 = arith.constant 0 : index
    %get3A_1181 = arith.constant 0 : index
    %get3A_1182 = vector.load %arg6[%get3A_1180, %get3A_1181] : memref<4096x1xi32, #tpu.memory_space<vmem>>, vector<1280x1xi32>
    %ne3A_1183 = arith.constant 0 : i32
    %ne3A_1184 = vector.broadcast %ne3A_1183 : i32 to vector<1280x1xi32>
    %ne3A_1185 = arith.cmpi ne, %get3A_1182, %ne3A_1184 : vector<1280x1xi32>
    %and3A_1186 = vector.broadcast %ne3A_1185 : vector<1280x1xi1> to vector<1280x256xi1>
    %and3A_1187 = arith.andi %gt3A_1179, %and3A_1186 : vector<1280x256xi1>
    %reduce_or3A_1188 = arith.constant 1.000000e+00 : f32
    %reduce_or3A_1189 = arith.constant 0.000000e+00 : f32
    %reduce_or3A_1190 = vector.broadcast %reduce_or3A_1188 : f32 to vector<1280x256xf32>
    %reduce_or3A_1191 = vector.broadcast %reduce_or3A_1189 : f32 to vector<1280x256xf32>
    %reduce_or3A_1192 = arith.select %and3A_1187, %reduce_or3A_1190, %reduce_or3A_1191 : vector<1280x256xi1>, vector<1280x256xf32>
    %reduce_or3A_1193 = arith.constant dense<0xFF800000> : vector<256xf32>
    %reduce_or3A_1194 = vector.multi_reduction <maximumf>, %reduce_or3A_1192, %reduce_or3A_1193 [0] : vector<1280x256xf32> to vector<256xf32>
    %reduce_or3A_1195 = arith.constant 0.000000e+00 : f32
    %reduce_or3A_1196 = vector.broadcast %reduce_or3A_1195 : f32 to vector<256xf32>
    %reduce_or3A_1197 = arith.cmpf ogt, %reduce_or3A_1194, %reduce_or3A_1196 : vector<256xf32>
    %broadcast_in_dim3A_1198 = vector.shape_cast %reduce_or3A_1197 : vector<256xi1> to vector<1x256xi1>
    %slice3A_1199 = vector.extract_strided_slice %and3A_252 {offsets = [1280, 0], sizes = [256, 1], strides = [1, 1]} : vector<4096x1xi1> to vector<256x1xi1>
    %not3A_1200 = arith.constant dense<true> : vector<256x1xi1>
    %not3A_1201 = arith.xori %broadcast_in_dim3A_1134, %not3A_1200 : vector<256x1xi1>
    %and3A_1202 = arith.andi %slice3A_1199, %not3A_1201 : vector<256x1xi1>
    %slice3A_1203 = vector.extract_strided_slice %and3A {offsets = [0, 1280], sizes = [1, 256], strides = [1, 1]} : vector<1x4096xi1> to vector<1x256xi1>
    %not3A_1204 = arith.constant dense<true> : vector<1x256xi1>
    %not3A_1205 = arith.xori %broadcast_in_dim3A_1198, %not3A_1204 : vector<1x256xi1>
    %and3A_1206 = arith.andi %slice3A_1203, %not3A_1205 : vector<1x256xi1>
    %slice3A_1207 = vector.extract_strided_slice %gt3A_1115 {offsets = [0, 1280], sizes = [256, 256], strides = [1, 1]} : vector<256x1536xi1> to vector<256x256xi1>
    %and3A_1208 = arith.andi %slice3A_1207, %lt3A : vector<256x256xi1>
    %slice3A_1209 = vector.extract_strided_slice %gt3A_1115 {offsets = [0, 1280], sizes = [256, 256], strides = [1, 1]} : vector<256x1536xi1> to vector<256x256xi1>
    %and3A_1210 = arith.andi %slice3A_1209, %gt3A : vector<256x256xi1>
    %convert_element_type3A_1211 = arith.extui %and3A_1202 : vector<256x1xi1> to vector<256x1xi32>
    %while3A_1212 = arith.constant 1 : i32
    %while3A_1213 = arith.constant 0 : i32
    %while3A_1214:3 = scf.while (%while3A_2986 = %convert_element_type3A_1211, %while3A_2987 = %while3A_1212, %while3A_2988 = %while3A_1213) : (vector<256x1xi32>, i32, i32) -> (vector<256x1xi32>, i32, i32) {
      %ne3A_2989 = arith.constant 0 : i32
      %ne3A_2990 = arith.cmpi ne, %while3A_2987, %ne3A_2989 : i32
      %lt3A_2991 = arith.constant 256 : i32
      %lt3A_2992 = arith.cmpi slt, %while3A_2988, %lt3A_2991 : i32
      %and3A_2993 = arith.andi %ne3A_2990, %lt3A_2992 : i1
      scf.condition(%and3A_2993) %while3A_2986, %while3A_2987, %while3A_2988 : vector<256x1xi32>, i32, i32
    } do {
    ^bb0(%while3A_2986: vector<256x1xi32>, %while3A_2987: i32, %while3A_2988: i32):
      %ne3A_2989 = arith.constant 0 : i32
      %ne3A_2990 = vector.broadcast %ne3A_2989 : i32 to vector<256x1xi32>
      %ne3A_2991 = arith.cmpi ne, %while3A_2986, %ne3A_2990 : vector<256x1xi32>
      %and3A_2992 = vector.broadcast %ne3A_2991 : vector<256x1xi1> to vector<256x256xi1>
      %and3A_2993 = arith.andi %and3A_1208, %and3A_2992 : vector<256x256xi1>
      %reduce_or3A_2994 = arith.constant 1.000000e+00 : f32
      %reduce_or3A_2995 = arith.constant 0.000000e+00 : f32
      %reduce_or3A_2996 = vector.broadcast %reduce_or3A_2994 : f32 to vector<256x256xf32>
      %reduce_or3A_2997 = vector.broadcast %reduce_or3A_2995 : f32 to vector<256x256xf32>
      %reduce_or3A_2998 = arith.select %and3A_2993, %reduce_or3A_2996, %reduce_or3A_2997 : vector<256x256xi1>, vector<256x256xf32>
      %reduce_or3A_2999 = arith.constant dense<0xFF800000> : vector<256xf32>
      %reduce_or3A_3000 = vector.multi_reduction <maximumf>, %reduce_or3A_2998, %reduce_or3A_2999 [0] : vector<256x256xf32> to vector<256xf32>
      %reduce_or3A_3001 = arith.constant 0.000000e+00 : f32
      %reduce_or3A_3002 = vector.broadcast %reduce_or3A_3001 : f32 to vector<256xf32>
      %reduce_or3A_3003 = arith.cmpf ogt, %reduce_or3A_3000, %reduce_or3A_3002 : vector<256xf32>
      %broadcast_in_dim3A_3004 = vector.shape_cast %reduce_or3A_3003 : vector<256xi1> to vector<1x256xi1>
      %not3A_3005 = arith.constant dense<true> : vector<1x256xi1>
      %not3A_3006 = arith.xori %broadcast_in_dim3A_3004, %not3A_3005 : vector<1x256xi1>
      %and3A_3007 = arith.andi %and3A_1206, %not3A_3006 : vector<1x256xi1>
      %and3A_3008 = vector.broadcast %and3A_3007 : vector<1x256xi1> to vector<256x256xi1>
      %and3A_3009 = arith.andi %and3A_1210, %and3A_3008 : vector<256x256xi1>
      %reduce_or3A_3010 = arith.constant 1.000000e+00 : f32
      %reduce_or3A_3011 = arith.constant 0.000000e+00 : f32
      %reduce_or3A_3012 = vector.broadcast %reduce_or3A_3010 : f32 to vector<256x256xf32>
      %reduce_or3A_3013 = vector.broadcast %reduce_or3A_3011 : f32 to vector<256x256xf32>
      %reduce_or3A_3014 = arith.select %and3A_3009, %reduce_or3A_3012, %reduce_or3A_3013 : vector<256x256xi1>, vector<256x256xf32>
      %reduce_or3A_3015 = arith.constant dense<0xFF800000> : vector<256xf32>
      %reduce_or3A_3016 = vector.multi_reduction <maximumf>, %reduce_or3A_3014, %reduce_or3A_3015 [1] : vector<256x256xf32> to vector<256xf32>
      %reduce_or3A_3017 = arith.constant 0.000000e+00 : f32
      %reduce_or3A_3018 = vector.broadcast %reduce_or3A_3017 : f32 to vector<256xf32>
      %reduce_or3A_3019 = arith.cmpf ogt, %reduce_or3A_3016, %reduce_or3A_3018 : vector<256xf32>
      %broadcast_in_dim3A_3020 = vector.shape_cast %reduce_or3A_3019 : vector<256xi1> to vector<256x1xi1>
      %not3A_3021 = arith.constant dense<true> : vector<256x1xi1>
      %not3A_3022 = arith.xori %broadcast_in_dim3A_3020, %not3A_3021 : vector<256x1xi1>
      %and3A_3023 = arith.andi %and3A_1202, %not3A_3022 : vector<256x1xi1>
      %ne3A_3024 = arith.xori %and3A_3023, %ne3A_2991 : vector<256x1xi1>
      %reduce_or3A_3025 = arith.constant 1.000000e+00 : f32
      %reduce_or3A_3026 = arith.constant 0.000000e+00 : f32
      %reduce_or3A_3027 = vector.broadcast %reduce_or3A_3025 : f32 to vector<256x1xf32>
      %reduce_or3A_3028 = vector.broadcast %reduce_or3A_3026 : f32 to vector<256x1xf32>
      %reduce_or3A_3029 = arith.select %ne3A_3024, %reduce_or3A_3027, %reduce_or3A_3028 : vector<256x1xi1>, vector<256x1xf32>
      %reduce_or3A_3030 = vector.shape_cast %reduce_or3A_3029 : vector<256x1xf32> to vector<1x256x1xf32>
      %reduce_or3A_3031 = arith.constant dense<0xFF800000> : vector<1xf32>
      %reduce_or3A_3032 = vector.multi_reduction <maximumf>, %reduce_or3A_3030, %reduce_or3A_3031 [1, 2] : vector<1x256x1xf32> to vector<1xf32>
      %reduce_or3A_3033 = vector.shape_cast %reduce_or3A_3032 : vector<1xf32> to vector<1x1x1xf32>
      %reduce_or3A_3034 = vector.extract %reduce_or3A_3033[0, 0, 0] : f32 from vector<1x1x1xf32>
      %reduce_or3A_3035 = arith.constant 0.000000e+00 : f32
      %reduce_or3A_3036 = arith.cmpf ogt, %reduce_or3A_3034, %reduce_or3A_3035 : f32
      %convert_element_type3A_3037 = arith.extui %reduce_or3A_3036 : i1 to i32
      %convert_element_type3A_3038 = arith.extui %and3A_3023 : vector<256x1xi1> to vector<256x1xi32>
      %add3A_3039 = arith.constant 1 : i32
      %add3A_3040 = arith.addi %while3A_2988, %add3A_3039 : i32
      scf.yield %convert_element_type3A_3038, %convert_element_type3A_3037, %add3A_3040 : vector<256x1xi32>, i32, i32
    }
    %ne3A_1215 = arith.constant 0 : i32
    %ne3A_1216 = vector.broadcast %ne3A_1215 : i32 to vector<256x1xi32>
    %ne3A_1217 = arith.cmpi ne, %while3A_1214#0, %ne3A_1216 : vector<256x1xi32>
    %and3A_1218 = vector.broadcast %ne3A_1217 : vector<256x1xi1> to vector<256x256xi1>
    %and3A_1219 = arith.andi %and3A_1208, %and3A_1218 : vector<256x256xi1>
    %reduce_or3A_1220 = arith.constant 1.000000e+00 : f32
    %reduce_or3A_1221 = arith.constant 0.000000e+00 : f32
    %reduce_or3A_1222 = vector.broadcast %reduce_or3A_1220 : f32 to vector<256x256xf32>
    %reduce_or3A_1223 = vector.broadcast %reduce_or3A_1221 : f32 to vector<256x256xf32>
    %reduce_or3A_1224 = arith.select %and3A_1219, %reduce_or3A_1222, %reduce_or3A_1223 : vector<256x256xi1>, vector<256x256xf32>
    %reduce_or3A_1225 = arith.constant dense<0xFF800000> : vector<256xf32>
    %reduce_or3A_1226 = vector.multi_reduction <maximumf>, %reduce_or3A_1224, %reduce_or3A_1225 [0] : vector<256x256xf32> to vector<256xf32>
    %reduce_or3A_1227 = arith.constant 0.000000e+00 : f32
    %reduce_or3A_1228 = vector.broadcast %reduce_or3A_1227 : f32 to vector<256xf32>
    %reduce_or3A_1229 = arith.cmpf ogt, %reduce_or3A_1226, %reduce_or3A_1228 : vector<256xf32>
    %broadcast_in_dim3A_1230 = vector.shape_cast %reduce_or3A_1229 : vector<256xi1> to vector<1x256xi1>
    %not3A_1231 = arith.constant dense<true> : vector<1x256xi1>
    %not3A_1232 = arith.xori %broadcast_in_dim3A_1230, %not3A_1231 : vector<1x256xi1>
    %and3A_1233 = arith.andi %and3A_1206, %not3A_1232 : vector<1x256xi1>
    %convert_element_type3A_1234 = arith.extui %and3A_1233 : vector<1x256xi1> to vector<1x256xi32>
    %swap3A_1235 = arith.constant 0 : index
    %swap3A_1236 = arith.constant 1280 : index
    %swap3A_1237 = vector.load %arg5[%swap3A_1235, %swap3A_1236] : memref<1x4096xi32, #tpu.memory_space<vmem>>, vector<1x256xi32>
    tpu.vector_store %arg5[%swap3A_1235, %swap3A_1236], %convert_element_type3A_1234 {strides = array<i32>} : memref<1x4096xi32, #tpu.memory_space<vmem>>, vector<1x256xi32>,
    %convert_element_type3A_1238 = arith.extui %ne3A_1217 : vector<256x1xi1> to vector<256x1xi32>
    %swap3A_1239 = arith.constant 1280 : index
    %swap3A_1240 = arith.constant 0 : index
    %swap3A_1241 = vector.load %arg6[%swap3A_1239, %swap3A_1240] : memref<4096x1xi32, #tpu.memory_space<vmem>>, vector<256x1xi32>
    tpu.vector_store %arg6[%swap3A_1239, %swap3A_1240], %convert_element_type3A_1238 {strides = array<i32>} : memref<4096x1xi32, #tpu.memory_space<vmem>>, vector<256x1xi32>,
    %slice3A_1242 = vector.extract_strided_slice %min3A_201 {offsets = [1536, 0], sizes = [256, 1], strides = [1, 1]} : vector<4096x1xf32> to vector<256x1xf32>
    %slice3A_1243 = vector.extract_strided_slice %min3A_211 {offsets = [1536, 0], sizes = [256, 1], strides = [1, 1]} : vector<4096x1xf32> to vector<256x1xf32>
    %slice3A_1244 = vector.extract_strided_slice %min3A_224 {offsets = [1536, 0], sizes = [256, 1], strides = [1, 1]} : vector<4096x1xf32> to vector<256x1xf32>
    %slice3A_1245 = vector.extract_strided_slice %min3A_237 {offsets = [1536, 0], sizes = [256, 1], strides = [1, 1]} : vector<4096x1xf32> to vector<256x1xf32>
    %slice3A_1246 = vector.extract_strided_slice %mul3A_253 {offsets = [1536, 0], sizes = [256, 1], strides = [1, 1]} : vector<4096x1xf32> to vector<256x1xf32>
    %slice3A_1247 = vector.extract_strided_slice %min3A_94 {offsets = [0, 0], sizes = [1, 1792], strides = [1, 1]} : vector<1x4096xf32> to vector<1x1792xf32>
    %min3A_1248 = vector.broadcast %slice3A_1244 : vector<256x1xf32> to vector<256x1792xf32>
    %min3A_1249 = vector.broadcast %slice3A_1247 : vector<1x1792xf32> to vector<256x1792xf32>
    %min3A_1250 = arith.minimumf %min3A_1248, %min3A_1249 : vector<256x1792xf32>
    %slice3A_1251 = vector.extract_strided_slice %min3A_71 {offsets = [0, 0], sizes = [1, 1792], strides = [1, 1]} : vector<1x4096xf32> to vector<1x1792xf32>
    %max3A_1252 = vector.broadcast %slice3A_1242 : vector<256x1xf32> to vector<256x1792xf32>
    %max3A_1253 = vector.broadcast %slice3A_1251 : vector<1x1792xf32> to vector<256x1792xf32>
    %max3A_1254 = arith.maximumf %max3A_1252, %max3A_1253 : vector<256x1792xf32>
    %sub3A_1255 = arith.subf %min3A_1250, %max3A_1254 : vector<256x1792xf32>
    %add3A_1256 = arith.constant 1.000000e+00 : f32
    %add3A_1257 = vector.broadcast %add3A_1256 : f32 to vector<256x1792xf32>
    %add3A_1258 = arith.addf %sub3A_1255, %add3A_1257 : vector<256x1792xf32>
    %jit3A_1259 = arith.constant 0.000000e+00 : f32
    %max3A_1260 = vector.broadcast %jit3A_1259 : f32 to vector<256x1792xf32>
    %max3A_1261 = arith.maximumf %max3A_1260, %add3A_1258 : vector<256x1792xf32>
    %slice3A_1262 = vector.extract_strided_slice %min3A_107 {offsets = [0, 0], sizes = [1, 1792], strides = [1, 1]} : vector<1x4096xf32> to vector<1x1792xf32>
    %min3A_1263 = vector.broadcast %slice3A_1245 : vector<256x1xf32> to vector<256x1792xf32>
    %min3A_1264 = vector.broadcast %slice3A_1262 : vector<1x1792xf32> to vector<256x1792xf32>
    %min3A_1265 = arith.minimumf %min3A_1263, %min3A_1264 : vector<256x1792xf32>
    %slice3A_1266 = vector.extract_strided_slice %min3A_81 {offsets = [0, 0], sizes = [1, 1792], strides = [1, 1]} : vector<1x4096xf32> to vector<1x1792xf32>
    %max3A_1267 = vector.broadcast %slice3A_1243 : vector<256x1xf32> to vector<256x1792xf32>
    %max3A_1268 = vector.broadcast %slice3A_1266 : vector<1x1792xf32> to vector<256x1792xf32>
    %max3A_1269 = arith.maximumf %max3A_1267, %max3A_1268 : vector<256x1792xf32>
    %sub3A_1270 = arith.subf %min3A_1265, %max3A_1269 : vector<256x1792xf32>
    %add3A_1271 = arith.constant 1.000000e+00 : f32
    %add3A_1272 = vector.broadcast %add3A_1271 : f32 to vector<256x1792xf32>
    %add3A_1273 = arith.addf %sub3A_1270, %add3A_1272 : vector<256x1792xf32>
    %jit3A_1274 = arith.constant 0.000000e+00 : f32
    %max3A_1275 = vector.broadcast %jit3A_1274 : f32 to vector<256x1792xf32>
    %max3A_1276 = arith.maximumf %max3A_1275, %add3A_1273 : vector<256x1792xf32>
    %mul3A_1277 = arith.mulf %max3A_1261, %max3A_1276 : vector<256x1792xf32>
    %slice3A_1278 = vector.extract_strided_slice %mul3A_121 {offsets = [0, 0], sizes = [1, 1792], strides = [1, 1]} : vector<1x4096xf32> to vector<1x1792xf32>
    %add3A_1279 = vector.broadcast %slice3A_1246 : vector<256x1xf32> to vector<256x1792xf32>
    %add3A_1280 = vector.broadcast %slice3A_1278 : vector<1x1792xf32> to vector<256x1792xf32>
    %add3A_1281 = arith.addf %add3A_1279, %add3A_1280 : vector<256x1792xf32>
    %sub3A_1282 = arith.subf %add3A_1281, %mul3A_1277 : vector<256x1792xf32>
    %div3A_1283 = arith.divf %mul3A_1277, %sub3A_1282 : vector<256x1792xf32>
    %gt3A_1284 = arith.constant 0.699999988 : f32
    %gt3A_1285 = vector.broadcast %gt3A_1284 : f32 to vector<256x1792xf32>
    %gt3A_1286 = arith.cmpf ogt, %div3A_1283, %gt3A_1285 : vector<256x1792xf32>
    %get3A_1287 = arith.constant 0 : index
    %get3A_1288 = arith.constant 0 : index
    %get3A_1289 = vector.load %arg5[%get3A_1287, %get3A_1288] : memref<1x4096xi32, #tpu.memory_space<vmem>>, vector<1x1792xi32>
    %ne3A_1290 = arith.constant 0 : i32
    %ne3A_1291 = vector.broadcast %ne3A_1290 : i32 to vector<1x1792xi32>
    %ne3A_1292 = arith.cmpi ne, %get3A_1289, %ne3A_1291 : vector<1x1792xi32>
    %and3A_1293 = vector.broadcast %ne3A_1292 : vector<1x1792xi1> to vector<256x1792xi1>
    %and3A_1294 = arith.andi %gt3A_1286, %and3A_1293 : vector<256x1792xi1>
    %reduce_or3A_1295 = arith.constant 1.000000e+00 : f32
    %reduce_or3A_1296 = arith.constant 0.000000e+00 : f32
    %reduce_or3A_1297 = vector.broadcast %reduce_or3A_1295 : f32 to vector<256x1792xf32>
    %reduce_or3A_1298 = vector.broadcast %reduce_or3A_1296 : f32 to vector<256x1792xf32>
    %reduce_or3A_1299 = arith.select %and3A_1294, %reduce_or3A_1297, %reduce_or3A_1298 : vector<256x1792xi1>, vector<256x1792xf32>
    %reduce_or3A_1300 = arith.constant dense<0xFF800000> : vector<256xf32>
    %reduce_or3A_1301 = vector.multi_reduction <maximumf>, %reduce_or3A_1299, %reduce_or3A_1300 [1] : vector<256x1792xf32> to vector<256xf32>
    %reduce_or3A_1302 = arith.constant 0.000000e+00 : f32
    %reduce_or3A_1303 = vector.broadcast %reduce_or3A_1302 : f32 to vector<256xf32>
    %reduce_or3A_1304 = arith.cmpf ogt, %reduce_or3A_1301, %reduce_or3A_1303 : vector<256xf32>
    %broadcast_in_dim3A_1305 = vector.shape_cast %reduce_or3A_1304 : vector<256xi1> to vector<256x1xi1>
    %slice3A_1306 = vector.extract_strided_slice %min3A_71 {offsets = [0, 1536], sizes = [1, 256], strides = [1, 1]} : vector<1x4096xf32> to vector<1x256xf32>
    %slice3A_1307 = vector.extract_strided_slice %min3A_81 {offsets = [0, 1536], sizes = [1, 256], strides = [1, 1]} : vector<1x4096xf32> to vector<1x256xf32>
    %slice3A_1308 = vector.extract_strided_slice %min3A_94 {offsets = [0, 1536], sizes = [1, 256], strides = [1, 1]} : vector<1x4096xf32> to vector<1x256xf32>
    %slice3A_1309 = vector.extract_strided_slice %min3A_107 {offsets = [0, 1536], sizes = [1, 256], strides = [1, 1]} : vector<1x4096xf32> to vector<1x256xf32>
    %slice3A_1310 = vector.extract_strided_slice %mul3A_121 {offsets = [0, 1536], sizes = [1, 256], strides = [1, 1]} : vector<1x4096xf32> to vector<1x256xf32>
    %slice3A_1311 = vector.extract_strided_slice %min3A_224 {offsets = [0, 0], sizes = [1536, 1], strides = [1, 1]} : vector<4096x1xf32> to vector<1536x1xf32>
    %min3A_1312 = vector.broadcast %slice3A_1311 : vector<1536x1xf32> to vector<1536x256xf32>
    %min3A_1313 = vector.broadcast %slice3A_1308 : vector<1x256xf32> to vector<1536x256xf32>
    %min3A_1314 = arith.minimumf %min3A_1312, %min3A_1313 : vector<1536x256xf32>
    %slice3A_1315 = vector.extract_strided_slice %min3A_201 {offsets = [0, 0], sizes = [1536, 1], strides = [1, 1]} : vector<4096x1xf32> to vector<1536x1xf32>
    %max3A_1316 = vector.broadcast %slice3A_1315 : vector<1536x1xf32> to vector<1536x256xf32>
    %max3A_1317 = vector.broadcast %slice3A_1306 : vector<1x256xf32> to vector<1536x256xf32>
    %max3A_1318 = arith.maximumf %max3A_1316, %max3A_1317 : vector<1536x256xf32>
    %sub3A_1319 = arith.subf %min3A_1314, %max3A_1318 : vector<1536x256xf32>
    %add3A_1320 = arith.constant 1.000000e+00 : f32
    %add3A_1321 = vector.broadcast %add3A_1320 : f32 to vector<1536x256xf32>
    %add3A_1322 = arith.addf %sub3A_1319, %add3A_1321 : vector<1536x256xf32>
    %jit3A_1323 = arith.constant 0.000000e+00 : f32
    %max3A_1324 = vector.broadcast %jit3A_1323 : f32 to vector<1536x256xf32>
    %max3A_1325 = arith.maximumf %max3A_1324, %add3A_1322 : vector<1536x256xf32>
    %slice3A_1326 = vector.extract_strided_slice %min3A_237 {offsets = [0, 0], sizes = [1536, 1], strides = [1, 1]} : vector<4096x1xf32> to vector<1536x1xf32>
    %min3A_1327 = vector.broadcast %slice3A_1326 : vector<1536x1xf32> to vector<1536x256xf32>
    %min3A_1328 = vector.broadcast %slice3A_1309 : vector<1x256xf32> to vector<1536x256xf32>
    %min3A_1329 = arith.minimumf %min3A_1327, %min3A_1328 : vector<1536x256xf32>
    %slice3A_1330 = vector.extract_strided_slice %min3A_211 {offsets = [0, 0], sizes = [1536, 1], strides = [1, 1]} : vector<4096x1xf32> to vector<1536x1xf32>
    %max3A_1331 = vector.broadcast %slice3A_1330 : vector<1536x1xf32> to vector<1536x256xf32>
    %max3A_1332 = vector.broadcast %slice3A_1307 : vector<1x256xf32> to vector<1536x256xf32>
    %max3A_1333 = arith.maximumf %max3A_1331, %max3A_1332 : vector<1536x256xf32>
    %sub3A_1334 = arith.subf %min3A_1329, %max3A_1333 : vector<1536x256xf32>
    %add3A_1335 = arith.constant 1.000000e+00 : f32
    %add3A_1336 = vector.broadcast %add3A_1335 : f32 to vector<1536x256xf32>
    %add3A_1337 = arith.addf %sub3A_1334, %add3A_1336 : vector<1536x256xf32>
    %jit3A_1338 = arith.constant 0.000000e+00 : f32
    %max3A_1339 = vector.broadcast %jit3A_1338 : f32 to vector<1536x256xf32>
    %max3A_1340 = arith.maximumf %max3A_1339, %add3A_1337 : vector<1536x256xf32>
    %mul3A_1341 = arith.mulf %max3A_1325, %max3A_1340 : vector<1536x256xf32>
    %slice3A_1342 = vector.extract_strided_slice %mul3A_253 {offsets = [0, 0], sizes = [1536, 1], strides = [1, 1]} : vector<4096x1xf32> to vector<1536x1xf32>
    %add3A_1343 = vector.broadcast %slice3A_1342 : vector<1536x1xf32> to vector<1536x256xf32>
    %add3A_1344 = vector.broadcast %slice3A_1310 : vector<1x256xf32> to vector<1536x256xf32>
    %add3A_1345 = arith.addf %add3A_1343, %add3A_1344 : vector<1536x256xf32>
    %sub3A_1346 = arith.subf %add3A_1345, %mul3A_1341 : vector<1536x256xf32>
    %div3A_1347 = arith.divf %mul3A_1341, %sub3A_1346 : vector<1536x256xf32>
    %gt3A_1348 = arith.constant 0.699999988 : f32
    %gt3A_1349 = vector.broadcast %gt3A_1348 : f32 to vector<1536x256xf32>
    %gt3A_1350 = arith.cmpf ogt, %div3A_1347, %gt3A_1349 : vector<1536x256xf32>
    %get3A_1351 = arith.constant 0 : index
    %get3A_1352 = arith.constant 0 : index
    %get3A_1353 = vector.load %arg6[%get3A_1351, %get3A_1352] : memref<4096x1xi32, #tpu.memory_space<vmem>>, vector<1536x1xi32>
    %ne3A_1354 = arith.constant 0 : i32
    %ne3A_1355 = vector.broadcast %ne3A_1354 : i32 to vector<1536x1xi32>
    %ne3A_1356 = arith.cmpi ne, %get3A_1353, %ne3A_1355 : vector<1536x1xi32>
    %and3A_1357 = vector.broadcast %ne3A_1356 : vector<1536x1xi1> to vector<1536x256xi1>
    %and3A_1358 = arith.andi %gt3A_1350, %and3A_1357 : vector<1536x256xi1>
    %reduce_or3A_1359 = arith.constant 1.000000e+00 : f32
    %reduce_or3A_1360 = arith.constant 0.000000e+00 : f32
    %reduce_or3A_1361 = vector.broadcast %reduce_or3A_1359 : f32 to vector<1536x256xf32>
    %reduce_or3A_1362 = vector.broadcast %reduce_or3A_1360 : f32 to vector<1536x256xf32>
    %reduce_or3A_1363 = arith.select %and3A_1358, %reduce_or3A_1361, %reduce_or3A_1362 : vector<1536x256xi1>, vector<1536x256xf32>
    %reduce_or3A_1364 = arith.constant dense<0xFF800000> : vector<256xf32>
    %reduce_or3A_1365 = vector.multi_reduction <maximumf>, %reduce_or3A_1363, %reduce_or3A_1364 [0] : vector<1536x256xf32> to vector<256xf32>
    %reduce_or3A_1366 = arith.constant 0.000000e+00 : f32
    %reduce_or3A_1367 = vector.broadcast %reduce_or3A_1366 : f32 to vector<256xf32>
    %reduce_or3A_1368 = arith.cmpf ogt, %reduce_or3A_1365, %reduce_or3A_1367 : vector<256xf32>
    %broadcast_in_dim3A_1369 = vector.shape_cast %reduce_or3A_1368 : vector<256xi1> to vector<1x256xi1>
    %slice3A_1370 = vector.extract_strided_slice %and3A_252 {offsets = [1536, 0], sizes = [256, 1], strides = [1, 1]} : vector<4096x1xi1> to vector<256x1xi1>
    %not3A_1371 = arith.constant dense<true> : vector<256x1xi1>
    %not3A_1372 = arith.xori %broadcast_in_dim3A_1305, %not3A_1371 : vector<256x1xi1>
    %and3A_1373 = arith.andi %slice3A_1370, %not3A_1372 : vector<256x1xi1>
    %slice3A_1374 = vector.extract_strided_slice %and3A {offsets = [0, 1536], sizes = [1, 256], strides = [1, 1]} : vector<1x4096xi1> to vector<1x256xi1>
    %not3A_1375 = arith.constant dense<true> : vector<1x256xi1>
    %not3A_1376 = arith.xori %broadcast_in_dim3A_1369, %not3A_1375 : vector<1x256xi1>
    %and3A_1377 = arith.andi %slice3A_1374, %not3A_1376 : vector<1x256xi1>
    %slice3A_1378 = vector.extract_strided_slice %gt3A_1286 {offsets = [0, 1536], sizes = [256, 256], strides = [1, 1]} : vector<256x1792xi1> to vector<256x256xi1>
    %and3A_1379 = arith.andi %slice3A_1378, %lt3A : vector<256x256xi1>
    %slice3A_1380 = vector.extract_strided_slice %gt3A_1286 {offsets = [0, 1536], sizes = [256, 256], strides = [1, 1]} : vector<256x1792xi1> to vector<256x256xi1>
    %and3A_1381 = arith.andi %slice3A_1380, %gt3A : vector<256x256xi1>
    %convert_element_type3A_1382 = arith.extui %and3A_1373 : vector<256x1xi1> to vector<256x1xi32>
    %while3A_1383 = arith.constant 1 : i32
    %while3A_1384 = arith.constant 0 : i32
    %while3A_1385:3 = scf.while (%while3A_2986 = %convert_element_type3A_1382, %while3A_2987 = %while3A_1383, %while3A_2988 = %while3A_1384) : (vector<256x1xi32>, i32, i32) -> (vector<256x1xi32>, i32, i32) {
      %ne3A_2989 = arith.constant 0 : i32
      %ne3A_2990 = arith.cmpi ne, %while3A_2987, %ne3A_2989 : i32
      %lt3A_2991 = arith.constant 256 : i32
      %lt3A_2992 = arith.cmpi slt, %while3A_2988, %lt3A_2991 : i32
      %and3A_2993 = arith.andi %ne3A_2990, %lt3A_2992 : i1
      scf.condition(%and3A_2993) %while3A_2986, %while3A_2987, %while3A_2988 : vector<256x1xi32>, i32, i32
    } do {
    ^bb0(%while3A_2986: vector<256x1xi32>, %while3A_2987: i32, %while3A_2988: i32):
      %ne3A_2989 = arith.constant 0 : i32
      %ne3A_2990 = vector.broadcast %ne3A_2989 : i32 to vector<256x1xi32>
      %ne3A_2991 = arith.cmpi ne, %while3A_2986, %ne3A_2990 : vector<256x1xi32>
      %and3A_2992 = vector.broadcast %ne3A_2991 : vector<256x1xi1> to vector<256x256xi1>
      %and3A_2993 = arith.andi %and3A_1379, %and3A_2992 : vector<256x256xi1>
      %reduce_or3A_2994 = arith.constant 1.000000e+00 : f32
      %reduce_or3A_2995 = arith.constant 0.000000e+00 : f32
      %reduce_or3A_2996 = vector.broadcast %reduce_or3A_2994 : f32 to vector<256x256xf32>
      %reduce_or3A_2997 = vector.broadcast %reduce_or3A_2995 : f32 to vector<256x256xf32>
      %reduce_or3A_2998 = arith.select %and3A_2993, %reduce_or3A_2996, %reduce_or3A_2997 : vector<256x256xi1>, vector<256x256xf32>
      %reduce_or3A_2999 = arith.constant dense<0xFF800000> : vector<256xf32>
      %reduce_or3A_3000 = vector.multi_reduction <maximumf>, %reduce_or3A_2998, %reduce_or3A_2999 [0] : vector<256x256xf32> to vector<256xf32>
      %reduce_or3A_3001 = arith.constant 0.000000e+00 : f32
      %reduce_or3A_3002 = vector.broadcast %reduce_or3A_3001 : f32 to vector<256xf32>
      %reduce_or3A_3003 = arith.cmpf ogt, %reduce_or3A_3000, %reduce_or3A_3002 : vector<256xf32>
      %broadcast_in_dim3A_3004 = vector.shape_cast %reduce_or3A_3003 : vector<256xi1> to vector<1x256xi1>
      %not3A_3005 = arith.constant dense<true> : vector<1x256xi1>
      %not3A_3006 = arith.xori %broadcast_in_dim3A_3004, %not3A_3005 : vector<1x256xi1>
      %and3A_3007 = arith.andi %and3A_1377, %not3A_3006 : vector<1x256xi1>
      %and3A_3008 = vector.broadcast %and3A_3007 : vector<1x256xi1> to vector<256x256xi1>
      %and3A_3009 = arith.andi %and3A_1381, %and3A_3008 : vector<256x256xi1>
      %reduce_or3A_3010 = arith.constant 1.000000e+00 : f32
      %reduce_or3A_3011 = arith.constant 0.000000e+00 : f32
      %reduce_or3A_3012 = vector.broadcast %reduce_or3A_3010 : f32 to vector<256x256xf32>
      %reduce_or3A_3013 = vector.broadcast %reduce_or3A_3011 : f32 to vector<256x256xf32>
      %reduce_or3A_3014 = arith.select %and3A_3009, %reduce_or3A_3012, %reduce_or3A_3013 : vector<256x256xi1>, vector<256x256xf32>
      %reduce_or3A_3015 = arith.constant dense<0xFF800000> : vector<256xf32>
      %reduce_or3A_3016 = vector.multi_reduction <maximumf>, %reduce_or3A_3014, %reduce_or3A_3015 [1] : vector<256x256xf32> to vector<256xf32>
      %reduce_or3A_3017 = arith.constant 0.000000e+00 : f32
      %reduce_or3A_3018 = vector.broadcast %reduce_or3A_3017 : f32 to vector<256xf32>
      %reduce_or3A_3019 = arith.cmpf ogt, %reduce_or3A_3016, %reduce_or3A_3018 : vector<256xf32>
      %broadcast_in_dim3A_3020 = vector.shape_cast %reduce_or3A_3019 : vector<256xi1> to vector<256x1xi1>
      %not3A_3021 = arith.constant dense<true> : vector<256x1xi1>
      %not3A_3022 = arith.xori %broadcast_in_dim3A_3020, %not3A_3021 : vector<256x1xi1>
      %and3A_3023 = arith.andi %and3A_1373, %not3A_3022 : vector<256x1xi1>
      %ne3A_3024 = arith.xori %and3A_3023, %ne3A_2991 : vector<256x1xi1>
      %reduce_or3A_3025 = arith.constant 1.000000e+00 : f32
      %reduce_or3A_3026 = arith.constant 0.000000e+00 : f32
      %reduce_or3A_3027 = vector.broadcast %reduce_or3A_3025 : f32 to vector<256x1xf32>
      %reduce_or3A_3028 = vector.broadcast %reduce_or3A_3026 : f32 to vector<256x1xf32>
      %reduce_or3A_3029 = arith.select %ne3A_3024, %reduce_or3A_3027, %reduce_or3A_3028 : vector<256x1xi1>, vector<256x1xf32>
      %reduce_or3A_3030 = vector.shape_cast %reduce_or3A_3029 : vector<256x1xf32> to vector<1x256x1xf32>
      %reduce_or3A_3031 = arith.constant dense<0xFF800000> : vector<1xf32>
      %reduce_or3A_3032 = vector.multi_reduction <maximumf>, %reduce_or3A_3030, %reduce_or3A_3031 [1, 2] : vector<1x256x1xf32> to vector<1xf32>
      %reduce_or3A_3033 = vector.shape_cast %reduce_or3A_3032 : vector<1xf32> to vector<1x1x1xf32>
      %reduce_or3A_3034 = vector.extract %reduce_or3A_3033[0, 0, 0] : f32 from vector<1x1x1xf32>
      %reduce_or3A_3035 = arith.constant 0.000000e+00 : f32
      %reduce_or3A_3036 = arith.cmpf ogt, %reduce_or3A_3034, %reduce_or3A_3035 : f32
      %convert_element_type3A_3037 = arith.extui %reduce_or3A_3036 : i1 to i32
      %convert_element_type3A_3038 = arith.extui %and3A_3023 : vector<256x1xi1> to vector<256x1xi32>
      %add3A_3039 = arith.constant 1 : i32
      %add3A_3040 = arith.addi %while3A_2988, %add3A_3039 : i32
      scf.yield %convert_element_type3A_3038, %convert_element_type3A_3037, %add3A_3040 : vector<256x1xi32>, i32, i32
    }
    %ne3A_1386 = arith.constant 0 : i32
    %ne3A_1387 = vector.broadcast %ne3A_1386 : i32 to vector<256x1xi32>
    %ne3A_1388 = arith.cmpi ne, %while3A_1385#0, %ne3A_1387 : vector<256x1xi32>
    %and3A_1389 = vector.broadcast %ne3A_1388 : vector<256x1xi1> to vector<256x256xi1>
    %and3A_1390 = arith.andi %and3A_1379, %and3A_1389 : vector<256x256xi1>
    %reduce_or3A_1391 = arith.constant 1.000000e+00 : f32
    %reduce_or3A_1392 = arith.constant 0.000000e+00 : f32
    %reduce_or3A_1393 = vector.broadcast %reduce_or3A_1391 : f32 to vector<256x256xf32>
    %reduce_or3A_1394 = vector.broadcast %reduce_or3A_1392 : f32 to vector<256x256xf32>
    %reduce_or3A_1395 = arith.select %and3A_1390, %reduce_or3A_1393, %reduce_or3A_1394 : vector<256x256xi1>, vector<256x256xf32>
    %reduce_or3A_1396 = arith.constant dense<0xFF800000> : vector<256xf32>
    %reduce_or3A_1397 = vector.multi_reduction <maximumf>, %reduce_or3A_1395, %reduce_or3A_1396 [0] : vector<256x256xf32> to vector<256xf32>
    %reduce_or3A_1398 = arith.constant 0.000000e+00 : f32
    %reduce_or3A_1399 = vector.broadcast %reduce_or3A_1398 : f32 to vector<256xf32>
    %reduce_or3A_1400 = arith.cmpf ogt, %reduce_or3A_1397, %reduce_or3A_1399 : vector<256xf32>
    %broadcast_in_dim3A_1401 = vector.shape_cast %reduce_or3A_1400 : vector<256xi1> to vector<1x256xi1>
    %not3A_1402 = arith.constant dense<true> : vector<1x256xi1>
    %not3A_1403 = arith.xori %broadcast_in_dim3A_1401, %not3A_1402 : vector<1x256xi1>
    %and3A_1404 = arith.andi %and3A_1377, %not3A_1403 : vector<1x256xi1>
    %convert_element_type3A_1405 = arith.extui %and3A_1404 : vector<1x256xi1> to vector<1x256xi32>
    %swap3A_1406 = arith.constant 0 : index
    %swap3A_1407 = arith.constant 1536 : index
    %swap3A_1408 = vector.load %arg5[%swap3A_1406, %swap3A_1407] : memref<1x4096xi32, #tpu.memory_space<vmem>>, vector<1x256xi32>
    tpu.vector_store %arg5[%swap3A_1406, %swap3A_1407], %convert_element_type3A_1405 {strides = array<i32>} : memref<1x4096xi32, #tpu.memory_space<vmem>>, vector<1x256xi32>,
    %convert_element_type3A_1409 = arith.extui %ne3A_1388 : vector<256x1xi1> to vector<256x1xi32>
    %swap3A_1410 = arith.constant 1536 : index
    %swap3A_1411 = arith.constant 0 : index
    %swap3A_1412 = vector.load %arg6[%swap3A_1410, %swap3A_1411] : memref<4096x1xi32, #tpu.memory_space<vmem>>, vector<256x1xi32>
    tpu.vector_store %arg6[%swap3A_1410, %swap3A_1411], %convert_element_type3A_1409 {strides = array<i32>} : memref<4096x1xi32, #tpu.memory_space<vmem>>, vector<256x1xi32>,
    %slice3A_1413 = vector.extract_strided_slice %min3A_201 {offsets = [1792, 0], sizes = [256, 1], strides = [1, 1]} : vector<4096x1xf32> to vector<256x1xf32>
    %slice3A_1414 = vector.extract_strided_slice %min3A_211 {offsets = [1792, 0], sizes = [256, 1], strides = [1, 1]} : vector<4096x1xf32> to vector<256x1xf32>
    %slice3A_1415 = vector.extract_strided_slice %min3A_224 {offsets = [1792, 0], sizes = [256, 1], strides = [1, 1]} : vector<4096x1xf32> to vector<256x1xf32>
    %slice3A_1416 = vector.extract_strided_slice %min3A_237 {offsets = [1792, 0], sizes = [256, 1], strides = [1, 1]} : vector<4096x1xf32> to vector<256x1xf32>
    %slice3A_1417 = vector.extract_strided_slice %mul3A_253 {offsets = [1792, 0], sizes = [256, 1], strides = [1, 1]} : vector<4096x1xf32> to vector<256x1xf32>
    %slice3A_1418 = vector.extract_strided_slice %min3A_94 {offsets = [0, 0], sizes = [1, 2048], strides = [1, 1]} : vector<1x4096xf32> to vector<1x2048xf32>
    %min3A_1419 = vector.broadcast %slice3A_1415 : vector<256x1xf32> to vector<256x2048xf32>
    %min3A_1420 = vector.broadcast %slice3A_1418 : vector<1x2048xf32> to vector<256x2048xf32>
    %min3A_1421 = arith.minimumf %min3A_1419, %min3A_1420 : vector<256x2048xf32>
    %slice3A_1422 = vector.extract_strided_slice %min3A_71 {offsets = [0, 0], sizes = [1, 2048], strides = [1, 1]} : vector<1x4096xf32> to vector<1x2048xf32>
    %max3A_1423 = vector.broadcast %slice3A_1413 : vector<256x1xf32> to vector<256x2048xf32>
    %max3A_1424 = vector.broadcast %slice3A_1422 : vector<1x2048xf32> to vector<256x2048xf32>
    %max3A_1425 = arith.maximumf %max3A_1423, %max3A_1424 : vector<256x2048xf32>
    %sub3A_1426 = arith.subf %min3A_1421, %max3A_1425 : vector<256x2048xf32>
    %add3A_1427 = arith.constant 1.000000e+00 : f32
    %add3A_1428 = vector.broadcast %add3A_1427 : f32 to vector<256x2048xf32>
    %add3A_1429 = arith.addf %sub3A_1426, %add3A_1428 : vector<256x2048xf32>
    %jit3A_1430 = arith.constant 0.000000e+00 : f32
    %max3A_1431 = vector.broadcast %jit3A_1430 : f32 to vector<256x2048xf32>
    %max3A_1432 = arith.maximumf %max3A_1431, %add3A_1429 : vector<256x2048xf32>
    %slice3A_1433 = vector.extract_strided_slice %min3A_107 {offsets = [0, 0], sizes = [1, 2048], strides = [1, 1]} : vector<1x4096xf32> to vector<1x2048xf32>
    %min3A_1434 = vector.broadcast %slice3A_1416 : vector<256x1xf32> to vector<256x2048xf32>
    %min3A_1435 = vector.broadcast %slice3A_1433 : vector<1x2048xf32> to vector<256x2048xf32>
    %min3A_1436 = arith.minimumf %min3A_1434, %min3A_1435 : vector<256x2048xf32>
    %slice3A_1437 = vector.extract_strided_slice %min3A_81 {offsets = [0, 0], sizes = [1, 2048], strides = [1, 1]} : vector<1x4096xf32> to vector<1x2048xf32>
    %max3A_1438 = vector.broadcast %slice3A_1414 : vector<256x1xf32> to vector<256x2048xf32>
    %max3A_1439 = vector.broadcast %slice3A_1437 : vector<1x2048xf32> to vector<256x2048xf32>
    %max3A_1440 = arith.maximumf %max3A_1438, %max3A_1439 : vector<256x2048xf32>
    %sub3A_1441 = arith.subf %min3A_1436, %max3A_1440 : vector<256x2048xf32>
    %add3A_1442 = arith.constant 1.000000e+00 : f32
    %add3A_1443 = vector.broadcast %add3A_1442 : f32 to vector<256x2048xf32>
    %add3A_1444 = arith.addf %sub3A_1441, %add3A_1443 : vector<256x2048xf32>
    %jit3A_1445 = arith.constant 0.000000e+00 : f32
    %max3A_1446 = vector.broadcast %jit3A_1445 : f32 to vector<256x2048xf32>
    %max3A_1447 = arith.maximumf %max3A_1446, %add3A_1444 : vector<256x2048xf32>
    %mul3A_1448 = arith.mulf %max3A_1432, %max3A_1447 : vector<256x2048xf32>
    %slice3A_1449 = vector.extract_strided_slice %mul3A_121 {offsets = [0, 0], sizes = [1, 2048], strides = [1, 1]} : vector<1x4096xf32> to vector<1x2048xf32>
    %add3A_1450 = vector.broadcast %slice3A_1417 : vector<256x1xf32> to vector<256x2048xf32>
    %add3A_1451 = vector.broadcast %slice3A_1449 : vector<1x2048xf32> to vector<256x2048xf32>
    %add3A_1452 = arith.addf %add3A_1450, %add3A_1451 : vector<256x2048xf32>
    %sub3A_1453 = arith.subf %add3A_1452, %mul3A_1448 : vector<256x2048xf32>
    %div3A_1454 = arith.divf %mul3A_1448, %sub3A_1453 : vector<256x2048xf32>
    %gt3A_1455 = arith.constant 0.699999988 : f32
    %gt3A_1456 = vector.broadcast %gt3A_1455 : f32 to vector<256x2048xf32>
    %gt3A_1457 = arith.cmpf ogt, %div3A_1454, %gt3A_1456 : vector<256x2048xf32>
    %get3A_1458 = arith.constant 0 : index
    %get3A_1459 = arith.constant 0 : index
    %get3A_1460 = vector.load %arg5[%get3A_1458, %get3A_1459] : memref<1x4096xi32, #tpu.memory_space<vmem>>, vector<1x2048xi32>
    %ne3A_1461 = arith.constant 0 : i32
    %ne3A_1462 = vector.broadcast %ne3A_1461 : i32 to vector<1x2048xi32>
    %ne3A_1463 = arith.cmpi ne, %get3A_1460, %ne3A_1462 : vector<1x2048xi32>
    %and3A_1464 = vector.broadcast %ne3A_1463 : vector<1x2048xi1> to vector<256x2048xi1>
    %and3A_1465 = arith.andi %gt3A_1457, %and3A_1464 : vector<256x2048xi1>
    %reduce_or3A_1466 = arith.constant 1.000000e+00 : f32
    %reduce_or3A_1467 = arith.constant 0.000000e+00 : f32
    %reduce_or3A_1468 = vector.broadcast %reduce_or3A_1466 : f32 to vector<256x2048xf32>
    %reduce_or3A_1469 = vector.broadcast %reduce_or3A_1467 : f32 to vector<256x2048xf32>
    %reduce_or3A_1470 = arith.select %and3A_1465, %reduce_or3A_1468, %reduce_or3A_1469 : vector<256x2048xi1>, vector<256x2048xf32>
    %reduce_or3A_1471 = arith.constant dense<0xFF800000> : vector<256xf32>
    %reduce_or3A_1472 = vector.multi_reduction <maximumf>, %reduce_or3A_1470, %reduce_or3A_1471 [1] : vector<256x2048xf32> to vector<256xf32>
    %reduce_or3A_1473 = arith.constant 0.000000e+00 : f32
    %reduce_or3A_1474 = vector.broadcast %reduce_or3A_1473 : f32 to vector<256xf32>
    %reduce_or3A_1475 = arith.cmpf ogt, %reduce_or3A_1472, %reduce_or3A_1474 : vector<256xf32>
    %broadcast_in_dim3A_1476 = vector.shape_cast %reduce_or3A_1475 : vector<256xi1> to vector<256x1xi1>
    %slice3A_1477 = vector.extract_strided_slice %min3A_71 {offsets = [0, 1792], sizes = [1, 256], strides = [1, 1]} : vector<1x4096xf32> to vector<1x256xf32>
    %slice3A_1478 = vector.extract_strided_slice %min3A_81 {offsets = [0, 1792], sizes = [1, 256], strides = [1, 1]} : vector<1x4096xf32> to vector<1x256xf32>
    %slice3A_1479 = vector.extract_strided_slice %min3A_94 {offsets = [0, 1792], sizes = [1, 256], strides = [1, 1]} : vector<1x4096xf32> to vector<1x256xf32>
    %slice3A_1480 = vector.extract_strided_slice %min3A_107 {offsets = [0, 1792], sizes = [1, 256], strides = [1, 1]} : vector<1x4096xf32> to vector<1x256xf32>
    %slice3A_1481 = vector.extract_strided_slice %mul3A_121 {offsets = [0, 1792], sizes = [1, 256], strides = [1, 1]} : vector<1x4096xf32> to vector<1x256xf32>
    %slice3A_1482 = vector.extract_strided_slice %min3A_224 {offsets = [0, 0], sizes = [1792, 1], strides = [1, 1]} : vector<4096x1xf32> to vector<1792x1xf32>
    %min3A_1483 = vector.broadcast %slice3A_1482 : vector<1792x1xf32> to vector<1792x256xf32>
    %min3A_1484 = vector.broadcast %slice3A_1479 : vector<1x256xf32> to vector<1792x256xf32>
    %min3A_1485 = arith.minimumf %min3A_1483, %min3A_1484 : vector<1792x256xf32>
    %slice3A_1486 = vector.extract_strided_slice %min3A_201 {offsets = [0, 0], sizes = [1792, 1], strides = [1, 1]} : vector<4096x1xf32> to vector<1792x1xf32>
    %max3A_1487 = vector.broadcast %slice3A_1486 : vector<1792x1xf32> to vector<1792x256xf32>
    %max3A_1488 = vector.broadcast %slice3A_1477 : vector<1x256xf32> to vector<1792x256xf32>
    %max3A_1489 = arith.maximumf %max3A_1487, %max3A_1488 : vector<1792x256xf32>
    %sub3A_1490 = arith.subf %min3A_1485, %max3A_1489 : vector<1792x256xf32>
    %add3A_1491 = arith.constant 1.000000e+00 : f32
    %add3A_1492 = vector.broadcast %add3A_1491 : f32 to vector<1792x256xf32>
    %add3A_1493 = arith.addf %sub3A_1490, %add3A_1492 : vector<1792x256xf32>
    %jit3A_1494 = arith.constant 0.000000e+00 : f32
    %max3A_1495 = vector.broadcast %jit3A_1494 : f32 to vector<1792x256xf32>
    %max3A_1496 = arith.maximumf %max3A_1495, %add3A_1493 : vector<1792x256xf32>
    %slice3A_1497 = vector.extract_strided_slice %min3A_237 {offsets = [0, 0], sizes = [1792, 1], strides = [1, 1]} : vector<4096x1xf32> to vector<1792x1xf32>
    %min3A_1498 = vector.broadcast %slice3A_1497 : vector<1792x1xf32> to vector<1792x256xf32>
    %min3A_1499 = vector.broadcast %slice3A_1480 : vector<1x256xf32> to vector<1792x256xf32>
    %min3A_1500 = arith.minimumf %min3A_1498, %min3A_1499 : vector<1792x256xf32>
    %slice3A_1501 = vector.extract_strided_slice %min3A_211 {offsets = [0, 0], sizes = [1792, 1], strides = [1, 1]} : vector<4096x1xf32> to vector<1792x1xf32>
    %max3A_1502 = vector.broadcast %slice3A_1501 : vector<1792x1xf32> to vector<1792x256xf32>
    %max3A_1503 = vector.broadcast %slice3A_1478 : vector<1x256xf32> to vector<1792x256xf32>
    %max3A_1504 = arith.maximumf %max3A_1502, %max3A_1503 : vector<1792x256xf32>
    %sub3A_1505 = arith.subf %min3A_1500, %max3A_1504 : vector<1792x256xf32>
    %add3A_1506 = arith.constant 1.000000e+00 : f32
    %add3A_1507 = vector.broadcast %add3A_1506 : f32 to vector<1792x256xf32>
    %add3A_1508 = arith.addf %sub3A_1505, %add3A_1507 : vector<1792x256xf32>
    %jit3A_1509 = arith.constant 0.000000e+00 : f32
    %max3A_1510 = vector.broadcast %jit3A_1509 : f32 to vector<1792x256xf32>
    %max3A_1511 = arith.maximumf %max3A_1510, %add3A_1508 : vector<1792x256xf32>
    %mul3A_1512 = arith.mulf %max3A_1496, %max3A_1511 : vector<1792x256xf32>
    %slice3A_1513 = vector.extract_strided_slice %mul3A_253 {offsets = [0, 0], sizes = [1792, 1], strides = [1, 1]} : vector<4096x1xf32> to vector<1792x1xf32>
    %add3A_1514 = vector.broadcast %slice3A_1513 : vector<1792x1xf32> to vector<1792x256xf32>
    %add3A_1515 = vector.broadcast %slice3A_1481 : vector<1x256xf32> to vector<1792x256xf32>
    %add3A_1516 = arith.addf %add3A_1514, %add3A_1515 : vector<1792x256xf32>
    %sub3A_1517 = arith.subf %add3A_1516, %mul3A_1512 : vector<1792x256xf32>
    %div3A_1518 = arith.divf %mul3A_1512, %sub3A_1517 : vector<1792x256xf32>
    %gt3A_1519 = arith.constant 0.699999988 : f32
    %gt3A_1520 = vector.broadcast %gt3A_1519 : f32 to vector<1792x256xf32>
    %gt3A_1521 = arith.cmpf ogt, %div3A_1518, %gt3A_1520 : vector<1792x256xf32>
    %get3A_1522 = arith.constant 0 : index
    %get3A_1523 = arith.constant 0 : index
    %get3A_1524 = vector.load %arg6[%get3A_1522, %get3A_1523] : memref<4096x1xi32, #tpu.memory_space<vmem>>, vector<1792x1xi32>
    %ne3A_1525 = arith.constant 0 : i32
    %ne3A_1526 = vector.broadcast %ne3A_1525 : i32 to vector<1792x1xi32>
    %ne3A_1527 = arith.cmpi ne, %get3A_1524, %ne3A_1526 : vector<1792x1xi32>
    %and3A_1528 = vector.broadcast %ne3A_1527 : vector<1792x1xi1> to vector<1792x256xi1>
    %and3A_1529 = arith.andi %gt3A_1521, %and3A_1528 : vector<1792x256xi1>
    %reduce_or3A_1530 = arith.constant 1.000000e+00 : f32
    %reduce_or3A_1531 = arith.constant 0.000000e+00 : f32
    %reduce_or3A_1532 = vector.broadcast %reduce_or3A_1530 : f32 to vector<1792x256xf32>
    %reduce_or3A_1533 = vector.broadcast %reduce_or3A_1531 : f32 to vector<1792x256xf32>
    %reduce_or3A_1534 = arith.select %and3A_1529, %reduce_or3A_1532, %reduce_or3A_1533 : vector<1792x256xi1>, vector<1792x256xf32>
    %reduce_or3A_1535 = arith.constant dense<0xFF800000> : vector<256xf32>
    %reduce_or3A_1536 = vector.multi_reduction <maximumf>, %reduce_or3A_1534, %reduce_or3A_1535 [0] : vector<1792x256xf32> to vector<256xf32>
    %reduce_or3A_1537 = arith.constant 0.000000e+00 : f32
    %reduce_or3A_1538 = vector.broadcast %reduce_or3A_1537 : f32 to vector<256xf32>
    %reduce_or3A_1539 = arith.cmpf ogt, %reduce_or3A_1536, %reduce_or3A_1538 : vector<256xf32>
    %broadcast_in_dim3A_1540 = vector.shape_cast %reduce_or3A_1539 : vector<256xi1> to vector<1x256xi1>
    %slice3A_1541 = vector.extract_strided_slice %and3A_252 {offsets = [1792, 0], sizes = [256, 1], strides = [1, 1]} : vector<4096x1xi1> to vector<256x1xi1>
    %not3A_1542 = arith.constant dense<true> : vector<256x1xi1>
    %not3A_1543 = arith.xori %broadcast_in_dim3A_1476, %not3A_1542 : vector<256x1xi1>
    %and3A_1544 = arith.andi %slice3A_1541, %not3A_1543 : vector<256x1xi1>
    %slice3A_1545 = vector.extract_strided_slice %and3A {offsets = [0, 1792], sizes = [1, 256], strides = [1, 1]} : vector<1x4096xi1> to vector<1x256xi1>
    %not3A_1546 = arith.constant dense<true> : vector<1x256xi1>
    %not3A_1547 = arith.xori %broadcast_in_dim3A_1540, %not3A_1546 : vector<1x256xi1>
    %and3A_1548 = arith.andi %slice3A_1545, %not3A_1547 : vector<1x256xi1>
    %slice3A_1549 = vector.extract_strided_slice %gt3A_1457 {offsets = [0, 1792], sizes = [256, 256], strides = [1, 1]} : vector<256x2048xi1> to vector<256x256xi1>
    %and3A_1550 = arith.andi %slice3A_1549, %lt3A : vector<256x256xi1>
    %slice3A_1551 = vector.extract_strided_slice %gt3A_1457 {offsets = [0, 1792], sizes = [256, 256], strides = [1, 1]} : vector<256x2048xi1> to vector<256x256xi1>
    %and3A_1552 = arith.andi %slice3A_1551, %gt3A : vector<256x256xi1>
    %convert_element_type3A_1553 = arith.extui %and3A_1544 : vector<256x1xi1> to vector<256x1xi32>
    %while3A_1554 = arith.constant 1 : i32
    %while3A_1555 = arith.constant 0 : i32
    %while3A_1556:3 = scf.while (%while3A_2986 = %convert_element_type3A_1553, %while3A_2987 = %while3A_1554, %while3A_2988 = %while3A_1555) : (vector<256x1xi32>, i32, i32) -> (vector<256x1xi32>, i32, i32) {
      %ne3A_2989 = arith.constant 0 : i32
      %ne3A_2990 = arith.cmpi ne, %while3A_2987, %ne3A_2989 : i32
      %lt3A_2991 = arith.constant 256 : i32
      %lt3A_2992 = arith.cmpi slt, %while3A_2988, %lt3A_2991 : i32
      %and3A_2993 = arith.andi %ne3A_2990, %lt3A_2992 : i1
      scf.condition(%and3A_2993) %while3A_2986, %while3A_2987, %while3A_2988 : vector<256x1xi32>, i32, i32
    } do {
    ^bb0(%while3A_2986: vector<256x1xi32>, %while3A_2987: i32, %while3A_2988: i32):
      %ne3A_2989 = arith.constant 0 : i32
      %ne3A_2990 = vector.broadcast %ne3A_2989 : i32 to vector<256x1xi32>
      %ne3A_2991 = arith.cmpi ne, %while3A_2986, %ne3A_2990 : vector<256x1xi32>
      %and3A_2992 = vector.broadcast %ne3A_2991 : vector<256x1xi1> to vector<256x256xi1>
      %and3A_2993 = arith.andi %and3A_1550, %and3A_2992 : vector<256x256xi1>
      %reduce_or3A_2994 = arith.constant 1.000000e+00 : f32
      %reduce_or3A_2995 = arith.constant 0.000000e+00 : f32
      %reduce_or3A_2996 = vector.broadcast %reduce_or3A_2994 : f32 to vector<256x256xf32>
      %reduce_or3A_2997 = vector.broadcast %reduce_or3A_2995 : f32 to vector<256x256xf32>
      %reduce_or3A_2998 = arith.select %and3A_2993, %reduce_or3A_2996, %reduce_or3A_2997 : vector<256x256xi1>, vector<256x256xf32>
      %reduce_or3A_2999 = arith.constant dense<0xFF800000> : vector<256xf32>
      %reduce_or3A_3000 = vector.multi_reduction <maximumf>, %reduce_or3A_2998, %reduce_or3A_2999 [0] : vector<256x256xf32> to vector<256xf32>
      %reduce_or3A_3001 = arith.constant 0.000000e+00 : f32
      %reduce_or3A_3002 = vector.broadcast %reduce_or3A_3001 : f32 to vector<256xf32>
      %reduce_or3A_3003 = arith.cmpf ogt, %reduce_or3A_3000, %reduce_or3A_3002 : vector<256xf32>
      %broadcast_in_dim3A_3004 = vector.shape_cast %reduce_or3A_3003 : vector<256xi1> to vector<1x256xi1>
      %not3A_3005 = arith.constant dense<true> : vector<1x256xi1>
      %not3A_3006 = arith.xori %broadcast_in_dim3A_3004, %not3A_3005 : vector<1x256xi1>
      %and3A_3007 = arith.andi %and3A_1548, %not3A_3006 : vector<1x256xi1>
      %and3A_3008 = vector.broadcast %and3A_3007 : vector<1x256xi1> to vector<256x256xi1>
      %and3A_3009 = arith.andi %and3A_1552, %and3A_3008 : vector<256x256xi1>
      %reduce_or3A_3010 = arith.constant 1.000000e+00 : f32
      %reduce_or3A_3011 = arith.constant 0.000000e+00 : f32
      %reduce_or3A_3012 = vector.broadcast %reduce_or3A_3010 : f32 to vector<256x256xf32>
      %reduce_or3A_3013 = vector.broadcast %reduce_or3A_3011 : f32 to vector<256x256xf32>
      %reduce_or3A_3014 = arith.select %and3A_3009, %reduce_or3A_3012, %reduce_or3A_3013 : vector<256x256xi1>, vector<256x256xf32>
      %reduce_or3A_3015 = arith.constant dense<0xFF800000> : vector<256xf32>
      %reduce_or3A_3016 = vector.multi_reduction <maximumf>, %reduce_or3A_3014, %reduce_or3A_3015 [1] : vector<256x256xf32> to vector<256xf32>
      %reduce_or3A_3017 = arith.constant 0.000000e+00 : f32
      %reduce_or3A_3018 = vector.broadcast %reduce_or3A_3017 : f32 to vector<256xf32>
      %reduce_or3A_3019 = arith.cmpf ogt, %reduce_or3A_3016, %reduce_or3A_3018 : vector<256xf32>
      %broadcast_in_dim3A_3020 = vector.shape_cast %reduce_or3A_3019 : vector<256xi1> to vector<256x1xi1>
      %not3A_3021 = arith.constant dense<true> : vector<256x1xi1>
      %not3A_3022 = arith.xori %broadcast_in_dim3A_3020, %not3A_3021 : vector<256x1xi1>
      %and3A_3023 = arith.andi %and3A_1544, %not3A_3022 : vector<256x1xi1>
      %ne3A_3024 = arith.xori %and3A_3023, %ne3A_2991 : vector<256x1xi1>
      %reduce_or3A_3025 = arith.constant 1.000000e+00 : f32
      %reduce_or3A_3026 = arith.constant 0.000000e+00 : f32
      %reduce_or3A_3027 = vector.broadcast %reduce_or3A_3025 : f32 to vector<256x1xf32>
      %reduce_or3A_3028 = vector.broadcast %reduce_or3A_3026 : f32 to vector<256x1xf32>
      %reduce_or3A_3029 = arith.select %ne3A_3024, %reduce_or3A_3027, %reduce_or3A_3028 : vector<256x1xi1>, vector<256x1xf32>
      %reduce_or3A_3030 = vector.shape_cast %reduce_or3A_3029 : vector<256x1xf32> to vector<1x256x1xf32>
      %reduce_or3A_3031 = arith.constant dense<0xFF800000> : vector<1xf32>
      %reduce_or3A_3032 = vector.multi_reduction <maximumf>, %reduce_or3A_3030, %reduce_or3A_3031 [1, 2] : vector<1x256x1xf32> to vector<1xf32>
      %reduce_or3A_3033 = vector.shape_cast %reduce_or3A_3032 : vector<1xf32> to vector<1x1x1xf32>
      %reduce_or3A_3034 = vector.extract %reduce_or3A_3033[0, 0, 0] : f32 from vector<1x1x1xf32>
      %reduce_or3A_3035 = arith.constant 0.000000e+00 : f32
      %reduce_or3A_3036 = arith.cmpf ogt, %reduce_or3A_3034, %reduce_or3A_3035 : f32
      %convert_element_type3A_3037 = arith.extui %reduce_or3A_3036 : i1 to i32
      %convert_element_type3A_3038 = arith.extui %and3A_3023 : vector<256x1xi1> to vector<256x1xi32>
      %add3A_3039 = arith.constant 1 : i32
      %add3A_3040 = arith.addi %while3A_2988, %add3A_3039 : i32
      scf.yield %convert_element_type3A_3038, %convert_element_type3A_3037, %add3A_3040 : vector<256x1xi32>, i32, i32
    }
    %ne3A_1557 = arith.constant 0 : i32
    %ne3A_1558 = vector.broadcast %ne3A_1557 : i32 to vector<256x1xi32>
    %ne3A_1559 = arith.cmpi ne, %while3A_1556#0, %ne3A_1558 : vector<256x1xi32>
    %and3A_1560 = vector.broadcast %ne3A_1559 : vector<256x1xi1> to vector<256x256xi1>
    %and3A_1561 = arith.andi %and3A_1550, %and3A_1560 : vector<256x256xi1>
    %reduce_or3A_1562 = arith.constant 1.000000e+00 : f32
    %reduce_or3A_1563 = arith.constant 0.000000e+00 : f32
    %reduce_or3A_1564 = vector.broadcast %reduce_or3A_1562 : f32 to vector<256x256xf32>
    %reduce_or3A_1565 = vector.broadcast %reduce_or3A_1563 : f32 to vector<256x256xf32>
    %reduce_or3A_1566 = arith.select %and3A_1561, %reduce_or3A_1564, %reduce_or3A_1565 : vector<256x256xi1>, vector<256x256xf32>
    %reduce_or3A_1567 = arith.constant dense<0xFF800000> : vector<256xf32>
    %reduce_or3A_1568 = vector.multi_reduction <maximumf>, %reduce_or3A_1566, %reduce_or3A_1567 [0] : vector<256x256xf32> to vector<256xf32>
    %reduce_or3A_1569 = arith.constant 0.000000e+00 : f32
    %reduce_or3A_1570 = vector.broadcast %reduce_or3A_1569 : f32 to vector<256xf32>
    %reduce_or3A_1571 = arith.cmpf ogt, %reduce_or3A_1568, %reduce_or3A_1570 : vector<256xf32>
    %broadcast_in_dim3A_1572 = vector.shape_cast %reduce_or3A_1571 : vector<256xi1> to vector<1x256xi1>
    %not3A_1573 = arith.constant dense<true> : vector<1x256xi1>
    %not3A_1574 = arith.xori %broadcast_in_dim3A_1572, %not3A_1573 : vector<1x256xi1>
    %and3A_1575 = arith.andi %and3A_1548, %not3A_1574 : vector<1x256xi1>
    %convert_element_type3A_1576 = arith.extui %and3A_1575 : vector<1x256xi1> to vector<1x256xi32>
    %swap3A_1577 = arith.constant 0 : index
    %swap3A_1578 = arith.constant 1792 : index
    %swap3A_1579 = vector.load %arg5[%swap3A_1577, %swap3A_1578] : memref<1x4096xi32, #tpu.memory_space<vmem>>, vector<1x256xi32>
    tpu.vector_store %arg5[%swap3A_1577, %swap3A_1578], %convert_element_type3A_1576 {strides = array<i32>} : memref<1x4096xi32, #tpu.memory_space<vmem>>, vector<1x256xi32>,
    %convert_element_type3A_1580 = arith.extui %ne3A_1559 : vector<256x1xi1> to vector<256x1xi32>
    %swap3A_1581 = arith.constant 1792 : index
    %swap3A_1582 = arith.constant 0 : index
    %swap3A_1583 = vector.load %arg6[%swap3A_1581, %swap3A_1582] : memref<4096x1xi32, #tpu.memory_space<vmem>>, vector<256x1xi32>
    tpu.vector_store %arg6[%swap3A_1581, %swap3A_1582], %convert_element_type3A_1580 {strides = array<i32>} : memref<4096x1xi32, #tpu.memory_space<vmem>>, vector<256x1xi32>,
    %slice3A_1584 = vector.extract_strided_slice %min3A_201 {offsets = [2048, 0], sizes = [256, 1], strides = [1, 1]} : vector<4096x1xf32> to vector<256x1xf32>
    %slice3A_1585 = vector.extract_strided_slice %min3A_211 {offsets = [2048, 0], sizes = [256, 1], strides = [1, 1]} : vector<4096x1xf32> to vector<256x1xf32>
    %slice3A_1586 = vector.extract_strided_slice %min3A_224 {offsets = [2048, 0], sizes = [256, 1], strides = [1, 1]} : vector<4096x1xf32> to vector<256x1xf32>
    %slice3A_1587 = vector.extract_strided_slice %min3A_237 {offsets = [2048, 0], sizes = [256, 1], strides = [1, 1]} : vector<4096x1xf32> to vector<256x1xf32>
    %slice3A_1588 = vector.extract_strided_slice %mul3A_253 {offsets = [2048, 0], sizes = [256, 1], strides = [1, 1]} : vector<4096x1xf32> to vector<256x1xf32>
    %slice3A_1589 = vector.extract_strided_slice %min3A_94 {offsets = [0, 0], sizes = [1, 2304], strides = [1, 1]} : vector<1x4096xf32> to vector<1x2304xf32>
    %min3A_1590 = vector.broadcast %slice3A_1586 : vector<256x1xf32> to vector<256x2304xf32>
    %min3A_1591 = vector.broadcast %slice3A_1589 : vector<1x2304xf32> to vector<256x2304xf32>
    %min3A_1592 = arith.minimumf %min3A_1590, %min3A_1591 : vector<256x2304xf32>
    %slice3A_1593 = vector.extract_strided_slice %min3A_71 {offsets = [0, 0], sizes = [1, 2304], strides = [1, 1]} : vector<1x4096xf32> to vector<1x2304xf32>
    %max3A_1594 = vector.broadcast %slice3A_1584 : vector<256x1xf32> to vector<256x2304xf32>
    %max3A_1595 = vector.broadcast %slice3A_1593 : vector<1x2304xf32> to vector<256x2304xf32>
    %max3A_1596 = arith.maximumf %max3A_1594, %max3A_1595 : vector<256x2304xf32>
    %sub3A_1597 = arith.subf %min3A_1592, %max3A_1596 : vector<256x2304xf32>
    %add3A_1598 = arith.constant 1.000000e+00 : f32
    %add3A_1599 = vector.broadcast %add3A_1598 : f32 to vector<256x2304xf32>
    %add3A_1600 = arith.addf %sub3A_1597, %add3A_1599 : vector<256x2304xf32>
    %jit3A_1601 = arith.constant 0.000000e+00 : f32
    %max3A_1602 = vector.broadcast %jit3A_1601 : f32 to vector<256x2304xf32>
    %max3A_1603 = arith.maximumf %max3A_1602, %add3A_1600 : vector<256x2304xf32>
    %slice3A_1604 = vector.extract_strided_slice %min3A_107 {offsets = [0, 0], sizes = [1, 2304], strides = [1, 1]} : vector<1x4096xf32> to vector<1x2304xf32>
    %min3A_1605 = vector.broadcast %slice3A_1587 : vector<256x1xf32> to vector<256x2304xf32>
    %min3A_1606 = vector.broadcast %slice3A_1604 : vector<1x2304xf32> to vector<256x2304xf32>
    %min3A_1607 = arith.minimumf %min3A_1605, %min3A_1606 : vector<256x2304xf32>
    %slice3A_1608 = vector.extract_strided_slice %min3A_81 {offsets = [0, 0], sizes = [1, 2304], strides = [1, 1]} : vector<1x4096xf32> to vector<1x2304xf32>
    %max3A_1609 = vector.broadcast %slice3A_1585 : vector<256x1xf32> to vector<256x2304xf32>
    %max3A_1610 = vector.broadcast %slice3A_1608 : vector<1x2304xf32> to vector<256x2304xf32>
    %max3A_1611 = arith.maximumf %max3A_1609, %max3A_1610 : vector<256x2304xf32>
    %sub3A_1612 = arith.subf %min3A_1607, %max3A_1611 : vector<256x2304xf32>
    %add3A_1613 = arith.constant 1.000000e+00 : f32
    %add3A_1614 = vector.broadcast %add3A_1613 : f32 to vector<256x2304xf32>
    %add3A_1615 = arith.addf %sub3A_1612, %add3A_1614 : vector<256x2304xf32>
    %jit3A_1616 = arith.constant 0.000000e+00 : f32
    %max3A_1617 = vector.broadcast %jit3A_1616 : f32 to vector<256x2304xf32>
    %max3A_1618 = arith.maximumf %max3A_1617, %add3A_1615 : vector<256x2304xf32>
    %mul3A_1619 = arith.mulf %max3A_1603, %max3A_1618 : vector<256x2304xf32>
    %slice3A_1620 = vector.extract_strided_slice %mul3A_121 {offsets = [0, 0], sizes = [1, 2304], strides = [1, 1]} : vector<1x4096xf32> to vector<1x2304xf32>
    %add3A_1621 = vector.broadcast %slice3A_1588 : vector<256x1xf32> to vector<256x2304xf32>
    %add3A_1622 = vector.broadcast %slice3A_1620 : vector<1x2304xf32> to vector<256x2304xf32>
    %add3A_1623 = arith.addf %add3A_1621, %add3A_1622 : vector<256x2304xf32>
    %sub3A_1624 = arith.subf %add3A_1623, %mul3A_1619 : vector<256x2304xf32>
    %div3A_1625 = arith.divf %mul3A_1619, %sub3A_1624 : vector<256x2304xf32>
    %gt3A_1626 = arith.constant 0.699999988 : f32
    %gt3A_1627 = vector.broadcast %gt3A_1626 : f32 to vector<256x2304xf32>
    %gt3A_1628 = arith.cmpf ogt, %div3A_1625, %gt3A_1627 : vector<256x2304xf32>
    %get3A_1629 = arith.constant 0 : index
    %get3A_1630 = arith.constant 0 : index
    %get3A_1631 = vector.load %arg5[%get3A_1629, %get3A_1630] : memref<1x4096xi32, #tpu.memory_space<vmem>>, vector<1x2304xi32>
    %ne3A_1632 = arith.constant 0 : i32
    %ne3A_1633 = vector.broadcast %ne3A_1632 : i32 to vector<1x2304xi32>
    %ne3A_1634 = arith.cmpi ne, %get3A_1631, %ne3A_1633 : vector<1x2304xi32>
    %and3A_1635 = vector.broadcast %ne3A_1634 : vector<1x2304xi1> to vector<256x2304xi1>
    %and3A_1636 = arith.andi %gt3A_1628, %and3A_1635 : vector<256x2304xi1>
    %reduce_or3A_1637 = arith.constant 1.000000e+00 : f32
    %reduce_or3A_1638 = arith.constant 0.000000e+00 : f32
    %reduce_or3A_1639 = vector.broadcast %reduce_or3A_1637 : f32 to vector<256x2304xf32>
    %reduce_or3A_1640 = vector.broadcast %reduce_or3A_1638 : f32 to vector<256x2304xf32>
    %reduce_or3A_1641 = arith.select %and3A_1636, %reduce_or3A_1639, %reduce_or3A_1640 : vector<256x2304xi1>, vector<256x2304xf32>
    %reduce_or3A_1642 = arith.constant dense<0xFF800000> : vector<256xf32>
    %reduce_or3A_1643 = vector.multi_reduction <maximumf>, %reduce_or3A_1641, %reduce_or3A_1642 [1] : vector<256x2304xf32> to vector<256xf32>
    %reduce_or3A_1644 = arith.constant 0.000000e+00 : f32
    %reduce_or3A_1645 = vector.broadcast %reduce_or3A_1644 : f32 to vector<256xf32>
    %reduce_or3A_1646 = arith.cmpf ogt, %reduce_or3A_1643, %reduce_or3A_1645 : vector<256xf32>
    %broadcast_in_dim3A_1647 = vector.shape_cast %reduce_or3A_1646 : vector<256xi1> to vector<256x1xi1>
    %slice3A_1648 = vector.extract_strided_slice %min3A_71 {offsets = [0, 2048], sizes = [1, 256], strides = [1, 1]} : vector<1x4096xf32> to vector<1x256xf32>
    %slice3A_1649 = vector.extract_strided_slice %min3A_81 {offsets = [0, 2048], sizes = [1, 256], strides = [1, 1]} : vector<1x4096xf32> to vector<1x256xf32>
    %slice3A_1650 = vector.extract_strided_slice %min3A_94 {offsets = [0, 2048], sizes = [1, 256], strides = [1, 1]} : vector<1x4096xf32> to vector<1x256xf32>
    %slice3A_1651 = vector.extract_strided_slice %min3A_107 {offsets = [0, 2048], sizes = [1, 256], strides = [1, 1]} : vector<1x4096xf32> to vector<1x256xf32>
    %slice3A_1652 = vector.extract_strided_slice %mul3A_121 {offsets = [0, 2048], sizes = [1, 256], strides = [1, 1]} : vector<1x4096xf32> to vector<1x256xf32>
    %slice3A_1653 = vector.extract_strided_slice %min3A_224 {offsets = [0, 0], sizes = [2048, 1], strides = [1, 1]} : vector<4096x1xf32> to vector<2048x1xf32>
    %min3A_1654 = vector.broadcast %slice3A_1653 : vector<2048x1xf32> to vector<2048x256xf32>
    %min3A_1655 = vector.broadcast %slice3A_1650 : vector<1x256xf32> to vector<2048x256xf32>
    %min3A_1656 = arith.minimumf %min3A_1654, %min3A_1655 : vector<2048x256xf32>
    %slice3A_1657 = vector.extract_strided_slice %min3A_201 {offsets = [0, 0], sizes = [2048, 1], strides = [1, 1]} : vector<4096x1xf32> to vector<2048x1xf32>
    %max3A_1658 = vector.broadcast %slice3A_1657 : vector<2048x1xf32> to vector<2048x256xf32>
    %max3A_1659 = vector.broadcast %slice3A_1648 : vector<1x256xf32> to vector<2048x256xf32>
    %max3A_1660 = arith.maximumf %max3A_1658, %max3A_1659 : vector<2048x256xf32>
    %sub3A_1661 = arith.subf %min3A_1656, %max3A_1660 : vector<2048x256xf32>
    %add3A_1662 = arith.constant 1.000000e+00 : f32
    %add3A_1663 = vector.broadcast %add3A_1662 : f32 to vector<2048x256xf32>
    %add3A_1664 = arith.addf %sub3A_1661, %add3A_1663 : vector<2048x256xf32>
    %jit3A_1665 = arith.constant 0.000000e+00 : f32
    %max3A_1666 = vector.broadcast %jit3A_1665 : f32 to vector<2048x256xf32>
    %max3A_1667 = arith.maximumf %max3A_1666, %add3A_1664 : vector<2048x256xf32>
    %slice3A_1668 = vector.extract_strided_slice %min3A_237 {offsets = [0, 0], sizes = [2048, 1], strides = [1, 1]} : vector<4096x1xf32> to vector<2048x1xf32>
    %min3A_1669 = vector.broadcast %slice3A_1668 : vector<2048x1xf32> to vector<2048x256xf32>
    %min3A_1670 = vector.broadcast %slice3A_1651 : vector<1x256xf32> to vector<2048x256xf32>
    %min3A_1671 = arith.minimumf %min3A_1669, %min3A_1670 : vector<2048x256xf32>
    %slice3A_1672 = vector.extract_strided_slice %min3A_211 {offsets = [0, 0], sizes = [2048, 1], strides = [1, 1]} : vector<4096x1xf32> to vector<2048x1xf32>
    %max3A_1673 = vector.broadcast %slice3A_1672 : vector<2048x1xf32> to vector<2048x256xf32>
    %max3A_1674 = vector.broadcast %slice3A_1649 : vector<1x256xf32> to vector<2048x256xf32>
    %max3A_1675 = arith.maximumf %max3A_1673, %max3A_1674 : vector<2048x256xf32>
    %sub3A_1676 = arith.subf %min3A_1671, %max3A_1675 : vector<2048x256xf32>
    %add3A_1677 = arith.constant 1.000000e+00 : f32
    %add3A_1678 = vector.broadcast %add3A_1677 : f32 to vector<2048x256xf32>
    %add3A_1679 = arith.addf %sub3A_1676, %add3A_1678 : vector<2048x256xf32>
    %jit3A_1680 = arith.constant 0.000000e+00 : f32
    %max3A_1681 = vector.broadcast %jit3A_1680 : f32 to vector<2048x256xf32>
    %max3A_1682 = arith.maximumf %max3A_1681, %add3A_1679 : vector<2048x256xf32>
    %mul3A_1683 = arith.mulf %max3A_1667, %max3A_1682 : vector<2048x256xf32>
    %slice3A_1684 = vector.extract_strided_slice %mul3A_253 {offsets = [0, 0], sizes = [2048, 1], strides = [1, 1]} : vector<4096x1xf32> to vector<2048x1xf32>
    %add3A_1685 = vector.broadcast %slice3A_1684 : vector<2048x1xf32> to vector<2048x256xf32>
    %add3A_1686 = vector.broadcast %slice3A_1652 : vector<1x256xf32> to vector<2048x256xf32>
    %add3A_1687 = arith.addf %add3A_1685, %add3A_1686 : vector<2048x256xf32>
    %sub3A_1688 = arith.subf %add3A_1687, %mul3A_1683 : vector<2048x256xf32>
    %div3A_1689 = arith.divf %mul3A_1683, %sub3A_1688 : vector<2048x256xf32>
    %gt3A_1690 = arith.constant 0.699999988 : f32
    %gt3A_1691 = vector.broadcast %gt3A_1690 : f32 to vector<2048x256xf32>
    %gt3A_1692 = arith.cmpf ogt, %div3A_1689, %gt3A_1691 : vector<2048x256xf32>
    %get3A_1693 = arith.constant 0 : index
    %get3A_1694 = arith.constant 0 : index
    %get3A_1695 = vector.load %arg6[%get3A_1693, %get3A_1694] : memref<4096x1xi32, #tpu.memory_space<vmem>>, vector<2048x1xi32>
    %ne3A_1696 = arith.constant 0 : i32
    %ne3A_1697 = vector.broadcast %ne3A_1696 : i32 to vector<2048x1xi32>
    %ne3A_1698 = arith.cmpi ne, %get3A_1695, %ne3A_1697 : vector<2048x1xi32>
    %and3A_1699 = vector.broadcast %ne3A_1698 : vector<2048x1xi1> to vector<2048x256xi1>
    %and3A_1700 = arith.andi %gt3A_1692, %and3A_1699 : vector<2048x256xi1>
    %reduce_or3A_1701 = arith.constant 1.000000e+00 : f32
    %reduce_or3A_1702 = arith.constant 0.000000e+00 : f32
    %reduce_or3A_1703 = vector.broadcast %reduce_or3A_1701 : f32 to vector<2048x256xf32>
    %reduce_or3A_1704 = vector.broadcast %reduce_or3A_1702 : f32 to vector<2048x256xf32>
    %reduce_or3A_1705 = arith.select %and3A_1700, %reduce_or3A_1703, %reduce_or3A_1704 : vector<2048x256xi1>, vector<2048x256xf32>
    %reduce_or3A_1706 = arith.constant dense<0xFF800000> : vector<256xf32>
    %reduce_or3A_1707 = vector.multi_reduction <maximumf>, %reduce_or3A_1705, %reduce_or3A_1706 [0] : vector<2048x256xf32> to vector<256xf32>
    %reduce_or3A_1708 = arith.constant 0.000000e+00 : f32
    %reduce_or3A_1709 = vector.broadcast %reduce_or3A_1708 : f32 to vector<256xf32>
    %reduce_or3A_1710 = arith.cmpf ogt, %reduce_or3A_1707, %reduce_or3A_1709 : vector<256xf32>
    %broadcast_in_dim3A_1711 = vector.shape_cast %reduce_or3A_1710 : vector<256xi1> to vector<1x256xi1>
    %slice3A_1712 = vector.extract_strided_slice %and3A_252 {offsets = [2048, 0], sizes = [256, 1], strides = [1, 1]} : vector<4096x1xi1> to vector<256x1xi1>
    %not3A_1713 = arith.constant dense<true> : vector<256x1xi1>
    %not3A_1714 = arith.xori %broadcast_in_dim3A_1647, %not3A_1713 : vector<256x1xi1>
    %and3A_1715 = arith.andi %slice3A_1712, %not3A_1714 : vector<256x1xi1>
    %slice3A_1716 = vector.extract_strided_slice %and3A {offsets = [0, 2048], sizes = [1, 256], strides = [1, 1]} : vector<1x4096xi1> to vector<1x256xi1>
    %not3A_1717 = arith.constant dense<true> : vector<1x256xi1>
    %not3A_1718 = arith.xori %broadcast_in_dim3A_1711, %not3A_1717 : vector<1x256xi1>
    %and3A_1719 = arith.andi %slice3A_1716, %not3A_1718 : vector<1x256xi1>
    %slice3A_1720 = vector.extract_strided_slice %gt3A_1628 {offsets = [0, 2048], sizes = [256, 256], strides = [1, 1]} : vector<256x2304xi1> to vector<256x256xi1>
    %and3A_1721 = arith.andi %slice3A_1720, %lt3A : vector<256x256xi1>
    %slice3A_1722 = vector.extract_strided_slice %gt3A_1628 {offsets = [0, 2048], sizes = [256, 256], strides = [1, 1]} : vector<256x2304xi1> to vector<256x256xi1>
    %and3A_1723 = arith.andi %slice3A_1722, %gt3A : vector<256x256xi1>
    %convert_element_type3A_1724 = arith.extui %and3A_1715 : vector<256x1xi1> to vector<256x1xi32>
    %while3A_1725 = arith.constant 1 : i32
    %while3A_1726 = arith.constant 0 : i32
    %while3A_1727:3 = scf.while (%while3A_2986 = %convert_element_type3A_1724, %while3A_2987 = %while3A_1725, %while3A_2988 = %while3A_1726) : (vector<256x1xi32>, i32, i32) -> (vector<256x1xi32>, i32, i32) {
      %ne3A_2989 = arith.constant 0 : i32
      %ne3A_2990 = arith.cmpi ne, %while3A_2987, %ne3A_2989 : i32
      %lt3A_2991 = arith.constant 256 : i32
      %lt3A_2992 = arith.cmpi slt, %while3A_2988, %lt3A_2991 : i32
      %and3A_2993 = arith.andi %ne3A_2990, %lt3A_2992 : i1
      scf.condition(%and3A_2993) %while3A_2986, %while3A_2987, %while3A_2988 : vector<256x1xi32>, i32, i32
    } do {
    ^bb0(%while3A_2986: vector<256x1xi32>, %while3A_2987: i32, %while3A_2988: i32):
      %ne3A_2989 = arith.constant 0 : i32
      %ne3A_2990 = vector.broadcast %ne3A_2989 : i32 to vector<256x1xi32>
      %ne3A_2991 = arith.cmpi ne, %while3A_2986, %ne3A_2990 : vector<256x1xi32>
      %and3A_2992 = vector.broadcast %ne3A_2991 : vector<256x1xi1> to vector<256x256xi1>
      %and3A_2993 = arith.andi %and3A_1721, %and3A_2992 : vector<256x256xi1>
      %reduce_or3A_2994 = arith.constant 1.000000e+00 : f32
      %reduce_or3A_2995 = arith.constant 0.000000e+00 : f32
      %reduce_or3A_2996 = vector.broadcast %reduce_or3A_2994 : f32 to vector<256x256xf32>
      %reduce_or3A_2997 = vector.broadcast %reduce_or3A_2995 : f32 to vector<256x256xf32>
      %reduce_or3A_2998 = arith.select %and3A_2993, %reduce_or3A_2996, %reduce_or3A_2997 : vector<256x256xi1>, vector<256x256xf32>
      %reduce_or3A_2999 = arith.constant dense<0xFF800000> : vector<256xf32>
      %reduce_or3A_3000 = vector.multi_reduction <maximumf>, %reduce_or3A_2998, %reduce_or3A_2999 [0] : vector<256x256xf32> to vector<256xf32>
      %reduce_or3A_3001 = arith.constant 0.000000e+00 : f32
      %reduce_or3A_3002 = vector.broadcast %reduce_or3A_3001 : f32 to vector<256xf32>
      %reduce_or3A_3003 = arith.cmpf ogt, %reduce_or3A_3000, %reduce_or3A_3002 : vector<256xf32>
      %broadcast_in_dim3A_3004 = vector.shape_cast %reduce_or3A_3003 : vector<256xi1> to vector<1x256xi1>
      %not3A_3005 = arith.constant dense<true> : vector<1x256xi1>
      %not3A_3006 = arith.xori %broadcast_in_dim3A_3004, %not3A_3005 : vector<1x256xi1>
      %and3A_3007 = arith.andi %and3A_1719, %not3A_3006 : vector<1x256xi1>
      %and3A_3008 = vector.broadcast %and3A_3007 : vector<1x256xi1> to vector<256x256xi1>
      %and3A_3009 = arith.andi %and3A_1723, %and3A_3008 : vector<256x256xi1>
      %reduce_or3A_3010 = arith.constant 1.000000e+00 : f32
      %reduce_or3A_3011 = arith.constant 0.000000e+00 : f32
      %reduce_or3A_3012 = vector.broadcast %reduce_or3A_3010 : f32 to vector<256x256xf32>
      %reduce_or3A_3013 = vector.broadcast %reduce_or3A_3011 : f32 to vector<256x256xf32>
      %reduce_or3A_3014 = arith.select %and3A_3009, %reduce_or3A_3012, %reduce_or3A_3013 : vector<256x256xi1>, vector<256x256xf32>
      %reduce_or3A_3015 = arith.constant dense<0xFF800000> : vector<256xf32>
      %reduce_or3A_3016 = vector.multi_reduction <maximumf>, %reduce_or3A_3014, %reduce_or3A_3015 [1] : vector<256x256xf32> to vector<256xf32>
      %reduce_or3A_3017 = arith.constant 0.000000e+00 : f32
      %reduce_or3A_3018 = vector.broadcast %reduce_or3A_3017 : f32 to vector<256xf32>
      %reduce_or3A_3019 = arith.cmpf ogt, %reduce_or3A_3016, %reduce_or3A_3018 : vector<256xf32>
      %broadcast_in_dim3A_3020 = vector.shape_cast %reduce_or3A_3019 : vector<256xi1> to vector<256x1xi1>
      %not3A_3021 = arith.constant dense<true> : vector<256x1xi1>
      %not3A_3022 = arith.xori %broadcast_in_dim3A_3020, %not3A_3021 : vector<256x1xi1>
      %and3A_3023 = arith.andi %and3A_1715, %not3A_3022 : vector<256x1xi1>
      %ne3A_3024 = arith.xori %and3A_3023, %ne3A_2991 : vector<256x1xi1>
      %reduce_or3A_3025 = arith.constant 1.000000e+00 : f32
      %reduce_or3A_3026 = arith.constant 0.000000e+00 : f32
      %reduce_or3A_3027 = vector.broadcast %reduce_or3A_3025 : f32 to vector<256x1xf32>
      %reduce_or3A_3028 = vector.broadcast %reduce_or3A_3026 : f32 to vector<256x1xf32>
      %reduce_or3A_3029 = arith.select %ne3A_3024, %reduce_or3A_3027, %reduce_or3A_3028 : vector<256x1xi1>, vector<256x1xf32>
      %reduce_or3A_3030 = vector.shape_cast %reduce_or3A_3029 : vector<256x1xf32> to vector<1x256x1xf32>
      %reduce_or3A_3031 = arith.constant dense<0xFF800000> : vector<1xf32>
      %reduce_or3A_3032 = vector.multi_reduction <maximumf>, %reduce_or3A_3030, %reduce_or3A_3031 [1, 2] : vector<1x256x1xf32> to vector<1xf32>
      %reduce_or3A_3033 = vector.shape_cast %reduce_or3A_3032 : vector<1xf32> to vector<1x1x1xf32>
      %reduce_or3A_3034 = vector.extract %reduce_or3A_3033[0, 0, 0] : f32 from vector<1x1x1xf32>
      %reduce_or3A_3035 = arith.constant 0.000000e+00 : f32
      %reduce_or3A_3036 = arith.cmpf ogt, %reduce_or3A_3034, %reduce_or3A_3035 : f32
      %convert_element_type3A_3037 = arith.extui %reduce_or3A_3036 : i1 to i32
      %convert_element_type3A_3038 = arith.extui %and3A_3023 : vector<256x1xi1> to vector<256x1xi32>
      %add3A_3039 = arith.constant 1 : i32
      %add3A_3040 = arith.addi %while3A_2988, %add3A_3039 : i32
      scf.yield %convert_element_type3A_3038, %convert_element_type3A_3037, %add3A_3040 : vector<256x1xi32>, i32, i32
    }
    %ne3A_1728 = arith.constant 0 : i32
    %ne3A_1729 = vector.broadcast %ne3A_1728 : i32 to vector<256x1xi32>
    %ne3A_1730 = arith.cmpi ne, %while3A_1727#0, %ne3A_1729 : vector<256x1xi32>
    %and3A_1731 = vector.broadcast %ne3A_1730 : vector<256x1xi1> to vector<256x256xi1>
    %and3A_1732 = arith.andi %and3A_1721, %and3A_1731 : vector<256x256xi1>
    %reduce_or3A_1733 = arith.constant 1.000000e+00 : f32
    %reduce_or3A_1734 = arith.constant 0.000000e+00 : f32
    %reduce_or3A_1735 = vector.broadcast %reduce_or3A_1733 : f32 to vector<256x256xf32>
    %reduce_or3A_1736 = vector.broadcast %reduce_or3A_1734 : f32 to vector<256x256xf32>
    %reduce_or3A_1737 = arith.select %and3A_1732, %reduce_or3A_1735, %reduce_or3A_1736 : vector<256x256xi1>, vector<256x256xf32>
    %reduce_or3A_1738 = arith.constant dense<0xFF800000> : vector<256xf32>
    %reduce_or3A_1739 = vector.multi_reduction <maximumf>, %reduce_or3A_1737, %reduce_or3A_1738 [0] : vector<256x256xf32> to vector<256xf32>
    %reduce_or3A_1740 = arith.constant 0.000000e+00 : f32
    %reduce_or3A_1741 = vector.broadcast %reduce_or3A_1740 : f32 to vector<256xf32>
    %reduce_or3A_1742 = arith.cmpf ogt, %reduce_or3A_1739, %reduce_or3A_1741 : vector<256xf32>
    %broadcast_in_dim3A_1743 = vector.shape_cast %reduce_or3A_1742 : vector<256xi1> to vector<1x256xi1>
    %not3A_1744 = arith.constant dense<true> : vector<1x256xi1>
    %not3A_1745 = arith.xori %broadcast_in_dim3A_1743, %not3A_1744 : vector<1x256xi1>
    %and3A_1746 = arith.andi %and3A_1719, %not3A_1745 : vector<1x256xi1>
    %convert_element_type3A_1747 = arith.extui %and3A_1746 : vector<1x256xi1> to vector<1x256xi32>
    %swap3A_1748 = arith.constant 0 : index
    %swap3A_1749 = arith.constant 2048 : index
    %swap3A_1750 = vector.load %arg5[%swap3A_1748, %swap3A_1749] : memref<1x4096xi32, #tpu.memory_space<vmem>>, vector<1x256xi32>
    tpu.vector_store %arg5[%swap3A_1748, %swap3A_1749], %convert_element_type3A_1747 {strides = array<i32>} : memref<1x4096xi32, #tpu.memory_space<vmem>>, vector<1x256xi32>,
    %convert_element_type3A_1751 = arith.extui %ne3A_1730 : vector<256x1xi1> to vector<256x1xi32>
    %swap3A_1752 = arith.constant 2048 : index
    %swap3A_1753 = arith.constant 0 : index
    %swap3A_1754 = vector.load %arg6[%swap3A_1752, %swap3A_1753] : memref<4096x1xi32, #tpu.memory_space<vmem>>, vector<256x1xi32>
    tpu.vector_store %arg6[%swap3A_1752, %swap3A_1753], %convert_element_type3A_1751 {strides = array<i32>} : memref<4096x1xi32, #tpu.memory_space<vmem>>, vector<256x1xi32>,
    %slice3A_1755 = vector.extract_strided_slice %min3A_201 {offsets = [2304, 0], sizes = [256, 1], strides = [1, 1]} : vector<4096x1xf32> to vector<256x1xf32>
    %slice3A_1756 = vector.extract_strided_slice %min3A_211 {offsets = [2304, 0], sizes = [256, 1], strides = [1, 1]} : vector<4096x1xf32> to vector<256x1xf32>
    %slice3A_1757 = vector.extract_strided_slice %min3A_224 {offsets = [2304, 0], sizes = [256, 1], strides = [1, 1]} : vector<4096x1xf32> to vector<256x1xf32>
    %slice3A_1758 = vector.extract_strided_slice %min3A_237 {offsets = [2304, 0], sizes = [256, 1], strides = [1, 1]} : vector<4096x1xf32> to vector<256x1xf32>
    %slice3A_1759 = vector.extract_strided_slice %mul3A_253 {offsets = [2304, 0], sizes = [256, 1], strides = [1, 1]} : vector<4096x1xf32> to vector<256x1xf32>
    %slice3A_1760 = vector.extract_strided_slice %min3A_94 {offsets = [0, 0], sizes = [1, 2560], strides = [1, 1]} : vector<1x4096xf32> to vector<1x2560xf32>
    %min3A_1761 = vector.broadcast %slice3A_1757 : vector<256x1xf32> to vector<256x2560xf32>
    %min3A_1762 = vector.broadcast %slice3A_1760 : vector<1x2560xf32> to vector<256x2560xf32>
    %min3A_1763 = arith.minimumf %min3A_1761, %min3A_1762 : vector<256x2560xf32>
    %slice3A_1764 = vector.extract_strided_slice %min3A_71 {offsets = [0, 0], sizes = [1, 2560], strides = [1, 1]} : vector<1x4096xf32> to vector<1x2560xf32>
    %max3A_1765 = vector.broadcast %slice3A_1755 : vector<256x1xf32> to vector<256x2560xf32>
    %max3A_1766 = vector.broadcast %slice3A_1764 : vector<1x2560xf32> to vector<256x2560xf32>
    %max3A_1767 = arith.maximumf %max3A_1765, %max3A_1766 : vector<256x2560xf32>
    %sub3A_1768 = arith.subf %min3A_1763, %max3A_1767 : vector<256x2560xf32>
    %add3A_1769 = arith.constant 1.000000e+00 : f32
    %add3A_1770 = vector.broadcast %add3A_1769 : f32 to vector<256x2560xf32>
    %add3A_1771 = arith.addf %sub3A_1768, %add3A_1770 : vector<256x2560xf32>
    %jit3A_1772 = arith.constant 0.000000e+00 : f32
    %max3A_1773 = vector.broadcast %jit3A_1772 : f32 to vector<256x2560xf32>
    %max3A_1774 = arith.maximumf %max3A_1773, %add3A_1771 : vector<256x2560xf32>
    %slice3A_1775 = vector.extract_strided_slice %min3A_107 {offsets = [0, 0], sizes = [1, 2560], strides = [1, 1]} : vector<1x4096xf32> to vector<1x2560xf32>
    %min3A_1776 = vector.broadcast %slice3A_1758 : vector<256x1xf32> to vector<256x2560xf32>
    %min3A_1777 = vector.broadcast %slice3A_1775 : vector<1x2560xf32> to vector<256x2560xf32>
    %min3A_1778 = arith.minimumf %min3A_1776, %min3A_1777 : vector<256x2560xf32>
    %slice3A_1779 = vector.extract_strided_slice %min3A_81 {offsets = [0, 0], sizes = [1, 2560], strides = [1, 1]} : vector<1x4096xf32> to vector<1x2560xf32>
    %max3A_1780 = vector.broadcast %slice3A_1756 : vector<256x1xf32> to vector<256x2560xf32>
    %max3A_1781 = vector.broadcast %slice3A_1779 : vector<1x2560xf32> to vector<256x2560xf32>
    %max3A_1782 = arith.maximumf %max3A_1780, %max3A_1781 : vector<256x2560xf32>
    %sub3A_1783 = arith.subf %min3A_1778, %max3A_1782 : vector<256x2560xf32>
    %add3A_1784 = arith.constant 1.000000e+00 : f32
    %add3A_1785 = vector.broadcast %add3A_1784 : f32 to vector<256x2560xf32>
    %add3A_1786 = arith.addf %sub3A_1783, %add3A_1785 : vector<256x2560xf32>
    %jit3A_1787 = arith.constant 0.000000e+00 : f32
    %max3A_1788 = vector.broadcast %jit3A_1787 : f32 to vector<256x2560xf32>
    %max3A_1789 = arith.maximumf %max3A_1788, %add3A_1786 : vector<256x2560xf32>
    %mul3A_1790 = arith.mulf %max3A_1774, %max3A_1789 : vector<256x2560xf32>
    %slice3A_1791 = vector.extract_strided_slice %mul3A_121 {offsets = [0, 0], sizes = [1, 2560], strides = [1, 1]} : vector<1x4096xf32> to vector<1x2560xf32>
    %add3A_1792 = vector.broadcast %slice3A_1759 : vector<256x1xf32> to vector<256x2560xf32>
    %add3A_1793 = vector.broadcast %slice3A_1791 : vector<1x2560xf32> to vector<256x2560xf32>
    %add3A_1794 = arith.addf %add3A_1792, %add3A_1793 : vector<256x2560xf32>
    %sub3A_1795 = arith.subf %add3A_1794, %mul3A_1790 : vector<256x2560xf32>
    %div3A_1796 = arith.divf %mul3A_1790, %sub3A_1795 : vector<256x2560xf32>
    %gt3A_1797 = arith.constant 0.699999988 : f32
    %gt3A_1798 = vector.broadcast %gt3A_1797 : f32 to vector<256x2560xf32>
    %gt3A_1799 = arith.cmpf ogt, %div3A_1796, %gt3A_1798 : vector<256x2560xf32>
    %get3A_1800 = arith.constant 0 : index
    %get3A_1801 = arith.constant 0 : index
    %get3A_1802 = vector.load %arg5[%get3A_1800, %get3A_1801] : memref<1x4096xi32, #tpu.memory_space<vmem>>, vector<1x2560xi32>
    %ne3A_1803 = arith.constant 0 : i32
    %ne3A_1804 = vector.broadcast %ne3A_1803 : i32 to vector<1x2560xi32>
    %ne3A_1805 = arith.cmpi ne, %get3A_1802, %ne3A_1804 : vector<1x2560xi32>
    %and3A_1806 = vector.broadcast %ne3A_1805 : vector<1x2560xi1> to vector<256x2560xi1>
    %and3A_1807 = arith.andi %gt3A_1799, %and3A_1806 : vector<256x2560xi1>
    %reduce_or3A_1808 = arith.constant 1.000000e+00 : f32
    %reduce_or3A_1809 = arith.constant 0.000000e+00 : f32
    %reduce_or3A_1810 = vector.broadcast %reduce_or3A_1808 : f32 to vector<256x2560xf32>
    %reduce_or3A_1811 = vector.broadcast %reduce_or3A_1809 : f32 to vector<256x2560xf32>
    %reduce_or3A_1812 = arith.select %and3A_1807, %reduce_or3A_1810, %reduce_or3A_1811 : vector<256x2560xi1>, vector<256x2560xf32>
    %reduce_or3A_1813 = arith.constant dense<0xFF800000> : vector<256xf32>
    %reduce_or3A_1814 = vector.multi_reduction <maximumf>, %reduce_or3A_1812, %reduce_or3A_1813 [1] : vector<256x2560xf32> to vector<256xf32>
    %reduce_or3A_1815 = arith.constant 0.000000e+00 : f32
    %reduce_or3A_1816 = vector.broadcast %reduce_or3A_1815 : f32 to vector<256xf32>
    %reduce_or3A_1817 = arith.cmpf ogt, %reduce_or3A_1814, %reduce_or3A_1816 : vector<256xf32>
    %broadcast_in_dim3A_1818 = vector.shape_cast %reduce_or3A_1817 : vector<256xi1> to vector<256x1xi1>
    %slice3A_1819 = vector.extract_strided_slice %min3A_71 {offsets = [0, 2304], sizes = [1, 256], strides = [1, 1]} : vector<1x4096xf32> to vector<1x256xf32>
    %slice3A_1820 = vector.extract_strided_slice %min3A_81 {offsets = [0, 2304], sizes = [1, 256], strides = [1, 1]} : vector<1x4096xf32> to vector<1x256xf32>
    %slice3A_1821 = vector.extract_strided_slice %min3A_94 {offsets = [0, 2304], sizes = [1, 256], strides = [1, 1]} : vector<1x4096xf32> to vector<1x256xf32>
    %slice3A_1822 = vector.extract_strided_slice %min3A_107 {offsets = [0, 2304], sizes = [1, 256], strides = [1, 1]} : vector<1x4096xf32> to vector<1x256xf32>
    %slice3A_1823 = vector.extract_strided_slice %mul3A_121 {offsets = [0, 2304], sizes = [1, 256], strides = [1, 1]} : vector<1x4096xf32> to vector<1x256xf32>
    %slice3A_1824 = vector.extract_strided_slice %min3A_224 {offsets = [0, 0], sizes = [2304, 1], strides = [1, 1]} : vector<4096x1xf32> to vector<2304x1xf32>
    %min3A_1825 = vector.broadcast %slice3A_1824 : vector<2304x1xf32> to vector<2304x256xf32>
    %min3A_1826 = vector.broadcast %slice3A_1821 : vector<1x256xf32> to vector<2304x256xf32>
    %min3A_1827 = arith.minimumf %min3A_1825, %min3A_1826 : vector<2304x256xf32>
    %slice3A_1828 = vector.extract_strided_slice %min3A_201 {offsets = [0, 0], sizes = [2304, 1], strides = [1, 1]} : vector<4096x1xf32> to vector<2304x1xf32>
    %max3A_1829 = vector.broadcast %slice3A_1828 : vector<2304x1xf32> to vector<2304x256xf32>
    %max3A_1830 = vector.broadcast %slice3A_1819 : vector<1x256xf32> to vector<2304x256xf32>
    %max3A_1831 = arith.maximumf %max3A_1829, %max3A_1830 : vector<2304x256xf32>
    %sub3A_1832 = arith.subf %min3A_1827, %max3A_1831 : vector<2304x256xf32>
    %add3A_1833 = arith.constant 1.000000e+00 : f32
    %add3A_1834 = vector.broadcast %add3A_1833 : f32 to vector<2304x256xf32>
    %add3A_1835 = arith.addf %sub3A_1832, %add3A_1834 : vector<2304x256xf32>
    %jit3A_1836 = arith.constant 0.000000e+00 : f32
    %max3A_1837 = vector.broadcast %jit3A_1836 : f32 to vector<2304x256xf32>
    %max3A_1838 = arith.maximumf %max3A_1837, %add3A_1835 : vector<2304x256xf32>
    %slice3A_1839 = vector.extract_strided_slice %min3A_237 {offsets = [0, 0], sizes = [2304, 1], strides = [1, 1]} : vector<4096x1xf32> to vector<2304x1xf32>
    %min3A_1840 = vector.broadcast %slice3A_1839 : vector<2304x1xf32> to vector<2304x256xf32>
    %min3A_1841 = vector.broadcast %slice3A_1822 : vector<1x256xf32> to vector<2304x256xf32>
    %min3A_1842 = arith.minimumf %min3A_1840, %min3A_1841 : vector<2304x256xf32>
    %slice3A_1843 = vector.extract_strided_slice %min3A_211 {offsets = [0, 0], sizes = [2304, 1], strides = [1, 1]} : vector<4096x1xf32> to vector<2304x1xf32>
    %max3A_1844 = vector.broadcast %slice3A_1843 : vector<2304x1xf32> to vector<2304x256xf32>
    %max3A_1845 = vector.broadcast %slice3A_1820 : vector<1x256xf32> to vector<2304x256xf32>
    %max3A_1846 = arith.maximumf %max3A_1844, %max3A_1845 : vector<2304x256xf32>
    %sub3A_1847 = arith.subf %min3A_1842, %max3A_1846 : vector<2304x256xf32>
    %add3A_1848 = arith.constant 1.000000e+00 : f32
    %add3A_1849 = vector.broadcast %add3A_1848 : f32 to vector<2304x256xf32>
    %add3A_1850 = arith.addf %sub3A_1847, %add3A_1849 : vector<2304x256xf32>
    %jit3A_1851 = arith.constant 0.000000e+00 : f32
    %max3A_1852 = vector.broadcast %jit3A_1851 : f32 to vector<2304x256xf32>
    %max3A_1853 = arith.maximumf %max3A_1852, %add3A_1850 : vector<2304x256xf32>
    %mul3A_1854 = arith.mulf %max3A_1838, %max3A_1853 : vector<2304x256xf32>
    %slice3A_1855 = vector.extract_strided_slice %mul3A_253 {offsets = [0, 0], sizes = [2304, 1], strides = [1, 1]} : vector<4096x1xf32> to vector<2304x1xf32>
    %add3A_1856 = vector.broadcast %slice3A_1855 : vector<2304x1xf32> to vector<2304x256xf32>
    %add3A_1857 = vector.broadcast %slice3A_1823 : vector<1x256xf32> to vector<2304x256xf32>
    %add3A_1858 = arith.addf %add3A_1856, %add3A_1857 : vector<2304x256xf32>
    %sub3A_1859 = arith.subf %add3A_1858, %mul3A_1854 : vector<2304x256xf32>
    %div3A_1860 = arith.divf %mul3A_1854, %sub3A_1859 : vector<2304x256xf32>
    %gt3A_1861 = arith.constant 0.699999988 : f32
    %gt3A_1862 = vector.broadcast %gt3A_1861 : f32 to vector<2304x256xf32>
    %gt3A_1863 = arith.cmpf ogt, %div3A_1860, %gt3A_1862 : vector<2304x256xf32>
    %get3A_1864 = arith.constant 0 : index
    %get3A_1865 = arith.constant 0 : index
    %get3A_1866 = vector.load %arg6[%get3A_1864, %get3A_1865] : memref<4096x1xi32, #tpu.memory_space<vmem>>, vector<2304x1xi32>
    %ne3A_1867 = arith.constant 0 : i32
    %ne3A_1868 = vector.broadcast %ne3A_1867 : i32 to vector<2304x1xi32>
    %ne3A_1869 = arith.cmpi ne, %get3A_1866, %ne3A_1868 : vector<2304x1xi32>
    %and3A_1870 = vector.broadcast %ne3A_1869 : vector<2304x1xi1> to vector<2304x256xi1>
    %and3A_1871 = arith.andi %gt3A_1863, %and3A_1870 : vector<2304x256xi1>
    %reduce_or3A_1872 = arith.constant 1.000000e+00 : f32
    %reduce_or3A_1873 = arith.constant 0.000000e+00 : f32
    %reduce_or3A_1874 = vector.broadcast %reduce_or3A_1872 : f32 to vector<2304x256xf32>
    %reduce_or3A_1875 = vector.broadcast %reduce_or3A_1873 : f32 to vector<2304x256xf32>
    %reduce_or3A_1876 = arith.select %and3A_1871, %reduce_or3A_1874, %reduce_or3A_1875 : vector<2304x256xi1>, vector<2304x256xf32>
    %reduce_or3A_1877 = arith.constant dense<0xFF800000> : vector<256xf32>
    %reduce_or3A_1878 = vector.multi_reduction <maximumf>, %reduce_or3A_1876, %reduce_or3A_1877 [0] : vector<2304x256xf32> to vector<256xf32>
    %reduce_or3A_1879 = arith.constant 0.000000e+00 : f32
    %reduce_or3A_1880 = vector.broadcast %reduce_or3A_1879 : f32 to vector<256xf32>
    %reduce_or3A_1881 = arith.cmpf ogt, %reduce_or3A_1878, %reduce_or3A_1880 : vector<256xf32>
    %broadcast_in_dim3A_1882 = vector.shape_cast %reduce_or3A_1881 : vector<256xi1> to vector<1x256xi1>
    %slice3A_1883 = vector.extract_strided_slice %and3A_252 {offsets = [2304, 0], sizes = [256, 1], strides = [1, 1]} : vector<4096x1xi1> to vector<256x1xi1>
    %not3A_1884 = arith.constant dense<true> : vector<256x1xi1>
    %not3A_1885 = arith.xori %broadcast_in_dim3A_1818, %not3A_1884 : vector<256x1xi1>
    %and3A_1886 = arith.andi %slice3A_1883, %not3A_1885 : vector<256x1xi1>
    %slice3A_1887 = vector.extract_strided_slice %and3A {offsets = [0, 2304], sizes = [1, 256], strides = [1, 1]} : vector<1x4096xi1> to vector<1x256xi1>
    %not3A_1888 = arith.constant dense<true> : vector<1x256xi1>
    %not3A_1889 = arith.xori %broadcast_in_dim3A_1882, %not3A_1888 : vector<1x256xi1>
    %and3A_1890 = arith.andi %slice3A_1887, %not3A_1889 : vector<1x256xi1>
    %slice3A_1891 = vector.extract_strided_slice %gt3A_1799 {offsets = [0, 2304], sizes = [256, 256], strides = [1, 1]} : vector<256x2560xi1> to vector<256x256xi1>
    %and3A_1892 = arith.andi %slice3A_1891, %lt3A : vector<256x256xi1>
    %slice3A_1893 = vector.extract_strided_slice %gt3A_1799 {offsets = [0, 2304], sizes = [256, 256], strides = [1, 1]} : vector<256x2560xi1> to vector<256x256xi1>
    %and3A_1894 = arith.andi %slice3A_1893, %gt3A : vector<256x256xi1>
    %convert_element_type3A_1895 = arith.extui %and3A_1886 : vector<256x1xi1> to vector<256x1xi32>
    %while3A_1896 = arith.constant 1 : i32
    %while3A_1897 = arith.constant 0 : i32
    %while3A_1898:3 = scf.while (%while3A_2986 = %convert_element_type3A_1895, %while3A_2987 = %while3A_1896, %while3A_2988 = %while3A_1897) : (vector<256x1xi32>, i32, i32) -> (vector<256x1xi32>, i32, i32) {
      %ne3A_2989 = arith.constant 0 : i32
      %ne3A_2990 = arith.cmpi ne, %while3A_2987, %ne3A_2989 : i32
      %lt3A_2991 = arith.constant 256 : i32
      %lt3A_2992 = arith.cmpi slt, %while3A_2988, %lt3A_2991 : i32
      %and3A_2993 = arith.andi %ne3A_2990, %lt3A_2992 : i1
      scf.condition(%and3A_2993) %while3A_2986, %while3A_2987, %while3A_2988 : vector<256x1xi32>, i32, i32
    } do {
    ^bb0(%while3A_2986: vector<256x1xi32>, %while3A_2987: i32, %while3A_2988: i32):
      %ne3A_2989 = arith.constant 0 : i32
      %ne3A_2990 = vector.broadcast %ne3A_2989 : i32 to vector<256x1xi32>
      %ne3A_2991 = arith.cmpi ne, %while3A_2986, %ne3A_2990 : vector<256x1xi32>
      %and3A_2992 = vector.broadcast %ne3A_2991 : vector<256x1xi1> to vector<256x256xi1>
      %and3A_2993 = arith.andi %and3A_1892, %and3A_2992 : vector<256x256xi1>
      %reduce_or3A_2994 = arith.constant 1.000000e+00 : f32
      %reduce_or3A_2995 = arith.constant 0.000000e+00 : f32
      %reduce_or3A_2996 = vector.broadcast %reduce_or3A_2994 : f32 to vector<256x256xf32>
      %reduce_or3A_2997 = vector.broadcast %reduce_or3A_2995 : f32 to vector<256x256xf32>
      %reduce_or3A_2998 = arith.select %and3A_2993, %reduce_or3A_2996, %reduce_or3A_2997 : vector<256x256xi1>, vector<256x256xf32>
      %reduce_or3A_2999 = arith.constant dense<0xFF800000> : vector<256xf32>
      %reduce_or3A_3000 = vector.multi_reduction <maximumf>, %reduce_or3A_2998, %reduce_or3A_2999 [0] : vector<256x256xf32> to vector<256xf32>
      %reduce_or3A_3001 = arith.constant 0.000000e+00 : f32
      %reduce_or3A_3002 = vector.broadcast %reduce_or3A_3001 : f32 to vector<256xf32>
      %reduce_or3A_3003 = arith.cmpf ogt, %reduce_or3A_3000, %reduce_or3A_3002 : vector<256xf32>
      %broadcast_in_dim3A_3004 = vector.shape_cast %reduce_or3A_3003 : vector<256xi1> to vector<1x256xi1>
      %not3A_3005 = arith.constant dense<true> : vector<1x256xi1>
      %not3A_3006 = arith.xori %broadcast_in_dim3A_3004, %not3A_3005 : vector<1x256xi1>
      %and3A_3007 = arith.andi %and3A_1890, %not3A_3006 : vector<1x256xi1>
      %and3A_3008 = vector.broadcast %and3A_3007 : vector<1x256xi1> to vector<256x256xi1>
      %and3A_3009 = arith.andi %and3A_1894, %and3A_3008 : vector<256x256xi1>
      %reduce_or3A_3010 = arith.constant 1.000000e+00 : f32
      %reduce_or3A_3011 = arith.constant 0.000000e+00 : f32
      %reduce_or3A_3012 = vector.broadcast %reduce_or3A_3010 : f32 to vector<256x256xf32>
      %reduce_or3A_3013 = vector.broadcast %reduce_or3A_3011 : f32 to vector<256x256xf32>
      %reduce_or3A_3014 = arith.select %and3A_3009, %reduce_or3A_3012, %reduce_or3A_3013 : vector<256x256xi1>, vector<256x256xf32>
      %reduce_or3A_3015 = arith.constant dense<0xFF800000> : vector<256xf32>
      %reduce_or3A_3016 = vector.multi_reduction <maximumf>, %reduce_or3A_3014, %reduce_or3A_3015 [1] : vector<256x256xf32> to vector<256xf32>
      %reduce_or3A_3017 = arith.constant 0.000000e+00 : f32
      %reduce_or3A_3018 = vector.broadcast %reduce_or3A_3017 : f32 to vector<256xf32>
      %reduce_or3A_3019 = arith.cmpf ogt, %reduce_or3A_3016, %reduce_or3A_3018 : vector<256xf32>
      %broadcast_in_dim3A_3020 = vector.shape_cast %reduce_or3A_3019 : vector<256xi1> to vector<256x1xi1>
      %not3A_3021 = arith.constant dense<true> : vector<256x1xi1>
      %not3A_3022 = arith.xori %broadcast_in_dim3A_3020, %not3A_3021 : vector<256x1xi1>
      %and3A_3023 = arith.andi %and3A_1886, %not3A_3022 : vector<256x1xi1>
      %ne3A_3024 = arith.xori %and3A_3023, %ne3A_2991 : vector<256x1xi1>
      %reduce_or3A_3025 = arith.constant 1.000000e+00 : f32
      %reduce_or3A_3026 = arith.constant 0.000000e+00 : f32
      %reduce_or3A_3027 = vector.broadcast %reduce_or3A_3025 : f32 to vector<256x1xf32>
      %reduce_or3A_3028 = vector.broadcast %reduce_or3A_3026 : f32 to vector<256x1xf32>
      %reduce_or3A_3029 = arith.select %ne3A_3024, %reduce_or3A_3027, %reduce_or3A_3028 : vector<256x1xi1>, vector<256x1xf32>
      %reduce_or3A_3030 = vector.shape_cast %reduce_or3A_3029 : vector<256x1xf32> to vector<1x256x1xf32>
      %reduce_or3A_3031 = arith.constant dense<0xFF800000> : vector<1xf32>
      %reduce_or3A_3032 = vector.multi_reduction <maximumf>, %reduce_or3A_3030, %reduce_or3A_3031 [1, 2] : vector<1x256x1xf32> to vector<1xf32>
      %reduce_or3A_3033 = vector.shape_cast %reduce_or3A_3032 : vector<1xf32> to vector<1x1x1xf32>
      %reduce_or3A_3034 = vector.extract %reduce_or3A_3033[0, 0, 0] : f32 from vector<1x1x1xf32>
      %reduce_or3A_3035 = arith.constant 0.000000e+00 : f32
      %reduce_or3A_3036 = arith.cmpf ogt, %reduce_or3A_3034, %reduce_or3A_3035 : f32
      %convert_element_type3A_3037 = arith.extui %reduce_or3A_3036 : i1 to i32
      %convert_element_type3A_3038 = arith.extui %and3A_3023 : vector<256x1xi1> to vector<256x1xi32>
      %add3A_3039 = arith.constant 1 : i32
      %add3A_3040 = arith.addi %while3A_2988, %add3A_3039 : i32
      scf.yield %convert_element_type3A_3038, %convert_element_type3A_3037, %add3A_3040 : vector<256x1xi32>, i32, i32
    }
    %ne3A_1899 = arith.constant 0 : i32
    %ne3A_1900 = vector.broadcast %ne3A_1899 : i32 to vector<256x1xi32>
    %ne3A_1901 = arith.cmpi ne, %while3A_1898#0, %ne3A_1900 : vector<256x1xi32>
    %and3A_1902 = vector.broadcast %ne3A_1901 : vector<256x1xi1> to vector<256x256xi1>
    %and3A_1903 = arith.andi %and3A_1892, %and3A_1902 : vector<256x256xi1>
    %reduce_or3A_1904 = arith.constant 1.000000e+00 : f32
    %reduce_or3A_1905 = arith.constant 0.000000e+00 : f32
    %reduce_or3A_1906 = vector.broadcast %reduce_or3A_1904 : f32 to vector<256x256xf32>
    %reduce_or3A_1907 = vector.broadcast %reduce_or3A_1905 : f32 to vector<256x256xf32>
    %reduce_or3A_1908 = arith.select %and3A_1903, %reduce_or3A_1906, %reduce_or3A_1907 : vector<256x256xi1>, vector<256x256xf32>
    %reduce_or3A_1909 = arith.constant dense<0xFF800000> : vector<256xf32>
    %reduce_or3A_1910 = vector.multi_reduction <maximumf>, %reduce_or3A_1908, %reduce_or3A_1909 [0] : vector<256x256xf32> to vector<256xf32>
    %reduce_or3A_1911 = arith.constant 0.000000e+00 : f32
    %reduce_or3A_1912 = vector.broadcast %reduce_or3A_1911 : f32 to vector<256xf32>
    %reduce_or3A_1913 = arith.cmpf ogt, %reduce_or3A_1910, %reduce_or3A_1912 : vector<256xf32>
    %broadcast_in_dim3A_1914 = vector.shape_cast %reduce_or3A_1913 : vector<256xi1> to vector<1x256xi1>
    %not3A_1915 = arith.constant dense<true> : vector<1x256xi1>
    %not3A_1916 = arith.xori %broadcast_in_dim3A_1914, %not3A_1915 : vector<1x256xi1>
    %and3A_1917 = arith.andi %and3A_1890, %not3A_1916 : vector<1x256xi1>
    %convert_element_type3A_1918 = arith.extui %and3A_1917 : vector<1x256xi1> to vector<1x256xi32>
    %swap3A_1919 = arith.constant 0 : index
    %swap3A_1920 = arith.constant 2304 : index
    %swap3A_1921 = vector.load %arg5[%swap3A_1919, %swap3A_1920] : memref<1x4096xi32, #tpu.memory_space<vmem>>, vector<1x256xi32>
    tpu.vector_store %arg5[%swap3A_1919, %swap3A_1920], %convert_element_type3A_1918 {strides = array<i32>} : memref<1x4096xi32, #tpu.memory_space<vmem>>, vector<1x256xi32>,
    %convert_element_type3A_1922 = arith.extui %ne3A_1901 : vector<256x1xi1> to vector<256x1xi32>
    %swap3A_1923 = arith.constant 2304 : index
    %swap3A_1924 = arith.constant 0 : index
    %swap3A_1925 = vector.load %arg6[%swap3A_1923, %swap3A_1924] : memref<4096x1xi32, #tpu.memory_space<vmem>>, vector<256x1xi32>
    tpu.vector_store %arg6[%swap3A_1923, %swap3A_1924], %convert_element_type3A_1922 {strides = array<i32>} : memref<4096x1xi32, #tpu.memory_space<vmem>>, vector<256x1xi32>,
    %slice3A_1926 = vector.extract_strided_slice %min3A_201 {offsets = [2560, 0], sizes = [256, 1], strides = [1, 1]} : vector<4096x1xf32> to vector<256x1xf32>
    %slice3A_1927 = vector.extract_strided_slice %min3A_211 {offsets = [2560, 0], sizes = [256, 1], strides = [1, 1]} : vector<4096x1xf32> to vector<256x1xf32>
    %slice3A_1928 = vector.extract_strided_slice %min3A_224 {offsets = [2560, 0], sizes = [256, 1], strides = [1, 1]} : vector<4096x1xf32> to vector<256x1xf32>
    %slice3A_1929 = vector.extract_strided_slice %min3A_237 {offsets = [2560, 0], sizes = [256, 1], strides = [1, 1]} : vector<4096x1xf32> to vector<256x1xf32>
    %slice3A_1930 = vector.extract_strided_slice %mul3A_253 {offsets = [2560, 0], sizes = [256, 1], strides = [1, 1]} : vector<4096x1xf32> to vector<256x1xf32>
    %slice3A_1931 = vector.extract_strided_slice %min3A_94 {offsets = [0, 0], sizes = [1, 2816], strides = [1, 1]} : vector<1x4096xf32> to vector<1x2816xf32>
    %min3A_1932 = vector.broadcast %slice3A_1928 : vector<256x1xf32> to vector<256x2816xf32>
    %min3A_1933 = vector.broadcast %slice3A_1931 : vector<1x2816xf32> to vector<256x2816xf32>
    %min3A_1934 = arith.minimumf %min3A_1932, %min3A_1933 : vector<256x2816xf32>
    %slice3A_1935 = vector.extract_strided_slice %min3A_71 {offsets = [0, 0], sizes = [1, 2816], strides = [1, 1]} : vector<1x4096xf32> to vector<1x2816xf32>
    %max3A_1936 = vector.broadcast %slice3A_1926 : vector<256x1xf32> to vector<256x2816xf32>
    %max3A_1937 = vector.broadcast %slice3A_1935 : vector<1x2816xf32> to vector<256x2816xf32>
    %max3A_1938 = arith.maximumf %max3A_1936, %max3A_1937 : vector<256x2816xf32>
    %sub3A_1939 = arith.subf %min3A_1934, %max3A_1938 : vector<256x2816xf32>
    %add3A_1940 = arith.constant 1.000000e+00 : f32
    %add3A_1941 = vector.broadcast %add3A_1940 : f32 to vector<256x2816xf32>
    %add3A_1942 = arith.addf %sub3A_1939, %add3A_1941 : vector<256x2816xf32>
    %jit3A_1943 = arith.constant 0.000000e+00 : f32
    %max3A_1944 = vector.broadcast %jit3A_1943 : f32 to vector<256x2816xf32>
    %max3A_1945 = arith.maximumf %max3A_1944, %add3A_1942 : vector<256x2816xf32>
    %slice3A_1946 = vector.extract_strided_slice %min3A_107 {offsets = [0, 0], sizes = [1, 2816], strides = [1, 1]} : vector<1x4096xf32> to vector<1x2816xf32>
    %min3A_1947 = vector.broadcast %slice3A_1929 : vector<256x1xf32> to vector<256x2816xf32>
    %min3A_1948 = vector.broadcast %slice3A_1946 : vector<1x2816xf32> to vector<256x2816xf32>
    %min3A_1949 = arith.minimumf %min3A_1947, %min3A_1948 : vector<256x2816xf32>
    %slice3A_1950 = vector.extract_strided_slice %min3A_81 {offsets = [0, 0], sizes = [1, 2816], strides = [1, 1]} : vector<1x4096xf32> to vector<1x2816xf32>
    %max3A_1951 = vector.broadcast %slice3A_1927 : vector<256x1xf32> to vector<256x2816xf32>
    %max3A_1952 = vector.broadcast %slice3A_1950 : vector<1x2816xf32> to vector<256x2816xf32>
    %max3A_1953 = arith.maximumf %max3A_1951, %max3A_1952 : vector<256x2816xf32>
    %sub3A_1954 = arith.subf %min3A_1949, %max3A_1953 : vector<256x2816xf32>
    %add3A_1955 = arith.constant 1.000000e+00 : f32
    %add3A_1956 = vector.broadcast %add3A_1955 : f32 to vector<256x2816xf32>
    %add3A_1957 = arith.addf %sub3A_1954, %add3A_1956 : vector<256x2816xf32>
    %jit3A_1958 = arith.constant 0.000000e+00 : f32
    %max3A_1959 = vector.broadcast %jit3A_1958 : f32 to vector<256x2816xf32>
    %max3A_1960 = arith.maximumf %max3A_1959, %add3A_1957 : vector<256x2816xf32>
    %mul3A_1961 = arith.mulf %max3A_1945, %max3A_1960 : vector<256x2816xf32>
    %slice3A_1962 = vector.extract_strided_slice %mul3A_121 {offsets = [0, 0], sizes = [1, 2816], strides = [1, 1]} : vector<1x4096xf32> to vector<1x2816xf32>
    %add3A_1963 = vector.broadcast %slice3A_1930 : vector<256x1xf32> to vector<256x2816xf32>
    %add3A_1964 = vector.broadcast %slice3A_1962 : vector<1x2816xf32> to vector<256x2816xf32>
    %add3A_1965 = arith.addf %add3A_1963, %add3A_1964 : vector<256x2816xf32>
    %sub3A_1966 = arith.subf %add3A_1965, %mul3A_1961 : vector<256x2816xf32>
    %div3A_1967 = arith.divf %mul3A_1961, %sub3A_1966 : vector<256x2816xf32>
    %gt3A_1968 = arith.constant 0.699999988 : f32
    %gt3A_1969 = vector.broadcast %gt3A_1968 : f32 to vector<256x2816xf32>
    %gt3A_1970 = arith.cmpf ogt, %div3A_1967, %gt3A_1969 : vector<256x2816xf32>
    %get3A_1971 = arith.constant 0 : index
    %get3A_1972 = arith.constant 0 : index
    %get3A_1973 = vector.load %arg5[%get3A_1971, %get3A_1972] : memref<1x4096xi32, #tpu.memory_space<vmem>>, vector<1x2816xi32>
    %ne3A_1974 = arith.constant 0 : i32
    %ne3A_1975 = vector.broadcast %ne3A_1974 : i32 to vector<1x2816xi32>
    %ne3A_1976 = arith.cmpi ne, %get3A_1973, %ne3A_1975 : vector<1x2816xi32>
    %and3A_1977 = vector.broadcast %ne3A_1976 : vector<1x2816xi1> to vector<256x2816xi1>
    %and3A_1978 = arith.andi %gt3A_1970, %and3A_1977 : vector<256x2816xi1>
    %reduce_or3A_1979 = arith.constant 1.000000e+00 : f32
    %reduce_or3A_1980 = arith.constant 0.000000e+00 : f32
    %reduce_or3A_1981 = vector.broadcast %reduce_or3A_1979 : f32 to vector<256x2816xf32>
    %reduce_or3A_1982 = vector.broadcast %reduce_or3A_1980 : f32 to vector<256x2816xf32>
    %reduce_or3A_1983 = arith.select %and3A_1978, %reduce_or3A_1981, %reduce_or3A_1982 : vector<256x2816xi1>, vector<256x2816xf32>
    %reduce_or3A_1984 = arith.constant dense<0xFF800000> : vector<256xf32>
    %reduce_or3A_1985 = vector.multi_reduction <maximumf>, %reduce_or3A_1983, %reduce_or3A_1984 [1] : vector<256x2816xf32> to vector<256xf32>
    %reduce_or3A_1986 = arith.constant 0.000000e+00 : f32
    %reduce_or3A_1987 = vector.broadcast %reduce_or3A_1986 : f32 to vector<256xf32>
    %reduce_or3A_1988 = arith.cmpf ogt, %reduce_or3A_1985, %reduce_or3A_1987 : vector<256xf32>
    %broadcast_in_dim3A_1989 = vector.shape_cast %reduce_or3A_1988 : vector<256xi1> to vector<256x1xi1>
    %slice3A_1990 = vector.extract_strided_slice %min3A_71 {offsets = [0, 2560], sizes = [1, 256], strides = [1, 1]} : vector<1x4096xf32> to vector<1x256xf32>
    %slice3A_1991 = vector.extract_strided_slice %min3A_81 {offsets = [0, 2560], sizes = [1, 256], strides = [1, 1]} : vector<1x4096xf32> to vector<1x256xf32>
    %slice3A_1992 = vector.extract_strided_slice %min3A_94 {offsets = [0, 2560], sizes = [1, 256], strides = [1, 1]} : vector<1x4096xf32> to vector<1x256xf32>
    %slice3A_1993 = vector.extract_strided_slice %min3A_107 {offsets = [0, 2560], sizes = [1, 256], strides = [1, 1]} : vector<1x4096xf32> to vector<1x256xf32>
    %slice3A_1994 = vector.extract_strided_slice %mul3A_121 {offsets = [0, 2560], sizes = [1, 256], strides = [1, 1]} : vector<1x4096xf32> to vector<1x256xf32>
    %slice3A_1995 = vector.extract_strided_slice %min3A_224 {offsets = [0, 0], sizes = [2560, 1], strides = [1, 1]} : vector<4096x1xf32> to vector<2560x1xf32>
    %min3A_1996 = vector.broadcast %slice3A_1995 : vector<2560x1xf32> to vector<2560x256xf32>
    %min3A_1997 = vector.broadcast %slice3A_1992 : vector<1x256xf32> to vector<2560x256xf32>
    %min3A_1998 = arith.minimumf %min3A_1996, %min3A_1997 : vector<2560x256xf32>
    %slice3A_1999 = vector.extract_strided_slice %min3A_201 {offsets = [0, 0], sizes = [2560, 1], strides = [1, 1]} : vector<4096x1xf32> to vector<2560x1xf32>
    %max3A_2000 = vector.broadcast %slice3A_1999 : vector<2560x1xf32> to vector<2560x256xf32>
    %max3A_2001 = vector.broadcast %slice3A_1990 : vector<1x256xf32> to vector<2560x256xf32>
    %max3A_2002 = arith.maximumf %max3A_2000, %max3A_2001 : vector<2560x256xf32>
    %sub3A_2003 = arith.subf %min3A_1998, %max3A_2002 : vector<2560x256xf32>
    %add3A_2004 = arith.constant 1.000000e+00 : f32
    %add3A_2005 = vector.broadcast %add3A_2004 : f32 to vector<2560x256xf32>
    %add3A_2006 = arith.addf %sub3A_2003, %add3A_2005 : vector<2560x256xf32>
    %jit3A_2007 = arith.constant 0.000000e+00 : f32
    %max3A_2008 = vector.broadcast %jit3A_2007 : f32 to vector<2560x256xf32>
    %max3A_2009 = arith.maximumf %max3A_2008, %add3A_2006 : vector<2560x256xf32>
    %slice3A_2010 = vector.extract_strided_slice %min3A_237 {offsets = [0, 0], sizes = [2560, 1], strides = [1, 1]} : vector<4096x1xf32> to vector<2560x1xf32>
    %min3A_2011 = vector.broadcast %slice3A_2010 : vector<2560x1xf32> to vector<2560x256xf32>
    %min3A_2012 = vector.broadcast %slice3A_1993 : vector<1x256xf32> to vector<2560x256xf32>
    %min3A_2013 = arith.minimumf %min3A_2011, %min3A_2012 : vector<2560x256xf32>
    %slice3A_2014 = vector.extract_strided_slice %min3A_211 {offsets = [0, 0], sizes = [2560, 1], strides = [1, 1]} : vector<4096x1xf32> to vector<2560x1xf32>
    %max3A_2015 = vector.broadcast %slice3A_2014 : vector<2560x1xf32> to vector<2560x256xf32>
    %max3A_2016 = vector.broadcast %slice3A_1991 : vector<1x256xf32> to vector<2560x256xf32>
    %max3A_2017 = arith.maximumf %max3A_2015, %max3A_2016 : vector<2560x256xf32>
    %sub3A_2018 = arith.subf %min3A_2013, %max3A_2017 : vector<2560x256xf32>
    %add3A_2019 = arith.constant 1.000000e+00 : f32
    %add3A_2020 = vector.broadcast %add3A_2019 : f32 to vector<2560x256xf32>
    %add3A_2021 = arith.addf %sub3A_2018, %add3A_2020 : vector<2560x256xf32>
    %jit3A_2022 = arith.constant 0.000000e+00 : f32
    %max3A_2023 = vector.broadcast %jit3A_2022 : f32 to vector<2560x256xf32>
    %max3A_2024 = arith.maximumf %max3A_2023, %add3A_2021 : vector<2560x256xf32>
    %mul3A_2025 = arith.mulf %max3A_2009, %max3A_2024 : vector<2560x256xf32>
    %slice3A_2026 = vector.extract_strided_slice %mul3A_253 {offsets = [0, 0], sizes = [2560, 1], strides = [1, 1]} : vector<4096x1xf32> to vector<2560x1xf32>
    %add3A_2027 = vector.broadcast %slice3A_2026 : vector<2560x1xf32> to vector<2560x256xf32>
    %add3A_2028 = vector.broadcast %slice3A_1994 : vector<1x256xf32> to vector<2560x256xf32>
    %add3A_2029 = arith.addf %add3A_2027, %add3A_2028 : vector<2560x256xf32>
    %sub3A_2030 = arith.subf %add3A_2029, %mul3A_2025 : vector<2560x256xf32>
    %div3A_2031 = arith.divf %mul3A_2025, %sub3A_2030 : vector<2560x256xf32>
    %gt3A_2032 = arith.constant 0.699999988 : f32
    %gt3A_2033 = vector.broadcast %gt3A_2032 : f32 to vector<2560x256xf32>
    %gt3A_2034 = arith.cmpf ogt, %div3A_2031, %gt3A_2033 : vector<2560x256xf32>
    %get3A_2035 = arith.constant 0 : index
    %get3A_2036 = arith.constant 0 : index
    %get3A_2037 = vector.load %arg6[%get3A_2035, %get3A_2036] : memref<4096x1xi32, #tpu.memory_space<vmem>>, vector<2560x1xi32>
    %ne3A_2038 = arith.constant 0 : i32
    %ne3A_2039 = vector.broadcast %ne3A_2038 : i32 to vector<2560x1xi32>
    %ne3A_2040 = arith.cmpi ne, %get3A_2037, %ne3A_2039 : vector<2560x1xi32>
    %and3A_2041 = vector.broadcast %ne3A_2040 : vector<2560x1xi1> to vector<2560x256xi1>
    %and3A_2042 = arith.andi %gt3A_2034, %and3A_2041 : vector<2560x256xi1>
    %reduce_or3A_2043 = arith.constant 1.000000e+00 : f32
    %reduce_or3A_2044 = arith.constant 0.000000e+00 : f32
    %reduce_or3A_2045 = vector.broadcast %reduce_or3A_2043 : f32 to vector<2560x256xf32>
    %reduce_or3A_2046 = vector.broadcast %reduce_or3A_2044 : f32 to vector<2560x256xf32>
    %reduce_or3A_2047 = arith.select %and3A_2042, %reduce_or3A_2045, %reduce_or3A_2046 : vector<2560x256xi1>, vector<2560x256xf32>
    %reduce_or3A_2048 = arith.constant dense<0xFF800000> : vector<256xf32>
    %reduce_or3A_2049 = vector.multi_reduction <maximumf>, %reduce_or3A_2047, %reduce_or3A_2048 [0] : vector<2560x256xf32> to vector<256xf32>
    %reduce_or3A_2050 = arith.constant 0.000000e+00 : f32
    %reduce_or3A_2051 = vector.broadcast %reduce_or3A_2050 : f32 to vector<256xf32>
    %reduce_or3A_2052 = arith.cmpf ogt, %reduce_or3A_2049, %reduce_or3A_2051 : vector<256xf32>
    %broadcast_in_dim3A_2053 = vector.shape_cast %reduce_or3A_2052 : vector<256xi1> to vector<1x256xi1>
    %slice3A_2054 = vector.extract_strided_slice %and3A_252 {offsets = [2560, 0], sizes = [256, 1], strides = [1, 1]} : vector<4096x1xi1> to vector<256x1xi1>
    %not3A_2055 = arith.constant dense<true> : vector<256x1xi1>
    %not3A_2056 = arith.xori %broadcast_in_dim3A_1989, %not3A_2055 : vector<256x1xi1>
    %and3A_2057 = arith.andi %slice3A_2054, %not3A_2056 : vector<256x1xi1>
    %slice3A_2058 = vector.extract_strided_slice %and3A {offsets = [0, 2560], sizes = [1, 256], strides = [1, 1]} : vector<1x4096xi1> to vector<1x256xi1>
    %not3A_2059 = arith.constant dense<true> : vector<1x256xi1>
    %not3A_2060 = arith.xori %broadcast_in_dim3A_2053, %not3A_2059 : vector<1x256xi1>
    %and3A_2061 = arith.andi %slice3A_2058, %not3A_2060 : vector<1x256xi1>
    %slice3A_2062 = vector.extract_strided_slice %gt3A_1970 {offsets = [0, 2560], sizes = [256, 256], strides = [1, 1]} : vector<256x2816xi1> to vector<256x256xi1>
    %and3A_2063 = arith.andi %slice3A_2062, %lt3A : vector<256x256xi1>
    %slice3A_2064 = vector.extract_strided_slice %gt3A_1970 {offsets = [0, 2560], sizes = [256, 256], strides = [1, 1]} : vector<256x2816xi1> to vector<256x256xi1>
    %and3A_2065 = arith.andi %slice3A_2064, %gt3A : vector<256x256xi1>
    %convert_element_type3A_2066 = arith.extui %and3A_2057 : vector<256x1xi1> to vector<256x1xi32>
    %while3A_2067 = arith.constant 1 : i32
    %while3A_2068 = arith.constant 0 : i32
    %while3A_2069:3 = scf.while (%while3A_2986 = %convert_element_type3A_2066, %while3A_2987 = %while3A_2067, %while3A_2988 = %while3A_2068) : (vector<256x1xi32>, i32, i32) -> (vector<256x1xi32>, i32, i32) {
      %ne3A_2989 = arith.constant 0 : i32
      %ne3A_2990 = arith.cmpi ne, %while3A_2987, %ne3A_2989 : i32
      %lt3A_2991 = arith.constant 256 : i32
      %lt3A_2992 = arith.cmpi slt, %while3A_2988, %lt3A_2991 : i32
      %and3A_2993 = arith.andi %ne3A_2990, %lt3A_2992 : i1
      scf.condition(%and3A_2993) %while3A_2986, %while3A_2987, %while3A_2988 : vector<256x1xi32>, i32, i32
    } do {
    ^bb0(%while3A_2986: vector<256x1xi32>, %while3A_2987: i32, %while3A_2988: i32):
      %ne3A_2989 = arith.constant 0 : i32
      %ne3A_2990 = vector.broadcast %ne3A_2989 : i32 to vector<256x1xi32>
      %ne3A_2991 = arith.cmpi ne, %while3A_2986, %ne3A_2990 : vector<256x1xi32>
      %and3A_2992 = vector.broadcast %ne3A_2991 : vector<256x1xi1> to vector<256x256xi1>
      %and3A_2993 = arith.andi %and3A_2063, %and3A_2992 : vector<256x256xi1>
      %reduce_or3A_2994 = arith.constant 1.000000e+00 : f32
      %reduce_or3A_2995 = arith.constant 0.000000e+00 : f32
      %reduce_or3A_2996 = vector.broadcast %reduce_or3A_2994 : f32 to vector<256x256xf32>
      %reduce_or3A_2997 = vector.broadcast %reduce_or3A_2995 : f32 to vector<256x256xf32>
      %reduce_or3A_2998 = arith.select %and3A_2993, %reduce_or3A_2996, %reduce_or3A_2997 : vector<256x256xi1>, vector<256x256xf32>
      %reduce_or3A_2999 = arith.constant dense<0xFF800000> : vector<256xf32>
      %reduce_or3A_3000 = vector.multi_reduction <maximumf>, %reduce_or3A_2998, %reduce_or3A_2999 [0] : vector<256x256xf32> to vector<256xf32>
      %reduce_or3A_3001 = arith.constant 0.000000e+00 : f32
      %reduce_or3A_3002 = vector.broadcast %reduce_or3A_3001 : f32 to vector<256xf32>
      %reduce_or3A_3003 = arith.cmpf ogt, %reduce_or3A_3000, %reduce_or3A_3002 : vector<256xf32>
      %broadcast_in_dim3A_3004 = vector.shape_cast %reduce_or3A_3003 : vector<256xi1> to vector<1x256xi1>
      %not3A_3005 = arith.constant dense<true> : vector<1x256xi1>
      %not3A_3006 = arith.xori %broadcast_in_dim3A_3004, %not3A_3005 : vector<1x256xi1>
      %and3A_3007 = arith.andi %and3A_2061, %not3A_3006 : vector<1x256xi1>
      %and3A_3008 = vector.broadcast %and3A_3007 : vector<1x256xi1> to vector<256x256xi1>
      %and3A_3009 = arith.andi %and3A_2065, %and3A_3008 : vector<256x256xi1>
      %reduce_or3A_3010 = arith.constant 1.000000e+00 : f32
      %reduce_or3A_3011 = arith.constant 0.000000e+00 : f32
      %reduce_or3A_3012 = vector.broadcast %reduce_or3A_3010 : f32 to vector<256x256xf32>
      %reduce_or3A_3013 = vector.broadcast %reduce_or3A_3011 : f32 to vector<256x256xf32>
      %reduce_or3A_3014 = arith.select %and3A_3009, %reduce_or3A_3012, %reduce_or3A_3013 : vector<256x256xi1>, vector<256x256xf32>
      %reduce_or3A_3015 = arith.constant dense<0xFF800000> : vector<256xf32>
      %reduce_or3A_3016 = vector.multi_reduction <maximumf>, %reduce_or3A_3014, %reduce_or3A_3015 [1] : vector<256x256xf32> to vector<256xf32>
      %reduce_or3A_3017 = arith.constant 0.000000e+00 : f32
      %reduce_or3A_3018 = vector.broadcast %reduce_or3A_3017 : f32 to vector<256xf32>
      %reduce_or3A_3019 = arith.cmpf ogt, %reduce_or3A_3016, %reduce_or3A_3018 : vector<256xf32>
      %broadcast_in_dim3A_3020 = vector.shape_cast %reduce_or3A_3019 : vector<256xi1> to vector<256x1xi1>
      %not3A_3021 = arith.constant dense<true> : vector<256x1xi1>
      %not3A_3022 = arith.xori %broadcast_in_dim3A_3020, %not3A_3021 : vector<256x1xi1>
      %and3A_3023 = arith.andi %and3A_2057, %not3A_3022 : vector<256x1xi1>
      %ne3A_3024 = arith.xori %and3A_3023, %ne3A_2991 : vector<256x1xi1>
      %reduce_or3A_3025 = arith.constant 1.000000e+00 : f32
      %reduce_or3A_3026 = arith.constant 0.000000e+00 : f32
      %reduce_or3A_3027 = vector.broadcast %reduce_or3A_3025 : f32 to vector<256x1xf32>
      %reduce_or3A_3028 = vector.broadcast %reduce_or3A_3026 : f32 to vector<256x1xf32>
      %reduce_or3A_3029 = arith.select %ne3A_3024, %reduce_or3A_3027, %reduce_or3A_3028 : vector<256x1xi1>, vector<256x1xf32>
      %reduce_or3A_3030 = vector.shape_cast %reduce_or3A_3029 : vector<256x1xf32> to vector<1x256x1xf32>
      %reduce_or3A_3031 = arith.constant dense<0xFF800000> : vector<1xf32>
      %reduce_or3A_3032 = vector.multi_reduction <maximumf>, %reduce_or3A_3030, %reduce_or3A_3031 [1, 2] : vector<1x256x1xf32> to vector<1xf32>
      %reduce_or3A_3033 = vector.shape_cast %reduce_or3A_3032 : vector<1xf32> to vector<1x1x1xf32>
      %reduce_or3A_3034 = vector.extract %reduce_or3A_3033[0, 0, 0] : f32 from vector<1x1x1xf32>
      %reduce_or3A_3035 = arith.constant 0.000000e+00 : f32
      %reduce_or3A_3036 = arith.cmpf ogt, %reduce_or3A_3034, %reduce_or3A_3035 : f32
      %convert_element_type3A_3037 = arith.extui %reduce_or3A_3036 : i1 to i32
      %convert_element_type3A_3038 = arith.extui %and3A_3023 : vector<256x1xi1> to vector<256x1xi32>
      %add3A_3039 = arith.constant 1 : i32
      %add3A_3040 = arith.addi %while3A_2988, %add3A_3039 : i32
      scf.yield %convert_element_type3A_3038, %convert_element_type3A_3037, %add3A_3040 : vector<256x1xi32>, i32, i32
    }
    %ne3A_2070 = arith.constant 0 : i32
    %ne3A_2071 = vector.broadcast %ne3A_2070 : i32 to vector<256x1xi32>
    %ne3A_2072 = arith.cmpi ne, %while3A_2069#0, %ne3A_2071 : vector<256x1xi32>
    %and3A_2073 = vector.broadcast %ne3A_2072 : vector<256x1xi1> to vector<256x256xi1>
    %and3A_2074 = arith.andi %and3A_2063, %and3A_2073 : vector<256x256xi1>
    %reduce_or3A_2075 = arith.constant 1.000000e+00 : f32
    %reduce_or3A_2076 = arith.constant 0.000000e+00 : f32
    %reduce_or3A_2077 = vector.broadcast %reduce_or3A_2075 : f32 to vector<256x256xf32>
    %reduce_or3A_2078 = vector.broadcast %reduce_or3A_2076 : f32 to vector<256x256xf32>
    %reduce_or3A_2079 = arith.select %and3A_2074, %reduce_or3A_2077, %reduce_or3A_2078 : vector<256x256xi1>, vector<256x256xf32>
    %reduce_or3A_2080 = arith.constant dense<0xFF800000> : vector<256xf32>
    %reduce_or3A_2081 = vector.multi_reduction <maximumf>, %reduce_or3A_2079, %reduce_or3A_2080 [0] : vector<256x256xf32> to vector<256xf32>
    %reduce_or3A_2082 = arith.constant 0.000000e+00 : f32
    %reduce_or3A_2083 = vector.broadcast %reduce_or3A_2082 : f32 to vector<256xf32>
    %reduce_or3A_2084 = arith.cmpf ogt, %reduce_or3A_2081, %reduce_or3A_2083 : vector<256xf32>
    %broadcast_in_dim3A_2085 = vector.shape_cast %reduce_or3A_2084 : vector<256xi1> to vector<1x256xi1>
    %not3A_2086 = arith.constant dense<true> : vector<1x256xi1>
    %not3A_2087 = arith.xori %broadcast_in_dim3A_2085, %not3A_2086 : vector<1x256xi1>
    %and3A_2088 = arith.andi %and3A_2061, %not3A_2087 : vector<1x256xi1>
    %convert_element_type3A_2089 = arith.extui %and3A_2088 : vector<1x256xi1> to vector<1x256xi32>
    %swap3A_2090 = arith.constant 0 : index
    %swap3A_2091 = arith.constant 2560 : index
    %swap3A_2092 = vector.load %arg5[%swap3A_2090, %swap3A_2091] : memref<1x4096xi32, #tpu.memory_space<vmem>>, vector<1x256xi32>
    tpu.vector_store %arg5[%swap3A_2090, %swap3A_2091], %convert_element_type3A_2089 {strides = array<i32>} : memref<1x4096xi32, #tpu.memory_space<vmem>>, vector<1x256xi32>,
    %convert_element_type3A_2093 = arith.extui %ne3A_2072 : vector<256x1xi1> to vector<256x1xi32>
    %swap3A_2094 = arith.constant 2560 : index
    %swap3A_2095 = arith.constant 0 : index
    %swap3A_2096 = vector.load %arg6[%swap3A_2094, %swap3A_2095] : memref<4096x1xi32, #tpu.memory_space<vmem>>, vector<256x1xi32>
    tpu.vector_store %arg6[%swap3A_2094, %swap3A_2095], %convert_element_type3A_2093 {strides = array<i32>} : memref<4096x1xi32, #tpu.memory_space<vmem>>, vector<256x1xi32>,
    %slice3A_2097 = vector.extract_strided_slice %min3A_201 {offsets = [2816, 0], sizes = [256, 1], strides = [1, 1]} : vector<4096x1xf32> to vector<256x1xf32>
    %slice3A_2098 = vector.extract_strided_slice %min3A_211 {offsets = [2816, 0], sizes = [256, 1], strides = [1, 1]} : vector<4096x1xf32> to vector<256x1xf32>
    %slice3A_2099 = vector.extract_strided_slice %min3A_224 {offsets = [2816, 0], sizes = [256, 1], strides = [1, 1]} : vector<4096x1xf32> to vector<256x1xf32>
    %slice3A_2100 = vector.extract_strided_slice %min3A_237 {offsets = [2816, 0], sizes = [256, 1], strides = [1, 1]} : vector<4096x1xf32> to vector<256x1xf32>
    %slice3A_2101 = vector.extract_strided_slice %mul3A_253 {offsets = [2816, 0], sizes = [256, 1], strides = [1, 1]} : vector<4096x1xf32> to vector<256x1xf32>
    %slice3A_2102 = vector.extract_strided_slice %min3A_94 {offsets = [0, 0], sizes = [1, 3072], strides = [1, 1]} : vector<1x4096xf32> to vector<1x3072xf32>
    %min3A_2103 = vector.broadcast %slice3A_2099 : vector<256x1xf32> to vector<256x3072xf32>
    %min3A_2104 = vector.broadcast %slice3A_2102 : vector<1x3072xf32> to vector<256x3072xf32>
    %min3A_2105 = arith.minimumf %min3A_2103, %min3A_2104 : vector<256x3072xf32>
    %slice3A_2106 = vector.extract_strided_slice %min3A_71 {offsets = [0, 0], sizes = [1, 3072], strides = [1, 1]} : vector<1x4096xf32> to vector<1x3072xf32>
    %max3A_2107 = vector.broadcast %slice3A_2097 : vector<256x1xf32> to vector<256x3072xf32>
    %max3A_2108 = vector.broadcast %slice3A_2106 : vector<1x3072xf32> to vector<256x3072xf32>
    %max3A_2109 = arith.maximumf %max3A_2107, %max3A_2108 : vector<256x3072xf32>
    %sub3A_2110 = arith.subf %min3A_2105, %max3A_2109 : vector<256x3072xf32>
    %add3A_2111 = arith.constant 1.000000e+00 : f32
    %add3A_2112 = vector.broadcast %add3A_2111 : f32 to vector<256x3072xf32>
    %add3A_2113 = arith.addf %sub3A_2110, %add3A_2112 : vector<256x3072xf32>
    %jit3A_2114 = arith.constant 0.000000e+00 : f32
    %max3A_2115 = vector.broadcast %jit3A_2114 : f32 to vector<256x3072xf32>
    %max3A_2116 = arith.maximumf %max3A_2115, %add3A_2113 : vector<256x3072xf32>
    %slice3A_2117 = vector.extract_strided_slice %min3A_107 {offsets = [0, 0], sizes = [1, 3072], strides = [1, 1]} : vector<1x4096xf32> to vector<1x3072xf32>
    %min3A_2118 = vector.broadcast %slice3A_2100 : vector<256x1xf32> to vector<256x3072xf32>
    %min3A_2119 = vector.broadcast %slice3A_2117 : vector<1x3072xf32> to vector<256x3072xf32>
    %min3A_2120 = arith.minimumf %min3A_2118, %min3A_2119 : vector<256x3072xf32>
    %slice3A_2121 = vector.extract_strided_slice %min3A_81 {offsets = [0, 0], sizes = [1, 3072], strides = [1, 1]} : vector<1x4096xf32> to vector<1x3072xf32>
    %max3A_2122 = vector.broadcast %slice3A_2098 : vector<256x1xf32> to vector<256x3072xf32>
    %max3A_2123 = vector.broadcast %slice3A_2121 : vector<1x3072xf32> to vector<256x3072xf32>
    %max3A_2124 = arith.maximumf %max3A_2122, %max3A_2123 : vector<256x3072xf32>
    %sub3A_2125 = arith.subf %min3A_2120, %max3A_2124 : vector<256x3072xf32>
    %add3A_2126 = arith.constant 1.000000e+00 : f32
    %add3A_2127 = vector.broadcast %add3A_2126 : f32 to vector<256x3072xf32>
    %add3A_2128 = arith.addf %sub3A_2125, %add3A_2127 : vector<256x3072xf32>
    %jit3A_2129 = arith.constant 0.000000e+00 : f32
    %max3A_2130 = vector.broadcast %jit3A_2129 : f32 to vector<256x3072xf32>
    %max3A_2131 = arith.maximumf %max3A_2130, %add3A_2128 : vector<256x3072xf32>
    %mul3A_2132 = arith.mulf %max3A_2116, %max3A_2131 : vector<256x3072xf32>
    %slice3A_2133 = vector.extract_strided_slice %mul3A_121 {offsets = [0, 0], sizes = [1, 3072], strides = [1, 1]} : vector<1x4096xf32> to vector<1x3072xf32>
    %add3A_2134 = vector.broadcast %slice3A_2101 : vector<256x1xf32> to vector<256x3072xf32>
    %add3A_2135 = vector.broadcast %slice3A_2133 : vector<1x3072xf32> to vector<256x3072xf32>
    %add3A_2136 = arith.addf %add3A_2134, %add3A_2135 : vector<256x3072xf32>
    %sub3A_2137 = arith.subf %add3A_2136, %mul3A_2132 : vector<256x3072xf32>
    %div3A_2138 = arith.divf %mul3A_2132, %sub3A_2137 : vector<256x3072xf32>
    %gt3A_2139 = arith.constant 0.699999988 : f32
    %gt3A_2140 = vector.broadcast %gt3A_2139 : f32 to vector<256x3072xf32>
    %gt3A_2141 = arith.cmpf ogt, %div3A_2138, %gt3A_2140 : vector<256x3072xf32>
    %get3A_2142 = arith.constant 0 : index
    %get3A_2143 = arith.constant 0 : index
    %get3A_2144 = vector.load %arg5[%get3A_2142, %get3A_2143] : memref<1x4096xi32, #tpu.memory_space<vmem>>, vector<1x3072xi32>
    %ne3A_2145 = arith.constant 0 : i32
    %ne3A_2146 = vector.broadcast %ne3A_2145 : i32 to vector<1x3072xi32>
    %ne3A_2147 = arith.cmpi ne, %get3A_2144, %ne3A_2146 : vector<1x3072xi32>
    %and3A_2148 = vector.broadcast %ne3A_2147 : vector<1x3072xi1> to vector<256x3072xi1>
    %and3A_2149 = arith.andi %gt3A_2141, %and3A_2148 : vector<256x3072xi1>
    %reduce_or3A_2150 = arith.constant 1.000000e+00 : f32
    %reduce_or3A_2151 = arith.constant 0.000000e+00 : f32
    %reduce_or3A_2152 = vector.broadcast %reduce_or3A_2150 : f32 to vector<256x3072xf32>
    %reduce_or3A_2153 = vector.broadcast %reduce_or3A_2151 : f32 to vector<256x3072xf32>
    %reduce_or3A_2154 = arith.select %and3A_2149, %reduce_or3A_2152, %reduce_or3A_2153 : vector<256x3072xi1>, vector<256x3072xf32>
    %reduce_or3A_2155 = arith.constant dense<0xFF800000> : vector<256xf32>
    %reduce_or3A_2156 = vector.multi_reduction <maximumf>, %reduce_or3A_2154, %reduce_or3A_2155 [1] : vector<256x3072xf32> to vector<256xf32>
    %reduce_or3A_2157 = arith.constant 0.000000e+00 : f32
    %reduce_or3A_2158 = vector.broadcast %reduce_or3A_2157 : f32 to vector<256xf32>
    %reduce_or3A_2159 = arith.cmpf ogt, %reduce_or3A_2156, %reduce_or3A_2158 : vector<256xf32>
    %broadcast_in_dim3A_2160 = vector.shape_cast %reduce_or3A_2159 : vector<256xi1> to vector<256x1xi1>
    %slice3A_2161 = vector.extract_strided_slice %min3A_71 {offsets = [0, 2816], sizes = [1, 256], strides = [1, 1]} : vector<1x4096xf32> to vector<1x256xf32>
    %slice3A_2162 = vector.extract_strided_slice %min3A_81 {offsets = [0, 2816], sizes = [1, 256], strides = [1, 1]} : vector<1x4096xf32> to vector<1x256xf32>
    %slice3A_2163 = vector.extract_strided_slice %min3A_94 {offsets = [0, 2816], sizes = [1, 256], strides = [1, 1]} : vector<1x4096xf32> to vector<1x256xf32>
    %slice3A_2164 = vector.extract_strided_slice %min3A_107 {offsets = [0, 2816], sizes = [1, 256], strides = [1, 1]} : vector<1x4096xf32> to vector<1x256xf32>
    %slice3A_2165 = vector.extract_strided_slice %mul3A_121 {offsets = [0, 2816], sizes = [1, 256], strides = [1, 1]} : vector<1x4096xf32> to vector<1x256xf32>
    %slice3A_2166 = vector.extract_strided_slice %min3A_224 {offsets = [0, 0], sizes = [2816, 1], strides = [1, 1]} : vector<4096x1xf32> to vector<2816x1xf32>
    %min3A_2167 = vector.broadcast %slice3A_2166 : vector<2816x1xf32> to vector<2816x256xf32>
    %min3A_2168 = vector.broadcast %slice3A_2163 : vector<1x256xf32> to vector<2816x256xf32>
    %min3A_2169 = arith.minimumf %min3A_2167, %min3A_2168 : vector<2816x256xf32>
    %slice3A_2170 = vector.extract_strided_slice %min3A_201 {offsets = [0, 0], sizes = [2816, 1], strides = [1, 1]} : vector<4096x1xf32> to vector<2816x1xf32>
    %max3A_2171 = vector.broadcast %slice3A_2170 : vector<2816x1xf32> to vector<2816x256xf32>
    %max3A_2172 = vector.broadcast %slice3A_2161 : vector<1x256xf32> to vector<2816x256xf32>
    %max3A_2173 = arith.maximumf %max3A_2171, %max3A_2172 : vector<2816x256xf32>
    %sub3A_2174 = arith.subf %min3A_2169, %max3A_2173 : vector<2816x256xf32>
    %add3A_2175 = arith.constant 1.000000e+00 : f32
    %add3A_2176 = vector.broadcast %add3A_2175 : f32 to vector<2816x256xf32>
    %add3A_2177 = arith.addf %sub3A_2174, %add3A_2176 : vector<2816x256xf32>
    %jit3A_2178 = arith.constant 0.000000e+00 : f32
    %max3A_2179 = vector.broadcast %jit3A_2178 : f32 to vector<2816x256xf32>
    %max3A_2180 = arith.maximumf %max3A_2179, %add3A_2177 : vector<2816x256xf32>
    %slice3A_2181 = vector.extract_strided_slice %min3A_237 {offsets = [0, 0], sizes = [2816, 1], strides = [1, 1]} : vector<4096x1xf32> to vector<2816x1xf32>
    %min3A_2182 = vector.broadcast %slice3A_2181 : vector<2816x1xf32> to vector<2816x256xf32>
    %min3A_2183 = vector.broadcast %slice3A_2164 : vector<1x256xf32> to vector<2816x256xf32>
    %min3A_2184 = arith.minimumf %min3A_2182, %min3A_2183 : vector<2816x256xf32>
    %slice3A_2185 = vector.extract_strided_slice %min3A_211 {offsets = [0, 0], sizes = [2816, 1], strides = [1, 1]} : vector<4096x1xf32> to vector<2816x1xf32>
    %max3A_2186 = vector.broadcast %slice3A_2185 : vector<2816x1xf32> to vector<2816x256xf32>
    %max3A_2187 = vector.broadcast %slice3A_2162 : vector<1x256xf32> to vector<2816x256xf32>
    %max3A_2188 = arith.maximumf %max3A_2186, %max3A_2187 : vector<2816x256xf32>
    %sub3A_2189 = arith.subf %min3A_2184, %max3A_2188 : vector<2816x256xf32>
    %add3A_2190 = arith.constant 1.000000e+00 : f32
    %add3A_2191 = vector.broadcast %add3A_2190 : f32 to vector<2816x256xf32>
    %add3A_2192 = arith.addf %sub3A_2189, %add3A_2191 : vector<2816x256xf32>
    %jit3A_2193 = arith.constant 0.000000e+00 : f32
    %max3A_2194 = vector.broadcast %jit3A_2193 : f32 to vector<2816x256xf32>
    %max3A_2195 = arith.maximumf %max3A_2194, %add3A_2192 : vector<2816x256xf32>
    %mul3A_2196 = arith.mulf %max3A_2180, %max3A_2195 : vector<2816x256xf32>
    %slice3A_2197 = vector.extract_strided_slice %mul3A_253 {offsets = [0, 0], sizes = [2816, 1], strides = [1, 1]} : vector<4096x1xf32> to vector<2816x1xf32>
    %add3A_2198 = vector.broadcast %slice3A_2197 : vector<2816x1xf32> to vector<2816x256xf32>
    %add3A_2199 = vector.broadcast %slice3A_2165 : vector<1x256xf32> to vector<2816x256xf32>
    %add3A_2200 = arith.addf %add3A_2198, %add3A_2199 : vector<2816x256xf32>
    %sub3A_2201 = arith.subf %add3A_2200, %mul3A_2196 : vector<2816x256xf32>
    %div3A_2202 = arith.divf %mul3A_2196, %sub3A_2201 : vector<2816x256xf32>
    %gt3A_2203 = arith.constant 0.699999988 : f32
    %gt3A_2204 = vector.broadcast %gt3A_2203 : f32 to vector<2816x256xf32>
    %gt3A_2205 = arith.cmpf ogt, %div3A_2202, %gt3A_2204 : vector<2816x256xf32>
    %get3A_2206 = arith.constant 0 : index
    %get3A_2207 = arith.constant 0 : index
    %get3A_2208 = vector.load %arg6[%get3A_2206, %get3A_2207] : memref<4096x1xi32, #tpu.memory_space<vmem>>, vector<2816x1xi32>
    %ne3A_2209 = arith.constant 0 : i32
    %ne3A_2210 = vector.broadcast %ne3A_2209 : i32 to vector<2816x1xi32>
    %ne3A_2211 = arith.cmpi ne, %get3A_2208, %ne3A_2210 : vector<2816x1xi32>
    %and3A_2212 = vector.broadcast %ne3A_2211 : vector<2816x1xi1> to vector<2816x256xi1>
    %and3A_2213 = arith.andi %gt3A_2205, %and3A_2212 : vector<2816x256xi1>
    %reduce_or3A_2214 = arith.constant 1.000000e+00 : f32
    %reduce_or3A_2215 = arith.constant 0.000000e+00 : f32
    %reduce_or3A_2216 = vector.broadcast %reduce_or3A_2214 : f32 to vector<2816x256xf32>
    %reduce_or3A_2217 = vector.broadcast %reduce_or3A_2215 : f32 to vector<2816x256xf32>
    %reduce_or3A_2218 = arith.select %and3A_2213, %reduce_or3A_2216, %reduce_or3A_2217 : vector<2816x256xi1>, vector<2816x256xf32>
    %reduce_or3A_2219 = arith.constant dense<0xFF800000> : vector<256xf32>
    %reduce_or3A_2220 = vector.multi_reduction <maximumf>, %reduce_or3A_2218, %reduce_or3A_2219 [0] : vector<2816x256xf32> to vector<256xf32>
    %reduce_or3A_2221 = arith.constant 0.000000e+00 : f32
    %reduce_or3A_2222 = vector.broadcast %reduce_or3A_2221 : f32 to vector<256xf32>
    %reduce_or3A_2223 = arith.cmpf ogt, %reduce_or3A_2220, %reduce_or3A_2222 : vector<256xf32>
    %broadcast_in_dim3A_2224 = vector.shape_cast %reduce_or3A_2223 : vector<256xi1> to vector<1x256xi1>
    %slice3A_2225 = vector.extract_strided_slice %and3A_252 {offsets = [2816, 0], sizes = [256, 1], strides = [1, 1]} : vector<4096x1xi1> to vector<256x1xi1>
    %not3A_2226 = arith.constant dense<true> : vector<256x1xi1>
    %not3A_2227 = arith.xori %broadcast_in_dim3A_2160, %not3A_2226 : vector<256x1xi1>
    %and3A_2228 = arith.andi %slice3A_2225, %not3A_2227 : vector<256x1xi1>
    %slice3A_2229 = vector.extract_strided_slice %and3A {offsets = [0, 2816], sizes = [1, 256], strides = [1, 1]} : vector<1x4096xi1> to vector<1x256xi1>
    %not3A_2230 = arith.constant dense<true> : vector<1x256xi1>
    %not3A_2231 = arith.xori %broadcast_in_dim3A_2224, %not3A_2230 : vector<1x256xi1>
    %and3A_2232 = arith.andi %slice3A_2229, %not3A_2231 : vector<1x256xi1>
    %slice3A_2233 = vector.extract_strided_slice %gt3A_2141 {offsets = [0, 2816], sizes = [256, 256], strides = [1, 1]} : vector<256x3072xi1> to vector<256x256xi1>
    %and3A_2234 = arith.andi %slice3A_2233, %lt3A : vector<256x256xi1>
    %slice3A_2235 = vector.extract_strided_slice %gt3A_2141 {offsets = [0, 2816], sizes = [256, 256], strides = [1, 1]} : vector<256x3072xi1> to vector<256x256xi1>
    %and3A_2236 = arith.andi %slice3A_2235, %gt3A : vector<256x256xi1>
    %convert_element_type3A_2237 = arith.extui %and3A_2228 : vector<256x1xi1> to vector<256x1xi32>
    %while3A_2238 = arith.constant 1 : i32
    %while3A_2239 = arith.constant 0 : i32
    %while3A_2240:3 = scf.while (%while3A_2986 = %convert_element_type3A_2237, %while3A_2987 = %while3A_2238, %while3A_2988 = %while3A_2239) : (vector<256x1xi32>, i32, i32) -> (vector<256x1xi32>, i32, i32) {
      %ne3A_2989 = arith.constant 0 : i32
      %ne3A_2990 = arith.cmpi ne, %while3A_2987, %ne3A_2989 : i32
      %lt3A_2991 = arith.constant 256 : i32
      %lt3A_2992 = arith.cmpi slt, %while3A_2988, %lt3A_2991 : i32
      %and3A_2993 = arith.andi %ne3A_2990, %lt3A_2992 : i1
      scf.condition(%and3A_2993) %while3A_2986, %while3A_2987, %while3A_2988 : vector<256x1xi32>, i32, i32
    } do {
    ^bb0(%while3A_2986: vector<256x1xi32>, %while3A_2987: i32, %while3A_2988: i32):
      %ne3A_2989 = arith.constant 0 : i32
      %ne3A_2990 = vector.broadcast %ne3A_2989 : i32 to vector<256x1xi32>
      %ne3A_2991 = arith.cmpi ne, %while3A_2986, %ne3A_2990 : vector<256x1xi32>
      %and3A_2992 = vector.broadcast %ne3A_2991 : vector<256x1xi1> to vector<256x256xi1>
      %and3A_2993 = arith.andi %and3A_2234, %and3A_2992 : vector<256x256xi1>
      %reduce_or3A_2994 = arith.constant 1.000000e+00 : f32
      %reduce_or3A_2995 = arith.constant 0.000000e+00 : f32
      %reduce_or3A_2996 = vector.broadcast %reduce_or3A_2994 : f32 to vector<256x256xf32>
      %reduce_or3A_2997 = vector.broadcast %reduce_or3A_2995 : f32 to vector<256x256xf32>
      %reduce_or3A_2998 = arith.select %and3A_2993, %reduce_or3A_2996, %reduce_or3A_2997 : vector<256x256xi1>, vector<256x256xf32>
      %reduce_or3A_2999 = arith.constant dense<0xFF800000> : vector<256xf32>
      %reduce_or3A_3000 = vector.multi_reduction <maximumf>, %reduce_or3A_2998, %reduce_or3A_2999 [0] : vector<256x256xf32> to vector<256xf32>
      %reduce_or3A_3001 = arith.constant 0.000000e+00 : f32
      %reduce_or3A_3002 = vector.broadcast %reduce_or3A_3001 : f32 to vector<256xf32>
      %reduce_or3A_3003 = arith.cmpf ogt, %reduce_or3A_3000, %reduce_or3A_3002 : vector<256xf32>
      %broadcast_in_dim3A_3004 = vector.shape_cast %reduce_or3A_3003 : vector<256xi1> to vector<1x256xi1>
      %not3A_3005 = arith.constant dense<true> : vector<1x256xi1>
      %not3A_3006 = arith.xori %broadcast_in_dim3A_3004, %not3A_3005 : vector<1x256xi1>
      %and3A_3007 = arith.andi %and3A_2232, %not3A_3006 : vector<1x256xi1>
      %and3A_3008 = vector.broadcast %and3A_3007 : vector<1x256xi1> to vector<256x256xi1>
      %and3A_3009 = arith.andi %and3A_2236, %and3A_3008 : vector<256x256xi1>
      %reduce_or3A_3010 = arith.constant 1.000000e+00 : f32
      %reduce_or3A_3011 = arith.constant 0.000000e+00 : f32
      %reduce_or3A_3012 = vector.broadcast %reduce_or3A_3010 : f32 to vector<256x256xf32>
      %reduce_or3A_3013 = vector.broadcast %reduce_or3A_3011 : f32 to vector<256x256xf32>
      %reduce_or3A_3014 = arith.select %and3A_3009, %reduce_or3A_3012, %reduce_or3A_3013 : vector<256x256xi1>, vector<256x256xf32>
      %reduce_or3A_3015 = arith.constant dense<0xFF800000> : vector<256xf32>
      %reduce_or3A_3016 = vector.multi_reduction <maximumf>, %reduce_or3A_3014, %reduce_or3A_3015 [1] : vector<256x256xf32> to vector<256xf32>
      %reduce_or3A_3017 = arith.constant 0.000000e+00 : f32
      %reduce_or3A_3018 = vector.broadcast %reduce_or3A_3017 : f32 to vector<256xf32>
      %reduce_or3A_3019 = arith.cmpf ogt, %reduce_or3A_3016, %reduce_or3A_3018 : vector<256xf32>
      %broadcast_in_dim3A_3020 = vector.shape_cast %reduce_or3A_3019 : vector<256xi1> to vector<256x1xi1>
      %not3A_3021 = arith.constant dense<true> : vector<256x1xi1>
      %not3A_3022 = arith.xori %broadcast_in_dim3A_3020, %not3A_3021 : vector<256x1xi1>
      %and3A_3023 = arith.andi %and3A_2228, %not3A_3022 : vector<256x1xi1>
      %ne3A_3024 = arith.xori %and3A_3023, %ne3A_2991 : vector<256x1xi1>
      %reduce_or3A_3025 = arith.constant 1.000000e+00 : f32
      %reduce_or3A_3026 = arith.constant 0.000000e+00 : f32
      %reduce_or3A_3027 = vector.broadcast %reduce_or3A_3025 : f32 to vector<256x1xf32>
      %reduce_or3A_3028 = vector.broadcast %reduce_or3A_3026 : f32 to vector<256x1xf32>
      %reduce_or3A_3029 = arith.select %ne3A_3024, %reduce_or3A_3027, %reduce_or3A_3028 : vector<256x1xi1>, vector<256x1xf32>
      %reduce_or3A_3030 = vector.shape_cast %reduce_or3A_3029 : vector<256x1xf32> to vector<1x256x1xf32>
      %reduce_or3A_3031 = arith.constant dense<0xFF800000> : vector<1xf32>
      %reduce_or3A_3032 = vector.multi_reduction <maximumf>, %reduce_or3A_3030, %reduce_or3A_3031 [1, 2] : vector<1x256x1xf32> to vector<1xf32>
      %reduce_or3A_3033 = vector.shape_cast %reduce_or3A_3032 : vector<1xf32> to vector<1x1x1xf32>
      %reduce_or3A_3034 = vector.extract %reduce_or3A_3033[0, 0, 0] : f32 from vector<1x1x1xf32>
      %reduce_or3A_3035 = arith.constant 0.000000e+00 : f32
      %reduce_or3A_3036 = arith.cmpf ogt, %reduce_or3A_3034, %reduce_or3A_3035 : f32
      %convert_element_type3A_3037 = arith.extui %reduce_or3A_3036 : i1 to i32
      %convert_element_type3A_3038 = arith.extui %and3A_3023 : vector<256x1xi1> to vector<256x1xi32>
      %add3A_3039 = arith.constant 1 : i32
      %add3A_3040 = arith.addi %while3A_2988, %add3A_3039 : i32
      scf.yield %convert_element_type3A_3038, %convert_element_type3A_3037, %add3A_3040 : vector<256x1xi32>, i32, i32
    }
    %ne3A_2241 = arith.constant 0 : i32
    %ne3A_2242 = vector.broadcast %ne3A_2241 : i32 to vector<256x1xi32>
    %ne3A_2243 = arith.cmpi ne, %while3A_2240#0, %ne3A_2242 : vector<256x1xi32>
    %and3A_2244 = vector.broadcast %ne3A_2243 : vector<256x1xi1> to vector<256x256xi1>
    %and3A_2245 = arith.andi %and3A_2234, %and3A_2244 : vector<256x256xi1>
    %reduce_or3A_2246 = arith.constant 1.000000e+00 : f32
    %reduce_or3A_2247 = arith.constant 0.000000e+00 : f32
    %reduce_or3A_2248 = vector.broadcast %reduce_or3A_2246 : f32 to vector<256x256xf32>
    %reduce_or3A_2249 = vector.broadcast %reduce_or3A_2247 : f32 to vector<256x256xf32>
    %reduce_or3A_2250 = arith.select %and3A_2245, %reduce_or3A_2248, %reduce_or3A_2249 : vector<256x256xi1>, vector<256x256xf32>
    %reduce_or3A_2251 = arith.constant dense<0xFF800000> : vector<256xf32>
    %reduce_or3A_2252 = vector.multi_reduction <maximumf>, %reduce_or3A_2250, %reduce_or3A_2251 [0] : vector<256x256xf32> to vector<256xf32>
    %reduce_or3A_2253 = arith.constant 0.000000e+00 : f32
    %reduce_or3A_2254 = vector.broadcast %reduce_or3A_2253 : f32 to vector<256xf32>
    %reduce_or3A_2255 = arith.cmpf ogt, %reduce_or3A_2252, %reduce_or3A_2254 : vector<256xf32>
    %broadcast_in_dim3A_2256 = vector.shape_cast %reduce_or3A_2255 : vector<256xi1> to vector<1x256xi1>
    %not3A_2257 = arith.constant dense<true> : vector<1x256xi1>
    %not3A_2258 = arith.xori %broadcast_in_dim3A_2256, %not3A_2257 : vector<1x256xi1>
    %and3A_2259 = arith.andi %and3A_2232, %not3A_2258 : vector<1x256xi1>
    %convert_element_type3A_2260 = arith.extui %and3A_2259 : vector<1x256xi1> to vector<1x256xi32>
    %swap3A_2261 = arith.constant 0 : index
    %swap3A_2262 = arith.constant 2816 : index
    %swap3A_2263 = vector.load %arg5[%swap3A_2261, %swap3A_2262] : memref<1x4096xi32, #tpu.memory_space<vmem>>, vector<1x256xi32>
    tpu.vector_store %arg5[%swap3A_2261, %swap3A_2262], %convert_element_type3A_2260 {strides = array<i32>} : memref<1x4096xi32, #tpu.memory_space<vmem>>, vector<1x256xi32>,
    %convert_element_type3A_2264 = arith.extui %ne3A_2243 : vector<256x1xi1> to vector<256x1xi32>
    %swap3A_2265 = arith.constant 2816 : index
    %swap3A_2266 = arith.constant 0 : index
    %swap3A_2267 = vector.load %arg6[%swap3A_2265, %swap3A_2266] : memref<4096x1xi32, #tpu.memory_space<vmem>>, vector<256x1xi32>
    tpu.vector_store %arg6[%swap3A_2265, %swap3A_2266], %convert_element_type3A_2264 {strides = array<i32>} : memref<4096x1xi32, #tpu.memory_space<vmem>>, vector<256x1xi32>,
    %slice3A_2268 = vector.extract_strided_slice %min3A_201 {offsets = [3072, 0], sizes = [256, 1], strides = [1, 1]} : vector<4096x1xf32> to vector<256x1xf32>
    %slice3A_2269 = vector.extract_strided_slice %min3A_211 {offsets = [3072, 0], sizes = [256, 1], strides = [1, 1]} : vector<4096x1xf32> to vector<256x1xf32>
    %slice3A_2270 = vector.extract_strided_slice %min3A_224 {offsets = [3072, 0], sizes = [256, 1], strides = [1, 1]} : vector<4096x1xf32> to vector<256x1xf32>
    %slice3A_2271 = vector.extract_strided_slice %min3A_237 {offsets = [3072, 0], sizes = [256, 1], strides = [1, 1]} : vector<4096x1xf32> to vector<256x1xf32>
    %slice3A_2272 = vector.extract_strided_slice %mul3A_253 {offsets = [3072, 0], sizes = [256, 1], strides = [1, 1]} : vector<4096x1xf32> to vector<256x1xf32>
    %slice3A_2273 = vector.extract_strided_slice %min3A_94 {offsets = [0, 0], sizes = [1, 3328], strides = [1, 1]} : vector<1x4096xf32> to vector<1x3328xf32>
    %min3A_2274 = vector.broadcast %slice3A_2270 : vector<256x1xf32> to vector<256x3328xf32>
    %min3A_2275 = vector.broadcast %slice3A_2273 : vector<1x3328xf32> to vector<256x3328xf32>
    %min3A_2276 = arith.minimumf %min3A_2274, %min3A_2275 : vector<256x3328xf32>
    %slice3A_2277 = vector.extract_strided_slice %min3A_71 {offsets = [0, 0], sizes = [1, 3328], strides = [1, 1]} : vector<1x4096xf32> to vector<1x3328xf32>
    %max3A_2278 = vector.broadcast %slice3A_2268 : vector<256x1xf32> to vector<256x3328xf32>
    %max3A_2279 = vector.broadcast %slice3A_2277 : vector<1x3328xf32> to vector<256x3328xf32>
    %max3A_2280 = arith.maximumf %max3A_2278, %max3A_2279 : vector<256x3328xf32>
    %sub3A_2281 = arith.subf %min3A_2276, %max3A_2280 : vector<256x3328xf32>
    %add3A_2282 = arith.constant 1.000000e+00 : f32
    %add3A_2283 = vector.broadcast %add3A_2282 : f32 to vector<256x3328xf32>
    %add3A_2284 = arith.addf %sub3A_2281, %add3A_2283 : vector<256x3328xf32>
    %jit3A_2285 = arith.constant 0.000000e+00 : f32
    %max3A_2286 = vector.broadcast %jit3A_2285 : f32 to vector<256x3328xf32>
    %max3A_2287 = arith.maximumf %max3A_2286, %add3A_2284 : vector<256x3328xf32>
    %slice3A_2288 = vector.extract_strided_slice %min3A_107 {offsets = [0, 0], sizes = [1, 3328], strides = [1, 1]} : vector<1x4096xf32> to vector<1x3328xf32>
    %min3A_2289 = vector.broadcast %slice3A_2271 : vector<256x1xf32> to vector<256x3328xf32>
    %min3A_2290 = vector.broadcast %slice3A_2288 : vector<1x3328xf32> to vector<256x3328xf32>
    %min3A_2291 = arith.minimumf %min3A_2289, %min3A_2290 : vector<256x3328xf32>
    %slice3A_2292 = vector.extract_strided_slice %min3A_81 {offsets = [0, 0], sizes = [1, 3328], strides = [1, 1]} : vector<1x4096xf32> to vector<1x3328xf32>
    %max3A_2293 = vector.broadcast %slice3A_2269 : vector<256x1xf32> to vector<256x3328xf32>
    %max3A_2294 = vector.broadcast %slice3A_2292 : vector<1x3328xf32> to vector<256x3328xf32>
    %max3A_2295 = arith.maximumf %max3A_2293, %max3A_2294 : vector<256x3328xf32>
    %sub3A_2296 = arith.subf %min3A_2291, %max3A_2295 : vector<256x3328xf32>
    %add3A_2297 = arith.constant 1.000000e+00 : f32
    %add3A_2298 = vector.broadcast %add3A_2297 : f32 to vector<256x3328xf32>
    %add3A_2299 = arith.addf %sub3A_2296, %add3A_2298 : vector<256x3328xf32>
    %jit3A_2300 = arith.constant 0.000000e+00 : f32
    %max3A_2301 = vector.broadcast %jit3A_2300 : f32 to vector<256x3328xf32>
    %max3A_2302 = arith.maximumf %max3A_2301, %add3A_2299 : vector<256x3328xf32>
    %mul3A_2303 = arith.mulf %max3A_2287, %max3A_2302 : vector<256x3328xf32>
    %slice3A_2304 = vector.extract_strided_slice %mul3A_121 {offsets = [0, 0], sizes = [1, 3328], strides = [1, 1]} : vector<1x4096xf32> to vector<1x3328xf32>
    %add3A_2305 = vector.broadcast %slice3A_2272 : vector<256x1xf32> to vector<256x3328xf32>
    %add3A_2306 = vector.broadcast %slice3A_2304 : vector<1x3328xf32> to vector<256x3328xf32>
    %add3A_2307 = arith.addf %add3A_2305, %add3A_2306 : vector<256x3328xf32>
    %sub3A_2308 = arith.subf %add3A_2307, %mul3A_2303 : vector<256x3328xf32>
    %div3A_2309 = arith.divf %mul3A_2303, %sub3A_2308 : vector<256x3328xf32>
    %gt3A_2310 = arith.constant 0.699999988 : f32
    %gt3A_2311 = vector.broadcast %gt3A_2310 : f32 to vector<256x3328xf32>
    %gt3A_2312 = arith.cmpf ogt, %div3A_2309, %gt3A_2311 : vector<256x3328xf32>
    %get3A_2313 = arith.constant 0 : index
    %get3A_2314 = arith.constant 0 : index
    %get3A_2315 = vector.load %arg5[%get3A_2313, %get3A_2314] : memref<1x4096xi32, #tpu.memory_space<vmem>>, vector<1x3328xi32>
    %ne3A_2316 = arith.constant 0 : i32
    %ne3A_2317 = vector.broadcast %ne3A_2316 : i32 to vector<1x3328xi32>
    %ne3A_2318 = arith.cmpi ne, %get3A_2315, %ne3A_2317 : vector<1x3328xi32>
    %and3A_2319 = vector.broadcast %ne3A_2318 : vector<1x3328xi1> to vector<256x3328xi1>
    %and3A_2320 = arith.andi %gt3A_2312, %and3A_2319 : vector<256x3328xi1>
    %reduce_or3A_2321 = arith.constant 1.000000e+00 : f32
    %reduce_or3A_2322 = arith.constant 0.000000e+00 : f32
    %reduce_or3A_2323 = vector.broadcast %reduce_or3A_2321 : f32 to vector<256x3328xf32>
    %reduce_or3A_2324 = vector.broadcast %reduce_or3A_2322 : f32 to vector<256x3328xf32>
    %reduce_or3A_2325 = arith.select %and3A_2320, %reduce_or3A_2323, %reduce_or3A_2324 : vector<256x3328xi1>, vector<256x3328xf32>
    %reduce_or3A_2326 = arith.constant dense<0xFF800000> : vector<256xf32>
    %reduce_or3A_2327 = vector.multi_reduction <maximumf>, %reduce_or3A_2325, %reduce_or3A_2326 [1] : vector<256x3328xf32> to vector<256xf32>
    %reduce_or3A_2328 = arith.constant 0.000000e+00 : f32
    %reduce_or3A_2329 = vector.broadcast %reduce_or3A_2328 : f32 to vector<256xf32>
    %reduce_or3A_2330 = arith.cmpf ogt, %reduce_or3A_2327, %reduce_or3A_2329 : vector<256xf32>
    %broadcast_in_dim3A_2331 = vector.shape_cast %reduce_or3A_2330 : vector<256xi1> to vector<256x1xi1>
    %slice3A_2332 = vector.extract_strided_slice %min3A_71 {offsets = [0, 3072], sizes = [1, 256], strides = [1, 1]} : vector<1x4096xf32> to vector<1x256xf32>
    %slice3A_2333 = vector.extract_strided_slice %min3A_81 {offsets = [0, 3072], sizes = [1, 256], strides = [1, 1]} : vector<1x4096xf32> to vector<1x256xf32>
    %slice3A_2334 = vector.extract_strided_slice %min3A_94 {offsets = [0, 3072], sizes = [1, 256], strides = [1, 1]} : vector<1x4096xf32> to vector<1x256xf32>
    %slice3A_2335 = vector.extract_strided_slice %min3A_107 {offsets = [0, 3072], sizes = [1, 256], strides = [1, 1]} : vector<1x4096xf32> to vector<1x256xf32>
    %slice3A_2336 = vector.extract_strided_slice %mul3A_121 {offsets = [0, 3072], sizes = [1, 256], strides = [1, 1]} : vector<1x4096xf32> to vector<1x256xf32>
    %slice3A_2337 = vector.extract_strided_slice %min3A_224 {offsets = [0, 0], sizes = [3072, 1], strides = [1, 1]} : vector<4096x1xf32> to vector<3072x1xf32>
    %min3A_2338 = vector.broadcast %slice3A_2337 : vector<3072x1xf32> to vector<3072x256xf32>
    %min3A_2339 = vector.broadcast %slice3A_2334 : vector<1x256xf32> to vector<3072x256xf32>
    %min3A_2340 = arith.minimumf %min3A_2338, %min3A_2339 : vector<3072x256xf32>
    %slice3A_2341 = vector.extract_strided_slice %min3A_201 {offsets = [0, 0], sizes = [3072, 1], strides = [1, 1]} : vector<4096x1xf32> to vector<3072x1xf32>
    %max3A_2342 = vector.broadcast %slice3A_2341 : vector<3072x1xf32> to vector<3072x256xf32>
    %max3A_2343 = vector.broadcast %slice3A_2332 : vector<1x256xf32> to vector<3072x256xf32>
    %max3A_2344 = arith.maximumf %max3A_2342, %max3A_2343 : vector<3072x256xf32>
    %sub3A_2345 = arith.subf %min3A_2340, %max3A_2344 : vector<3072x256xf32>
    %add3A_2346 = arith.constant 1.000000e+00 : f32
    %add3A_2347 = vector.broadcast %add3A_2346 : f32 to vector<3072x256xf32>
    %add3A_2348 = arith.addf %sub3A_2345, %add3A_2347 : vector<3072x256xf32>
    %jit3A_2349 = arith.constant 0.000000e+00 : f32
    %max3A_2350 = vector.broadcast %jit3A_2349 : f32 to vector<3072x256xf32>
    %max3A_2351 = arith.maximumf %max3A_2350, %add3A_2348 : vector<3072x256xf32>
    %slice3A_2352 = vector.extract_strided_slice %min3A_237 {offsets = [0, 0], sizes = [3072, 1], strides = [1, 1]} : vector<4096x1xf32> to vector<3072x1xf32>
    %min3A_2353 = vector.broadcast %slice3A_2352 : vector<3072x1xf32> to vector<3072x256xf32>
    %min3A_2354 = vector.broadcast %slice3A_2335 : vector<1x256xf32> to vector<3072x256xf32>
    %min3A_2355 = arith.minimumf %min3A_2353, %min3A_2354 : vector<3072x256xf32>
    %slice3A_2356 = vector.extract_strided_slice %min3A_211 {offsets = [0, 0], sizes = [3072, 1], strides = [1, 1]} : vector<4096x1xf32> to vector<3072x1xf32>
    %max3A_2357 = vector.broadcast %slice3A_2356 : vector<3072x1xf32> to vector<3072x256xf32>
    %max3A_2358 = vector.broadcast %slice3A_2333 : vector<1x256xf32> to vector<3072x256xf32>
    %max3A_2359 = arith.maximumf %max3A_2357, %max3A_2358 : vector<3072x256xf32>
    %sub3A_2360 = arith.subf %min3A_2355, %max3A_2359 : vector<3072x256xf32>
    %add3A_2361 = arith.constant 1.000000e+00 : f32
    %add3A_2362 = vector.broadcast %add3A_2361 : f32 to vector<3072x256xf32>
    %add3A_2363 = arith.addf %sub3A_2360, %add3A_2362 : vector<3072x256xf32>
    %jit3A_2364 = arith.constant 0.000000e+00 : f32
    %max3A_2365 = vector.broadcast %jit3A_2364 : f32 to vector<3072x256xf32>
    %max3A_2366 = arith.maximumf %max3A_2365, %add3A_2363 : vector<3072x256xf32>
    %mul3A_2367 = arith.mulf %max3A_2351, %max3A_2366 : vector<3072x256xf32>
    %slice3A_2368 = vector.extract_strided_slice %mul3A_253 {offsets = [0, 0], sizes = [3072, 1], strides = [1, 1]} : vector<4096x1xf32> to vector<3072x1xf32>
    %add3A_2369 = vector.broadcast %slice3A_2368 : vector<3072x1xf32> to vector<3072x256xf32>
    %add3A_2370 = vector.broadcast %slice3A_2336 : vector<1x256xf32> to vector<3072x256xf32>
    %add3A_2371 = arith.addf %add3A_2369, %add3A_2370 : vector<3072x256xf32>
    %sub3A_2372 = arith.subf %add3A_2371, %mul3A_2367 : vector<3072x256xf32>
    %div3A_2373 = arith.divf %mul3A_2367, %sub3A_2372 : vector<3072x256xf32>
    %gt3A_2374 = arith.constant 0.699999988 : f32
    %gt3A_2375 = vector.broadcast %gt3A_2374 : f32 to vector<3072x256xf32>
    %gt3A_2376 = arith.cmpf ogt, %div3A_2373, %gt3A_2375 : vector<3072x256xf32>
    %get3A_2377 = arith.constant 0 : index
    %get3A_2378 = arith.constant 0 : index
    %get3A_2379 = vector.load %arg6[%get3A_2377, %get3A_2378] : memref<4096x1xi32, #tpu.memory_space<vmem>>, vector<3072x1xi32>
    %ne3A_2380 = arith.constant 0 : i32
    %ne3A_2381 = vector.broadcast %ne3A_2380 : i32 to vector<3072x1xi32>
    %ne3A_2382 = arith.cmpi ne, %get3A_2379, %ne3A_2381 : vector<3072x1xi32>
    %and3A_2383 = vector.broadcast %ne3A_2382 : vector<3072x1xi1> to vector<3072x256xi1>
    %and3A_2384 = arith.andi %gt3A_2376, %and3A_2383 : vector<3072x256xi1>
    %reduce_or3A_2385 = arith.constant 1.000000e+00 : f32
    %reduce_or3A_2386 = arith.constant 0.000000e+00 : f32
    %reduce_or3A_2387 = vector.broadcast %reduce_or3A_2385 : f32 to vector<3072x256xf32>
    %reduce_or3A_2388 = vector.broadcast %reduce_or3A_2386 : f32 to vector<3072x256xf32>
    %reduce_or3A_2389 = arith.select %and3A_2384, %reduce_or3A_2387, %reduce_or3A_2388 : vector<3072x256xi1>, vector<3072x256xf32>
    %reduce_or3A_2390 = arith.constant dense<0xFF800000> : vector<256xf32>
    %reduce_or3A_2391 = vector.multi_reduction <maximumf>, %reduce_or3A_2389, %reduce_or3A_2390 [0] : vector<3072x256xf32> to vector<256xf32>
    %reduce_or3A_2392 = arith.constant 0.000000e+00 : f32
    %reduce_or3A_2393 = vector.broadcast %reduce_or3A_2392 : f32 to vector<256xf32>
    %reduce_or3A_2394 = arith.cmpf ogt, %reduce_or3A_2391, %reduce_or3A_2393 : vector<256xf32>
    %broadcast_in_dim3A_2395 = vector.shape_cast %reduce_or3A_2394 : vector<256xi1> to vector<1x256xi1>
    %slice3A_2396 = vector.extract_strided_slice %and3A_252 {offsets = [3072, 0], sizes = [256, 1], strides = [1, 1]} : vector<4096x1xi1> to vector<256x1xi1>
    %not3A_2397 = arith.constant dense<true> : vector<256x1xi1>
    %not3A_2398 = arith.xori %broadcast_in_dim3A_2331, %not3A_2397 : vector<256x1xi1>
    %and3A_2399 = arith.andi %slice3A_2396, %not3A_2398 : vector<256x1xi1>
    %slice3A_2400 = vector.extract_strided_slice %and3A {offsets = [0, 3072], sizes = [1, 256], strides = [1, 1]} : vector<1x4096xi1> to vector<1x256xi1>
    %not3A_2401 = arith.constant dense<true> : vector<1x256xi1>
    %not3A_2402 = arith.xori %broadcast_in_dim3A_2395, %not3A_2401 : vector<1x256xi1>
    %and3A_2403 = arith.andi %slice3A_2400, %not3A_2402 : vector<1x256xi1>
    %slice3A_2404 = vector.extract_strided_slice %gt3A_2312 {offsets = [0, 3072], sizes = [256, 256], strides = [1, 1]} : vector<256x3328xi1> to vector<256x256xi1>
    %and3A_2405 = arith.andi %slice3A_2404, %lt3A : vector<256x256xi1>
    %slice3A_2406 = vector.extract_strided_slice %gt3A_2312 {offsets = [0, 3072], sizes = [256, 256], strides = [1, 1]} : vector<256x3328xi1> to vector<256x256xi1>
    %and3A_2407 = arith.andi %slice3A_2406, %gt3A : vector<256x256xi1>
    %convert_element_type3A_2408 = arith.extui %and3A_2399 : vector<256x1xi1> to vector<256x1xi32>
    %while3A_2409 = arith.constant 1 : i32
    %while3A_2410 = arith.constant 0 : i32
    %while3A_2411:3 = scf.while (%while3A_2986 = %convert_element_type3A_2408, %while3A_2987 = %while3A_2409, %while3A_2988 = %while3A_2410) : (vector<256x1xi32>, i32, i32) -> (vector<256x1xi32>, i32, i32) {
      %ne3A_2989 = arith.constant 0 : i32
      %ne3A_2990 = arith.cmpi ne, %while3A_2987, %ne3A_2989 : i32
      %lt3A_2991 = arith.constant 256 : i32
      %lt3A_2992 = arith.cmpi slt, %while3A_2988, %lt3A_2991 : i32
      %and3A_2993 = arith.andi %ne3A_2990, %lt3A_2992 : i1
      scf.condition(%and3A_2993) %while3A_2986, %while3A_2987, %while3A_2988 : vector<256x1xi32>, i32, i32
    } do {
    ^bb0(%while3A_2986: vector<256x1xi32>, %while3A_2987: i32, %while3A_2988: i32):
      %ne3A_2989 = arith.constant 0 : i32
      %ne3A_2990 = vector.broadcast %ne3A_2989 : i32 to vector<256x1xi32>
      %ne3A_2991 = arith.cmpi ne, %while3A_2986, %ne3A_2990 : vector<256x1xi32>
      %and3A_2992 = vector.broadcast %ne3A_2991 : vector<256x1xi1> to vector<256x256xi1>
      %and3A_2993 = arith.andi %and3A_2405, %and3A_2992 : vector<256x256xi1>
      %reduce_or3A_2994 = arith.constant 1.000000e+00 : f32
      %reduce_or3A_2995 = arith.constant 0.000000e+00 : f32
      %reduce_or3A_2996 = vector.broadcast %reduce_or3A_2994 : f32 to vector<256x256xf32>
      %reduce_or3A_2997 = vector.broadcast %reduce_or3A_2995 : f32 to vector<256x256xf32>
      %reduce_or3A_2998 = arith.select %and3A_2993, %reduce_or3A_2996, %reduce_or3A_2997 : vector<256x256xi1>, vector<256x256xf32>
      %reduce_or3A_2999 = arith.constant dense<0xFF800000> : vector<256xf32>
      %reduce_or3A_3000 = vector.multi_reduction <maximumf>, %reduce_or3A_2998, %reduce_or3A_2999 [0] : vector<256x256xf32> to vector<256xf32>
      %reduce_or3A_3001 = arith.constant 0.000000e+00 : f32
      %reduce_or3A_3002 = vector.broadcast %reduce_or3A_3001 : f32 to vector<256xf32>
      %reduce_or3A_3003 = arith.cmpf ogt, %reduce_or3A_3000, %reduce_or3A_3002 : vector<256xf32>
      %broadcast_in_dim3A_3004 = vector.shape_cast %reduce_or3A_3003 : vector<256xi1> to vector<1x256xi1>
      %not3A_3005 = arith.constant dense<true> : vector<1x256xi1>
      %not3A_3006 = arith.xori %broadcast_in_dim3A_3004, %not3A_3005 : vector<1x256xi1>
      %and3A_3007 = arith.andi %and3A_2403, %not3A_3006 : vector<1x256xi1>
      %and3A_3008 = vector.broadcast %and3A_3007 : vector<1x256xi1> to vector<256x256xi1>
      %and3A_3009 = arith.andi %and3A_2407, %and3A_3008 : vector<256x256xi1>
      %reduce_or3A_3010 = arith.constant 1.000000e+00 : f32
      %reduce_or3A_3011 = arith.constant 0.000000e+00 : f32
      %reduce_or3A_3012 = vector.broadcast %reduce_or3A_3010 : f32 to vector<256x256xf32>
      %reduce_or3A_3013 = vector.broadcast %reduce_or3A_3011 : f32 to vector<256x256xf32>
      %reduce_or3A_3014 = arith.select %and3A_3009, %reduce_or3A_3012, %reduce_or3A_3013 : vector<256x256xi1>, vector<256x256xf32>
      %reduce_or3A_3015 = arith.constant dense<0xFF800000> : vector<256xf32>
      %reduce_or3A_3016 = vector.multi_reduction <maximumf>, %reduce_or3A_3014, %reduce_or3A_3015 [1] : vector<256x256xf32> to vector<256xf32>
      %reduce_or3A_3017 = arith.constant 0.000000e+00 : f32
      %reduce_or3A_3018 = vector.broadcast %reduce_or3A_3017 : f32 to vector<256xf32>
      %reduce_or3A_3019 = arith.cmpf ogt, %reduce_or3A_3016, %reduce_or3A_3018 : vector<256xf32>
      %broadcast_in_dim3A_3020 = vector.shape_cast %reduce_or3A_3019 : vector<256xi1> to vector<256x1xi1>
      %not3A_3021 = arith.constant dense<true> : vector<256x1xi1>
      %not3A_3022 = arith.xori %broadcast_in_dim3A_3020, %not3A_3021 : vector<256x1xi1>
      %and3A_3023 = arith.andi %and3A_2399, %not3A_3022 : vector<256x1xi1>
      %ne3A_3024 = arith.xori %and3A_3023, %ne3A_2991 : vector<256x1xi1>
      %reduce_or3A_3025 = arith.constant 1.000000e+00 : f32
      %reduce_or3A_3026 = arith.constant 0.000000e+00 : f32
      %reduce_or3A_3027 = vector.broadcast %reduce_or3A_3025 : f32 to vector<256x1xf32>
      %reduce_or3A_3028 = vector.broadcast %reduce_or3A_3026 : f32 to vector<256x1xf32>
      %reduce_or3A_3029 = arith.select %ne3A_3024, %reduce_or3A_3027, %reduce_or3A_3028 : vector<256x1xi1>, vector<256x1xf32>
      %reduce_or3A_3030 = vector.shape_cast %reduce_or3A_3029 : vector<256x1xf32> to vector<1x256x1xf32>
      %reduce_or3A_3031 = arith.constant dense<0xFF800000> : vector<1xf32>
      %reduce_or3A_3032 = vector.multi_reduction <maximumf>, %reduce_or3A_3030, %reduce_or3A_3031 [1, 2] : vector<1x256x1xf32> to vector<1xf32>
      %reduce_or3A_3033 = vector.shape_cast %reduce_or3A_3032 : vector<1xf32> to vector<1x1x1xf32>
      %reduce_or3A_3034 = vector.extract %reduce_or3A_3033[0, 0, 0] : f32 from vector<1x1x1xf32>
      %reduce_or3A_3035 = arith.constant 0.000000e+00 : f32
      %reduce_or3A_3036 = arith.cmpf ogt, %reduce_or3A_3034, %reduce_or3A_3035 : f32
      %convert_element_type3A_3037 = arith.extui %reduce_or3A_3036 : i1 to i32
      %convert_element_type3A_3038 = arith.extui %and3A_3023 : vector<256x1xi1> to vector<256x1xi32>
      %add3A_3039 = arith.constant 1 : i32
      %add3A_3040 = arith.addi %while3A_2988, %add3A_3039 : i32
      scf.yield %convert_element_type3A_3038, %convert_element_type3A_3037, %add3A_3040 : vector<256x1xi32>, i32, i32
    }
    %ne3A_2412 = arith.constant 0 : i32
    %ne3A_2413 = vector.broadcast %ne3A_2412 : i32 to vector<256x1xi32>
    %ne3A_2414 = arith.cmpi ne, %while3A_2411#0, %ne3A_2413 : vector<256x1xi32>
    %and3A_2415 = vector.broadcast %ne3A_2414 : vector<256x1xi1> to vector<256x256xi1>
    %and3A_2416 = arith.andi %and3A_2405, %and3A_2415 : vector<256x256xi1>
    %reduce_or3A_2417 = arith.constant 1.000000e+00 : f32
    %reduce_or3A_2418 = arith.constant 0.000000e+00 : f32
    %reduce_or3A_2419 = vector.broadcast %reduce_or3A_2417 : f32 to vector<256x256xf32>
    %reduce_or3A_2420 = vector.broadcast %reduce_or3A_2418 : f32 to vector<256x256xf32>
    %reduce_or3A_2421 = arith.select %and3A_2416, %reduce_or3A_2419, %reduce_or3A_2420 : vector<256x256xi1>, vector<256x256xf32>
    %reduce_or3A_2422 = arith.constant dense<0xFF800000> : vector<256xf32>
    %reduce_or3A_2423 = vector.multi_reduction <maximumf>, %reduce_or3A_2421, %reduce_or3A_2422 [0] : vector<256x256xf32> to vector<256xf32>
    %reduce_or3A_2424 = arith.constant 0.000000e+00 : f32
    %reduce_or3A_2425 = vector.broadcast %reduce_or3A_2424 : f32 to vector<256xf32>
    %reduce_or3A_2426 = arith.cmpf ogt, %reduce_or3A_2423, %reduce_or3A_2425 : vector<256xf32>
    %broadcast_in_dim3A_2427 = vector.shape_cast %reduce_or3A_2426 : vector<256xi1> to vector<1x256xi1>
    %not3A_2428 = arith.constant dense<true> : vector<1x256xi1>
    %not3A_2429 = arith.xori %broadcast_in_dim3A_2427, %not3A_2428 : vector<1x256xi1>
    %and3A_2430 = arith.andi %and3A_2403, %not3A_2429 : vector<1x256xi1>
    %convert_element_type3A_2431 = arith.extui %and3A_2430 : vector<1x256xi1> to vector<1x256xi32>
    %swap3A_2432 = arith.constant 0 : index
    %swap3A_2433 = arith.constant 3072 : index
    %swap3A_2434 = vector.load %arg5[%swap3A_2432, %swap3A_2433] : memref<1x4096xi32, #tpu.memory_space<vmem>>, vector<1x256xi32>
    tpu.vector_store %arg5[%swap3A_2432, %swap3A_2433], %convert_element_type3A_2431 {strides = array<i32>} : memref<1x4096xi32, #tpu.memory_space<vmem>>, vector<1x256xi32>,
    %convert_element_type3A_2435 = arith.extui %ne3A_2414 : vector<256x1xi1> to vector<256x1xi32>
    %swap3A_2436 = arith.constant 3072 : index
    %swap3A_2437 = arith.constant 0 : index
    %swap3A_2438 = vector.load %arg6[%swap3A_2436, %swap3A_2437] : memref<4096x1xi32, #tpu.memory_space<vmem>>, vector<256x1xi32>
    tpu.vector_store %arg6[%swap3A_2436, %swap3A_2437], %convert_element_type3A_2435 {strides = array<i32>} : memref<4096x1xi32, #tpu.memory_space<vmem>>, vector<256x1xi32>,
    %slice3A_2439 = vector.extract_strided_slice %min3A_201 {offsets = [3328, 0], sizes = [256, 1], strides = [1, 1]} : vector<4096x1xf32> to vector<256x1xf32>
    %slice3A_2440 = vector.extract_strided_slice %min3A_211 {offsets = [3328, 0], sizes = [256, 1], strides = [1, 1]} : vector<4096x1xf32> to vector<256x1xf32>
    %slice3A_2441 = vector.extract_strided_slice %min3A_224 {offsets = [3328, 0], sizes = [256, 1], strides = [1, 1]} : vector<4096x1xf32> to vector<256x1xf32>
    %slice3A_2442 = vector.extract_strided_slice %min3A_237 {offsets = [3328, 0], sizes = [256, 1], strides = [1, 1]} : vector<4096x1xf32> to vector<256x1xf32>
    %slice3A_2443 = vector.extract_strided_slice %mul3A_253 {offsets = [3328, 0], sizes = [256, 1], strides = [1, 1]} : vector<4096x1xf32> to vector<256x1xf32>
    %slice3A_2444 = vector.extract_strided_slice %min3A_94 {offsets = [0, 0], sizes = [1, 3584], strides = [1, 1]} : vector<1x4096xf32> to vector<1x3584xf32>
    %min3A_2445 = vector.broadcast %slice3A_2441 : vector<256x1xf32> to vector<256x3584xf32>
    %min3A_2446 = vector.broadcast %slice3A_2444 : vector<1x3584xf32> to vector<256x3584xf32>
    %min3A_2447 = arith.minimumf %min3A_2445, %min3A_2446 : vector<256x3584xf32>
    %slice3A_2448 = vector.extract_strided_slice %min3A_71 {offsets = [0, 0], sizes = [1, 3584], strides = [1, 1]} : vector<1x4096xf32> to vector<1x3584xf32>
    %max3A_2449 = vector.broadcast %slice3A_2439 : vector<256x1xf32> to vector<256x3584xf32>
    %max3A_2450 = vector.broadcast %slice3A_2448 : vector<1x3584xf32> to vector<256x3584xf32>
    %max3A_2451 = arith.maximumf %max3A_2449, %max3A_2450 : vector<256x3584xf32>
    %sub3A_2452 = arith.subf %min3A_2447, %max3A_2451 : vector<256x3584xf32>
    %add3A_2453 = arith.constant 1.000000e+00 : f32
    %add3A_2454 = vector.broadcast %add3A_2453 : f32 to vector<256x3584xf32>
    %add3A_2455 = arith.addf %sub3A_2452, %add3A_2454 : vector<256x3584xf32>
    %jit3A_2456 = arith.constant 0.000000e+00 : f32
    %max3A_2457 = vector.broadcast %jit3A_2456 : f32 to vector<256x3584xf32>
    %max3A_2458 = arith.maximumf %max3A_2457, %add3A_2455 : vector<256x3584xf32>
    %slice3A_2459 = vector.extract_strided_slice %min3A_107 {offsets = [0, 0], sizes = [1, 3584], strides = [1, 1]} : vector<1x4096xf32> to vector<1x3584xf32>
    %min3A_2460 = vector.broadcast %slice3A_2442 : vector<256x1xf32> to vector<256x3584xf32>
    %min3A_2461 = vector.broadcast %slice3A_2459 : vector<1x3584xf32> to vector<256x3584xf32>
    %min3A_2462 = arith.minimumf %min3A_2460, %min3A_2461 : vector<256x3584xf32>
    %slice3A_2463 = vector.extract_strided_slice %min3A_81 {offsets = [0, 0], sizes = [1, 3584], strides = [1, 1]} : vector<1x4096xf32> to vector<1x3584xf32>
    %max3A_2464 = vector.broadcast %slice3A_2440 : vector<256x1xf32> to vector<256x3584xf32>
    %max3A_2465 = vector.broadcast %slice3A_2463 : vector<1x3584xf32> to vector<256x3584xf32>
    %max3A_2466 = arith.maximumf %max3A_2464, %max3A_2465 : vector<256x3584xf32>
    %sub3A_2467 = arith.subf %min3A_2462, %max3A_2466 : vector<256x3584xf32>
    %add3A_2468 = arith.constant 1.000000e+00 : f32
    %add3A_2469 = vector.broadcast %add3A_2468 : f32 to vector<256x3584xf32>
    %add3A_2470 = arith.addf %sub3A_2467, %add3A_2469 : vector<256x3584xf32>
    %jit3A_2471 = arith.constant 0.000000e+00 : f32
    %max3A_2472 = vector.broadcast %jit3A_2471 : f32 to vector<256x3584xf32>
    %max3A_2473 = arith.maximumf %max3A_2472, %add3A_2470 : vector<256x3584xf32>
    %mul3A_2474 = arith.mulf %max3A_2458, %max3A_2473 : vector<256x3584xf32>
    %slice3A_2475 = vector.extract_strided_slice %mul3A_121 {offsets = [0, 0], sizes = [1, 3584], strides = [1, 1]} : vector<1x4096xf32> to vector<1x3584xf32>
    %add3A_2476 = vector.broadcast %slice3A_2443 : vector<256x1xf32> to vector<256x3584xf32>
    %add3A_2477 = vector.broadcast %slice3A_2475 : vector<1x3584xf32> to vector<256x3584xf32>
    %add3A_2478 = arith.addf %add3A_2476, %add3A_2477 : vector<256x3584xf32>
    %sub3A_2479 = arith.subf %add3A_2478, %mul3A_2474 : vector<256x3584xf32>
    %div3A_2480 = arith.divf %mul3A_2474, %sub3A_2479 : vector<256x3584xf32>
    %gt3A_2481 = arith.constant 0.699999988 : f32
    %gt3A_2482 = vector.broadcast %gt3A_2481 : f32 to vector<256x3584xf32>
    %gt3A_2483 = arith.cmpf ogt, %div3A_2480, %gt3A_2482 : vector<256x3584xf32>
    %get3A_2484 = arith.constant 0 : index
    %get3A_2485 = arith.constant 0 : index
    %get3A_2486 = vector.load %arg5[%get3A_2484, %get3A_2485] : memref<1x4096xi32, #tpu.memory_space<vmem>>, vector<1x3584xi32>
    %ne3A_2487 = arith.constant 0 : i32
    %ne3A_2488 = vector.broadcast %ne3A_2487 : i32 to vector<1x3584xi32>
    %ne3A_2489 = arith.cmpi ne, %get3A_2486, %ne3A_2488 : vector<1x3584xi32>
    %and3A_2490 = vector.broadcast %ne3A_2489 : vector<1x3584xi1> to vector<256x3584xi1>
    %and3A_2491 = arith.andi %gt3A_2483, %and3A_2490 : vector<256x3584xi1>
    %reduce_or3A_2492 = arith.constant 1.000000e+00 : f32
    %reduce_or3A_2493 = arith.constant 0.000000e+00 : f32
    %reduce_or3A_2494 = vector.broadcast %reduce_or3A_2492 : f32 to vector<256x3584xf32>
    %reduce_or3A_2495 = vector.broadcast %reduce_or3A_2493 : f32 to vector<256x3584xf32>
    %reduce_or3A_2496 = arith.select %and3A_2491, %reduce_or3A_2494, %reduce_or3A_2495 : vector<256x3584xi1>, vector<256x3584xf32>
    %reduce_or3A_2497 = arith.constant dense<0xFF800000> : vector<256xf32>
    %reduce_or3A_2498 = vector.multi_reduction <maximumf>, %reduce_or3A_2496, %reduce_or3A_2497 [1] : vector<256x3584xf32> to vector<256xf32>
    %reduce_or3A_2499 = arith.constant 0.000000e+00 : f32
    %reduce_or3A_2500 = vector.broadcast %reduce_or3A_2499 : f32 to vector<256xf32>
    %reduce_or3A_2501 = arith.cmpf ogt, %reduce_or3A_2498, %reduce_or3A_2500 : vector<256xf32>
    %broadcast_in_dim3A_2502 = vector.shape_cast %reduce_or3A_2501 : vector<256xi1> to vector<256x1xi1>
    %slice3A_2503 = vector.extract_strided_slice %min3A_71 {offsets = [0, 3328], sizes = [1, 256], strides = [1, 1]} : vector<1x4096xf32> to vector<1x256xf32>
    %slice3A_2504 = vector.extract_strided_slice %min3A_81 {offsets = [0, 3328], sizes = [1, 256], strides = [1, 1]} : vector<1x4096xf32> to vector<1x256xf32>
    %slice3A_2505 = vector.extract_strided_slice %min3A_94 {offsets = [0, 3328], sizes = [1, 256], strides = [1, 1]} : vector<1x4096xf32> to vector<1x256xf32>
    %slice3A_2506 = vector.extract_strided_slice %min3A_107 {offsets = [0, 3328], sizes = [1, 256], strides = [1, 1]} : vector<1x4096xf32> to vector<1x256xf32>
    %slice3A_2507 = vector.extract_strided_slice %mul3A_121 {offsets = [0, 3328], sizes = [1, 256], strides = [1, 1]} : vector<1x4096xf32> to vector<1x256xf32>
    %slice3A_2508 = vector.extract_strided_slice %min3A_224 {offsets = [0, 0], sizes = [3328, 1], strides = [1, 1]} : vector<4096x1xf32> to vector<3328x1xf32>
    %min3A_2509 = vector.broadcast %slice3A_2508 : vector<3328x1xf32> to vector<3328x256xf32>
    %min3A_2510 = vector.broadcast %slice3A_2505 : vector<1x256xf32> to vector<3328x256xf32>
    %min3A_2511 = arith.minimumf %min3A_2509, %min3A_2510 : vector<3328x256xf32>
    %slice3A_2512 = vector.extract_strided_slice %min3A_201 {offsets = [0, 0], sizes = [3328, 1], strides = [1, 1]} : vector<4096x1xf32> to vector<3328x1xf32>
    %max3A_2513 = vector.broadcast %slice3A_2512 : vector<3328x1xf32> to vector<3328x256xf32>
    %max3A_2514 = vector.broadcast %slice3A_2503 : vector<1x256xf32> to vector<3328x256xf32>
    %max3A_2515 = arith.maximumf %max3A_2513, %max3A_2514 : vector<3328x256xf32>
    %sub3A_2516 = arith.subf %min3A_2511, %max3A_2515 : vector<3328x256xf32>
    %add3A_2517 = arith.constant 1.000000e+00 : f32
    %add3A_2518 = vector.broadcast %add3A_2517 : f32 to vector<3328x256xf32>
    %add3A_2519 = arith.addf %sub3A_2516, %add3A_2518 : vector<3328x256xf32>
    %jit3A_2520 = arith.constant 0.000000e+00 : f32
    %max3A_2521 = vector.broadcast %jit3A_2520 : f32 to vector<3328x256xf32>
    %max3A_2522 = arith.maximumf %max3A_2521, %add3A_2519 : vector<3328x256xf32>
    %slice3A_2523 = vector.extract_strided_slice %min3A_237 {offsets = [0, 0], sizes = [3328, 1], strides = [1, 1]} : vector<4096x1xf32> to vector<3328x1xf32>
    %min3A_2524 = vector.broadcast %slice3A_2523 : vector<3328x1xf32> to vector<3328x256xf32>
    %min3A_2525 = vector.broadcast %slice3A_2506 : vector<1x256xf32> to vector<3328x256xf32>
    %min3A_2526 = arith.minimumf %min3A_2524, %min3A_2525 : vector<3328x256xf32>
    %slice3A_2527 = vector.extract_strided_slice %min3A_211 {offsets = [0, 0], sizes = [3328, 1], strides = [1, 1]} : vector<4096x1xf32> to vector<3328x1xf32>
    %max3A_2528 = vector.broadcast %slice3A_2527 : vector<3328x1xf32> to vector<3328x256xf32>
    %max3A_2529 = vector.broadcast %slice3A_2504 : vector<1x256xf32> to vector<3328x256xf32>
    %max3A_2530 = arith.maximumf %max3A_2528, %max3A_2529 : vector<3328x256xf32>
    %sub3A_2531 = arith.subf %min3A_2526, %max3A_2530 : vector<3328x256xf32>
    %add3A_2532 = arith.constant 1.000000e+00 : f32
    %add3A_2533 = vector.broadcast %add3A_2532 : f32 to vector<3328x256xf32>
    %add3A_2534 = arith.addf %sub3A_2531, %add3A_2533 : vector<3328x256xf32>
    %jit3A_2535 = arith.constant 0.000000e+00 : f32
    %max3A_2536 = vector.broadcast %jit3A_2535 : f32 to vector<3328x256xf32>
    %max3A_2537 = arith.maximumf %max3A_2536, %add3A_2534 : vector<3328x256xf32>
    %mul3A_2538 = arith.mulf %max3A_2522, %max3A_2537 : vector<3328x256xf32>
    %slice3A_2539 = vector.extract_strided_slice %mul3A_253 {offsets = [0, 0], sizes = [3328, 1], strides = [1, 1]} : vector<4096x1xf32> to vector<3328x1xf32>
    %add3A_2540 = vector.broadcast %slice3A_2539 : vector<3328x1xf32> to vector<3328x256xf32>
    %add3A_2541 = vector.broadcast %slice3A_2507 : vector<1x256xf32> to vector<3328x256xf32>
    %add3A_2542 = arith.addf %add3A_2540, %add3A_2541 : vector<3328x256xf32>
    %sub3A_2543 = arith.subf %add3A_2542, %mul3A_2538 : vector<3328x256xf32>
    %div3A_2544 = arith.divf %mul3A_2538, %sub3A_2543 : vector<3328x256xf32>
    %gt3A_2545 = arith.constant 0.699999988 : f32
    %gt3A_2546 = vector.broadcast %gt3A_2545 : f32 to vector<3328x256xf32>
    %gt3A_2547 = arith.cmpf ogt, %div3A_2544, %gt3A_2546 : vector<3328x256xf32>
    %get3A_2548 = arith.constant 0 : index
    %get3A_2549 = arith.constant 0 : index
    %get3A_2550 = vector.load %arg6[%get3A_2548, %get3A_2549] : memref<4096x1xi32, #tpu.memory_space<vmem>>, vector<3328x1xi32>
    %ne3A_2551 = arith.constant 0 : i32
    %ne3A_2552 = vector.broadcast %ne3A_2551 : i32 to vector<3328x1xi32>
    %ne3A_2553 = arith.cmpi ne, %get3A_2550, %ne3A_2552 : vector<3328x1xi32>
    %and3A_2554 = vector.broadcast %ne3A_2553 : vector<3328x1xi1> to vector<3328x256xi1>
    %and3A_2555 = arith.andi %gt3A_2547, %and3A_2554 : vector<3328x256xi1>
    %reduce_or3A_2556 = arith.constant 1.000000e+00 : f32
    %reduce_or3A_2557 = arith.constant 0.000000e+00 : f32
    %reduce_or3A_2558 = vector.broadcast %reduce_or3A_2556 : f32 to vector<3328x256xf32>
    %reduce_or3A_2559 = vector.broadcast %reduce_or3A_2557 : f32 to vector<3328x256xf32>
    %reduce_or3A_2560 = arith.select %and3A_2555, %reduce_or3A_2558, %reduce_or3A_2559 : vector<3328x256xi1>, vector<3328x256xf32>
    %reduce_or3A_2561 = arith.constant dense<0xFF800000> : vector<256xf32>
    %reduce_or3A_2562 = vector.multi_reduction <maximumf>, %reduce_or3A_2560, %reduce_or3A_2561 [0] : vector<3328x256xf32> to vector<256xf32>
    %reduce_or3A_2563 = arith.constant 0.000000e+00 : f32
    %reduce_or3A_2564 = vector.broadcast %reduce_or3A_2563 : f32 to vector<256xf32>
    %reduce_or3A_2565 = arith.cmpf ogt, %reduce_or3A_2562, %reduce_or3A_2564 : vector<256xf32>
    %broadcast_in_dim3A_2566 = vector.shape_cast %reduce_or3A_2565 : vector<256xi1> to vector<1x256xi1>
    %slice3A_2567 = vector.extract_strided_slice %and3A_252 {offsets = [3328, 0], sizes = [256, 1], strides = [1, 1]} : vector<4096x1xi1> to vector<256x1xi1>
    %not3A_2568 = arith.constant dense<true> : vector<256x1xi1>
    %not3A_2569 = arith.xori %broadcast_in_dim3A_2502, %not3A_2568 : vector<256x1xi1>
    %and3A_2570 = arith.andi %slice3A_2567, %not3A_2569 : vector<256x1xi1>
    %slice3A_2571 = vector.extract_strided_slice %and3A {offsets = [0, 3328], sizes = [1, 256], strides = [1, 1]} : vector<1x4096xi1> to vector<1x256xi1>
    %not3A_2572 = arith.constant dense<true> : vector<1x256xi1>
    %not3A_2573 = arith.xori %broadcast_in_dim3A_2566, %not3A_2572 : vector<1x256xi1>
    %and3A_2574 = arith.andi %slice3A_2571, %not3A_2573 : vector<1x256xi1>
    %slice3A_2575 = vector.extract_strided_slice %gt3A_2483 {offsets = [0, 3328], sizes = [256, 256], strides = [1, 1]} : vector<256x3584xi1> to vector<256x256xi1>
    %and3A_2576 = arith.andi %slice3A_2575, %lt3A : vector<256x256xi1>
    %slice3A_2577 = vector.extract_strided_slice %gt3A_2483 {offsets = [0, 3328], sizes = [256, 256], strides = [1, 1]} : vector<256x3584xi1> to vector<256x256xi1>
    %and3A_2578 = arith.andi %slice3A_2577, %gt3A : vector<256x256xi1>
    %convert_element_type3A_2579 = arith.extui %and3A_2570 : vector<256x1xi1> to vector<256x1xi32>
    %while3A_2580 = arith.constant 1 : i32
    %while3A_2581 = arith.constant 0 : i32
    %while3A_2582:3 = scf.while (%while3A_2986 = %convert_element_type3A_2579, %while3A_2987 = %while3A_2580, %while3A_2988 = %while3A_2581) : (vector<256x1xi32>, i32, i32) -> (vector<256x1xi32>, i32, i32) {
      %ne3A_2989 = arith.constant 0 : i32
      %ne3A_2990 = arith.cmpi ne, %while3A_2987, %ne3A_2989 : i32
      %lt3A_2991 = arith.constant 256 : i32
      %lt3A_2992 = arith.cmpi slt, %while3A_2988, %lt3A_2991 : i32
      %and3A_2993 = arith.andi %ne3A_2990, %lt3A_2992 : i1
      scf.condition(%and3A_2993) %while3A_2986, %while3A_2987, %while3A_2988 : vector<256x1xi32>, i32, i32
    } do {
    ^bb0(%while3A_2986: vector<256x1xi32>, %while3A_2987: i32, %while3A_2988: i32):
      %ne3A_2989 = arith.constant 0 : i32
      %ne3A_2990 = vector.broadcast %ne3A_2989 : i32 to vector<256x1xi32>
      %ne3A_2991 = arith.cmpi ne, %while3A_2986, %ne3A_2990 : vector<256x1xi32>
      %and3A_2992 = vector.broadcast %ne3A_2991 : vector<256x1xi1> to vector<256x256xi1>
      %and3A_2993 = arith.andi %and3A_2576, %and3A_2992 : vector<256x256xi1>
      %reduce_or3A_2994 = arith.constant 1.000000e+00 : f32
      %reduce_or3A_2995 = arith.constant 0.000000e+00 : f32
      %reduce_or3A_2996 = vector.broadcast %reduce_or3A_2994 : f32 to vector<256x256xf32>
      %reduce_or3A_2997 = vector.broadcast %reduce_or3A_2995 : f32 to vector<256x256xf32>
      %reduce_or3A_2998 = arith.select %and3A_2993, %reduce_or3A_2996, %reduce_or3A_2997 : vector<256x256xi1>, vector<256x256xf32>
      %reduce_or3A_2999 = arith.constant dense<0xFF800000> : vector<256xf32>
      %reduce_or3A_3000 = vector.multi_reduction <maximumf>, %reduce_or3A_2998, %reduce_or3A_2999 [0] : vector<256x256xf32> to vector<256xf32>
      %reduce_or3A_3001 = arith.constant 0.000000e+00 : f32
      %reduce_or3A_3002 = vector.broadcast %reduce_or3A_3001 : f32 to vector<256xf32>
      %reduce_or3A_3003 = arith.cmpf ogt, %reduce_or3A_3000, %reduce_or3A_3002 : vector<256xf32>
      %broadcast_in_dim3A_3004 = vector.shape_cast %reduce_or3A_3003 : vector<256xi1> to vector<1x256xi1>
      %not3A_3005 = arith.constant dense<true> : vector<1x256xi1>
      %not3A_3006 = arith.xori %broadcast_in_dim3A_3004, %not3A_3005 : vector<1x256xi1>
      %and3A_3007 = arith.andi %and3A_2574, %not3A_3006 : vector<1x256xi1>
      %and3A_3008 = vector.broadcast %and3A_3007 : vector<1x256xi1> to vector<256x256xi1>
      %and3A_3009 = arith.andi %and3A_2578, %and3A_3008 : vector<256x256xi1>
      %reduce_or3A_3010 = arith.constant 1.000000e+00 : f32
      %reduce_or3A_3011 = arith.constant 0.000000e+00 : f32
      %reduce_or3A_3012 = vector.broadcast %reduce_or3A_3010 : f32 to vector<256x256xf32>
      %reduce_or3A_3013 = vector.broadcast %reduce_or3A_3011 : f32 to vector<256x256xf32>
      %reduce_or3A_3014 = arith.select %and3A_3009, %reduce_or3A_3012, %reduce_or3A_3013 : vector<256x256xi1>, vector<256x256xf32>
      %reduce_or3A_3015 = arith.constant dense<0xFF800000> : vector<256xf32>
      %reduce_or3A_3016 = vector.multi_reduction <maximumf>, %reduce_or3A_3014, %reduce_or3A_3015 [1] : vector<256x256xf32> to vector<256xf32>
      %reduce_or3A_3017 = arith.constant 0.000000e+00 : f32
      %reduce_or3A_3018 = vector.broadcast %reduce_or3A_3017 : f32 to vector<256xf32>
      %reduce_or3A_3019 = arith.cmpf ogt, %reduce_or3A_3016, %reduce_or3A_3018 : vector<256xf32>
      %broadcast_in_dim3A_3020 = vector.shape_cast %reduce_or3A_3019 : vector<256xi1> to vector<256x1xi1>
      %not3A_3021 = arith.constant dense<true> : vector<256x1xi1>
      %not3A_3022 = arith.xori %broadcast_in_dim3A_3020, %not3A_3021 : vector<256x1xi1>
      %and3A_3023 = arith.andi %and3A_2570, %not3A_3022 : vector<256x1xi1>
      %ne3A_3024 = arith.xori %and3A_3023, %ne3A_2991 : vector<256x1xi1>
      %reduce_or3A_3025 = arith.constant 1.000000e+00 : f32
      %reduce_or3A_3026 = arith.constant 0.000000e+00 : f32
      %reduce_or3A_3027 = vector.broadcast %reduce_or3A_3025 : f32 to vector<256x1xf32>
      %reduce_or3A_3028 = vector.broadcast %reduce_or3A_3026 : f32 to vector<256x1xf32>
      %reduce_or3A_3029 = arith.select %ne3A_3024, %reduce_or3A_3027, %reduce_or3A_3028 : vector<256x1xi1>, vector<256x1xf32>
      %reduce_or3A_3030 = vector.shape_cast %reduce_or3A_3029 : vector<256x1xf32> to vector<1x256x1xf32>
      %reduce_or3A_3031 = arith.constant dense<0xFF800000> : vector<1xf32>
      %reduce_or3A_3032 = vector.multi_reduction <maximumf>, %reduce_or3A_3030, %reduce_or3A_3031 [1, 2] : vector<1x256x1xf32> to vector<1xf32>
      %reduce_or3A_3033 = vector.shape_cast %reduce_or3A_3032 : vector<1xf32> to vector<1x1x1xf32>
      %reduce_or3A_3034 = vector.extract %reduce_or3A_3033[0, 0, 0] : f32 from vector<1x1x1xf32>
      %reduce_or3A_3035 = arith.constant 0.000000e+00 : f32
      %reduce_or3A_3036 = arith.cmpf ogt, %reduce_or3A_3034, %reduce_or3A_3035 : f32
      %convert_element_type3A_3037 = arith.extui %reduce_or3A_3036 : i1 to i32
      %convert_element_type3A_3038 = arith.extui %and3A_3023 : vector<256x1xi1> to vector<256x1xi32>
      %add3A_3039 = arith.constant 1 : i32
      %add3A_3040 = arith.addi %while3A_2988, %add3A_3039 : i32
      scf.yield %convert_element_type3A_3038, %convert_element_type3A_3037, %add3A_3040 : vector<256x1xi32>, i32, i32
    }
    %ne3A_2583 = arith.constant 0 : i32
    %ne3A_2584 = vector.broadcast %ne3A_2583 : i32 to vector<256x1xi32>
    %ne3A_2585 = arith.cmpi ne, %while3A_2582#0, %ne3A_2584 : vector<256x1xi32>
    %and3A_2586 = vector.broadcast %ne3A_2585 : vector<256x1xi1> to vector<256x256xi1>
    %and3A_2587 = arith.andi %and3A_2576, %and3A_2586 : vector<256x256xi1>
    %reduce_or3A_2588 = arith.constant 1.000000e+00 : f32
    %reduce_or3A_2589 = arith.constant 0.000000e+00 : f32
    %reduce_or3A_2590 = vector.broadcast %reduce_or3A_2588 : f32 to vector<256x256xf32>
    %reduce_or3A_2591 = vector.broadcast %reduce_or3A_2589 : f32 to vector<256x256xf32>
    %reduce_or3A_2592 = arith.select %and3A_2587, %reduce_or3A_2590, %reduce_or3A_2591 : vector<256x256xi1>, vector<256x256xf32>
    %reduce_or3A_2593 = arith.constant dense<0xFF800000> : vector<256xf32>
    %reduce_or3A_2594 = vector.multi_reduction <maximumf>, %reduce_or3A_2592, %reduce_or3A_2593 [0] : vector<256x256xf32> to vector<256xf32>
    %reduce_or3A_2595 = arith.constant 0.000000e+00 : f32
    %reduce_or3A_2596 = vector.broadcast %reduce_or3A_2595 : f32 to vector<256xf32>
    %reduce_or3A_2597 = arith.cmpf ogt, %reduce_or3A_2594, %reduce_or3A_2596 : vector<256xf32>
    %broadcast_in_dim3A_2598 = vector.shape_cast %reduce_or3A_2597 : vector<256xi1> to vector<1x256xi1>
    %not3A_2599 = arith.constant dense<true> : vector<1x256xi1>
    %not3A_2600 = arith.xori %broadcast_in_dim3A_2598, %not3A_2599 : vector<1x256xi1>
    %and3A_2601 = arith.andi %and3A_2574, %not3A_2600 : vector<1x256xi1>
    %convert_element_type3A_2602 = arith.extui %and3A_2601 : vector<1x256xi1> to vector<1x256xi32>
    %swap3A_2603 = arith.constant 0 : index
    %swap3A_2604 = arith.constant 3328 : index
    %swap3A_2605 = vector.load %arg5[%swap3A_2603, %swap3A_2604] : memref<1x4096xi32, #tpu.memory_space<vmem>>, vector<1x256xi32>
    tpu.vector_store %arg5[%swap3A_2603, %swap3A_2604], %convert_element_type3A_2602 {strides = array<i32>} : memref<1x4096xi32, #tpu.memory_space<vmem>>, vector<1x256xi32>,
    %convert_element_type3A_2606 = arith.extui %ne3A_2585 : vector<256x1xi1> to vector<256x1xi32>
    %swap3A_2607 = arith.constant 3328 : index
    %swap3A_2608 = arith.constant 0 : index
    %swap3A_2609 = vector.load %arg6[%swap3A_2607, %swap3A_2608] : memref<4096x1xi32, #tpu.memory_space<vmem>>, vector<256x1xi32>
    tpu.vector_store %arg6[%swap3A_2607, %swap3A_2608], %convert_element_type3A_2606 {strides = array<i32>} : memref<4096x1xi32, #tpu.memory_space<vmem>>, vector<256x1xi32>,
    %slice3A_2610 = vector.extract_strided_slice %min3A_201 {offsets = [3584, 0], sizes = [256, 1], strides = [1, 1]} : vector<4096x1xf32> to vector<256x1xf32>
    %slice3A_2611 = vector.extract_strided_slice %min3A_211 {offsets = [3584, 0], sizes = [256, 1], strides = [1, 1]} : vector<4096x1xf32> to vector<256x1xf32>
    %slice3A_2612 = vector.extract_strided_slice %min3A_224 {offsets = [3584, 0], sizes = [256, 1], strides = [1, 1]} : vector<4096x1xf32> to vector<256x1xf32>
    %slice3A_2613 = vector.extract_strided_slice %min3A_237 {offsets = [3584, 0], sizes = [256, 1], strides = [1, 1]} : vector<4096x1xf32> to vector<256x1xf32>
    %slice3A_2614 = vector.extract_strided_slice %mul3A_253 {offsets = [3584, 0], sizes = [256, 1], strides = [1, 1]} : vector<4096x1xf32> to vector<256x1xf32>
    %slice3A_2615 = vector.extract_strided_slice %min3A_94 {offsets = [0, 0], sizes = [1, 3840], strides = [1, 1]} : vector<1x4096xf32> to vector<1x3840xf32>
    %min3A_2616 = vector.broadcast %slice3A_2612 : vector<256x1xf32> to vector<256x3840xf32>
    %min3A_2617 = vector.broadcast %slice3A_2615 : vector<1x3840xf32> to vector<256x3840xf32>
    %min3A_2618 = arith.minimumf %min3A_2616, %min3A_2617 : vector<256x3840xf32>
    %slice3A_2619 = vector.extract_strided_slice %min3A_71 {offsets = [0, 0], sizes = [1, 3840], strides = [1, 1]} : vector<1x4096xf32> to vector<1x3840xf32>
    %max3A_2620 = vector.broadcast %slice3A_2610 : vector<256x1xf32> to vector<256x3840xf32>
    %max3A_2621 = vector.broadcast %slice3A_2619 : vector<1x3840xf32> to vector<256x3840xf32>
    %max3A_2622 = arith.maximumf %max3A_2620, %max3A_2621 : vector<256x3840xf32>
    %sub3A_2623 = arith.subf %min3A_2618, %max3A_2622 : vector<256x3840xf32>
    %add3A_2624 = arith.constant 1.000000e+00 : f32
    %add3A_2625 = vector.broadcast %add3A_2624 : f32 to vector<256x3840xf32>
    %add3A_2626 = arith.addf %sub3A_2623, %add3A_2625 : vector<256x3840xf32>
    %jit3A_2627 = arith.constant 0.000000e+00 : f32
    %max3A_2628 = vector.broadcast %jit3A_2627 : f32 to vector<256x3840xf32>
    %max3A_2629 = arith.maximumf %max3A_2628, %add3A_2626 : vector<256x3840xf32>
    %slice3A_2630 = vector.extract_strided_slice %min3A_107 {offsets = [0, 0], sizes = [1, 3840], strides = [1, 1]} : vector<1x4096xf32> to vector<1x3840xf32>
    %min3A_2631 = vector.broadcast %slice3A_2613 : vector<256x1xf32> to vector<256x3840xf32>
    %min3A_2632 = vector.broadcast %slice3A_2630 : vector<1x3840xf32> to vector<256x3840xf32>
    %min3A_2633 = arith.minimumf %min3A_2631, %min3A_2632 : vector<256x3840xf32>
    %slice3A_2634 = vector.extract_strided_slice %min3A_81 {offsets = [0, 0], sizes = [1, 3840], strides = [1, 1]} : vector<1x4096xf32> to vector<1x3840xf32>
    %max3A_2635 = vector.broadcast %slice3A_2611 : vector<256x1xf32> to vector<256x3840xf32>
    %max3A_2636 = vector.broadcast %slice3A_2634 : vector<1x3840xf32> to vector<256x3840xf32>
    %max3A_2637 = arith.maximumf %max3A_2635, %max3A_2636 : vector<256x3840xf32>
    %sub3A_2638 = arith.subf %min3A_2633, %max3A_2637 : vector<256x3840xf32>
    %add3A_2639 = arith.constant 1.000000e+00 : f32
    %add3A_2640 = vector.broadcast %add3A_2639 : f32 to vector<256x3840xf32>
    %add3A_2641 = arith.addf %sub3A_2638, %add3A_2640 : vector<256x3840xf32>
    %jit3A_2642 = arith.constant 0.000000e+00 : f32
    %max3A_2643 = vector.broadcast %jit3A_2642 : f32 to vector<256x3840xf32>
    %max3A_2644 = arith.maximumf %max3A_2643, %add3A_2641 : vector<256x3840xf32>
    %mul3A_2645 = arith.mulf %max3A_2629, %max3A_2644 : vector<256x3840xf32>
    %slice3A_2646 = vector.extract_strided_slice %mul3A_121 {offsets = [0, 0], sizes = [1, 3840], strides = [1, 1]} : vector<1x4096xf32> to vector<1x3840xf32>
    %add3A_2647 = vector.broadcast %slice3A_2614 : vector<256x1xf32> to vector<256x3840xf32>
    %add3A_2648 = vector.broadcast %slice3A_2646 : vector<1x3840xf32> to vector<256x3840xf32>
    %add3A_2649 = arith.addf %add3A_2647, %add3A_2648 : vector<256x3840xf32>
    %sub3A_2650 = arith.subf %add3A_2649, %mul3A_2645 : vector<256x3840xf32>
    %div3A_2651 = arith.divf %mul3A_2645, %sub3A_2650 : vector<256x3840xf32>
    %gt3A_2652 = arith.constant 0.699999988 : f32
    %gt3A_2653 = vector.broadcast %gt3A_2652 : f32 to vector<256x3840xf32>
    %gt3A_2654 = arith.cmpf ogt, %div3A_2651, %gt3A_2653 : vector<256x3840xf32>
    %get3A_2655 = arith.constant 0 : index
    %get3A_2656 = arith.constant 0 : index
    %get3A_2657 = vector.load %arg5[%get3A_2655, %get3A_2656] : memref<1x4096xi32, #tpu.memory_space<vmem>>, vector<1x3840xi32>
    %ne3A_2658 = arith.constant 0 : i32
    %ne3A_2659 = vector.broadcast %ne3A_2658 : i32 to vector<1x3840xi32>
    %ne3A_2660 = arith.cmpi ne, %get3A_2657, %ne3A_2659 : vector<1x3840xi32>
    %and3A_2661 = vector.broadcast %ne3A_2660 : vector<1x3840xi1> to vector<256x3840xi1>
    %and3A_2662 = arith.andi %gt3A_2654, %and3A_2661 : vector<256x3840xi1>
    %reduce_or3A_2663 = arith.constant 1.000000e+00 : f32
    %reduce_or3A_2664 = arith.constant 0.000000e+00 : f32
    %reduce_or3A_2665 = vector.broadcast %reduce_or3A_2663 : f32 to vector<256x3840xf32>
    %reduce_or3A_2666 = vector.broadcast %reduce_or3A_2664 : f32 to vector<256x3840xf32>
    %reduce_or3A_2667 = arith.select %and3A_2662, %reduce_or3A_2665, %reduce_or3A_2666 : vector<256x3840xi1>, vector<256x3840xf32>
    %reduce_or3A_2668 = arith.constant dense<0xFF800000> : vector<256xf32>
    %reduce_or3A_2669 = vector.multi_reduction <maximumf>, %reduce_or3A_2667, %reduce_or3A_2668 [1] : vector<256x3840xf32> to vector<256xf32>
    %reduce_or3A_2670 = arith.constant 0.000000e+00 : f32
    %reduce_or3A_2671 = vector.broadcast %reduce_or3A_2670 : f32 to vector<256xf32>
    %reduce_or3A_2672 = arith.cmpf ogt, %reduce_or3A_2669, %reduce_or3A_2671 : vector<256xf32>
    %broadcast_in_dim3A_2673 = vector.shape_cast %reduce_or3A_2672 : vector<256xi1> to vector<256x1xi1>
    %slice3A_2674 = vector.extract_strided_slice %min3A_71 {offsets = [0, 3584], sizes = [1, 256], strides = [1, 1]} : vector<1x4096xf32> to vector<1x256xf32>
    %slice3A_2675 = vector.extract_strided_slice %min3A_81 {offsets = [0, 3584], sizes = [1, 256], strides = [1, 1]} : vector<1x4096xf32> to vector<1x256xf32>
    %slice3A_2676 = vector.extract_strided_slice %min3A_94 {offsets = [0, 3584], sizes = [1, 256], strides = [1, 1]} : vector<1x4096xf32> to vector<1x256xf32>
    %slice3A_2677 = vector.extract_strided_slice %min3A_107 {offsets = [0, 3584], sizes = [1, 256], strides = [1, 1]} : vector<1x4096xf32> to vector<1x256xf32>
    %slice3A_2678 = vector.extract_strided_slice %mul3A_121 {offsets = [0, 3584], sizes = [1, 256], strides = [1, 1]} : vector<1x4096xf32> to vector<1x256xf32>
    %slice3A_2679 = vector.extract_strided_slice %min3A_224 {offsets = [0, 0], sizes = [3584, 1], strides = [1, 1]} : vector<4096x1xf32> to vector<3584x1xf32>
    %min3A_2680 = vector.broadcast %slice3A_2679 : vector<3584x1xf32> to vector<3584x256xf32>
    %min3A_2681 = vector.broadcast %slice3A_2676 : vector<1x256xf32> to vector<3584x256xf32>
    %min3A_2682 = arith.minimumf %min3A_2680, %min3A_2681 : vector<3584x256xf32>
    %slice3A_2683 = vector.extract_strided_slice %min3A_201 {offsets = [0, 0], sizes = [3584, 1], strides = [1, 1]} : vector<4096x1xf32> to vector<3584x1xf32>
    %max3A_2684 = vector.broadcast %slice3A_2683 : vector<3584x1xf32> to vector<3584x256xf32>
    %max3A_2685 = vector.broadcast %slice3A_2674 : vector<1x256xf32> to vector<3584x256xf32>
    %max3A_2686 = arith.maximumf %max3A_2684, %max3A_2685 : vector<3584x256xf32>
    %sub3A_2687 = arith.subf %min3A_2682, %max3A_2686 : vector<3584x256xf32>
    %add3A_2688 = arith.constant 1.000000e+00 : f32
    %add3A_2689 = vector.broadcast %add3A_2688 : f32 to vector<3584x256xf32>
    %add3A_2690 = arith.addf %sub3A_2687, %add3A_2689 : vector<3584x256xf32>
    %jit3A_2691 = arith.constant 0.000000e+00 : f32
    %max3A_2692 = vector.broadcast %jit3A_2691 : f32 to vector<3584x256xf32>
    %max3A_2693 = arith.maximumf %max3A_2692, %add3A_2690 : vector<3584x256xf32>
    %slice3A_2694 = vector.extract_strided_slice %min3A_237 {offsets = [0, 0], sizes = [3584, 1], strides = [1, 1]} : vector<4096x1xf32> to vector<3584x1xf32>
    %min3A_2695 = vector.broadcast %slice3A_2694 : vector<3584x1xf32> to vector<3584x256xf32>
    %min3A_2696 = vector.broadcast %slice3A_2677 : vector<1x256xf32> to vector<3584x256xf32>
    %min3A_2697 = arith.minimumf %min3A_2695, %min3A_2696 : vector<3584x256xf32>
    %slice3A_2698 = vector.extract_strided_slice %min3A_211 {offsets = [0, 0], sizes = [3584, 1], strides = [1, 1]} : vector<4096x1xf32> to vector<3584x1xf32>
    %max3A_2699 = vector.broadcast %slice3A_2698 : vector<3584x1xf32> to vector<3584x256xf32>
    %max3A_2700 = vector.broadcast %slice3A_2675 : vector<1x256xf32> to vector<3584x256xf32>
    %max3A_2701 = arith.maximumf %max3A_2699, %max3A_2700 : vector<3584x256xf32>
    %sub3A_2702 = arith.subf %min3A_2697, %max3A_2701 : vector<3584x256xf32>
    %add3A_2703 = arith.constant 1.000000e+00 : f32
    %add3A_2704 = vector.broadcast %add3A_2703 : f32 to vector<3584x256xf32>
    %add3A_2705 = arith.addf %sub3A_2702, %add3A_2704 : vector<3584x256xf32>
    %jit3A_2706 = arith.constant 0.000000e+00 : f32
    %max3A_2707 = vector.broadcast %jit3A_2706 : f32 to vector<3584x256xf32>
    %max3A_2708 = arith.maximumf %max3A_2707, %add3A_2705 : vector<3584x256xf32>
    %mul3A_2709 = arith.mulf %max3A_2693, %max3A_2708 : vector<3584x256xf32>
    %slice3A_2710 = vector.extract_strided_slice %mul3A_253 {offsets = [0, 0], sizes = [3584, 1], strides = [1, 1]} : vector<4096x1xf32> to vector<3584x1xf32>
    %add3A_2711 = vector.broadcast %slice3A_2710 : vector<3584x1xf32> to vector<3584x256xf32>
    %add3A_2712 = vector.broadcast %slice3A_2678 : vector<1x256xf32> to vector<3584x256xf32>
    %add3A_2713 = arith.addf %add3A_2711, %add3A_2712 : vector<3584x256xf32>
    %sub3A_2714 = arith.subf %add3A_2713, %mul3A_2709 : vector<3584x256xf32>
    %div3A_2715 = arith.divf %mul3A_2709, %sub3A_2714 : vector<3584x256xf32>
    %gt3A_2716 = arith.constant 0.699999988 : f32
    %gt3A_2717 = vector.broadcast %gt3A_2716 : f32 to vector<3584x256xf32>
    %gt3A_2718 = arith.cmpf ogt, %div3A_2715, %gt3A_2717 : vector<3584x256xf32>
    %get3A_2719 = arith.constant 0 : index
    %get3A_2720 = arith.constant 0 : index
    %get3A_2721 = vector.load %arg6[%get3A_2719, %get3A_2720] : memref<4096x1xi32, #tpu.memory_space<vmem>>, vector<3584x1xi32>
    %ne3A_2722 = arith.constant 0 : i32
    %ne3A_2723 = vector.broadcast %ne3A_2722 : i32 to vector<3584x1xi32>
    %ne3A_2724 = arith.cmpi ne, %get3A_2721, %ne3A_2723 : vector<3584x1xi32>
    %and3A_2725 = vector.broadcast %ne3A_2724 : vector<3584x1xi1> to vector<3584x256xi1>
    %and3A_2726 = arith.andi %gt3A_2718, %and3A_2725 : vector<3584x256xi1>
    %reduce_or3A_2727 = arith.constant 1.000000e+00 : f32
    %reduce_or3A_2728 = arith.constant 0.000000e+00 : f32
    %reduce_or3A_2729 = vector.broadcast %reduce_or3A_2727 : f32 to vector<3584x256xf32>
    %reduce_or3A_2730 = vector.broadcast %reduce_or3A_2728 : f32 to vector<3584x256xf32>
    %reduce_or3A_2731 = arith.select %and3A_2726, %reduce_or3A_2729, %reduce_or3A_2730 : vector<3584x256xi1>, vector<3584x256xf32>
    %reduce_or3A_2732 = arith.constant dense<0xFF800000> : vector<256xf32>
    %reduce_or3A_2733 = vector.multi_reduction <maximumf>, %reduce_or3A_2731, %reduce_or3A_2732 [0] : vector<3584x256xf32> to vector<256xf32>
    %reduce_or3A_2734 = arith.constant 0.000000e+00 : f32
    %reduce_or3A_2735 = vector.broadcast %reduce_or3A_2734 : f32 to vector<256xf32>
    %reduce_or3A_2736 = arith.cmpf ogt, %reduce_or3A_2733, %reduce_or3A_2735 : vector<256xf32>
    %broadcast_in_dim3A_2737 = vector.shape_cast %reduce_or3A_2736 : vector<256xi1> to vector<1x256xi1>
    %slice3A_2738 = vector.extract_strided_slice %and3A_252 {offsets = [3584, 0], sizes = [256, 1], strides = [1, 1]} : vector<4096x1xi1> to vector<256x1xi1>
    %not3A_2739 = arith.constant dense<true> : vector<256x1xi1>
    %not3A_2740 = arith.xori %broadcast_in_dim3A_2673, %not3A_2739 : vector<256x1xi1>
    %and3A_2741 = arith.andi %slice3A_2738, %not3A_2740 : vector<256x1xi1>
    %slice3A_2742 = vector.extract_strided_slice %and3A {offsets = [0, 3584], sizes = [1, 256], strides = [1, 1]} : vector<1x4096xi1> to vector<1x256xi1>
    %not3A_2743 = arith.constant dense<true> : vector<1x256xi1>
    %not3A_2744 = arith.xori %broadcast_in_dim3A_2737, %not3A_2743 : vector<1x256xi1>
    %and3A_2745 = arith.andi %slice3A_2742, %not3A_2744 : vector<1x256xi1>
    %slice3A_2746 = vector.extract_strided_slice %gt3A_2654 {offsets = [0, 3584], sizes = [256, 256], strides = [1, 1]} : vector<256x3840xi1> to vector<256x256xi1>
    %and3A_2747 = arith.andi %slice3A_2746, %lt3A : vector<256x256xi1>
    %slice3A_2748 = vector.extract_strided_slice %gt3A_2654 {offsets = [0, 3584], sizes = [256, 256], strides = [1, 1]} : vector<256x3840xi1> to vector<256x256xi1>
    %and3A_2749 = arith.andi %slice3A_2748, %gt3A : vector<256x256xi1>
    %convert_element_type3A_2750 = arith.extui %and3A_2741 : vector<256x1xi1> to vector<256x1xi32>
    %while3A_2751 = arith.constant 1 : i32
    %while3A_2752 = arith.constant 0 : i32
    %while3A_2753:3 = scf.while (%while3A_2986 = %convert_element_type3A_2750, %while3A_2987 = %while3A_2751, %while3A_2988 = %while3A_2752) : (vector<256x1xi32>, i32, i32) -> (vector<256x1xi32>, i32, i32) {
      %ne3A_2989 = arith.constant 0 : i32
      %ne3A_2990 = arith.cmpi ne, %while3A_2987, %ne3A_2989 : i32
      %lt3A_2991 = arith.constant 256 : i32
      %lt3A_2992 = arith.cmpi slt, %while3A_2988, %lt3A_2991 : i32
      %and3A_2993 = arith.andi %ne3A_2990, %lt3A_2992 : i1
      scf.condition(%and3A_2993) %while3A_2986, %while3A_2987, %while3A_2988 : vector<256x1xi32>, i32, i32
    } do {
    ^bb0(%while3A_2986: vector<256x1xi32>, %while3A_2987: i32, %while3A_2988: i32):
      %ne3A_2989 = arith.constant 0 : i32
      %ne3A_2990 = vector.broadcast %ne3A_2989 : i32 to vector<256x1xi32>
      %ne3A_2991 = arith.cmpi ne, %while3A_2986, %ne3A_2990 : vector<256x1xi32>
      %and3A_2992 = vector.broadcast %ne3A_2991 : vector<256x1xi1> to vector<256x256xi1>
      %and3A_2993 = arith.andi %and3A_2747, %and3A_2992 : vector<256x256xi1>
      %reduce_or3A_2994 = arith.constant 1.000000e+00 : f32
      %reduce_or3A_2995 = arith.constant 0.000000e+00 : f32
      %reduce_or3A_2996 = vector.broadcast %reduce_or3A_2994 : f32 to vector<256x256xf32>
      %reduce_or3A_2997 = vector.broadcast %reduce_or3A_2995 : f32 to vector<256x256xf32>
      %reduce_or3A_2998 = arith.select %and3A_2993, %reduce_or3A_2996, %reduce_or3A_2997 : vector<256x256xi1>, vector<256x256xf32>
      %reduce_or3A_2999 = arith.constant dense<0xFF800000> : vector<256xf32>
      %reduce_or3A_3000 = vector.multi_reduction <maximumf>, %reduce_or3A_2998, %reduce_or3A_2999 [0] : vector<256x256xf32> to vector<256xf32>
      %reduce_or3A_3001 = arith.constant 0.000000e+00 : f32
      %reduce_or3A_3002 = vector.broadcast %reduce_or3A_3001 : f32 to vector<256xf32>
      %reduce_or3A_3003 = arith.cmpf ogt, %reduce_or3A_3000, %reduce_or3A_3002 : vector<256xf32>
      %broadcast_in_dim3A_3004 = vector.shape_cast %reduce_or3A_3003 : vector<256xi1> to vector<1x256xi1>
      %not3A_3005 = arith.constant dense<true> : vector<1x256xi1>
      %not3A_3006 = arith.xori %broadcast_in_dim3A_3004, %not3A_3005 : vector<1x256xi1>
      %and3A_3007 = arith.andi %and3A_2745, %not3A_3006 : vector<1x256xi1>
      %and3A_3008 = vector.broadcast %and3A_3007 : vector<1x256xi1> to vector<256x256xi1>
      %and3A_3009 = arith.andi %and3A_2749, %and3A_3008 : vector<256x256xi1>
      %reduce_or3A_3010 = arith.constant 1.000000e+00 : f32
      %reduce_or3A_3011 = arith.constant 0.000000e+00 : f32
      %reduce_or3A_3012 = vector.broadcast %reduce_or3A_3010 : f32 to vector<256x256xf32>
      %reduce_or3A_3013 = vector.broadcast %reduce_or3A_3011 : f32 to vector<256x256xf32>
      %reduce_or3A_3014 = arith.select %and3A_3009, %reduce_or3A_3012, %reduce_or3A_3013 : vector<256x256xi1>, vector<256x256xf32>
      %reduce_or3A_3015 = arith.constant dense<0xFF800000> : vector<256xf32>
      %reduce_or3A_3016 = vector.multi_reduction <maximumf>, %reduce_or3A_3014, %reduce_or3A_3015 [1] : vector<256x256xf32> to vector<256xf32>
      %reduce_or3A_3017 = arith.constant 0.000000e+00 : f32
      %reduce_or3A_3018 = vector.broadcast %reduce_or3A_3017 : f32 to vector<256xf32>
      %reduce_or3A_3019 = arith.cmpf ogt, %reduce_or3A_3016, %reduce_or3A_3018 : vector<256xf32>
      %broadcast_in_dim3A_3020 = vector.shape_cast %reduce_or3A_3019 : vector<256xi1> to vector<256x1xi1>
      %not3A_3021 = arith.constant dense<true> : vector<256x1xi1>
      %not3A_3022 = arith.xori %broadcast_in_dim3A_3020, %not3A_3021 : vector<256x1xi1>
      %and3A_3023 = arith.andi %and3A_2741, %not3A_3022 : vector<256x1xi1>
      %ne3A_3024 = arith.xori %and3A_3023, %ne3A_2991 : vector<256x1xi1>
      %reduce_or3A_3025 = arith.constant 1.000000e+00 : f32
      %reduce_or3A_3026 = arith.constant 0.000000e+00 : f32
      %reduce_or3A_3027 = vector.broadcast %reduce_or3A_3025 : f32 to vector<256x1xf32>
      %reduce_or3A_3028 = vector.broadcast %reduce_or3A_3026 : f32 to vector<256x1xf32>
      %reduce_or3A_3029 = arith.select %ne3A_3024, %reduce_or3A_3027, %reduce_or3A_3028 : vector<256x1xi1>, vector<256x1xf32>
      %reduce_or3A_3030 = vector.shape_cast %reduce_or3A_3029 : vector<256x1xf32> to vector<1x256x1xf32>
      %reduce_or3A_3031 = arith.constant dense<0xFF800000> : vector<1xf32>
      %reduce_or3A_3032 = vector.multi_reduction <maximumf>, %reduce_or3A_3030, %reduce_or3A_3031 [1, 2] : vector<1x256x1xf32> to vector<1xf32>
      %reduce_or3A_3033 = vector.shape_cast %reduce_or3A_3032 : vector<1xf32> to vector<1x1x1xf32>
      %reduce_or3A_3034 = vector.extract %reduce_or3A_3033[0, 0, 0] : f32 from vector<1x1x1xf32>
      %reduce_or3A_3035 = arith.constant 0.000000e+00 : f32
      %reduce_or3A_3036 = arith.cmpf ogt, %reduce_or3A_3034, %reduce_or3A_3035 : f32
      %convert_element_type3A_3037 = arith.extui %reduce_or3A_3036 : i1 to i32
      %convert_element_type3A_3038 = arith.extui %and3A_3023 : vector<256x1xi1> to vector<256x1xi32>
      %add3A_3039 = arith.constant 1 : i32
      %add3A_3040 = arith.addi %while3A_2988, %add3A_3039 : i32
      scf.yield %convert_element_type3A_3038, %convert_element_type3A_3037, %add3A_3040 : vector<256x1xi32>, i32, i32
    }
    %ne3A_2754 = arith.constant 0 : i32
    %ne3A_2755 = vector.broadcast %ne3A_2754 : i32 to vector<256x1xi32>
    %ne3A_2756 = arith.cmpi ne, %while3A_2753#0, %ne3A_2755 : vector<256x1xi32>
    %and3A_2757 = vector.broadcast %ne3A_2756 : vector<256x1xi1> to vector<256x256xi1>
    %and3A_2758 = arith.andi %and3A_2747, %and3A_2757 : vector<256x256xi1>
    %reduce_or3A_2759 = arith.constant 1.000000e+00 : f32
    %reduce_or3A_2760 = arith.constant 0.000000e+00 : f32
    %reduce_or3A_2761 = vector.broadcast %reduce_or3A_2759 : f32 to vector<256x256xf32>
    %reduce_or3A_2762 = vector.broadcast %reduce_or3A_2760 : f32 to vector<256x256xf32>
    %reduce_or3A_2763 = arith.select %and3A_2758, %reduce_or3A_2761, %reduce_or3A_2762 : vector<256x256xi1>, vector<256x256xf32>
    %reduce_or3A_2764 = arith.constant dense<0xFF800000> : vector<256xf32>
    %reduce_or3A_2765 = vector.multi_reduction <maximumf>, %reduce_or3A_2763, %reduce_or3A_2764 [0] : vector<256x256xf32> to vector<256xf32>
    %reduce_or3A_2766 = arith.constant 0.000000e+00 : f32
    %reduce_or3A_2767 = vector.broadcast %reduce_or3A_2766 : f32 to vector<256xf32>
    %reduce_or3A_2768 = arith.cmpf ogt, %reduce_or3A_2765, %reduce_or3A_2767 : vector<256xf32>
    %broadcast_in_dim3A_2769 = vector.shape_cast %reduce_or3A_2768 : vector<256xi1> to vector<1x256xi1>
    %not3A_2770 = arith.constant dense<true> : vector<1x256xi1>
    %not3A_2771 = arith.xori %broadcast_in_dim3A_2769, %not3A_2770 : vector<1x256xi1>
    %and3A_2772 = arith.andi %and3A_2745, %not3A_2771 : vector<1x256xi1>
    %convert_element_type3A_2773 = arith.extui %and3A_2772 : vector<1x256xi1> to vector<1x256xi32>
    %swap3A_2774 = arith.constant 0 : index
    %swap3A_2775 = arith.constant 3584 : index
    %swap3A_2776 = vector.load %arg5[%swap3A_2774, %swap3A_2775] : memref<1x4096xi32, #tpu.memory_space<vmem>>, vector<1x256xi32>
    tpu.vector_store %arg5[%swap3A_2774, %swap3A_2775], %convert_element_type3A_2773 {strides = array<i32>} : memref<1x4096xi32, #tpu.memory_space<vmem>>, vector<1x256xi32>,
    %convert_element_type3A_2777 = arith.extui %ne3A_2756 : vector<256x1xi1> to vector<256x1xi32>
    %swap3A_2778 = arith.constant 3584 : index
    %swap3A_2779 = arith.constant 0 : index
    %swap3A_2780 = vector.load %arg6[%swap3A_2778, %swap3A_2779] : memref<4096x1xi32, #tpu.memory_space<vmem>>, vector<256x1xi32>
    tpu.vector_store %arg6[%swap3A_2778, %swap3A_2779], %convert_element_type3A_2777 {strides = array<i32>} : memref<4096x1xi32, #tpu.memory_space<vmem>>, vector<256x1xi32>,
    %slice3A_2781 = vector.extract_strided_slice %min3A_201 {offsets = [3840, 0], sizes = [256, 1], strides = [1, 1]} : vector<4096x1xf32> to vector<256x1xf32>
    %slice3A_2782 = vector.extract_strided_slice %min3A_211 {offsets = [3840, 0], sizes = [256, 1], strides = [1, 1]} : vector<4096x1xf32> to vector<256x1xf32>
    %slice3A_2783 = vector.extract_strided_slice %min3A_224 {offsets = [3840, 0], sizes = [256, 1], strides = [1, 1]} : vector<4096x1xf32> to vector<256x1xf32>
    %slice3A_2784 = vector.extract_strided_slice %min3A_237 {offsets = [3840, 0], sizes = [256, 1], strides = [1, 1]} : vector<4096x1xf32> to vector<256x1xf32>
    %slice3A_2785 = vector.extract_strided_slice %mul3A_253 {offsets = [3840, 0], sizes = [256, 1], strides = [1, 1]} : vector<4096x1xf32> to vector<256x1xf32>
    %min3A_2786 = vector.broadcast %slice3A_2783 : vector<256x1xf32> to vector<256x4096xf32>
    %min3A_2787 = vector.broadcast %min3A_94 : vector<1x4096xf32> to vector<256x4096xf32>
    %min3A_2788 = arith.minimumf %min3A_2786, %min3A_2787 : vector<256x4096xf32>
    %max3A_2789 = vector.broadcast %slice3A_2781 : vector<256x1xf32> to vector<256x4096xf32>
    %max3A_2790 = vector.broadcast %min3A_71 : vector<1x4096xf32> to vector<256x4096xf32>
    %max3A_2791 = arith.maximumf %max3A_2789, %max3A_2790 : vector<256x4096xf32>
    %sub3A_2792 = arith.subf %min3A_2788, %max3A_2791 : vector<256x4096xf32>
    %add3A_2793 = arith.constant 1.000000e+00 : f32
    %add3A_2794 = vector.broadcast %add3A_2793 : f32 to vector<256x4096xf32>
    %add3A_2795 = arith.addf %sub3A_2792, %add3A_2794 : vector<256x4096xf32>
    %jit3A_2796 = arith.constant 0.000000e+00 : f32
    %max3A_2797 = vector.broadcast %jit3A_2796 : f32 to vector<256x4096xf32>
    %max3A_2798 = arith.maximumf %max3A_2797, %add3A_2795 : vector<256x4096xf32>
    %min3A_2799 = vector.broadcast %slice3A_2784 : vector<256x1xf32> to vector<256x4096xf32>
    %min3A_2800 = vector.broadcast %min3A_107 : vector<1x4096xf32> to vector<256x4096xf32>
    %min3A_2801 = arith.minimumf %min3A_2799, %min3A_2800 : vector<256x4096xf32>
    %max3A_2802 = vector.broadcast %slice3A_2782 : vector<256x1xf32> to vector<256x4096xf32>
    %max3A_2803 = vector.broadcast %min3A_81 : vector<1x4096xf32> to vector<256x4096xf32>
    %max3A_2804 = arith.maximumf %max3A_2802, %max3A_2803 : vector<256x4096xf32>
    %sub3A_2805 = arith.subf %min3A_2801, %max3A_2804 : vector<256x4096xf32>
    %add3A_2806 = arith.constant 1.000000e+00 : f32
    %add3A_2807 = vector.broadcast %add3A_2806 : f32 to vector<256x4096xf32>
    %add3A_2808 = arith.addf %sub3A_2805, %add3A_2807 : vector<256x4096xf32>
    %jit3A_2809 = arith.constant 0.000000e+00 : f32
    %max3A_2810 = vector.broadcast %jit3A_2809 : f32 to vector<256x4096xf32>
    %max3A_2811 = arith.maximumf %max3A_2810, %add3A_2808 : vector<256x4096xf32>
    %mul3A_2812 = arith.mulf %max3A_2798, %max3A_2811 : vector<256x4096xf32>
    %add3A_2813 = vector.broadcast %slice3A_2785 : vector<256x1xf32> to vector<256x4096xf32>
    %add3A_2814 = vector.broadcast %mul3A_121 : vector<1x4096xf32> to vector<256x4096xf32>
    %add3A_2815 = arith.addf %add3A_2813, %add3A_2814 : vector<256x4096xf32>
    %sub3A_2816 = arith.subf %add3A_2815, %mul3A_2812 : vector<256x4096xf32>
    %div3A_2817 = arith.divf %mul3A_2812, %sub3A_2816 : vector<256x4096xf32>
    %gt3A_2818 = arith.constant 0.699999988 : f32
    %gt3A_2819 = vector.broadcast %gt3A_2818 : f32 to vector<256x4096xf32>
    %gt3A_2820 = arith.cmpf ogt, %div3A_2817, %gt3A_2819 : vector<256x4096xf32>
    %get3A_2821 = arith.constant 0 : index
    %get3A_2822 = arith.constant 0 : index
    %get3A_2823 = vector.load %arg5[%get3A_2821, %get3A_2822] : memref<1x4096xi32, #tpu.memory_space<vmem>>, vector<1x4096xi32>
    %ne3A_2824 = arith.constant 0 : i32
    %ne3A_2825 = vector.broadcast %ne3A_2824 : i32 to vector<1x4096xi32>
    %ne3A_2826 = arith.cmpi ne, %get3A_2823, %ne3A_2825 : vector<1x4096xi32>
    %and3A_2827 = vector.broadcast %ne3A_2826 : vector<1x4096xi1> to vector<256x4096xi1>
    %and3A_2828 = arith.andi %gt3A_2820, %and3A_2827 : vector<256x4096xi1>
    %reduce_or3A_2829 = arith.constant 1.000000e+00 : f32
    %reduce_or3A_2830 = arith.constant 0.000000e+00 : f32
    %reduce_or3A_2831 = vector.broadcast %reduce_or3A_2829 : f32 to vector<256x4096xf32>
    %reduce_or3A_2832 = vector.broadcast %reduce_or3A_2830 : f32 to vector<256x4096xf32>
    %reduce_or3A_2833 = arith.select %and3A_2828, %reduce_or3A_2831, %reduce_or3A_2832 : vector<256x4096xi1>, vector<256x4096xf32>
    %reduce_or3A_2834 = arith.constant dense<0xFF800000> : vector<256xf32>
    %reduce_or3A_2835 = vector.multi_reduction <maximumf>, %reduce_or3A_2833, %reduce_or3A_2834 [1] : vector<256x4096xf32> to vector<256xf32>
    %reduce_or3A_2836 = arith.constant 0.000000e+00 : f32
    %reduce_or3A_2837 = vector.broadcast %reduce_or3A_2836 : f32 to vector<256xf32>
    %reduce_or3A_2838 = arith.cmpf ogt, %reduce_or3A_2835, %reduce_or3A_2837 : vector<256xf32>
    %broadcast_in_dim3A_2839 = vector.shape_cast %reduce_or3A_2838 : vector<256xi1> to vector<256x1xi1>
    %slice3A_2840 = vector.extract_strided_slice %min3A_71 {offsets = [0, 3840], sizes = [1, 256], strides = [1, 1]} : vector<1x4096xf32> to vector<1x256xf32>
    %slice3A_2841 = vector.extract_strided_slice %min3A_81 {offsets = [0, 3840], sizes = [1, 256], strides = [1, 1]} : vector<1x4096xf32> to vector<1x256xf32>
    %slice3A_2842 = vector.extract_strided_slice %min3A_94 {offsets = [0, 3840], sizes = [1, 256], strides = [1, 1]} : vector<1x4096xf32> to vector<1x256xf32>
    %slice3A_2843 = vector.extract_strided_slice %min3A_107 {offsets = [0, 3840], sizes = [1, 256], strides = [1, 1]} : vector<1x4096xf32> to vector<1x256xf32>
    %slice3A_2844 = vector.extract_strided_slice %mul3A_121 {offsets = [0, 3840], sizes = [1, 256], strides = [1, 1]} : vector<1x4096xf32> to vector<1x256xf32>
    %slice3A_2845 = vector.extract_strided_slice %min3A_224 {offsets = [0, 0], sizes = [3840, 1], strides = [1, 1]} : vector<4096x1xf32> to vector<3840x1xf32>
    %min3A_2846 = vector.broadcast %slice3A_2845 : vector<3840x1xf32> to vector<3840x256xf32>
    %min3A_2847 = vector.broadcast %slice3A_2842 : vector<1x256xf32> to vector<3840x256xf32>
    %min3A_2848 = arith.minimumf %min3A_2846, %min3A_2847 : vector<3840x256xf32>
    %slice3A_2849 = vector.extract_strided_slice %min3A_201 {offsets = [0, 0], sizes = [3840, 1], strides = [1, 1]} : vector<4096x1xf32> to vector<3840x1xf32>
    %max3A_2850 = vector.broadcast %slice3A_2849 : vector<3840x1xf32> to vector<3840x256xf32>
    %max3A_2851 = vector.broadcast %slice3A_2840 : vector<1x256xf32> to vector<3840x256xf32>
    %max3A_2852 = arith.maximumf %max3A_2850, %max3A_2851 : vector<3840x256xf32>
    %sub3A_2853 = arith.subf %min3A_2848, %max3A_2852 : vector<3840x256xf32>
    %add3A_2854 = arith.constant 1.000000e+00 : f32
    %add3A_2855 = vector.broadcast %add3A_2854 : f32 to vector<3840x256xf32>
    %add3A_2856 = arith.addf %sub3A_2853, %add3A_2855 : vector<3840x256xf32>
    %jit3A_2857 = arith.constant 0.000000e+00 : f32
    %max3A_2858 = vector.broadcast %jit3A_2857 : f32 to vector<3840x256xf32>
    %max3A_2859 = arith.maximumf %max3A_2858, %add3A_2856 : vector<3840x256xf32>
    %slice3A_2860 = vector.extract_strided_slice %min3A_237 {offsets = [0, 0], sizes = [3840, 1], strides = [1, 1]} : vector<4096x1xf32> to vector<3840x1xf32>
    %min3A_2861 = vector.broadcast %slice3A_2860 : vector<3840x1xf32> to vector<3840x256xf32>
    %min3A_2862 = vector.broadcast %slice3A_2843 : vector<1x256xf32> to vector<3840x256xf32>
    %min3A_2863 = arith.minimumf %min3A_2861, %min3A_2862 : vector<3840x256xf32>
    %slice3A_2864 = vector.extract_strided_slice %min3A_211 {offsets = [0, 0], sizes = [3840, 1], strides = [1, 1]} : vector<4096x1xf32> to vector<3840x1xf32>
    %max3A_2865 = vector.broadcast %slice3A_2864 : vector<3840x1xf32> to vector<3840x256xf32>
    %max3A_2866 = vector.broadcast %slice3A_2841 : vector<1x256xf32> to vector<3840x256xf32>
    %max3A_2867 = arith.maximumf %max3A_2865, %max3A_2866 : vector<3840x256xf32>
    %sub3A_2868 = arith.subf %min3A_2863, %max3A_2867 : vector<3840x256xf32>
    %add3A_2869 = arith.constant 1.000000e+00 : f32
    %add3A_2870 = vector.broadcast %add3A_2869 : f32 to vector<3840x256xf32>
    %add3A_2871 = arith.addf %sub3A_2868, %add3A_2870 : vector<3840x256xf32>
    %jit3A_2872 = arith.constant 0.000000e+00 : f32
    %max3A_2873 = vector.broadcast %jit3A_2872 : f32 to vector<3840x256xf32>
    %max3A_2874 = arith.maximumf %max3A_2873, %add3A_2871 : vector<3840x256xf32>
    %mul3A_2875 = arith.mulf %max3A_2859, %max3A_2874 : vector<3840x256xf32>
    %slice3A_2876 = vector.extract_strided_slice %mul3A_253 {offsets = [0, 0], sizes = [3840, 1], strides = [1, 1]} : vector<4096x1xf32> to vector<3840x1xf32>
    %add3A_2877 = vector.broadcast %slice3A_2876 : vector<3840x1xf32> to vector<3840x256xf32>
    %add3A_2878 = vector.broadcast %slice3A_2844 : vector<1x256xf32> to vector<3840x256xf32>
    %add3A_2879 = arith.addf %add3A_2877, %add3A_2878 : vector<3840x256xf32>
    %sub3A_2880 = arith.subf %add3A_2879, %mul3A_2875 : vector<3840x256xf32>
    %div3A_2881 = arith.divf %mul3A_2875, %sub3A_2880 : vector<3840x256xf32>
    %gt3A_2882 = arith.constant 0.699999988 : f32
    %gt3A_2883 = vector.broadcast %gt3A_2882 : f32 to vector<3840x256xf32>
    %gt3A_2884 = arith.cmpf ogt, %div3A_2881, %gt3A_2883 : vector<3840x256xf32>
    %get3A_2885 = arith.constant 0 : index
    %get3A_2886 = arith.constant 0 : index
    %get3A_2887 = vector.load %arg6[%get3A_2885, %get3A_2886] : memref<4096x1xi32, #tpu.memory_space<vmem>>, vector<3840x1xi32>
    %ne3A_2888 = arith.constant 0 : i32
    %ne3A_2889 = vector.broadcast %ne3A_2888 : i32 to vector<3840x1xi32>
    %ne3A_2890 = arith.cmpi ne, %get3A_2887, %ne3A_2889 : vector<3840x1xi32>
    %and3A_2891 = vector.broadcast %ne3A_2890 : vector<3840x1xi1> to vector<3840x256xi1>
    %and3A_2892 = arith.andi %gt3A_2884, %and3A_2891 : vector<3840x256xi1>
    %reduce_or3A_2893 = arith.constant 1.000000e+00 : f32
    %reduce_or3A_2894 = arith.constant 0.000000e+00 : f32
    %reduce_or3A_2895 = vector.broadcast %reduce_or3A_2893 : f32 to vector<3840x256xf32>
    %reduce_or3A_2896 = vector.broadcast %reduce_or3A_2894 : f32 to vector<3840x256xf32>
    %reduce_or3A_2897 = arith.select %and3A_2892, %reduce_or3A_2895, %reduce_or3A_2896 : vector<3840x256xi1>, vector<3840x256xf32>
    %reduce_or3A_2898 = arith.constant dense<0xFF800000> : vector<256xf32>
    %reduce_or3A_2899 = vector.multi_reduction <maximumf>, %reduce_or3A_2897, %reduce_or3A_2898 [0] : vector<3840x256xf32> to vector<256xf32>
    %reduce_or3A_2900 = arith.constant 0.000000e+00 : f32
    %reduce_or3A_2901 = vector.broadcast %reduce_or3A_2900 : f32 to vector<256xf32>
    %reduce_or3A_2902 = arith.cmpf ogt, %reduce_or3A_2899, %reduce_or3A_2901 : vector<256xf32>
    %broadcast_in_dim3A_2903 = vector.shape_cast %reduce_or3A_2902 : vector<256xi1> to vector<1x256xi1>
    %slice3A_2904 = vector.extract_strided_slice %and3A_252 {offsets = [3840, 0], sizes = [256, 1], strides = [1, 1]} : vector<4096x1xi1> to vector<256x1xi1>
    %not3A_2905 = arith.constant dense<true> : vector<256x1xi1>
    %not3A_2906 = arith.xori %broadcast_in_dim3A_2839, %not3A_2905 : vector<256x1xi1>
    %and3A_2907 = arith.andi %slice3A_2904, %not3A_2906 : vector<256x1xi1>
    %slice3A_2908 = vector.extract_strided_slice %and3A {offsets = [0, 3840], sizes = [1, 256], strides = [1, 1]} : vector<1x4096xi1> to vector<1x256xi1>
    %not3A_2909 = arith.constant dense<true> : vector<1x256xi1>
    %not3A_2910 = arith.xori %broadcast_in_dim3A_2903, %not3A_2909 : vector<1x256xi1>
    %and3A_2911 = arith.andi %slice3A_2908, %not3A_2910 : vector<1x256xi1>
    %slice3A_2912 = vector.extract_strided_slice %gt3A_2820 {offsets = [0, 3840], sizes = [256, 256], strides = [1, 1]} : vector<256x4096xi1> to vector<256x256xi1>
    %and3A_2913 = arith.andi %slice3A_2912, %lt3A : vector<256x256xi1>
    %slice3A_2914 = vector.extract_strided_slice %gt3A_2820 {offsets = [0, 3840], sizes = [256, 256], strides = [1, 1]} : vector<256x4096xi1> to vector<256x256xi1>
    %and3A_2915 = arith.andi %slice3A_2914, %gt3A : vector<256x256xi1>
    %convert_element_type3A_2916 = arith.extui %and3A_2907 : vector<256x1xi1> to vector<256x1xi32>
    %while3A_2917 = arith.constant 1 : i32
    %while3A_2918 = arith.constant 0 : i32
    %while3A_2919:3 = scf.while (%while3A_2986 = %convert_element_type3A_2916, %while3A_2987 = %while3A_2917, %while3A_2988 = %while3A_2918) : (vector<256x1xi32>, i32, i32) -> (vector<256x1xi32>, i32, i32) {
      %ne3A_2989 = arith.constant 0 : i32
      %ne3A_2990 = arith.cmpi ne, %while3A_2987, %ne3A_2989 : i32
      %lt3A_2991 = arith.constant 256 : i32
      %lt3A_2992 = arith.cmpi slt, %while3A_2988, %lt3A_2991 : i32
      %and3A_2993 = arith.andi %ne3A_2990, %lt3A_2992 : i1
      scf.condition(%and3A_2993) %while3A_2986, %while3A_2987, %while3A_2988 : vector<256x1xi32>, i32, i32
    } do {
    ^bb0(%while3A_2986: vector<256x1xi32>, %while3A_2987: i32, %while3A_2988: i32):
      %ne3A_2989 = arith.constant 0 : i32
      %ne3A_2990 = vector.broadcast %ne3A_2989 : i32 to vector<256x1xi32>
      %ne3A_2991 = arith.cmpi ne, %while3A_2986, %ne3A_2990 : vector<256x1xi32>
      %and3A_2992 = vector.broadcast %ne3A_2991 : vector<256x1xi1> to vector<256x256xi1>
      %and3A_2993 = arith.andi %and3A_2913, %and3A_2992 : vector<256x256xi1>
      %reduce_or3A_2994 = arith.constant 1.000000e+00 : f32
      %reduce_or3A_2995 = arith.constant 0.000000e+00 : f32
      %reduce_or3A_2996 = vector.broadcast %reduce_or3A_2994 : f32 to vector<256x256xf32>
      %reduce_or3A_2997 = vector.broadcast %reduce_or3A_2995 : f32 to vector<256x256xf32>
      %reduce_or3A_2998 = arith.select %and3A_2993, %reduce_or3A_2996, %reduce_or3A_2997 : vector<256x256xi1>, vector<256x256xf32>
      %reduce_or3A_2999 = arith.constant dense<0xFF800000> : vector<256xf32>
      %reduce_or3A_3000 = vector.multi_reduction <maximumf>, %reduce_or3A_2998, %reduce_or3A_2999 [0] : vector<256x256xf32> to vector<256xf32>
      %reduce_or3A_3001 = arith.constant 0.000000e+00 : f32
      %reduce_or3A_3002 = vector.broadcast %reduce_or3A_3001 : f32 to vector<256xf32>
      %reduce_or3A_3003 = arith.cmpf ogt, %reduce_or3A_3000, %reduce_or3A_3002 : vector<256xf32>
      %broadcast_in_dim3A_3004 = vector.shape_cast %reduce_or3A_3003 : vector<256xi1> to vector<1x256xi1>
      %not3A_3005 = arith.constant dense<true> : vector<1x256xi1>
      %not3A_3006 = arith.xori %broadcast_in_dim3A_3004, %not3A_3005 : vector<1x256xi1>
      %and3A_3007 = arith.andi %and3A_2911, %not3A_3006 : vector<1x256xi1>
      %and3A_3008 = vector.broadcast %and3A_3007 : vector<1x256xi1> to vector<256x256xi1>
      %and3A_3009 = arith.andi %and3A_2915, %and3A_3008 : vector<256x256xi1>
      %reduce_or3A_3010 = arith.constant 1.000000e+00 : f32
      %reduce_or3A_3011 = arith.constant 0.000000e+00 : f32
      %reduce_or3A_3012 = vector.broadcast %reduce_or3A_3010 : f32 to vector<256x256xf32>
      %reduce_or3A_3013 = vector.broadcast %reduce_or3A_3011 : f32 to vector<256x256xf32>
      %reduce_or3A_3014 = arith.select %and3A_3009, %reduce_or3A_3012, %reduce_or3A_3013 : vector<256x256xi1>, vector<256x256xf32>
      %reduce_or3A_3015 = arith.constant dense<0xFF800000> : vector<256xf32>
      %reduce_or3A_3016 = vector.multi_reduction <maximumf>, %reduce_or3A_3014, %reduce_or3A_3015 [1] : vector<256x256xf32> to vector<256xf32>
      %reduce_or3A_3017 = arith.constant 0.000000e+00 : f32
      %reduce_or3A_3018 = vector.broadcast %reduce_or3A_3017 : f32 to vector<256xf32>
      %reduce_or3A_3019 = arith.cmpf ogt, %reduce_or3A_3016, %reduce_or3A_3018 : vector<256xf32>
      %broadcast_in_dim3A_3020 = vector.shape_cast %reduce_or3A_3019 : vector<256xi1> to vector<256x1xi1>
      %not3A_3021 = arith.constant dense<true> : vector<256x1xi1>
      %not3A_3022 = arith.xori %broadcast_in_dim3A_3020, %not3A_3021 : vector<256x1xi1>
      %and3A_3023 = arith.andi %and3A_2907, %not3A_3022 : vector<256x1xi1>
      %ne3A_3024 = arith.xori %and3A_3023, %ne3A_2991 : vector<256x1xi1>
      %reduce_or3A_3025 = arith.constant 1.000000e+00 : f32
      %reduce_or3A_3026 = arith.constant 0.000000e+00 : f32
      %reduce_or3A_3027 = vector.broadcast %reduce_or3A_3025 : f32 to vector<256x1xf32>
      %reduce_or3A_3028 = vector.broadcast %reduce_or3A_3026 : f32 to vector<256x1xf32>
      %reduce_or3A_3029 = arith.select %ne3A_3024, %reduce_or3A_3027, %reduce_or3A_3028 : vector<256x1xi1>, vector<256x1xf32>
      %reduce_or3A_3030 = vector.shape_cast %reduce_or3A_3029 : vector<256x1xf32> to vector<1x256x1xf32>
      %reduce_or3A_3031 = arith.constant dense<0xFF800000> : vector<1xf32>
      %reduce_or3A_3032 = vector.multi_reduction <maximumf>, %reduce_or3A_3030, %reduce_or3A_3031 [1, 2] : vector<1x256x1xf32> to vector<1xf32>
      %reduce_or3A_3033 = vector.shape_cast %reduce_or3A_3032 : vector<1xf32> to vector<1x1x1xf32>
      %reduce_or3A_3034 = vector.extract %reduce_or3A_3033[0, 0, 0] : f32 from vector<1x1x1xf32>
      %reduce_or3A_3035 = arith.constant 0.000000e+00 : f32
      %reduce_or3A_3036 = arith.cmpf ogt, %reduce_or3A_3034, %reduce_or3A_3035 : f32
      %convert_element_type3A_3037 = arith.extui %reduce_or3A_3036 : i1 to i32
      %convert_element_type3A_3038 = arith.extui %and3A_3023 : vector<256x1xi1> to vector<256x1xi32>
      %add3A_3039 = arith.constant 1 : i32
      %add3A_3040 = arith.addi %while3A_2988, %add3A_3039 : i32
      scf.yield %convert_element_type3A_3038, %convert_element_type3A_3037, %add3A_3040 : vector<256x1xi32>, i32, i32
    }
    %ne3A_2920 = arith.constant 0 : i32
    %ne3A_2921 = vector.broadcast %ne3A_2920 : i32 to vector<256x1xi32>
    %ne3A_2922 = arith.cmpi ne, %while3A_2919#0, %ne3A_2921 : vector<256x1xi32>
    %and3A_2923 = vector.broadcast %ne3A_2922 : vector<256x1xi1> to vector<256x256xi1>
    %and3A_2924 = arith.andi %and3A_2913, %and3A_2923 : vector<256x256xi1>
    %reduce_or3A_2925 = arith.constant 1.000000e+00 : f32
    %reduce_or3A_2926 = arith.constant 0.000000e+00 : f32
    %reduce_or3A_2927 = vector.broadcast %reduce_or3A_2925 : f32 to vector<256x256xf32>
    %reduce_or3A_2928 = vector.broadcast %reduce_or3A_2926 : f32 to vector<256x256xf32>
    %reduce_or3A_2929 = arith.select %and3A_2924, %reduce_or3A_2927, %reduce_or3A_2928 : vector<256x256xi1>, vector<256x256xf32>
    %reduce_or3A_2930 = arith.constant dense<0xFF800000> : vector<256xf32>
    %reduce_or3A_2931 = vector.multi_reduction <maximumf>, %reduce_or3A_2929, %reduce_or3A_2930 [0] : vector<256x256xf32> to vector<256xf32>
    %reduce_or3A_2932 = arith.constant 0.000000e+00 : f32
    %reduce_or3A_2933 = vector.broadcast %reduce_or3A_2932 : f32 to vector<256xf32>
    %reduce_or3A_2934 = arith.cmpf ogt, %reduce_or3A_2931, %reduce_or3A_2933 : vector<256xf32>
    %broadcast_in_dim3A_2935 = vector.shape_cast %reduce_or3A_2934 : vector<256xi1> to vector<1x256xi1>
    %not3A_2936 = arith.constant dense<true> : vector<1x256xi1>
    %not3A_2937 = arith.xori %broadcast_in_dim3A_2935, %not3A_2936 : vector<1x256xi1>
    %and3A_2938 = arith.andi %and3A_2911, %not3A_2937 : vector<1x256xi1>
    %convert_element_type3A_2939 = arith.extui %and3A_2938 : vector<1x256xi1> to vector<1x256xi32>
    %swap3A_2940 = arith.constant 0 : index
    %swap3A_2941 = arith.constant 3840 : index
    %swap3A_2942 = vector.load %arg5[%swap3A_2940, %swap3A_2941] : memref<1x4096xi32, #tpu.memory_space<vmem>>, vector<1x256xi32>
    tpu.vector_store %arg5[%swap3A_2940, %swap3A_2941], %convert_element_type3A_2939 {strides = array<i32>} : memref<1x4096xi32, #tpu.memory_space<vmem>>, vector<1x256xi32>,
    %convert_element_type3A_2943 = arith.extui %ne3A_2922 : vector<256x1xi1> to vector<256x1xi32>
    %swap3A_2944 = arith.constant 3840 : index
    %swap3A_2945 = arith.constant 0 : index
    %swap3A_2946 = vector.load %arg6[%swap3A_2944, %swap3A_2945] : memref<4096x1xi32, #tpu.memory_space<vmem>>, vector<256x1xi32>
    tpu.vector_store %arg6[%swap3A_2944, %swap3A_2945], %convert_element_type3A_2943 {strides = array<i32>} : memref<4096x1xi32, #tpu.memory_space<vmem>>, vector<256x1xi32>,
    %get3A_2947 = arith.constant 0 : index
    %get3A_2948 = arith.constant 0 : index
    %get3A_2949 = vector.load %arg5[%get3A_2947, %get3A_2948] : memref<1x4096xi32, #tpu.memory_space<vmem>>, vector<1x4096xi32>
    %ne3A_2950 = arith.constant 0 : i32
    %ne3A_2951 = vector.broadcast %ne3A_2950 : i32 to vector<1x4096xi32>
    %ne3A_2952 = arith.cmpi ne, %get3A_2949, %ne3A_2951 : vector<1x4096xi32>
    %get3A_2953 = arith.constant 0 : index
    %get3A_2954 = arith.constant 0 : index
    %get3A_2955 = arith.constant 0 : index
    %get3A_2956 = vector.load %arg3[%get3A_2953, %get3A_2954, %get3A_2955] : memref<1x1x4096xf32, #tpu.memory_space<vmem>>, vector<1x1x4096xf32>
    %get3A_2957 = vector.shape_cast %get3A_2956 : vector<1x1x4096xf32> to vector<1x4096xf32>
    %jit3A_2958 = arith.constant -1.000000e+10 : f32
    %broadcast_in_dim3A_2959 = vector.broadcast %jit3A_2958 : f32 to vector<1x4096xf32>
    %select_n3A = arith.select %ne3A_2952, %get3A_2957, %broadcast_in_dim3A_2959 : vector<1x4096xi1>, vector<1x4096xf32>
    %swap3A_2960 = arith.constant 0 : index
    %swap3A_2961 = arith.constant 4 : index
    %swap3A_2962 = arith.constant 0 : index
    %swap3A_2963 = vector.load %arg4[%swap3A_2960, %swap3A_2961, %swap3A_2962] : memref<1x8x4096xf32, #tpu.memory_space<vmem>>, vector<1x1x4096xf32>
    %swap3A_2964 = vector.shape_cast %swap3A_2963 : vector<1x1x4096xf32> to vector<1x4096xf32>
    %swap3A_2965 = vector.shape_cast %select_n3A : vector<1x4096xf32> to vector<1x1x4096xf32>
    tpu.vector_store %arg4[%swap3A_2960, %swap3A_2961, %swap3A_2962], %swap3A_2965 {strides = array<i32>} : memref<1x8x4096xf32, #tpu.memory_space<vmem>>, vector<1x1x4096xf32>,
    %broadcast_in_dim3A_2966 = arith.constant 0.000000e+00 : f32
    %broadcast_in_dim3A_2967 = vector.broadcast %broadcast_in_dim3A_2966 : f32 to vector<1x4096xf32>
    %swap3A_2968 = arith.constant 0 : index
    %swap3A_2969 = arith.constant 5 : index
    %swap3A_2970 = arith.constant 0 : index
    %swap3A_2971 = vector.load %arg4[%swap3A_2968, %swap3A_2969, %swap3A_2970] : memref<1x8x4096xf32, #tpu.memory_space<vmem>>, vector<1x1x4096xf32>
    %swap3A_2972 = vector.shape_cast %swap3A_2971 : vector<1x1x4096xf32> to vector<1x4096xf32>
    %swap3A_2973 = vector.shape_cast %broadcast_in_dim3A_2967 : vector<1x4096xf32> to vector<1x1x4096xf32>
    tpu.vector_store %arg4[%swap3A_2968, %swap3A_2969, %swap3A_2970], %swap3A_2973 {strides = array<i32>} : memref<1x8x4096xf32, #tpu.memory_space<vmem>>, vector<1x1x4096xf32>,
    %swap3A_2974 = arith.constant 0 : index
    %swap3A_2975 = arith.constant 6 : index
    %swap3A_2976 = arith.constant 0 : index
    %swap3A_2977 = vector.load %arg4[%swap3A_2974, %swap3A_2975, %swap3A_2976] : memref<1x8x4096xf32, #tpu.memory_space<vmem>>, vector<1x1x4096xf32>
    %swap3A_2978 = vector.shape_cast %swap3A_2977 : vector<1x1x4096xf32> to vector<1x4096xf32>
    %swap3A_2979 = vector.shape_cast %broadcast_in_dim3A_2967 : vector<1x4096xf32> to vector<1x1x4096xf32>
    tpu.vector_store %arg4[%swap3A_2974, %swap3A_2975, %swap3A_2976], %swap3A_2979 {strides = array<i32>} : memref<1x8x4096xf32, #tpu.memory_space<vmem>>, vector<1x1x4096xf32>,
    %swap3A_2980 = arith.constant 0 : index
    %swap3A_2981 = arith.constant 7 : index
    %swap3A_2982 = arith.constant 0 : index
    %swap3A_2983 = vector.load %arg4[%swap3A_2980, %swap3A_2981, %swap3A_2982] : memref<1x8x4096xf32, #tpu.memory_space<vmem>>, vector<1x1x4096xf32>
    %swap3A_2984 = vector.shape_cast %swap3A_2983 : vector<1x1x4096xf32> to vector<1x4096xf32>
    %swap3A_2985 = vector.shape_cast %broadcast_in_dim3A_2967 : vector<1x4096xf32> to vector<1x1x4096xf32>
    tpu.vector_store %arg4[%swap3A_2980, %swap3A_2981, %swap3A_2982], %swap3A_2985 {strides = array<i32>} : memref<1x8x4096xf32, #tpu.memory_space<vmem>>, vector<1x1x4096xf32>,
    return
  }
  func.func @transform_0(%arg0: i32) -> (i32, i32, i32) {
    %c0_i32 = arith.constant 0 : i32
    %c0_i32_0 = arith.constant 0 : i32
    %c0_i32_1 = arith.constant 0 : i32
    return %arg0, %c0_i32, %c0_i32_0 : i32, i32, i32
  }
  func.func @transform_1(%arg0: i32) -> (i32, i32, i32) {
    %c0_i32 = arith.constant 0 : i32
    %c0_i32_0 = arith.constant 0 : i32
    %c0_i32_1 = arith.constant 0 : i32
    return %arg0, %c0_i32, %c0_i32_0 : i32, i32, i32
  }
  func.func @transform_2(%arg0: i32) -> (i32, i32, i32) {
    %c0_i32 = arith.constant 0 : i32
    %c0_i32_0 = arith.constant 0 : i32
    %c0_i32_1 = arith.constant 0 : i32
    return %arg0, %c0_i32, %c0_i32_0 : i32, i32, i32
  }
  func.func @transform_3(%arg0: i32) -> (i32, i32, i32) {
    %c0_i32 = arith.constant 0 : i32
    %c0_i32_0 = arith.constant 0 : i32
    %c0_i32_1 = arith.constant 0 : i32
    return %arg0, %c0_i32, %c0_i32_0 : i32, i32, i32
  }
}

</mosaic_0001>

<sc_bundles>
// kernel: gather_offload_async_start.1
scs
__scs_entry_jumppad:
0x0: {  	(pc) =	sbr.rel $0x88, $3  }
0x1: {  	(tag) =	ssettag $0x0;
	lr =	simm.s32 $0x1  }
0x2: {  	[smem:$0x3F9E] =	sst lr;
	_ =	strace $0xD0000000  }
0x3: {  	_ = 	snop  }
0x4: {  	_ = 	snop  }
0x5: {  	_ = 	snop  }
0x6: {  	_ = 	snop  }
0x7: {  	_ = 	snop  }
__scs_overlays_trampoline_lowered:
0x8: {  	[smem:$0x3FAD] =	sst s0  }
0x9: {  	[smem:$0x3FAE] =	sst s1  }
0xa: {  	[smem:$0x3FAF] =	sst s2  }
0xb: {  	[smem:$0x3FB0] =	sst s3  }
0xc: {  	[smem:$0x3FB1] =	sst s4  }
0xd: {  	[smem:$0x3FB2] =	sst s5  }
0xe: {  	[smem:$0x3FB3] =	sst s6  }
0xf: {  	[smem:$0x3FB4] =	sst s7  }
0x10: {  	[smem:$0x3FB5] =	sst s8  }
0x11: {  	[smem:$0x3FB6] =	sst s9;
	s0 =	simm.s32 @!p0 $0x0  }
0x12: {  	s1 =	sld [smem:$0x3F9C];
	s0 =	simm.s32 @p0 $0x1  }
0x13: {  	[smem:$0x3FB7] =	sst s0;
	s0 =	simm.s32 @!p1 $0x0  }
0x14: {  	s2 =	sld [smem:$0x3F9B];
	s0 =	simm.s32 @p1 $0x1  }
0x15: {  	[smem:$0x3FB8] =	sst s0;
	s0 =	simm.s32 @!p2 $0x0  }
0x16: {  	s3 =	sld [smem:$0x3FDB];
	s0 =	simm.s32 @p2 $0x1  }
0x17: {  	s4 =	simm.s32 $0x1BF5;
	[smem:$0x3FBA] =	sst s0  }
0x18: {  	s0 =	sld [smem:$0x3F9D];
	_ =	swait.ge [sflag:s4], $0x0  }
0x19: {  	s7 =	sld [smem:$0x3F9E]  }
0x1a: {  	s8 =	sadd.s32 $0xFFFFE003, lr  }
0x1b: {  	s9 =	sadd.s32 $0xFFFFFEF7, lr;
	s5 =	simm.s32 $0xFFFFFFFF;
	p2 =	slt.u32 s8, $0xFFFFF086  }
0x1c: {  	p1 =	slt.u32 s9, $0xF7A;
	s5 =	simm.s32 @!p2 $0x0  }
0x1d: {  	s5 =	simm.s32 @p1 $0x1;
	p0 =	seq.s32 s7, s2  }
0x1e: {  	s7 =	smul.u32 @!p0 $0xF7A, s2;
	p2 =	seq.s32 @!p0 s5, $0x0  }
0x1f: {  	s9 =	smul.u32 $0xF7A, s1;
	s8 =	simm.s32 @!p0 $0x1BF5;
	p2 =	por !p2, p0  }
0x20: {  	[sflag:s8] =	ssyncset.s32 @!p0 $0xFFFFF086;
	s6 =	sadd.s32 @!p0 s3, s7;
	s7 =	simm.s32 @!p0 $0x108  }
0x21: {  	s3 =	sadd.s32 s3, s9;
	s6 =	sadd.s32 @!p0 $0x88, s6;
	s7 =	simm.s32 @p2 $0x1082  }
0x22: {  	[simem:s7], [sflag:s8] =	dma.local @!p0 [hbm:s6], $0xF7A  }
0x23: {  	s9 =	sor.u32 $0xD0000000, s2;
	s6 =	simm.s32 $0x108;
	_ =	swait.ge @!p0 [sflag:s8], $0x0  }
0x24: {  	s3 =	sadd.s32 $0x88, s3;
	s6 =	simm.s32 @!p1 $0x1082;
	[sflag:s4] =	ssyncset.s32 $0xFFFFF086  }
0x25: {  	[simem:s6], [sflag:s4] =	dma.local [hbm:s3], $0xF7A  }
0x26: {  	[smem:$0x3F9E] =	sst s1;
	(tag) =	ssettag s2;
	_ =	strace s9  }
0x27: {  	s1 =	sld [smem:$0x3FAE]  }
0x28: {  	s2 =	sld [smem:$0x3FAF]  }
0x29: {  	s4 =	sld [smem:$0x3FB1]  }
0x2a: {  	p0 =	seq.s32 s5, $0x0;
	s5 =	sld [smem:$0x3FB2]  }
0x2b: {  	s6 =	sld [smem:$0x3FB3]  }
0x2c: {  	s7 =	sld [smem:$0x3FB4]  }
0x2d: {  	s3 =	simm.s32 $0x108;
	s8 =	sld [smem:$0x3FB5]  }
0x2e: {  	s3 =	simm.s32 @!p0 $0x1082;
	s9 =	sld [smem:$0x3FB6]  }
0x2f: {  	lr =	sadd.s32 s0, s3;
	s0 =	sld [smem:$0x3FAD]  }
0x30: {  	s3 =	sld [smem:$0x3FB0]  }
0x31: {  	[smem:$0x3FB9] =	sst s10  }
0x32: {  	s10 =	sld [smem:$0x3FB7];
	_ =	sdelay $0x3  }
0x33: {  	p0 =	seq.s32 s10, $0x1;
	s10 =	sld [smem:$0x3FB9];
	_ =	sdelay $0x3  }
0x34: {  	[smem:$0x3FB9] =	sst s10  }
0x35: {  	s10 =	sld [smem:$0x3FB8];
	_ =	sdelay $0x3  }
0x36: {  	p1 =	seq.s32 s10, $0x1;
	s10 =	sld [smem:$0x3FB9];
	_ =	sdelay $0x3  }
0x37: {  	[smem:$0x3FB9] =	sst s10  }
0x38: {  	s10 =	sld [smem:$0x3FBA]  }
0x39: {  	_ = 	snop;
	(pc) =	sbr.ind lr, $3  }
0x3a: {  	_ = 	snop  }
0x3b: {  	_ = 	snop  }
0x3c: {  	p2 =	seq.s32 s10, $0x1;
	s10 =	sld [smem:$0x3FB9]  }
0x3d: {  	_ =	shalt  }
0x3e: {  	_ =	shalt  }
0x3f: {  	_ =	shalt  }
0x40: {  	_ =	shalt  }
0x41: {  	_ =	shalt  }
0x42: {  	_ =	shalt  }
0x43: {  	_ =	shalt  }
0x44: {  	_ =	shalt  }
0x45: {  	_ =	shalt  }
0x46: {  	_ =	shalt  }
0x47: {  	_ =	shalt  }
0x48: {  	_ =	shalt  }
0x49: {  	_ =	shalt  }
0x4a: {  	_ =	shalt  }
0x4b: {  	_ =	shalt  }
0x4c: {  	_ =	shalt  }
0x4d: {  	_ =	shalt  }
0x4e: {  	_ =	shalt  }
0x4f: {  	_ =	shalt  }
0x50: {  	_ =	shalt  }
0x51: {  	_ =	shalt  }
0x52: {  	_ =	shalt  }
0x53: {  	_ =	shalt  }
0x54: {  	_ =	shalt  }
0x55: {  	_ =	shalt  }
0x56: {  	_ =	shalt  }
0x57: {  	_ =	shalt  }
0x58: {  	_ =	shalt  }
0x59: {  	_ =	shalt  }
0x5a: {  	_ =	shalt  }
0x5b: {  	_ =	shalt  }
0x5c: {  	_ =	shalt  }
0x5d: {  	_ =	shalt  }
0x5e: {  	_ =	shalt  }
0x5f: {  	_ =	shalt  }
0x60: {  	_ =	shalt  }
0x61: {  	_ =	shalt  }
0x62: {  	_ =	shalt  }
0x63: {  	_ =	shalt  }
0x64: {  	_ =	shalt  }
0x65: {  	_ =	shalt  }
0x66: {  	_ =	shalt  }
0x67: {  	_ =	shalt  }
0x68: {  	_ =	shalt  }
0x69: {  	_ =	shalt  }
0x6a: {  	_ =	shalt  }
0x6b: {  	_ =	shalt  }
0x6c: {  	_ =	shalt  }
0x6d: {  	_ =	shalt  }
0x6e: {  	_ =	shalt  }
0x6f: {  	_ =	shalt  }
0x70: {  	_ =	shalt  }
0x71: {  	_ =	shalt  }
0x72: {  	_ =	shalt  }
0x73: {  	_ =	shalt  }
0x74: {  	_ =	shalt  }
0x75: {  	_ =	shalt  }
0x76: {  	_ =	shalt  }
0x77: {  	_ =	shalt  }
0x78: {  	_ =	shalt  }
0x79: {  	_ =	shalt  }
0x7a: {  	_ =	shalt  }
0x7b: {  	_ =	shalt  }
0x7c: {  	_ =	shalt  }
0x7d: {  	_ =	shalt  }
0x7e: {  	_ =	shalt  }
0x7f: {  	_ =	shalt  }
0x80: {  	_ =	shalt  }
0x81: {  	_ =	shalt  }
0x82: {  	_ =	shalt  }
0x83: {  	_ =	shalt  }
0x84: {  	_ =	shalt  }
0x85: {  	_ =	shalt  }
0x86: {  	_ =	shalt  }
0x87: {  	_ =	shalt  }
.Lfunc_end0:
.L_simem_size_0:
called_computation.1_lowered:
.L_overlay_start_0:
0x88: {  	s2 =	sld [smem:$0x3FD9]  }
0x89: {  	s3 =	sld [smem:$0x3FFE];
	_ =	sdelay $0x1  }
0x8a: {  	s1 =	srdreg.scid  }
0x8b: {  	s0 =	sand.u32 $0x1, s1  }
0x8c: {  	s17 =	sshll.u32 s0, $0xA;
	s2 =	sadd.s32 s3, s2  }
0x8d: {  	s2 =	sadd.s32 s2, s17  }
0x8e: {  	[smem:$0x3FC5] =	sst s2  }
0x8f: {  	_ = 	snop  }
0x90: {  	s2 =	sld [smem:$0x3FD0];
	(tm) =	ssettm $0x1  }
0x91: {  	s18 =	sld [smem:$0x3FFB];
	_ =	sdelay $0x3  }
0x92: {  	_ =	strace s18  }
0x93: {  	s3 =	sld [smem:$0x3FFC];
	_ =	sdelay $0x3  }
0x94: {  	_ =	strace s3  }
0x95: {  	s3 =	sld [smem:$0x3FFD];
	_ =	sdelay $0x3  }
0x96: {  	_ =	strace s3  }
0x97: {  	_ =	strace $0x8FFFFFFF  }
0x98: {  	s19 =	sld [smem:$0x3FDB];
	_ =	sdelay $0x1  }
0x99: {  	s4 =	simm.s32 $_scs_section_size  }
0x9a: {  	s5 =	simm.s32 $_size__tile_overlayer_lowered;
	s6 =	simm.s32 $_tile_overlayer_lowered  }
0x9b: {  	s22 =	simm.s32 $0x1BFF;
	s21 =	sshll.u32 s6, $0x1;
	s3 =	sadd.s32 s4, s19  }
0x9c: {  	s7 =	simm.s32 $0x0;
	s20 =	sshll.u32 s5, $0x1;
	s5 =	sadd.s32 s21, s3  }
0x9d: {  	[timem:s7], [sflag:s22] =	dma.local [hbm:s5], s20  }
0x9e: {  	_ =	swait.ge [sflag:s22], s20  }
0x9f: {  	s4 =	ssub.s32 $0x0, s20;
	[sflag:s22] =	ssyncset.done $0x0  }
0xa0: {  	[sflag:s22] =	ssyncadd.s32 s4;
	_ =	sdelay $0x1  }
0xa1: {  	s23 =	simm.s32 $0x1B8B  }
0xa2: {  	_ =	swait.ge [sflag:s23], $0x1  }
0xa3: {  	[sflag:s23] =	ssyncset.done $0x0  }
0xa4: {  	s25 =	simm.s32 $0x1B8E;
	s24 =	sld [smem:$0x3FFE];
	[sflag:s23] =	ssyncadd.s32 $0xFFFFFFFF  }
0xa5: {  	s26 =	simm.s32 $execute0_lowered;
	[smem:$0x3FD2] =	sst s25  }
0xa6: {  	s5 =	sshll.u32 s26, $0x1;
	_ =	strace $0x80000046;
	[dreg:$0x1] =	wrdreg $0xFFFFFFFF  }
0xa7: {  	s28 =	simm.s32 $_size_execute0_lowered;
	s3 =	sadd.s32 s3, s5;
	[dreg:$0x0] =	wrdreg $0x0  }
0xa8: {  	s5 =	sshll.u32 s28, $0x1;
	[dreg:$0x2] =	wrdreg s3  }
0xa9: {  	[dreg:$0x3] =	wrdreg s5  }
0xaa: {  	[dreg:$0x4] =	wrdreg $0xC0  }
0xab: {  	_ =	task [dreg:s7], $0x5FFFF  }
0xac: {  	[dreg:$0x1] =	wrdreg $0xFFFFFFFF  }
0xad: {  	[dreg:$0x0] =	wrdreg $0x60  }
0xae: {  	[dreg:$0x2] =	wrdreg s24  }
0xaf: {  	[dreg:$0x3] =	wrdreg s2  }
0xb0: {  	[dreg:$0x4] =	wrdreg $0x9  }
0xb1: {  	_ =	task.clear_ibuf [dreg:s7], $0x5FFFF;
	_ =	strace $0x90000046  }
0xb2: {  	s29 =	simm.s32 $0x9;
	_ =	strace $0x80000048  }
0xb3: {  	_ =	swait.ge [sflag:s29], $0x1  }
0xb4: {  	[sflag:s29] =	ssyncadd.s32 $0xFFFFFFFF  }
0xb5: {  	_ =	strace $0x90000048  }
0xb6: {  	_ =	sfence  }
0xb7: {  	s30 =	sld [smem:$0x0];
	_ =	sdelay $0x2  }
0xb8: {  	s31 =	sshll.u32 s1, $0xD;
	s1 =	sshrl.u32 s1, $0x2  }
0xb9: {  	s3 =	sand.u32 $0x4000, s31;
	s1 =	sadd.s32 s1, s30  }
0xba: {  	s0 =	sor.u32 s3, s0;
	s1 =	sshll.u32 s1, $0x11  }
0xbb: {  	s0 =	sor.u32 s1, s0  }
0xbc: {  	s0 =	sadd.s32 $0x8F2B, s0  }
0xbd: {  	[sflag:s0] =	ssyncadd.remote.s32 $0x1  }
0xbe: {  	_ =	sfence.sel $0xFFFF  }
0xbf: {  	[dreg:$0x0] =	wrdreg $0xFFFFFFFF;
	(pc) =	sbr.abs _section_cstart, $3  }
0xc0: {  	[dreg:$0x1] =	wrdreg $0xFFFFFFFF  }
0xc1: {  	_ =	task.clear_ibuf [dreg:s7], $0x2FFFF;
	_ =	strace $0x9FFFFFFF  }
0xc2: {  	(tm) =	ssettm $0x7FFFFFFF  }
0xc3: {  	_ =	shalt  }
tec
execute0_lowered:
.L_overlay_start_1:
0x0: {  	(tag) =	ssettag $0x1  }
0x1: {  	s0 =	srdreg.scid  }
0x2: {  	s1 =	sshll.u32 s0, $0x4  }
0x3: {  	s0 =	stileid.u32;
	s1 =	sand.u32 $0x10, s1  }
0x4: {  	s2 =	sor.u32 s0, s1  }
0x5: {  	s1 =	smin.u32 s2, $0x12  }
0x6: {  	s1 =	sadd.s32 s2, s1  }
0x7: {  	p0 =	slt.u32 s2, $0x12;
	s2 =	simm.s32 $0x140;
	s1 =	smul.u32 $0xA0, s1  }
0x8: {  	s2 =	simm.s32 @!p0 $0xA0  }
0x9: {  	s2 =	sadd.s32 s2, s1  }
0xa: {  	s3 =	smin.u32 s2, $0x1F40  }
0xb: {  	s7 =	ssub.s32 s3, s1  }
0xc: {  	p0 =	sgt.s32 s7, $0x0  }
0xd: {  	s7 =	simm.s32 @!p0 $0x0  }
0xe: {  	s9 =	rddreg [dreg:$0x0];
	s31 =	smul.u32 $0xCCCD, s7  }
0xf: {  	s4 =	rddreg [dreg:$0x1];
	s6 =	simm.s32 $0x1  }
0x10: {  	s11 =	simm.s32 $0x3;
	s13 =	simm.s32 $0x0;
	s8 =	sshrl.u32 s31, $0x17  }
0x11: {  	s12 =	simm.s32 $0x0;
	s5 =	sadd.s32 $0x1600, s9;
	s10 =	smul.u32 $0xA0, s8  }
.Ltmp0:
0x12: {  	s9 =	sadd.s32 $0x165A00, s9;
	s2 =	rddreg [dreg:$0x2];
	(pc) =	sbr.rel .LBB2_1-.Ltmp0, $4  }
0x13: {  	_ =	strace $0x80000047;
	p0 =	sne.s32 s7, s10;
	s10 =	simm.s32 $0x1  }
0x14: {  	[sflag:s6] =	ssyncpa.u1 $0x0;
	s7 =	simm.s32 $0x2;
	s10 =	simm.s32 @!p0 $0x0  }
0x15: {  	[sflag:s7] =	ssyncpa.u1 $0x0;
	p0 =	por $0x0, $0x0;
	s8 =	sadd.s32 s8, s10  }
0x16: {  	v0 =	vimm.s32 $0x0;
	vm0 =	vmmov $0xff;
	vm1 =	vcmask $0x3F20;
	[sflag:s11] =	ssyncpa.u1 $0x0;
	s11 =	smov.u32 s1;
	s10 =	sadd.s32 $0x1, s8  }
.LBB2_6:
0x17: {  	[hbm:s17] =	stream.linear.scatter [tilespmem:s14], [sflag:$0x3], $0x400, $0x38;
	[tilespmem:$0xA140] =	vst v63  }
.LBB2_7:
0x18: {  	s13 =	sadd.s32 $0xA0, s11  }
0x19: {  	s15 =	smov.u32 s1;
	p2 =	slt.s32 s13, s3  }
0x1a: {  	s15 =	smov.u32 @p2 s13;
	p2 =	sne.s32 s12, s10  }
.Ltmp1:
0x1b: {  	p1 =	slt.u32 s12, $0x2;
	(pc) =	sbr.rel @!p2 .LBB2_8-.Ltmp1, $4  }
0x1c: {  	s14 =	simm.s32 @!p1 $0x3  }
0x1d: {  	s16 =	sadd.s32 $0x1, s12;
	_ =	swait.ge @!p1 [sflag:s14], $0x5000  }
0x1e: {  	p0 =	por !p0, !p0;
	s13 =	smov.u32 s11;
	[sflag:s14] =	ssyncset.done @!p1 $0x0  }
0x1f: {  	s12 =	smov.u32 s16;
	s11 =	smov.u32 s15;
	[sflag:s14] =	ssyncadd.s32 @!p1 $0xFFFFB000  }
.LBB2_1:
0x20: {  	p1 =	sge.u32 s12, s8  }
0x21: {  	s14 =	sxor.u32 @!p1 $0xFFFFFFFF, s12  }
0x22: {  	s14 =	sand.u32 @!p1 $0x1, s14  }
0x23: {  	s14 =	smul.u32 @!p1 $0x280, s14  }
0x24: {  	s31 =	sadd.s32 $0xFFFFFFFF, s12;
	s15 =	sshrl.u32 @!p1 s11, $0x3  }
0x25: {  	s16 =	sand.u32 @!p1 $0x7, s11;
	s15 =	sadd.s32 @!p1 s4, s15;
	s14 =	sshrl.u32 @!p1 s14, $0x2  }
0x26: {  	[tilespmem:s14], [sflag:$0x2] =	stream.linear.gather @!p1 [hbm4b:s15+s16], $0xA0, $0x38;
	[tilespmem:$0xA140] =	vst v63  }
0x27: {  	p1 =	sge.u32 s31, s8  }
.Ltmp2:
0x28: {  	_ = 	snop;
	(pc) =	sbr.rel @p1 .LBB2_7-.Ltmp2, $1  }
0x29: {  	_ =	sdelay $0x3  }
0x2a: {  	s14 =	simm.s32 $0x1  }
0x2b: {  	s14 =	simm.s32 @!p0 $0x0  }
0x2c: {  	s15 =	smul.u32 $0x280, s14  }
0x2d: {  	_ =	swait.ge [sflag:s7], $0xA0  }
0x2e: {  	[sflag:s7] =	ssyncset.done $0x0;
	s16 =	sshrl.u32 s15, $0x2  }
0x2f: {  	[sflag:s7] =	ssyncadd.s32 $0xFFFFFF60;
	s15 =	sadd.s32 $0x0, s16  }
0x30: {  	v1 =	vld.msk [tilespmem:s15+$0x0 ss:$0x1], $0xffff;
	_ =	sdelay $0x4  }
0x31: {  	v2 =	vand.u32 $0x1, v1;
	v3 =	vshll.u32 v1, $0x6  }
0x32: {  	vm2 =	veq.s32 v1, $0x80000000;
	vm3 =	veq.s32 v2, $0x1;
	v1 =	vand.u32 $0x7FFF80, v3  }
0x33: {  	v2 =	vsel vm3, $0x591000, v0;
	v1 =	vsel vm2, $0xFFFFFF80, v1  }
0x34: {  	v2 =	vsel vm2, $0xFFA6F000, v2;
	v3 =	vand.u32 $0xFFFFFC00, v1  }
0x35: {  	v1 =	vand.u32 $0x380, v1;
	v2 =	vadd.s32 v2, v3  }
0x36: {  	v1 =	vor.u32 v1, v2  }
0x37: {  	v1 =	vshrl.u32 v1, $0x3  }
0x38: {  	s14 =	smul.u32 $0x14000, s14;
	_ =	sdelay $0x1  }
0x39: {  	s14 =	sshrl.u32 s14, $0x2  }
0x3a: {  	s14 =	sor.u32 $0x140, s14  }
0x3b: {  	[tilespmem:s14], [sflag:$0x1] =	stream.indirect_vreg.gather [hbm:s5], $0x80, v1, vm0, $0x38;
	[tilespmem:$0xA140] =	vst v63  }
0x3c: {  	s17 =	sadd.s32 $0x10, s16;
	s15 =	sadd.s32 $0x400, s14  }
0x3d: {  	[tilespmem:s15], [sflag:$0x1] =	stream.indirect_vreg.gather [hbm:s5], $0x80, v1, vm1, $0x38;
	[tilespmem:$0xA140] =	vst v63  }
0x3e: {  	s18 =	simm.s32 $0x80;
	v1 =	vld.msk [tilespmem:s17+$0x0 ss:$0x1], $0xffff;
	s17 =	smov.u32 s14  }
.LBB2_3:
0x3f: {  	p1 =	sne.s32 s18, $0x240;
	_ =	sdelay $0x4  }
0x40: {  	v2 =	vand.u32 $0x1, v1;
	v3 =	vshll.u32 v1, $0x6  }
0x41: {  	vm2 =	veq.s32 v1, $0x80000000;
	vm3 =	veq.s32 v2, $0x1;
	v1 =	vand.u32 $0x7FFF80, v3  }
0x42: {  	v2 =	vsel vm3, $0x591000, v0;
	v1 =	vsel vm2, $0xFFFFFF80, v1  }
0x43: {  	v2 =	vsel vm2, $0xFFA6F000, v2;
	v3 =	vand.u32 $0xFFFFFC00, v1  }
0x44: {  	v1 =	vand.u32 $0x380, v1;
	v2 =	vadd.s32 v2, v3  }
0x45: {  	v1 =	vor.u32 v1, v2  }
0x46: {  	v1 =	vshrl.u32 v1, $0x3;
	_ =	sdelay $0x3  }
.Ltmp3:
0x47: {  	s19 =	sshra.s32 s18, $0x2;
	s17 =	sadd.s32 $0x800, s17;
	(pc) =	sbr.rel @p1 .LBB2_3-.Ltmp3, $4  }
0x48: {  	[tilespmem:s17], [sflag:$0x1] =	stream.indirect_vreg.gather [hbm:s5], $0x80, v1, vm0, $0x38;
	[tilespmem:$0xA140] =	vst v63  }
0x49: {  	s19 =	sadd.s32 s19, s16;
	s20 =	sadd.s32 $0x400, s17  }
0x4a: {  	[tilespmem:s20], [sflag:$0x1] =	stream.indirect_vreg.gather [hbm:s5], $0x80, v1, vm1, $0x38;
	[tilespmem:$0xA140] =	vst v63  }
0x4b: {  	s18 =	sadd.s32 $0x40, s18;
	v1 =	vld.msk [tilespmem:s19+$0x0 ss:$0x1], $0xffff  }
0x4c: {  	_ =	sdelay $0x3  }
0x4d: {  	v2 =	vand.u32 $0x1, v1;
	v3 =	vshll.u32 v1, $0x6  }
0x4e: {  	vm2 =	veq.s32 v1, $0x80000000;
	vm3 =	veq.s32 v2, $0x1;
	v1 =	vand.u32 $0x7FFF80, v3  }
0x4f: {  	v2 =	vsel vm3, $0x591000, v0;
	v1 =	vsel vm2, $0xFFFFFF80, v1  }
0x50: {  	v2 =	vsel vm2, $0xFFA6F000, v2;
	v3 =	vand.u32 $0xFFFFFC00, v1  }
0x51: {  	v1 =	vand.u32 $0x380, v1;
	v2 =	vadd.s32 v2, v3  }
0x52: {  	v1 =	vor.u32 v1, v2  }
0x53: {  	v1 =	vshrl.u32 v1, $0x3;
	_ =	sdelay $0x3  }
0x54: {  	s16 =	sadd.s32 $0x800, s17  }
0x55: {  	[tilespmem:s16], [sflag:$0x1] =	stream.indirect_vreg.gather [hbm:s5], $0x80, v1, vm0, $0x38;
	[tilespmem:$0xA140] =	vst v63  }
0x56: {  	s16 =	sadd.s32 $0x400, s16  }
0x57: {  	[tilespmem:s16], [sflag:$0x1] =	stream.indirect_vreg.gather [hbm:s5], $0x80, v1, vm1, $0x38;
	[tilespmem:$0xA140] =	vst v63  }
0x58: {  	s13 =	sshll.u32 s13, $0x4;
	_ =	swait.ge [sflag:s6], $0x5000  }
0x59: {  	s13 =	sadd.s32 s13, s9;
	[sflag:s6] =	ssyncset.done $0x0  }
0x5a: {  	s17 =	sadd.s32 $0x0, s13;
	s16 =	simm.s32 $0x80;
	[sflag:s6] =	ssyncadd.s32 $0xFFFFB000  }
.LBB2_5:
0x5b: {  	[hbm:s17] =	stream.linear.scatter [tilespmem:s14], [sflag:$0x3], $0x400, $0x38;
	[tilespmem:$0xA140] =	vst v63  }
0x5c: {  	s17 =	smov.u32 s16;
	s14 =	smov.u32 s15;
	p1 =	sne.s32 s16, $0x980  }
.Ltmp4:
0x5d: {  	s16 =	sadd.s32 $0x80, s16;
	(pc) =	sbr.rel @p1 .LBB2_5-.Ltmp4, $2  }
0x5e: {  	_ =	sdelay $0x2  }
0x5f: {  	s15 =	sadd.s32 $0x400, s15;
	s17 =	sadd.s32 s17, s13  }
.Ltmp5:
0x60: {  	_ = 	snop;
	(pc) =	sbr.rel .LBB2_6-.Ltmp5, $1  }
0x61: {  	_ =	sdelay $0x3  }
.LBB2_8:
0x62: {  	_ =	sfence.sel $0x180000  }
0x63: {  	s1 =	simm.s32 $0x2;
	[bflag:$0x0] =	sbarrier.arrive $0xFFFF  }
0x64: {  	s30 =	simm.s32 $0x3;
	[sflag:s1] =	ssyncpa.u1 $0x1  }
0x65: {  	s31 =	simm.s32 $0x1;
	[sflag:s30] =	ssyncpa.u1 $0x1  }
0x66: {  	[sflag:s31] =	ssyncpa.u1 $0x1  }
0x67: {  	p0 =	sne.s32 s0, $0x0;
	_ =	strace $0x90000047  }
0x68: {  	s0 =	sadd.s32 @!p0 $0x100000, s2;
	[bflag:$0x2] =	sbarrier.arrive $0xFFFF  }
0x69: {  	[sflag:s0] =	ssyncadd.tile.s32 @!p0 $0x1;
	_ =	shalt  }
.Lfunc_end2:
_tile_overlayer_lowered:
.L_overlay_start_2:
0x6a: {  	(tag) =	ssettag $0x2  }
0x6b: {  	s0 =	rddreg [dreg:$0x0];
	s2 =	stileid.u32  }
0x6c: {  	s1 =	rddreg [dreg:$0x1];
	p0 =	sne.s32 s2, $0x0  }
0x6d: {  	s3 =	rddreg [dreg:$0x2];
	[bflag:$0x3] =	sbarrier.arrive $0xFFFF;
	s2 =	simm.s32 @!p0 $0x1C01  }
0x6e: {  	[timem:s3], [sflag:s2] =	dma.local @!p0 [hbm:s0], s1  }
0x6f: {  	s0 =	simm.s32 @!p0 $0x1  }
0x70: {  	_ =	swait.ge @!p0 [sflag:s0], s1  }
0x71: {  	s1 =	ssub.s32 @!p0 $0x0, s1;
	[sflag:s0] =	ssyncset.done @!p0 $0x0  }
0x72: {  	[sflag:s0] =	ssyncadd.s32 @!p0 s1  }
0x73: {  	[bflag:$0x3] =	sbarrier.arrive $0xFFFF  }
0x74: {  	_ =	shalt  }

// kernel: gather_offload_async_start.2
scs
__scs_entry_jumppad:
0x0: {  	(pc) =	sbr.rel $0x88, $3  }
0x1: {  	(tag) =	ssettag $0x0;
	lr =	simm.s32 $0x1  }
0x2: {  	[smem:$0x3F9E] =	sst lr;
	_ =	strace $0xD0000000  }
0x3: {  	_ = 	snop  }
0x4: {  	_ = 	snop  }
0x5: {  	_ = 	snop  }
0x6: {  	_ = 	snop  }
0x7: {  	_ = 	snop  }
__scs_overlays_trampoline_lowered:
0x8: {  	[smem:$0x3FAD] =	sst s0  }
0x9: {  	[smem:$0x3FAE] =	sst s1  }
0xa: {  	[smem:$0x3FAF] =	sst s2  }
0xb: {  	[smem:$0x3FB0] =	sst s3  }
0xc: {  	[smem:$0x3FB1] =	sst s4  }
0xd: {  	[smem:$0x3FB2] =	sst s5  }
0xe: {  	[smem:$0x3FB3] =	sst s6  }
0xf: {  	[smem:$0x3FB4] =	sst s7  }
0x10: {  	[smem:$0x3FB5] =	sst s8  }
0x11: {  	[smem:$0x3FB6] =	sst s9;
	s0 =	simm.s32 @!p0 $0x0  }
0x12: {  	s1 =	sld [smem:$0x3F9C];
	s0 =	simm.s32 @p0 $0x1  }
0x13: {  	[smem:$0x3FB7] =	sst s0;
	s0 =	simm.s32 @!p1 $0x0  }
0x14: {  	s2 =	sld [smem:$0x3F9B];
	s0 =	simm.s32 @p1 $0x1  }
0x15: {  	[smem:$0x3FB8] =	sst s0;
	s0 =	simm.s32 @!p2 $0x0  }
0x16: {  	s3 =	sld [smem:$0x3FDB];
	s0 =	simm.s32 @p2 $0x1  }
0x17: {  	s4 =	simm.s32 $0x1BF5;
	[smem:$0x3FBA] =	sst s0  }
0x18: {  	s0 =	sld [smem:$0x3F9D];
	_ =	swait.ge [sflag:s4], $0x0  }
0x19: {  	s7 =	sld [smem:$0x3F9E]  }
0x1a: {  	s8 =	sadd.s32 $0xFFFFE003, lr  }
0x1b: {  	s9 =	sadd.s32 $0xFFFFFEF7, lr;
	s5 =	simm.s32 $0xFFFFFFFF;
	p2 =	slt.u32 s8, $0xFFFFF086  }
0x1c: {  	p1 =	slt.u32 s9, $0xF7A;
	s5 =	simm.s32 @!p2 $0x0  }
0x1d: {  	s5 =	simm.s32 @p1 $0x1;
	p0 =	seq.s32 s7, s2  }
0x1e: {  	s7 =	smul.u32 @!p0 $0xF7A, s2;
	p2 =	seq.s32 @!p0 s5, $0x0  }
0x1f: {  	s9 =	smul.u32 $0xF7A, s1;
	s8 =	simm.s32 @!p0 $0x1BF5;
	p2 =	por !p2, p0  }
0x20: {  	[sflag:s8] =	ssyncset.s32 @!p0 $0xFFFFF086;
	s6 =	sadd.s32 @!p0 s3, s7;
	s7 =	simm.s32 @!p0 $0x108  }
0x21: {  	s3 =	sadd.s32 s3, s9;
	s6 =	sadd.s32 @!p0 $0x88, s6;
	s7 =	simm.s32 @p2 $0x1082  }
0x22: {  	[simem:s7], [sflag:s8] =	dma.local @!p0 [hbm:s6], $0xF7A  }
0x23: {  	s9 =	sor.u32 $0xD0000000, s2;
	s6 =	simm.s32 $0x108;
	_ =	swait.ge @!p0 [sflag:s8], $0x0  }
0x24: {  	s3 =	sadd.s32 $0x88, s3;
	s6 =	simm.s32 @!p1 $0x1082;
	[sflag:s4] =	ssyncset.s32 $0xFFFFF086  }
0x25: {  	[simem:s6], [sflag:s4] =	dma.local [hbm:s3], $0xF7A  }
0x26: {  	[smem:$0x3F9E] =	sst s1;
	(tag) =	ssettag s2;
	_ =	strace s9  }
0x27: {  	s1 =	sld [smem:$0x3FAE]  }
0x28: {  	s2 =	sld [smem:$0x3FAF]  }
0x29: {  	s4 =	sld [smem:$0x3FB1]  }
0x2a: {  	p0 =	seq.s32 s5, $0x0;
	s5 =	sld [smem:$0x3FB2]  }
0x2b: {  	s6 =	sld [smem:$0x3FB3]  }
0x2c: {  	s7 =	sld [smem:$0x3FB4]  }
0x2d: {  	s3 =	simm.s32 $0x108;
	s8 =	sld [smem:$0x3FB5]  }
0x2e: {  	s3 =	simm.s32 @!p0 $0x1082;
	s9 =	sld [smem:$0x3FB6]  }
0x2f: {  	lr =	sadd.s32 s0, s3;
	s0 =	sld [smem:$0x3FAD]  }
0x30: {  	s3 =	sld [smem:$0x3FB0]  }
0x31: {  	[smem:$0x3FB9] =	sst s10  }
0x32: {  	s10 =	sld [smem:$0x3FB7];
	_ =	sdelay $0x3  }
0x33: {  	p0 =	seq.s32 s10, $0x1;
	s10 =	sld [smem:$0x3FB9];
	_ =	sdelay $0x3  }
0x34: {  	[smem:$0x3FB9] =	sst s10  }
0x35: {  	s10 =	sld [smem:$0x3FB8];
	_ =	sdelay $0x3  }
0x36: {  	p1 =	seq.s32 s10, $0x1;
	s10 =	sld [smem:$0x3FB9];
	_ =	sdelay $0x3  }
0x37: {  	[smem:$0x3FB9] =	sst s10  }
0x38: {  	s10 =	sld [smem:$0x3FBA]  }
0x39: {  	_ = 	snop;
	(pc) =	sbr.ind lr, $3  }
0x3a: {  	_ = 	snop  }
0x3b: {  	_ = 	snop  }
0x3c: {  	p2 =	seq.s32 s10, $0x1;
	s10 =	sld [smem:$0x3FB9]  }
0x3d: {  	_ =	shalt  }
0x3e: {  	_ =	shalt  }
0x3f: {  	_ =	shalt  }
0x40: {  	_ =	shalt  }
0x41: {  	_ =	shalt  }
0x42: {  	_ =	shalt  }
0x43: {  	_ =	shalt  }
0x44: {  	_ =	shalt  }
0x45: {  	_ =	shalt  }
0x46: {  	_ =	shalt  }
0x47: {  	_ =	shalt  }
0x48: {  	_ =	shalt  }
0x49: {  	_ =	shalt  }
0x4a: {  	_ =	shalt  }
0x4b: {  	_ =	shalt  }
0x4c: {  	_ =	shalt  }
0x4d: {  	_ =	shalt  }
0x4e: {  	_ =	shalt  }
0x4f: {  	_ =	shalt  }
0x50: {  	_ =	shalt  }
0x51: {  	_ =	shalt  }
0x52: {  	_ =	shalt  }
0x53: {  	_ =	shalt  }
0x54: {  	_ =	shalt  }
0x55: {  	_ =	shalt  }
0x56: {  	_ =	shalt  }
0x57: {  	_ =	shalt  }
0x58: {  	_ =	shalt  }
0x59: {  	_ =	shalt  }
0x5a: {  	_ =	shalt  }
0x5b: {  	_ =	shalt  }
0x5c: {  	_ =	shalt  }
0x5d: {  	_ =	shalt  }
0x5e: {  	_ =	shalt  }
0x5f: {  	_ =	shalt  }
0x60: {  	_ =	shalt  }
0x61: {  	_ =	shalt  }
0x62: {  	_ =	shalt  }
0x63: {  	_ =	shalt  }
0x64: {  	_ =	shalt  }
0x65: {  	_ =	shalt  }
0x66: {  	_ =	shalt  }
0x67: {  	_ =	shalt  }
0x68: {  	_ =	shalt  }
0x69: {  	_ =	shalt  }
0x6a: {  	_ =	shalt  }
0x6b: {  	_ =	shalt  }
0x6c: {  	_ =	shalt  }
0x6d: {  	_ =	shalt  }
0x6e: {  	_ =	shalt  }
0x6f: {  	_ =	shalt  }
0x70: {  	_ =	shalt  }
0x71: {  	_ =	shalt  }
0x72: {  	_ =	shalt  }
0x73: {  	_ =	shalt  }
0x74: {  	_ =	shalt  }
0x75: {  	_ =	shalt  }
0x76: {  	_ =	shalt  }
0x77: {  	_ =	shalt  }
0x78: {  	_ =	shalt  }
0x79: {  	_ =	shalt  }
0x7a: {  	_ =	shalt  }
0x7b: {  	_ =	shalt  }
0x7c: {  	_ =	shalt  }
0x7d: {  	_ =	shalt  }
0x7e: {  	_ =	shalt  }
0x7f: {  	_ =	shalt  }
0x80: {  	_ =	shalt  }
0x81: {  	_ =	shalt  }
0x82: {  	_ =	shalt  }
0x83: {  	_ =	shalt  }
0x84: {  	_ =	shalt  }
0x85: {  	_ =	shalt  }
0x86: {  	_ =	shalt  }
0x87: {  	_ =	shalt  }
.Lfunc_end0:
.L_simem_size_0:
called_computation.2_lowered:
.L_overlay_start_0:
0x88: {  	s2 =	sld [smem:$0x3FD9]  }
0x89: {  	s3 =	sld [smem:$0x3FFE];
	_ =	sdelay $0x1  }
0x8a: {  	s1 =	srdreg.scid  }
0x8b: {  	s0 =	sand.u32 $0x1, s1  }
0x8c: {  	s17 =	sshll.u32 s0, $0xA;
	s2 =	sadd.s32 s3, s2  }
0x8d: {  	s2 =	sadd.s32 s2, s17  }
0x8e: {  	[smem:$0x3FC5] =	sst s2  }
0x8f: {  	_ = 	snop  }
0x90: {  	s18 =	sld [smem:$0x3FD0];
	(tm) =	ssettm $0x1  }
0x91: {  	s19 =	sld [smem:$0x3FFB];
	_ =	sdelay $0x3  }
0x92: {  	_ =	strace s19  }
0x93: {  	s2 =	sld [smem:$0x3FFC];
	_ =	sdelay $0x3  }
0x94: {  	_ =	strace s2  }
0x95: {  	s2 =	sld [smem:$0x3FFD];
	_ =	sdelay $0x3  }
0x96: {  	_ =	strace s2  }
0x97: {  	_ =	strace $0x8FFFFFFF  }
0x98: {  	s20 =	sld [smem:$0x3FDB];
	_ =	sdelay $0x1  }
0x99: {  	s4 =	simm.s32 $_scs_section_size  }
0x9a: {  	s5 =	simm.s32 $_size__tile_overlayer_lowered;
	s6 =	simm.s32 $_tile_overlayer_lowered  }
0x9b: {  	s7 =	simm.s32 $0x1BFF;
	s21 =	sshll.u32 s6, $0x1;
	s4 =	sadd.s32 s4, s20  }
0x9c: {  	s22 =	simm.s32 $0x0;
	s5 =	sshll.u32 s5, $0x1;
	s6 =	sadd.s32 s21, s4  }
0x9d: {  	[timem:s22], [sflag:s7] =	dma.local [hbm:s6], s5  }
0x9e: {  	_ =	swait.ge [sflag:s7], s5  }
0x9f: {  	s5 =	ssub.s32 $0x0, s5;
	[sflag:s7] =	ssyncset.done $0x0  }
0xa0: {  	[sflag:s7] =	ssyncadd.s32 s5;
	_ =	sdelay $0x1  }
0xa1: {  	s23 =	simm.s32 $0x1B8B  }
0xa2: {  	_ =	swait.ge [sflag:s23], $0x1  }
0xa3: {  	[sflag:s23] =	ssyncset.done $0x0  }
0xa4: {  	[sflag:s23] =	ssyncadd.s32 $0xFFFFFFFF  }
0xa5: {  	s5 =	sld [smem:$0x0]  }
0xa6: {  	s6 =	sand.u32 $0xFFFFFFFE, s1  }
0xa7: {  	p0 =	sne.s32 s1, s6  }
0xa8: {  	s6 =	sshll.u32 @p0 s6, $0xE  }
0xa9: {  	s6 =	sadd.s32 @p0 $0x11B8D, s6;
	s7 =	sshll.u32 @p0 s5, $0x11  }
0xaa: {  	s6 =	sor.u32 @p0 s7, s6  }
0xab: {  	[sflag:s6] =	ssyncadd.remote.s32 @p0 $0x1;
	_ =	sdelay $0x1  }
0xac: {  	s6 =	simm.s32 @p0 $0x1B8D  }
0xad: {  	_ =	swait.eq @p0 [sflag:s6], $0x1  }
0xae: {  	[sflag:s6] =	ssyncadd.s32 @p0 $0xFFFFFFFF  }
0xaf: {  	s7 =	sshll.u32 @!p0 s1, $0xE  }
0xb0: {  	s7 =	sor.u32 @!p0 $0x4000, s7;
	s6 =	simm.s32 @!p0 $0x1B8D  }
0xb1: {  	s5 =	sshll.u32 @!p0 s5, $0x11;
	s7 =	sadd.s32 @!p0 $0x11B8D, s7;
	_ =	swait.eq @!p0 [sflag:s6], $0x1  }
0xb2: {  	s5 =	sor.u32 @!p0 s5, s7;
	[sflag:s6] =	ssyncadd.s32 @!p0 $0xFFFFFFFF  }
0xb3: {  	s25 =	simm.s32 $0x1B8E;
	s24 =	sld [smem:$0x3FFE];
	[sflag:s5] =	ssyncadd.remote.s32 @!p0 $0x1  }
0xb4: {  	s26 =	simm.s32 $execute0_lowered;
	[smem:$0x3FD2] =	sst s25  }
0xb5: {  	s6 =	sshll.u32 s26, $0x1;
	_ =	strace $0x80000049;
	[dreg:$0x1] =	wrdreg $0xFFFFFFFF  }
0xb6: {  	s28 =	simm.s32 $_size_execute0_lowered;
	s4 =	sadd.s32 s4, s6;
	[dreg:$0x0] =	wrdreg $0x0  }
0xb7: {  	s6 =	sshll.u32 s28, $0x1;
	[dreg:$0x2] =	wrdreg s4  }
0xb8: {  	[dreg:$0x3] =	wrdreg s6  }
0xb9: {  	[dreg:$0x4] =	wrdreg $0xC0  }
0xba: {  	_ =	task [dreg:s22], $0x5FFFF  }
0xbb: {  	[dreg:$0x1] =	wrdreg $0xFFFFFFFF  }
0xbc: {  	[dreg:$0x0] =	wrdreg $0x60  }
0xbd: {  	[dreg:$0x2] =	wrdreg s24  }
0xbe: {  	[dreg:$0x3] =	wrdreg s18  }
0xbf: {  	[dreg:$0x4] =	wrdreg $0xA  }
0xc0: {  	_ =	task.clear_ibuf [dreg:s22], $0x5FFFF;
	_ =	strace $0x90000049  }
0xc1: {  	s29 =	simm.s32 $0xA;
	_ =	strace $0x8000004B  }
0xc2: {  	_ =	swait.ge [sflag:s29], $0x1  }
0xc3: {  	[sflag:s29] =	ssyncadd.s32 $0xFFFFFFFF  }
0xc4: {  	_ =	strace $0x9000004B  }
0xc5: {  	_ =	sfence  }
0xc6: {  	s30 =	sld [smem:$0x0];
	_ =	sdelay $0x2  }
0xc7: {  	s31 =	sshll.u32 s1, $0xD;
	s1 =	sshrl.u32 s1, $0x2  }
0xc8: {  	s4 =	sand.u32 $0x4000, s31;
	s1 =	sadd.s32 s1, s30  }
0xc9: {  	s0 =	sor.u32 s4, s0;
	s1 =	sshll.u32 s1, $0x11  }
0xca: {  	s0 =	sor.u32 s1, s0  }
0xcb: {  	s0 =	sadd.s32 $0x8F2B, s0  }
0xcc: {  	[sflag:s0] =	ssyncadd.remote.s32 $0x1  }
0xcd: {  	_ =	sfence.sel $0xFFFF  }
0xce: {  	[dreg:$0x0] =	wrdreg $0xFFFFFFFF;
	(pc) =	sbr.abs _section_cstart, $3  }
0xcf: {  	[dreg:$0x1] =	wrdreg $0xFFFFFFFF  }
0xd0: {  	_ =	task.clear_ibuf [dreg:s22], $0x2FFFF;
	_ =	strace $0x9FFFFFFF  }
0xd1: {  	(tm) =	ssettm $0x7FFFFFFF  }
tec
execute0_lowered:
.L_overlay_start_1:
0x0: {  	(tag) =	ssettag $0x1  }
0x1: {  	s0 =	srdreg.scid  }
0x2: {  	s1 =	sshll.u32 s0, $0x4  }
0x3: {  	s0 =	stileid.u32;
	s1 =	sand.u32 $0x10, s1  }
0x4: {  	s2 =	sor.u32 s0, s1  }
0x5: {  	s1 =	smin.u32 s2, $0x12  }
0x6: {  	s1 =	sadd.s32 s2, s1  }
0x7: {  	p0 =	slt.u32 s2, $0x12;
	s2 =	simm.s32 $0x140;
	s1 =	smul.u32 $0xA0, s1  }
0x8: {  	s2 =	simm.s32 @!p0 $0xA0  }
0x9: {  	s2 =	sadd.s32 s2, s1  }
0xa: {  	s3 =	smin.u32 s2, $0x1F40  }
0xb: {  	s7 =	ssub.s32 s3, s1  }
0xc: {  	p0 =	sgt.s32 s7, $0x0  }
0xd: {  	s7 =	simm.s32 @!p0 $0x0  }
0xe: {  	s9 =	rddreg [dreg:$0x0];
	s31 =	smul.u32 $0xCCCD, s7  }
0xf: {  	s4 =	rddreg [dreg:$0x1];
	s6 =	simm.s32 $0x1  }
0x10: {  	s11 =	simm.s32 $0x3;
	s13 =	simm.s32 $0x0;
	s8 =	sshrl.u32 s31, $0x17  }
0x11: {  	s12 =	simm.s32 $0x0;
	s5 =	sadd.s32 $0x184E00, s9;
	s10 =	smul.u32 $0xA0, s8  }
.Ltmp0:
0x12: {  	s9 =	sadd.s32 $0x2E9200, s9;
	s2 =	rddreg [dreg:$0x2];
	(pc) =	sbr.rel .LBB2_1-.Ltmp0, $4  }
0x13: {  	_ =	strace $0x8000004A;
	p0 =	sne.s32 s7, s10;
	s10 =	simm.s32 $0x1  }
0x14: {  	[sflag:s6] =	ssyncpa.u1 $0x0;
	s7 =	simm.s32 $0x2;
	s10 =	simm.s32 @!p0 $0x0  }
0x15: {  	[sflag:s7] =	ssyncpa.u1 $0x0;
	p0 =	por $0x0, $0x0;
	s8 =	sadd.s32 s8, s10  }
0x16: {  	v0 =	vimm.s32 $0x0;
	vm0 =	vmmov $0xff;
	vm1 =	vcmask $0x3F20;
	[sflag:s11] =	ssyncpa.u1 $0x0;
	s11 =	smov.u32 s1;
	s10 =	sadd.s32 $0x1, s8  }
.LBB2_6:
0x17: {  	[hbm:s17] =	stream.linear.scatter [tilespmem:s14], [sflag:$0x3], $0x400, $0x38;
	[tilespmem:$0xA140] =	vst v63  }
.LBB2_7:
0x18: {  	s13 =	sadd.s32 $0xA0, s11  }
0x19: {  	s15 =	smov.u32 s1;
	p2 =	slt.s32 s13, s3  }
0x1a: {  	s15 =	smov.u32 @p2 s13;
	p2 =	sne.s32 s12, s10  }
.Ltmp1:
0x1b: {  	p1 =	slt.u32 s12, $0x2;
	(pc) =	sbr.rel @!p2 .LBB2_8-.Ltmp1, $4  }
0x1c: {  	s14 =	simm.s32 @!p1 $0x3  }
0x1d: {  	s16 =	sadd.s32 $0x1, s12;
	_ =	swait.ge @!p1 [sflag:s14], $0x5000  }
0x1e: {  	p0 =	por !p0, !p0;
	s13 =	smov.u32 s11;
	[sflag:s14] =	ssyncset.done @!p1 $0x0  }
0x1f: {  	s12 =	smov.u32 s16;
	s11 =	smov.u32 s15;
	[sflag:s14] =	ssyncadd.s32 @!p1 $0xFFFFB000  }
.LBB2_1:
0x20: {  	p1 =	sge.u32 s12, s8  }
0x21: {  	s14 =	sxor.u32 @!p1 $0xFFFFFFFF, s12  }
0x22: {  	s14 =	sand.u32 @!p1 $0x1, s14  }
0x23: {  	s14 =	smul.u32 @!p1 $0x280, s14  }
0x24: {  	s31 =	sadd.s32 $0xFFFFFFFF, s12;
	s15 =	sshrl.u32 @!p1 s11, $0x3  }
0x25: {  	s16 =	sand.u32 @!p1 $0x7, s11;
	s15 =	sadd.s32 @!p1 s4, s15;
	s14 =	sshrl.u32 @!p1 s14, $0x2  }
0x26: {  	[tilespmem:s14], [sflag:$0x2] =	stream.linear.gather @!p1 [hbm4b:s15+s16], $0xA0, $0x38;
	[tilespmem:$0xA140] =	vst v63  }
0x27: {  	p1 =	sge.u32 s31, s8  }
.Ltmp2:
0x28: {  	_ = 	snop;
	(pc) =	sbr.rel @p1 .LBB2_7-.Ltmp2, $1  }
0x29: {  	_ =	sdelay $0x3  }
0x2a: {  	s14 =	simm.s32 $0x1  }
0x2b: {  	s14 =	simm.s32 @!p0 $0x0  }
0x2c: {  	s15 =	smul.u32 $0x280, s14  }
0x2d: {  	_ =	swait.ge [sflag:s7], $0xA0  }
0x2e: {  	[sflag:s7] =	ssyncset.done $0x0;
	s16 =	sshrl.u32 s15, $0x2  }
0x2f: {  	[sflag:s7] =	ssyncadd.s32 $0xFFFFFF60;
	s15 =	sadd.s32 $0x0, s16  }
0x30: {  	v1 =	vld.msk [tilespmem:s15+$0x0 ss:$0x1], $0xffff;
	_ =	sdelay $0x4  }
0x31: {  	v2 =	vand.u32 $0x1, v1;
	v3 =	vshll.u32 v1, $0x6  }
0x32: {  	vm2 =	veq.s32 v1, $0x80000000;
	vm3 =	veq.s32 v2, $0x1;
	v1 =	vand.u32 $0x7FFF80, v3  }
0x33: {  	v2 =	vsel vm3, $0x591000, v0;
	v1 =	vsel vm2, $0xFFFFFF80, v1  }
0x34: {  	v2 =	vsel vm2, $0xFFA6F000, v2;
	v3 =	vand.u32 $0xFFFFFC00, v1  }
0x35: {  	v1 =	vand.u32 $0x380, v1;
	v2 =	vadd.s32 v2, v3  }
0x36: {  	v1 =	vor.u32 v1, v2  }
0x37: {  	v1 =	vshrl.u32 v1, $0x3  }
0x38: {  	s14 =	smul.u32 $0x14000, s14;
	_ =	sdelay $0x1  }
0x39: {  	s14 =	sshrl.u32 s14, $0x2  }
0x3a: {  	s14 =	sor.u32 $0x140, s14  }
0x3b: {  	[tilespmem:s14], [sflag:$0x1] =	stream.indirect_vreg.gather [hbm:s5], $0x80, v1, vm0, $0x38;
	[tilespmem:$0xA140] =	vst v63  }
0x3c: {  	s17 =	sadd.s32 $0x10, s16;
	s15 =	sadd.s32 $0x400, s14  }
0x3d: {  	[tilespmem:s15], [sflag:$0x1] =	stream.indirect_vreg.gather [hbm:s5], $0x80, v1, vm1, $0x38;
	[tilespmem:$0xA140] =	vst v63  }
0x3e: {  	s18 =	simm.s32 $0x80;
	v1 =	vld.msk [tilespmem:s17+$0x0 ss:$0x1], $0xffff;
	s17 =	smov.u32 s14  }
.LBB2_3:
0x3f: {  	p1 =	sne.s32 s18, $0x240;
	_ =	sdelay $0x4  }
0x40: {  	v2 =	vand.u32 $0x1, v1;
	v3 =	vshll.u32 v1, $0x6  }
0x41: {  	vm2 =	veq.s32 v1, $0x80000000;
	vm3 =	veq.s32 v2, $0x1;
	v1 =	vand.u32 $0x7FFF80, v3  }
0x42: {  	v2 =	vsel vm3, $0x591000, v0;
	v1 =	vsel vm2, $0xFFFFFF80, v1  }
0x43: {  	v2 =	vsel vm2, $0xFFA6F000, v2;
	v3 =	vand.u32 $0xFFFFFC00, v1  }
0x44: {  	v1 =	vand.u32 $0x380, v1;
	v2 =	vadd.s32 v2, v3  }
0x45: {  	v1 =	vor.u32 v1, v2  }
0x46: {  	v1 =	vshrl.u32 v1, $0x3;
	_ =	sdelay $0x3  }
.Ltmp3:
0x47: {  	s19 =	sshra.s32 s18, $0x2;
	s17 =	sadd.s32 $0x800, s17;
	(pc) =	sbr.rel @p1 .LBB2_3-.Ltmp3, $4  }
0x48: {  	[tilespmem:s17], [sflag:$0x1] =	stream.indirect_vreg.gather [hbm:s5], $0x80, v1, vm0, $0x38;
	[tilespmem:$0xA140] =	vst v63  }
0x49: {  	s19 =	sadd.s32 s19, s16;
	s20 =	sadd.s32 $0x400, s17  }
0x4a: {  	[tilespmem:s20], [sflag:$0x1] =	stream.indirect_vreg.gather [hbm:s5], $0x80, v1, vm1, $0x38;
	[tilespmem:$0xA140] =	vst v63  }
0x4b: {  	s18 =	sadd.s32 $0x40, s18;
	v1 =	vld.msk [tilespmem:s19+$0x0 ss:$0x1], $0xffff  }
0x4c: {  	_ =	sdelay $0x3  }
0x4d: {  	v2 =	vand.u32 $0x1, v1;
	v3 =	vshll.u32 v1, $0x6  }
0x4e: {  	vm2 =	veq.s32 v1, $0x80000000;
	vm3 =	veq.s32 v2, $0x1;
	v1 =	vand.u32 $0x7FFF80, v3  }
0x4f: {  	v2 =	vsel vm3, $0x591000, v0;
	v1 =	vsel vm2, $0xFFFFFF80, v1  }
0x50: {  	v2 =	vsel vm2, $0xFFA6F000, v2;
	v3 =	vand.u32 $0xFFFFFC00, v1  }
0x51: {  	v1 =	vand.u32 $0x380, v1;
	v2 =	vadd.s32 v2, v3  }
0x52: {  	v1 =	vor.u32 v1, v2  }
0x53: {  	v1 =	vshrl.u32 v1, $0x3;
	_ =	sdelay $0x3  }
0x54: {  	s16 =	sadd.s32 $0x800, s17  }
0x55: {  	[tilespmem:s16], [sflag:$0x1] =	stream.indirect_vreg.gather [hbm:s5], $0x80, v1, vm0, $0x38;
	[tilespmem:$0xA140] =	vst v63  }
0x56: {  	s16 =	sadd.s32 $0x400, s16  }
0x57: {  	[tilespmem:s16], [sflag:$0x1] =	stream.indirect_vreg.gather [hbm:s5], $0x80, v1, vm1, $0x38;
	[tilespmem:$0xA140] =	vst v63  }
0x58: {  	s13 =	sshll.u32 s13, $0x4;
	_ =	swait.ge [sflag:s6], $0x5000  }
0x59: {  	s13 =	sadd.s32 s13, s9;
	[sflag:s6] =	ssyncset.done $0x0  }
0x5a: {  	s17 =	sadd.s32 $0x0, s13;
	s16 =	simm.s32 $0x80;
	[sflag:s6] =	ssyncadd.s32 $0xFFFFB000  }
.LBB2_5:
0x5b: {  	[hbm:s17] =	stream.linear.scatter [tilespmem:s14], [sflag:$0x3], $0x400, $0x38;
	[tilespmem:$0xA140] =	vst v63  }
0x5c: {  	s17 =	smov.u32 s16;
	s14 =	smov.u32 s15;
	p1 =	sne.s32 s16, $0x980  }
.Ltmp4:
0x5d: {  	s16 =	sadd.s32 $0x80, s16;
	(pc) =	sbr.rel @p1 .LBB2_5-.Ltmp4, $2  }
0x5e: {  	_ =	sdelay $0x2  }
0x5f: {  	s15 =	sadd.s32 $0x400, s15;
	s17 =	sadd.s32 s17, s13  }
.Ltmp5:
0x60: {  	_ = 	snop;
	(pc) =	sbr.rel .LBB2_6-.Ltmp5, $1  }
0x61: {  	_ =	sdelay $0x3  }
.LBB2_8:
0x62: {  	_ =	sfence.sel $0x180000  }
0x63: {  	s1 =	simm.s32 $0x2;
	[bflag:$0x0] =	sbarrier.arrive $0xFFFF  }
0x64: {  	s30 =	simm.s32 $0x3;
	[sflag:s1] =	ssyncpa.u1 $0x1  }
0x65: {  	s31 =	simm.s32 $0x1;
	[sflag:s30] =	ssyncpa.u1 $0x1  }
0x66: {  	[sflag:s31] =	ssyncpa.u1 $0x1  }
0x67: {  	p0 =	sne.s32 s0, $0x0;
	_ =	strace $0x9000004A  }
0x68: {  	s0 =	sadd.s32 @!p0 $0x100000, s2;
	[bflag:$0x2] =	sbarrier.arrive $0xFFFF  }
0x69: {  	[sflag:s0] =	ssyncadd.tile.s32 @!p0 $0x1;
	_ =	shalt  }
.Lfunc_end2:
_tile_overlayer_lowered:
.L_overlay_start_2:
0x6a: {  	(tag) =	ssettag $0x2  }
0x6b: {  	s0 =	rddreg [dreg:$0x0];
	s2 =	stileid.u32  }
0x6c: {  	s1 =	rddreg [dreg:$0x1];
	p0 =	sne.s32 s2, $0x0  }
0x6d: {  	s3 =	rddreg [dreg:$0x2];
	[bflag:$0x3] =	sbarrier.arrive $0xFFFF;
	s2 =	simm.s32 @!p0 $0x1C01  }
0x6e: {  	[timem:s3], [sflag:s2] =	dma.local @!p0 [hbm:s0], s1  }
0x6f: {  	s0 =	simm.s32 @!p0 $0x1  }
0x70: {  	_ =	swait.ge @!p0 [sflag:s0], s1  }
0x71: {  	s1 =	ssub.s32 @!p0 $0x0, s1;
	[sflag:s0] =	ssyncset.done @!p0 $0x0  }
0x72: {  	[sflag:s0] =	ssyncadd.s32 @!p0 s1  }
0x73: {  	[bflag:$0x3] =	sbarrier.arrive $0xFFFF  }
0x74: {  	_ =	shalt  }

// kernel: gather_offload_async_start
scs
__scs_entry_jumppad:
0x0: {  	(pc) =	sbr.rel $0x88, $3  }
0x1: {  	(tag) =	ssettag $0x0;
	lr =	simm.s32 $0x1  }
0x2: {  	[smem:$0x3F9E] =	sst lr;
	_ =	strace $0xD0000000  }
0x3: {  	_ = 	snop  }
0x4: {  	_ = 	snop  }
0x5: {  	_ = 	snop  }
0x6: {  	_ = 	snop  }
0x7: {  	_ = 	snop  }
__scs_overlays_trampoline_lowered:
0x8: {  	[smem:$0x3FAD] =	sst s0  }
0x9: {  	[smem:$0x3FAE] =	sst s1  }
0xa: {  	[smem:$0x3FAF] =	sst s2  }
0xb: {  	[smem:$0x3FB0] =	sst s3  }
0xc: {  	[smem:$0x3FB1] =	sst s4  }
0xd: {  	[smem:$0x3FB2] =	sst s5  }
0xe: {  	[smem:$0x3FB3] =	sst s6  }
0xf: {  	[smem:$0x3FB4] =	sst s7  }
0x10: {  	[smem:$0x3FB5] =	sst s8  }
0x11: {  	[smem:$0x3FB6] =	sst s9;
	s0 =	simm.s32 @!p0 $0x0  }
0x12: {  	s1 =	sld [smem:$0x3F9C];
	s0 =	simm.s32 @p0 $0x1  }
0x13: {  	[smem:$0x3FB7] =	sst s0;
	s0 =	simm.s32 @!p1 $0x0  }
0x14: {  	s2 =	sld [smem:$0x3F9B];
	s0 =	simm.s32 @p1 $0x1  }
0x15: {  	[smem:$0x3FB8] =	sst s0;
	s0 =	simm.s32 @!p2 $0x0  }
0x16: {  	s3 =	sld [smem:$0x3FDB];
	s0 =	simm.s32 @p2 $0x1  }
0x17: {  	s4 =	simm.s32 $0x1BF5;
	[smem:$0x3FBA] =	sst s0  }
0x18: {  	s0 =	sld [smem:$0x3F9D];
	_ =	swait.ge [sflag:s4], $0x0  }
0x19: {  	s7 =	sld [smem:$0x3F9E]  }
0x1a: {  	s8 =	sadd.s32 $0xFFFFE003, lr  }
0x1b: {  	s9 =	sadd.s32 $0xFFFFFEF7, lr;
	s5 =	simm.s32 $0xFFFFFFFF;
	p2 =	slt.u32 s8, $0xFFFFF086  }
0x1c: {  	p1 =	slt.u32 s9, $0xF7A;
	s5 =	simm.s32 @!p2 $0x0  }
0x1d: {  	s5 =	simm.s32 @p1 $0x1;
	p0 =	seq.s32 s7, s2  }
0x1e: {  	s7 =	smul.u32 @!p0 $0xF7A, s2;
	p2 =	seq.s32 @!p0 s5, $0x0  }
0x1f: {  	s9 =	smul.u32 $0xF7A, s1;
	s8 =	simm.s32 @!p0 $0x1BF5;
	p2 =	por !p2, p0  }
0x20: {  	[sflag:s8] =	ssyncset.s32 @!p0 $0xFFFFF086;
	s6 =	sadd.s32 @!p0 s3, s7;
	s7 =	simm.s32 @!p0 $0x108  }
0x21: {  	s3 =	sadd.s32 s3, s9;
	s6 =	sadd.s32 @!p0 $0x88, s6;
	s7 =	simm.s32 @p2 $0x1082  }
0x22: {  	[simem:s7], [sflag:s8] =	dma.local @!p0 [hbm:s6], $0xF7A  }
0x23: {  	s9 =	sor.u32 $0xD0000000, s2;
	s6 =	simm.s32 $0x108;
	_ =	swait.ge @!p0 [sflag:s8], $0x0  }
0x24: {  	s3 =	sadd.s32 $0x88, s3;
	s6 =	simm.s32 @!p1 $0x1082;
	[sflag:s4] =	ssyncset.s32 $0xFFFFF086  }
0x25: {  	[simem:s6], [sflag:s4] =	dma.local [hbm:s3], $0xF7A  }
0x26: {  	[smem:$0x3F9E] =	sst s1;
	(tag) =	ssettag s2;
	_ =	strace s9  }
0x27: {  	s1 =	sld [smem:$0x3FAE]  }
0x28: {  	s2 =	sld [smem:$0x3FAF]  }
0x29: {  	s4 =	sld [smem:$0x3FB1]  }
0x2a: {  	p0 =	seq.s32 s5, $0x0;
	s5 =	sld [smem:$0x3FB2]  }
0x2b: {  	s6 =	sld [smem:$0x3FB3]  }
0x2c: {  	s7 =	sld [smem:$0x3FB4]  }
0x2d: {  	s3 =	simm.s32 $0x108;
	s8 =	sld [smem:$0x3FB5]  }
0x2e: {  	s3 =	simm.s32 @!p0 $0x1082;
	s9 =	sld [smem:$0x3FB6]  }
0x2f: {  	lr =	sadd.s32 s0, s3;
	s0 =	sld [smem:$0x3FAD]  }
0x30: {  	s3 =	sld [smem:$0x3FB0]  }
0x31: {  	[smem:$0x3FB9] =	sst s10  }
0x32: {  	s10 =	sld [smem:$0x3FB7];
	_ =	sdelay $0x3  }
0x33: {  	p0 =	seq.s32 s10, $0x1;
	s10 =	sld [smem:$0x3FB9];
	_ =	sdelay $0x3  }
0x34: {  	[smem:$0x3FB9] =	sst s10  }
0x35: {  	s10 =	sld [smem:$0x3FB8];
	_ =	sdelay $0x3  }
0x36: {  	p1 =	seq.s32 s10, $0x1;
	s10 =	sld [smem:$0x3FB9];
	_ =	sdelay $0x3  }
0x37: {  	[smem:$0x3FB9] =	sst s10  }
0x38: {  	s10 =	sld [smem:$0x3FBA]  }
0x39: {  	_ = 	snop;
	(pc) =	sbr.ind lr, $3  }
0x3a: {  	_ = 	snop  }
0x3b: {  	_ = 	snop  }
0x3c: {  	p2 =	seq.s32 s10, $0x1;
	s10 =	sld [smem:$0x3FB9]  }
0x3d: {  	_ =	shalt  }
0x3e: {  	_ =	shalt  }
0x3f: {  	_ =	shalt  }
0x40: {  	_ =	shalt  }
0x41: {  	_ =	shalt  }
0x42: {  	_ =	shalt  }
0x43: {  	_ =	shalt  }
0x44: {  	_ =	shalt  }
0x45: {  	_ =	shalt  }
0x46: {  	_ =	shalt  }
0x47: {  	_ =	shalt  }
0x48: {  	_ =	shalt  }
0x49: {  	_ =	shalt  }
0x4a: {  	_ =	shalt  }
0x4b: {  	_ =	shalt  }
0x4c: {  	_ =	shalt  }
0x4d: {  	_ =	shalt  }
0x4e: {  	_ =	shalt  }
0x4f: {  	_ =	shalt  }
0x50: {  	_ =	shalt  }
0x51: {  	_ =	shalt  }
0x52: {  	_ =	shalt  }
0x53: {  	_ =	shalt  }
0x54: {  	_ =	shalt  }
0x55: {  	_ =	shalt  }
0x56: {  	_ =	shalt  }
0x57: {  	_ =	shalt  }
0x58: {  	_ =	shalt  }
0x59: {  	_ =	shalt  }
0x5a: {  	_ =	shalt  }
0x5b: {  	_ =	shalt  }
0x5c: {  	_ =	shalt  }
0x5d: {  	_ =	shalt  }
0x5e: {  	_ =	shalt  }
0x5f: {  	_ =	shalt  }
0x60: {  	_ =	shalt  }
0x61: {  	_ =	shalt  }
0x62: {  	_ =	shalt  }
0x63: {  	_ =	shalt  }
0x64: {  	_ =	shalt  }
0x65: {  	_ =	shalt  }
0x66: {  	_ =	shalt  }
0x67: {  	_ =	shalt  }
0x68: {  	_ =	shalt  }
0x69: {  	_ =	shalt  }
0x6a: {  	_ =	shalt  }
0x6b: {  	_ =	shalt  }
0x6c: {  	_ =	shalt  }
0x6d: {  	_ =	shalt  }
0x6e: {  	_ =	shalt  }
0x6f: {  	_ =	shalt  }
0x70: {  	_ =	shalt  }
0x71: {  	_ =	shalt  }
0x72: {  	_ =	shalt  }
0x73: {  	_ =	shalt  }
0x74: {  	_ =	shalt  }
0x75: {  	_ =	shalt  }
0x76: {  	_ =	shalt  }
0x77: {  	_ =	shalt  }
0x78: {  	_ =	shalt  }
0x79: {  	_ =	shalt  }
0x7a: {  	_ =	shalt  }
0x7b: {  	_ =	shalt  }
0x7c: {  	_ =	shalt  }
0x7d: {  	_ =	shalt  }
0x7e: {  	_ =	shalt  }
0x7f: {  	_ =	shalt  }
0x80: {  	_ =	shalt  }
0x81: {  	_ =	shalt  }
0x82: {  	_ =	shalt  }
0x83: {  	_ =	shalt  }
0x84: {  	_ =	shalt  }
0x85: {  	_ =	shalt  }
0x86: {  	_ =	shalt  }
0x87: {  	_ =	shalt  }
.Lfunc_end0:
.L_simem_size_0:
called_computation_lowered:
.L_overlay_start_0:
0x88: {  	s0 =	sld [smem:$0x3FD9]  }
0x89: {  	s1 =	sld [smem:$0x3FFE];
	_ =	sdelay $0x3  }
0x8a: {  	s0 =	sadd.s32 s1, s0  }
0x8b: {  	[smem:$0x3FC5] =	sst s0  }
0x8c: {  	_ = 	snop  }
0x8d: {  	(tm) =	ssettm $0x1  }
0x8e: {  	s15 =	sld [smem:$0x3FFB];
	_ =	sdelay $0x3  }
0x8f: {  	_ =	strace s15  }
0x90: {  	s0 =	sld [smem:$0x3FFC];
	_ =	sdelay $0x3  }
0x91: {  	_ =	strace s0  }
0x92: {  	s0 =	sld [smem:$0x3FFD];
	_ =	sdelay $0x3  }
0x93: {  	_ =	strace s0  }
0x94: {  	_ =	strace $0x8FFFFFFF  }
0x95: {  	s16 =	sld [smem:$0x3FDB];
	_ =	sdelay $0x1  }
0x96: {  	s17 =	simm.s32 $_scs_section_size  }
0x97: {  	s2 =	simm.s32 $_size__tile_overlayer_lowered;
	s3 =	simm.s32 $_tile_overlayer_lowered  }
0x98: {  	s20 =	simm.s32 $0x1BFF;
	s19 =	sshll.u32 s3, $0x1;
	s0 =	sadd.s32 s17, s16  }
0x99: {  	s4 =	simm.s32 $0x0;
	s18 =	sshll.u32 s2, $0x1;
	s2 =	sadd.s32 s19, s0  }
0x9a: {  	[timem:s4], [sflag:s20] =	dma.local [hbm:s2], s18  }
0x9b: {  	_ =	swait.ge [sflag:s20], s18  }
0x9c: {  	s1 =	ssub.s32 $0x0, s18;
	[sflag:s20] =	ssyncset.done $0x0  }
0x9d: {  	[sflag:s20] =	ssyncadd.s32 s1;
	_ =	sdelay $0x1  }
0x9e: {  	s21 =	simm.s32 $0x1B8B  }
0x9f: {  	_ =	swait.ge [sflag:s21], $0x1  }
0xa0: {  	[sflag:s21] =	ssyncset.done $0x0  }
0xa1: {  	s23 =	simm.s32 $0x1B8E;
	s22 =	sld [smem:$0x3FFE];
	[sflag:s21] =	ssyncadd.s32 $0xFFFFFFFF  }
0xa2: {  	s24 =	simm.s32 $execute0_lowered;
	[smem:$0x3FD2] =	sst s23  }
0xa3: {  	s2 =	sshll.u32 s24, $0x1;
	_ =	strace $0x8000004C;
	[dreg:$0x1] =	wrdreg $0xFFFFFFFF  }
0xa4: {  	s25 =	simm.s32 $_size_execute0_lowered;
	s0 =	sadd.s32 s0, s2;
	[dreg:$0x0] =	wrdreg $0x0  }
0xa5: {  	s2 =	sshll.u32 s25, $0x1;
	[dreg:$0x2] =	wrdreg s0  }
0xa6: {  	[dreg:$0x3] =	wrdreg s2  }
0xa7: {  	[dreg:$0x4] =	wrdreg $0xC0  }
0xa8: {  	_ =	task [dreg:s4], $0x5FFFF  }
0xa9: {  	[dreg:$0x1] =	wrdreg $0xFFFFFFFF  }
0xaa: {  	[dreg:$0x0] =	wrdreg $0x60  }
0xab: {  	[dreg:$0x2] =	wrdreg s22  }
0xac: {  	[dreg:$0x3] =	wrdreg $0x9  }
0xad: {  	_ =	task.clear_ibuf [dreg:s4], $0x4FFFF;
	_ =	strace $0x9000004C  }
0xae: {  	s26 =	simm.s32 $0x9;
	_ =	strace $0x8000004E  }
0xaf: {  	_ =	swait.ge [sflag:s26], $0x1  }
0xb0: {  	[sflag:s26] =	ssyncadd.s32 $0xFFFFFFFF  }
0xb1: {  	_ =	strace $0x9000004E  }
0xb2: {  	_ =	sfence  }
0xb3: {  	s28 =	sld [smem:$0x0];
	_ =	sdelay $0x1  }
0xb4: {  	s29 =	srdreg.scid  }
0xb5: {  	s30 =	sshll.u32 s29, $0xD;
	s31 =	sshrl.u32 s29, $0x2  }
0xb6: {  	s1 =	sand.u32 $0x1, s29;
	s2 =	sand.u32 $0x4000, s30;
	s0 =	sadd.s32 s31, s28  }
0xb7: {  	s1 =	sor.u32 s2, s1;
	s0 =	sshll.u32 s0, $0x11  }
0xb8: {  	s0 =	sor.u32 s0, s1  }
0xb9: {  	s0 =	sadd.s32 $0x8F2B, s0  }
0xba: {  	[sflag:s0] =	ssyncadd.remote.s32 $0x1  }
0xbb: {  	_ =	sfence.sel $0xFFFF  }
0xbc: {  	[dreg:$0x0] =	wrdreg $0xFFFFFFFF;
	(pc) =	sbr.abs _section_cstart, $3  }
0xbd: {  	[dreg:$0x1] =	wrdreg $0xFFFFFFFF  }
0xbe: {  	_ =	task.clear_ibuf [dreg:s4], $0x2FFFF;
	_ =	strace $0x9FFFFFFF  }
0xbf: {  	(tm) =	ssettm $0x7FFFFFFF  }
tec
execute0_lowered:
.L_overlay_start_1:
0x0: {  	(tag) =	ssettag $0x1  }
0x1: {  	s0 =	stileid.u32  }
0x2: {  	s1 =	smin.u32 s0, $0x9  }
0x3: {  	s1 =	sadd.s32 s0, s1  }
0x4: {  	p0 =	slt.u32 s0, $0x9;
	s2 =	smul.u32 $0x50, s1;
	s1 =	simm.s32 $0xA0  }
0x5: {  	s1 =	simm.s32 @!p0 $0x50  }
0x6: {  	s1 =	sadd.s32 s1, s2  }
0x7: {  	s3 =	smin.u32 s1, $0x7D0  }
0x8: {  	s7 =	ssub.s32 s3, s2  }
0x9: {  	p0 =	sgt.s32 s7, $0x0  }
0xa: {  	s7 =	simm.s32 @!p0 $0x0  }
0xb: {  	s4 =	smul.u32 $0xCCCD, s7  }
0xc: {  	s9 =	rddreg [dreg:$0x0];
	s6 =	simm.s32 $0x1;
	s11 =	simm.s32 $0x3  }
0xd: {  	s13 =	simm.s32 $0x0;
	s12 =	simm.s32 $0x0;
	s8 =	sshrl.u32 s4, $0x16  }
0xe: {  	s1 =	rddreg [dreg:$0x1];
	_ =	strace $0x8000004D;
	s10 =	smul.u32 $0x50, s8  }
.Ltmp0:
0xf: {  	s5 =	sadd.s32 $0x308600, s9;
	[sflag:s6] =	ssyncpa.u1 $0x0;
	(pc) =	sbr.rel .LBB2_1-.Ltmp0, $4  }
0x10: {  	s4 =	sadd.s32 $0x1600, s9;
	p0 =	sne.s32 s7, s10;
	s10 =	simm.s32 $0x1  }
0x11: {  	s9 =	sadd.s32 $0x21600, s9;
	s7 =	simm.s32 $0x2;
	s10 =	simm.s32 @!p0 $0x0  }
0x12: {  	[sflag:s7] =	ssyncpa.u1 $0x0;
	p0 =	por $0x0, $0x0;
	s8 =	sadd.s32 s8, s10  }
0x13: {  	vm0 =	vmmov $0xff;
	vm1 =	vcmask $0x3F20;
	[sflag:s11] =	ssyncpa.u1 $0x0;
	s11 =	smov.u32 s2;
	s10 =	sadd.s32 $0x1, s8  }
.LBB2_6:
0x14: {  	[hbm:s17] =	stream.linear.scatter [tilespmem:s14], [sflag:$0x3], $0x400, $0x38;
	[tilespmem:$0x50A0] =	vst v63  }
.LBB2_7:
0x15: {  	s13 =	sadd.s32 $0x50, s11  }
0x16: {  	s15 =	smov.u32 s2;
	p2 =	slt.s32 s13, s3  }
0x17: {  	s15 =	smov.u32 @p2 s13;
	p2 =	sne.s32 s12, s10  }
.Ltmp1:
0x18: {  	p1 =	slt.u32 s12, $0x2;
	(pc) =	sbr.rel @!p2 .LBB2_8-.Ltmp1, $4  }
0x19: {  	s14 =	simm.s32 @!p1 $0x3  }
0x1a: {  	s16 =	sadd.s32 $0x1, s12;
	_ =	swait.ge @!p1 [sflag:s14], $0x2800  }
0x1b: {  	p0 =	por !p0, !p0;
	s13 =	smov.u32 s11;
	[sflag:s14] =	ssyncset.done @!p1 $0x0  }
0x1c: {  	s12 =	smov.u32 s16;
	s11 =	smov.u32 s15;
	[sflag:s14] =	ssyncadd.s32 @!p1 $0xFFFFD800  }
.LBB2_1:
0x1d: {  	p1 =	sge.u32 s12, s8  }
0x1e: {  	s14 =	sxor.u32 @!p1 $0xFFFFFFFF, s12  }
0x1f: {  	s14 =	sand.u32 @!p1 $0x1, s14  }
0x20: {  	s14 =	smul.u32 @!p1 $0x140, s14  }
0x21: {  	s31 =	sadd.s32 $0xFFFFFFFF, s12;
	s15 =	sshrl.u32 @!p1 s11, $0x3  }
0x22: {  	s16 =	sand.u32 @!p1 $0x7, s11;
	s15 =	sadd.s32 @!p1 s5, s15;
	s14 =	sshrl.u32 @!p1 s14, $0x2  }
0x23: {  	[tilespmem:s14], [sflag:$0x2] =	stream.linear.gather @!p1 [hbm4b:s15+s16], $0x50, $0x38;
	[tilespmem:$0x50A0] =	vst v63  }
0x24: {  	p1 =	sge.u32 s31, s8  }
.Ltmp2:
0x25: {  	_ = 	snop;
	(pc) =	sbr.rel @p1 .LBB2_7-.Ltmp2, $1  }
0x26: {  	_ =	sdelay $0x3  }
0x27: {  	s14 =	simm.s32 $0x1  }
0x28: {  	s14 =	simm.s32 @!p0 $0x0  }
0x29: {  	s15 =	smul.u32 $0x140, s14  }
0x2a: {  	_ =	swait.ge [sflag:s7], $0x50  }
0x2b: {  	[sflag:s7] =	ssyncset.done $0x0;
	s16 =	sshrl.u32 s15, $0x2  }
0x2c: {  	[sflag:s7] =	ssyncadd.s32 $0xFFFFFFB0;
	s15 =	sadd.s32 $0x0, s16  }
0x2d: {  	v0 =	vld.msk [tilespmem:s15+$0x0 ss:$0x1], $0xffff;
	_ =	sdelay $0x4  }
0x2e: {  	v1 =	vshll.u32 v0, $0x6  }
0x2f: {  	vm2 =	veq.s32 v0, $0x80000000;
	v0 =	vshll.u32 v0, $0x13;
	v1 =	vand.u32 $0x7FF80, v1  }
0x30: {  	v0 =	vand.u32 $0x80000, v0;
	v1 =	vsel vm2, $0xFFFFFF80, v1  }
0x31: {  	v0 =	vsel vm2, $0xFFF80000, v0;
	v2 =	vand.u32 $0xFFFFFC00, v1  }
0x32: {  	v1 =	vand.u32 $0x380, v1;
	v0 =	vadd.s32 v0, v2  }
0x33: {  	v0 =	vor.u32 v1, v0  }
0x34: {  	v0 =	vshrl.u32 v0, $0x3  }
0x35: {  	s14 =	smul.u32 $0xA000, s14;
	_ =	sdelay $0x1  }
0x36: {  	s14 =	sshrl.u32 s14, $0x2  }
0x37: {  	s14 =	sor.u32 $0xA0, s14  }
0x38: {  	[tilespmem:s14], [sflag:$0x1] =	stream.indirect_vreg.gather [hbm:s4], $0x80, v0, vm0, $0x38;
	[tilespmem:$0x50A0] =	vst v63  }
0x39: {  	s17 =	sadd.s32 $0x10, s16;
	s15 =	sadd.s32 $0x400, s14  }
0x3a: {  	[tilespmem:s15], [sflag:$0x1] =	stream.indirect_vreg.gather [hbm:s4], $0x80, v0, vm1, $0x38;
	[tilespmem:$0x50A0] =	vst v63  }
0x3b: {  	s18 =	simm.s32 $0x80;
	v0 =	vld.msk [tilespmem:s17+$0x0 ss:$0x1], $0xffff;
	s17 =	smov.u32 s14  }
.LBB2_3:
0x3c: {  	p1 =	sne.s32 s18, $0x100;
	_ =	sdelay $0x4  }
0x3d: {  	v1 =	vshll.u32 v0, $0x6  }
0x3e: {  	vm2 =	veq.s32 v0, $0x80000000;
	v0 =	vshll.u32 v0, $0x13;
	v1 =	vand.u32 $0x7FF80, v1  }
0x3f: {  	v0 =	vand.u32 $0x80000, v0;
	v1 =	vsel vm2, $0xFFFFFF80, v1  }
0x40: {  	v0 =	vsel vm2, $0xFFF80000, v0;
	v2 =	vand.u32 $0xFFFFFC00, v1  }
0x41: {  	v1 =	vand.u32 $0x380, v1;
	v0 =	vadd.s32 v0, v2  }
0x42: {  	v0 =	vor.u32 v1, v0  }
0x43: {  	v0 =	vshrl.u32 v0, $0x3;
	_ =	sdelay $0x3  }
.Ltmp3:
0x44: {  	s19 =	sshra.s32 s18, $0x2;
	s17 =	sadd.s32 $0x800, s17;
	(pc) =	sbr.rel @p1 .LBB2_3-.Ltmp3, $4  }
0x45: {  	[tilespmem:s17], [sflag:$0x1] =	stream.indirect_vreg.gather [hbm:s4], $0x80, v0, vm0, $0x38;
	[tilespmem:$0x50A0] =	vst v63  }
0x46: {  	s19 =	sadd.s32 s19, s16;
	s20 =	sadd.s32 $0x400, s17  }
0x47: {  	[tilespmem:s20], [sflag:$0x1] =	stream.indirect_vreg.gather [hbm:s4], $0x80, v0, vm1, $0x38;
	[tilespmem:$0x50A0] =	vst v63  }
0x48: {  	s18 =	sadd.s32 $0x40, s18;
	v0 =	vld.msk [tilespmem:s19+$0x0 ss:$0x1], $0xffff  }
0x49: {  	_ =	sdelay $0x3  }
0x4a: {  	v1 =	vshll.u32 v0, $0x6  }
0x4b: {  	vm2 =	veq.s32 v0, $0x80000000;
	v63 =	vshll.u32 v0, $0x13;
	v1 =	vand.u32 $0x7FF80, v1  }
0x4c: {  	v0 =	vand.u32 $0x80000, v63;
	v1 =	vsel vm2, $0xFFFFFF80, v1  }
0x4d: {  	v0 =	vsel vm2, $0xFFF80000, v0;
	v2 =	vand.u32 $0xFFFFFC00, v1  }
0x4e: {  	v1 =	vand.u32 $0x380, v1;
	v0 =	vadd.s32 v0, v2  }
0x4f: {  	v0 =	vor.u32 v1, v0  }
0x50: {  	v0 =	vshrl.u32 v0, $0x3;
	_ =	sdelay $0x3  }
0x51: {  	s16 =	sadd.s32 $0x800, s17  }
0x52: {  	[tilespmem:s16], [sflag:$0x1] =	stream.indirect_vreg.gather [hbm:s4], $0x80, v0, vm0, $0x38;
	[tilespmem:$0x50A0] =	vst v63  }
0x53: {  	s16 =	sadd.s32 $0x400, s16  }
0x54: {  	[tilespmem:s16], [sflag:$0x1] =	stream.indirect_vreg.gather [hbm:s4], $0x80, v0, vm1, $0x38;
	[tilespmem:$0x50A0] =	vst v63  }
0x55: {  	s13 =	sshll.u32 s13, $0x4;
	_ =	swait.ge [sflag:s6], $0x2800  }
0x56: {  	s13 =	sadd.s32 s13, s9;
	[sflag:s6] =	ssyncset.done $0x0  }
0x57: {  	s17 =	sadd.s32 $0x0, s13;
	s16 =	simm.s32 $0x80;
	[sflag:s6] =	ssyncadd.s32 $0xFFFFD800  }
.LBB2_5:
0x58: {  	[hbm:s17] =	stream.linear.scatter [tilespmem:s14], [sflag:$0x3], $0x400, $0x38;
	[tilespmem:$0x50A0] =	vst v63  }
0x59: {  	s17 =	smov.u32 s16;
	s14 =	smov.u32 s15;
	p1 =	sne.s32 s16, $0x480  }
.Ltmp4:
0x5a: {  	s16 =	sadd.s32 $0x80, s16;
	(pc) =	sbr.rel @p1 .LBB2_5-.Ltmp4, $2  }
0x5b: {  	_ =	sdelay $0x2  }
0x5c: {  	s15 =	sadd.s32 $0x400, s15;
	s17 =	sadd.s32 s17, s13  }
.Ltmp5:
0x5d: {  	_ = 	snop;
	(pc) =	sbr.rel .LBB2_6-.Ltmp5, $1  }
0x5e: {  	_ =	sdelay $0x3  }
.LBB2_8:
0x5f: {  	_ =	sfence.sel $0x180000  }
0x60: {  	s2 =	simm.s32 $0x2;
	[bflag:$0x0] =	sbarrier.arrive $0xFFFF  }
0x61: {  	s30 =	simm.s32 $0x3;
	[sflag:s2] =	ssyncpa.u1 $0x1  }
0x62: {  	s31 =	simm.s32 $0x1;
	[sflag:s30] =	ssyncpa.u1 $0x1  }
0x63: {  	[sflag:s31] =	ssyncpa.u1 $0x1  }
0x64: {  	p0 =	sne.s32 s0, $0x0;
	_ =	strace $0x9000004D  }
0x65: {  	s0 =	sadd.s32 @!p0 $0x100000, s1;
	[bflag:$0x2] =	sbarrier.arrive $0xFFFF  }
0x66: {  	[sflag:s0] =	ssyncadd.tile.s32 @!p0 $0x1;
	_ =	shalt  }
.Lfunc_end2:
_tile_overlayer_lowered:
.L_overlay_start_2:
0x67: {  	(tag) =	ssettag $0x2  }
0x68: {  	s0 =	rddreg [dreg:$0x0];
	s2 =	stileid.u32  }
0x69: {  	s1 =	rddreg [dreg:$0x1];
	p0 =	sne.s32 s2, $0x0  }
0x6a: {  	s3 =	rddreg [dreg:$0x2];
	[bflag:$0x3] =	sbarrier.arrive $0xFFFF;
	s2 =	simm.s32 @!p0 $0x1C01  }
0x6b: {  	[timem:s3], [sflag:s2] =	dma.local @!p0 [hbm:s0], s1  }
0x6c: {  	s0 =	simm.s32 @!p0 $0x1  }
0x6d: {  	_ =	swait.ge @!p0 [sflag:s0], s1  }
0x6e: {  	s1 =	ssub.s32 @!p0 $0x0, s1;
	[sflag:s0] =	ssyncset.done @!p0 $0x0  }
0x6f: {  	[sflag:s0] =	ssyncadd.s32 @!p0 s1  }
0x70: {  	[bflag:$0x3] =	sbarrier.arrive $0xFFFF  }
0x71: {  	_ =	shalt  }

</sc_bundles>
